<compile_context>
chip_gen: v7x
topology: tpu7x:2x2x1
jax: 0.10.2.dev20260603
libtpu: 0.0.44.dev20260713+nightly
codegen_flags: <defaults>
</compile_context>

<pallas_src>
import functools

import jax
import jax.numpy as jnp
from jax.experimental import pallas as pl

_DENSE = dict(voxel_size=(0.16, 0.16, 4.0), pc_range=(0.0, -39.68, -3.0, 69.12, 39.68, 1.0), grid=(432, 496, 1), max_voxels=12000, max_points=32)
_SPARSE = dict(voxel_size=(0.32, 0.32, 4.0), pc_range=(0.0, -39.68, -3.0, 69.12, 39.68, 1.0), grid=(216, 248, 1), max_voxels=6000, max_points=32)


def _coords_body(x_ref, y_ref, z_ref, kd_ref, ks_ref):
    x = x_ref[...]
    y = y_ref[...]
    z = z_ref[...]
    ix = jnp.floor((x - 0.0) / jnp.float32(0.16)).astype(jnp.int32)
    iy = jnp.floor((y - jnp.float32(-39.68)) / jnp.float32(0.16)).astype(jnp.int32)
    iz = jnp.floor((z - jnp.float32(-3.0)) / jnp.float32(4.0)).astype(jnp.int32)
    gx, gy = 432, 496
    ok = (ix >= 0) & (ix < gx) & (iy >= 0) & (iy < gy) & (iz >= 0) & (iz < 1)
    kd = jnp.where(ok, iy * gx + ix, gx * gy)
    ks = jnp.where(ok, (iy >> 1) * (gx // 2) + (ix >> 1), (gx // 2) * (gy // 2))
    kd_ref[...] = kd
    ks_ref[...] = ks


def _keys(batched_pts):
    B, N, _ = batched_pts.shape
    npad = (-N) % 128
    x = jnp.pad(batched_pts[:, :, 0], ((0, 0), (0, npad)), constant_values=-1.0)
    y = jnp.pad(batched_pts[:, :, 1], ((0, 0), (0, npad)), constant_values=0.0)
    z = jnp.pad(batched_pts[:, :, 2], ((0, 0), (0, npad)), constant_values=0.0)
    M = (N + npad) // 128
    shp = (B, M, 128)
    out = pl.pallas_call(
        _coords_body,
        out_shape=(jax.ShapeDtypeStruct(shp, jnp.int32), jax.ShapeDtypeStruct(shp, jnp.int32)),
    )(x.reshape(shp), y.reshape(shp), z.reshape(shp))
    kd = out[0].reshape(B, N + npad)[:, :N]
    ks = out[1].reshape(B, N + npad)[:, :N]
    return kd, ks


def _finish(pts, lin, grid, max_voxels, max_points):
    gx, gy, gz = grid
    BIG = gx * gy * gz
    order = jnp.argsort(lin)
    s = lin[order]
    p = pts[order]
    is_first = jnp.concatenate([jnp.array([True]), s[1:] != s[:-1]])
    slot = jnp.cumsum(is_first) - 1
    starts = jnp.searchsorted(s, s, side='left')
    rank = jnp.arange(s.shape[0]) - starts
    valid = (s < BIG) & (slot < max_voxels) & (rank < max_points)
    slot_w = jnp.where(valid, slot, max_voxels)
    rank_w = jnp.where(valid, rank, 0)
    voxels = jnp.zeros((max_voxels, max_points, pts.shape[1]), dtype=pts.dtype)
    voxels = voxels.at[slot_w, rank_w].set(p, mode='drop')
    num_points = jnp.bincount(slot_w, length=max_voxels + 1)[:max_voxels].astype(jnp.int32)
    first_slot = jnp.where(valid & is_first, slot, max_voxels)
    uniq = jnp.zeros((max_voxels,), dtype=jnp.int32).at[first_slot].set(s, mode='drop')
    iz = uniq // (gx * gy)
    rem = uniq % (gx * gy)
    iy = rem // gx
    ix = rem % gx
    coors = jnp.stack([iz, iy, ix], axis=1)
    return voxels, coors, num_points


def kernel(batched_pts):
    B = batched_pts.shape[0]
    kd, ks = _keys(batched_pts)
    dv, dc, dn, sv, sc, sn = [], [], [], [], [], []
    for i in range(B):
        pts = batched_pts[i]
        v, c, n = _finish(pts, kd[i], (432, 496, 1), 12000, 32)
        dv.append(v)
        dc.append(jnp.pad(c, ((0, 0), (1, 0)), constant_values=i))
        dn.append(n)
        v, c, n = _finish(pts, ks[i], (216, 248, 1), 6000, 32)
        sv.append(v)
        sc.append(jnp.pad(c, ((0, 0), (1, 0)), constant_values=i))
        sn.append(n)
    return (jnp.concatenate(dv, 0), jnp.concatenate(dc, 0), jnp.concatenate(dn, 0),
            jnp.concatenate(sv, 0), jnp.concatenate(sc, 0), jnp.concatenate(sn, 0))

# --- scband reference (transcript-rebuilt; emitter-appended) ---
"""Pipeline reference for scband-pillar-layer-83537113907641 (READ-ONLY COPY).

The authoritative reference and input builder live on the scoring server;
editing this copy changes nothing except your own understanding.
"""

import jax, jax.numpy as jnp
import numpy as np

DENSE_CFG = dict(voxel_size=(0.16, 0.16, 4.0), pc_range=(0.0, -39.68, -3.0, 69.12, 39.68, 1.0), grid=(432, 496, 1), max_voxels=12000, max_points=32)
SPARSE_CFG = dict(voxel_size=(0.32, 0.32, 4.0), pc_range=(0.0, -39.68, -3.0, 69.12, 39.68, 1.0), grid=(216, 248, 1), max_voxels=6000, max_points=32)


def _voxelize(pts, voxel_size, pc_range, grid, max_voxels, max_points):
    gx, gy, gz = grid
    lo = jnp.asarray(pc_range[:3], dtype=pts.dtype)
    vs = jnp.asarray(voxel_size, dtype=pts.dtype)
    coords = jnp.floor((pts[:, :3] - lo) / vs).astype(jnp.int32)
    in_range = jnp.all((coords >= 0) & (coords < jnp.asarray(grid, dtype=jnp.int32)), axis=1)
    lin = coords[:, 2] * (gx * gy) + coords[:, 1] * gx + coords[:, 0]
    BIG = gx * gy * gz
    lin = jnp.where(in_range, lin, BIG).astype(jnp.int32)
    order = jnp.argsort(lin)  # stable sort by voxel id
    s = lin[order]
    p = pts[order]
    is_first = jnp.concatenate([jnp.array([True]), s[1:] != s[:-1]])
    slot = jnp.cumsum(is_first) - 1  # dense rank of each unique voxel id
    starts = jnp.searchsorted(s, s, side='left')
    rank = jnp.arange(s.shape[0]) - starts  # within-voxel point rank
    valid = (s < BIG) & (slot < max_voxels) & (rank < max_points)
    slot_w = jnp.where(valid, slot, max_voxels)
    rank_w = jnp.where(valid, rank, 0)
    voxels = jnp.zeros((max_voxels, max_points, pts.shape[1]), dtype=pts.dtype)
    voxels = voxels.at[slot_w, rank_w].set(p, mode='drop')
    num_points = jnp.bincount(slot_w, length=max_voxels + 1)[:max_voxels].astype(jnp.int32)
    first_slot = jnp.where(valid & is_first, slot, max_voxels)
    uniq = jnp.zeros((max_voxels,), dtype=jnp.int32).at[first_slot].set(s, mode='drop')
    iz = uniq // (gx * gy)
    rem = uniq % (gx * gy)
    iy = rem // gx
    ix = rem % gx
    coors = jnp.stack([iz, iy, ix], axis=1)
    return voxels, coors, num_points


def setup_inputs(seed: int = 0) -> dict:
    key = jax.random.key(seed)
    u = jax.random.uniform(key, (2, 100000, 4), dtype=jnp.float32)
    scale = jnp.array([69.12, 79.36, 4.0, 1.0], dtype=jnp.float32)
    offset = jnp.array([0.0, -39.68, -3.0, 0.0], dtype=jnp.float32)
    batched_pts = u * scale + offset
    return {"batched_pts": batched_pts}


def reference(batched_pts):
    B = batched_pts.shape[0]
    dv, dc, dn = [], [], []
    sv, sc, sn = [], [], []
    for i in range(B):
        pts = batched_pts[i]
        v, c, n = _voxelize(pts, **DENSE_CFG)
        dv.append(v)
        dc.append(jnp.pad(c, ((0, 0), (1, 0)), constant_values=i))
        dn.append(n)
        v, c, n = _voxelize(pts, **SPARSE_CFG)
        sv.append(v)
        sc.append(jnp.pad(c, ((0, 0), (1, 0)), constant_values=i))
        sn.append(n)
    dense_voxels = jnp.concatenate(dv, axis=0)
    dense_coors_batch = jnp.concatenate(dc, axis=0)
    dense_num_points = jnp.concatenate(dn, axis=0)
    sparse_voxels = jnp.concatenate(sv, axis=0)
    sparse_coors_batch = jnp.concatenate(sc, axis=0)
    sparse_num_points = jnp.concatenate(sn, axis=0)
    return (dense_voxels, dense_coors_batch, dense_num_points, sparse_voxels, sparse_coors_batch, sparse_num_points)

if __name__ == "__main__":
    import jax
    _d = setup_inputs()
    print(jax.jit(kernel)(*tuple(_d.values())))

</pallas_src>

<mosaic_0001>
module attributes {stable_mosaic.version = 14 : i64} {
  func.func @_coords_body(%arg0: memref<2x782x128xf32, #tpu.memory_space<vmem>>, %arg1: memref<2x782x128xf32, #tpu.memory_space<vmem>>, %arg2: memref<2x782x128xf32, #tpu.memory_space<vmem>>, %arg3: memref<2x782x128xi32, #tpu.memory_space<vmem>>, %arg4: memref<2x782x128xi32, #tpu.memory_space<vmem>>) attributes {dimension_semantics = [], scalar_prefetch = 0 : i64, scratch_operands = 0 : i64, tpu.core_type = #tpu.core_type<tc>} {
    %get3A = arith.constant 0 : index
    %get3A_0 = arith.constant 0 : index
    %get3A_1 = arith.constant 0 : index
    %get3A_2 = vector.load %arg0[%get3A, %get3A_0, %get3A_1] : memref<2x782x128xf32, #tpu.memory_space<vmem>>, vector<2x782x128xf32>
    %get3A_3 = arith.constant 0 : index
    %get3A_4 = arith.constant 0 : index
    %get3A_5 = arith.constant 0 : index
    %get3A_6 = vector.load %arg1[%get3A_3, %get3A_4, %get3A_5] : memref<2x782x128xf32, #tpu.memory_space<vmem>>, vector<2x782x128xf32>
    %get3A_7 = arith.constant 0 : index
    %get3A_8 = arith.constant 0 : index
    %get3A_9 = arith.constant 0 : index
    %get3A_10 = vector.load %arg2[%get3A_7, %get3A_8, %get3A_9] : memref<2x782x128xf32, #tpu.memory_space<vmem>>, vector<2x782x128xf32>
    %sub3A = arith.constant 0.000000e+00 : f32
    %sub3A_11 = vector.broadcast %sub3A : f32 to vector<2x782x128xf32>
    %sub3A_12 = arith.subf %get3A_2, %sub3A_11 : vector<2x782x128xf32>
    %div3A = arith.constant 1.600000e-01 : f32
    %div3A_13 = vector.broadcast %div3A : f32 to vector<2x782x128xf32>
    %div3A_14 = arith.divf %sub3A_12, %div3A_13 : vector<2x782x128xf32>
    %floor3A = math.floor %div3A_14 : vector<2x782x128xf32>
    %convert_element_type3A = arith.fptosi %floor3A : vector<2x782x128xf32> to vector<2x782x128xi32>
    %sub3A_15 = arith.constant -3.968000e+01 : f32
    %sub3A_16 = vector.broadcast %sub3A_15 : f32 to vector<2x782x128xf32>
    %sub3A_17 = arith.subf %get3A_6, %sub3A_16 : vector<2x782x128xf32>
    %div3A_18 = arith.constant 1.600000e-01 : f32
    %div3A_19 = vector.broadcast %div3A_18 : f32 to vector<2x782x128xf32>
    %div3A_20 = arith.divf %sub3A_17, %div3A_19 : vector<2x782x128xf32>
    %floor3A_21 = math.floor %div3A_20 : vector<2x782x128xf32>
    %convert_element_type3A_22 = arith.fptosi %floor3A_21 : vector<2x782x128xf32> to vector<2x782x128xi32>
    %sub3A_23 = arith.constant -3.000000e+00 : f32
    %sub3A_24 = vector.broadcast %sub3A_23 : f32 to vector<2x782x128xf32>
    %sub3A_25 = arith.subf %get3A_10, %sub3A_24 : vector<2x782x128xf32>
    %div3A_26 = arith.constant 4.000000e+00 : f32
    %div3A_27 = vector.broadcast %div3A_26 : f32 to vector<2x782x128xf32>
    %div3A_28 = arith.divf %sub3A_25, %div3A_27 : vector<2x782x128xf32>
    %floor3A_29 = math.floor %div3A_28 : vector<2x782x128xf32>
    %convert_element_type3A_30 = arith.fptosi %floor3A_29 : vector<2x782x128xf32> to vector<2x782x128xi32>
    %ge3A = arith.constant 0 : i32
    %ge3A_31 = vector.broadcast %ge3A : i32 to vector<2x782x128xi32>
    %ge3A_32 = arith.cmpi sge, %convert_element_type3A, %ge3A_31 : vector<2x782x128xi32>
    %lt3A = arith.constant 432 : i32
    %lt3A_33 = vector.broadcast %lt3A : i32 to vector<2x782x128xi32>
    %lt3A_34 = arith.cmpi slt, %convert_element_type3A, %lt3A_33 : vector<2x782x128xi32>
    %and3A = arith.andi %ge3A_32, %lt3A_34 : vector<2x782x128xi1>
    %ge3A_35 = arith.constant 0 : i32
    %ge3A_36 = vector.broadcast %ge3A_35 : i32 to vector<2x782x128xi32>
    %ge3A_37 = arith.cmpi sge, %convert_element_type3A_22, %ge3A_36 : vector<2x782x128xi32>
    %and3A_38 = arith.andi %and3A, %ge3A_37 : vector<2x782x128xi1>
    %lt3A_39 = arith.constant 496 : i32
    %lt3A_40 = vector.broadcast %lt3A_39 : i32 to vector<2x782x128xi32>
    %lt3A_41 = arith.cmpi slt, %convert_element_type3A_22, %lt3A_40 : vector<2x782x128xi32>
    %and3A_42 = arith.andi %and3A_38, %lt3A_41 : vector<2x782x128xi1>
    %ge3A_43 = arith.constant 0 : i32
    %ge3A_44 = vector.broadcast %ge3A_43 : i32 to vector<2x782x128xi32>
    %ge3A_45 = arith.cmpi sge, %convert_element_type3A_30, %ge3A_44 : vector<2x782x128xi32>
    %and3A_46 = arith.andi %and3A_42, %ge3A_45 : vector<2x782x128xi1>
    %lt3A_47 = arith.constant 1 : i32
    %lt3A_48 = vector.broadcast %lt3A_47 : i32 to vector<2x782x128xi32>
    %lt3A_49 = arith.cmpi slt, %convert_element_type3A_30, %lt3A_48 : vector<2x782x128xi32>
    %and3A_50 = arith.andi %and3A_46, %lt3A_49 : vector<2x782x128xi1>
    %mul3A = arith.constant 432 : i32
    %mul3A_51 = vector.broadcast %mul3A : i32 to vector<2x782x128xi32>
    %mul3A_52 = arith.muli %convert_element_type3A_22, %mul3A_51 : vector<2x782x128xi32>
    %add3A = arith.addi %mul3A_52, %convert_element_type3A : vector<2x782x128xi32>
    %jit3A = arith.constant 214272 : i32
    %broadcast_in_dim3A = vector.broadcast %jit3A : i32 to vector<2x782x128xi32>
    %select_n3A = arith.select %and3A_50, %add3A, %broadcast_in_dim3A : vector<2x782x128xi1>, vector<2x782x128xi32>
    %shift_right_arithmetic3A = arith.constant 1 : i32
    %shift_right_arithmetic3A_53 = vector.broadcast %shift_right_arithmetic3A : i32 to vector<2x782x128xi32>
    %shift_right_arithmetic3A_54 = arith.shrsi %convert_element_type3A_22, %shift_right_arithmetic3A_53 : vector<2x782x128xi32>
    %mul3A_55 = arith.constant 216 : i32
    %mul3A_56 = vector.broadcast %mul3A_55 : i32 to vector<2x782x128xi32>
    %mul3A_57 = arith.muli %shift_right_arithmetic3A_54, %mul3A_56 : vector<2x782x128xi32>
    %shift_right_arithmetic3A_58 = arith.constant 1 : i32
    %shift_right_arithmetic3A_59 = vector.broadcast %shift_right_arithmetic3A_58 : i32 to vector<2x782x128xi32>
    %shift_right_arithmetic3A_60 = arith.shrsi %convert_element_type3A, %shift_right_arithmetic3A_59 : vector<2x782x128xi32>
    %add3A_61 = arith.addi %mul3A_57, %shift_right_arithmetic3A_60 : vector<2x782x128xi32>
    %jit3A_62 = arith.constant 53568 : i32
    %broadcast_in_dim3A_63 = vector.broadcast %jit3A_62 : i32 to vector<2x782x128xi32>
    %select_n3A_64 = arith.select %and3A_50, %add3A_61, %broadcast_in_dim3A_63 : vector<2x782x128xi1>, vector<2x782x128xi32>
    %swap3A = arith.constant 0 : index
    %swap3A_65 = arith.constant 0 : index
    %swap3A_66 = arith.constant 0 : index
    %swap3A_67 = vector.load %arg3[%swap3A, %swap3A_65, %swap3A_66] : memref<2x782x128xi32, #tpu.memory_space<vmem>>, vector<2x782x128xi32>
    tpu.vector_store %arg3[%swap3A, %swap3A_65, %swap3A_66], %select_n3A {strides = array<i32>} : memref<2x782x128xi32, #tpu.memory_space<vmem>>, vector<2x782x128xi32>,
    %swap3A_68 = arith.constant 0 : index
    %swap3A_69 = arith.constant 0 : index
    %swap3A_70 = arith.constant 0 : index
    %swap3A_71 = vector.load %arg4[%swap3A_68, %swap3A_69, %swap3A_70] : memref<2x782x128xi32, #tpu.memory_space<vmem>>, vector<2x782x128xi32>
    tpu.vector_store %arg4[%swap3A_68, %swap3A_69, %swap3A_70], %select_n3A_64 {strides = array<i32>} : memref<2x782x128xi32, #tpu.memory_space<vmem>>, vector<2x782x128xi32>,
    return
  }
}

</mosaic_0001>

<sc_bundles>
// kernel: gather_offload_async_start.10
scs
__scs_entry_jumppad:
0x0: {  	(pc) =	sbr.rel $0x88, $3  }
0x1: {  	(tag) =	ssettag $0x0;
	lr =	simm.s32 $0x1  }
0x2: {  	[smem:$0x3FA0] =	sst lr;
	_ =	strace $0xD0000000  }
0x3: {  	_ = 	snop  }
0x4: {  	_ = 	snop  }
0x5: {  	_ = 	snop  }
0x6: {  	_ = 	snop  }
0x7: {  	_ = 	snop  }
__scs_overlays_trampoline_lowered:
0x8: {  	[smem:$0x3FAF] =	sst s0  }
0x9: {  	[smem:$0x3FB0] =	sst s1  }
0xa: {  	[smem:$0x3FB1] =	sst s2  }
0xb: {  	[smem:$0x3FB2] =	sst s3  }
0xc: {  	[smem:$0x3FB3] =	sst s4  }
0xd: {  	[smem:$0x3FB4] =	sst s5  }
0xe: {  	[smem:$0x3FB5] =	sst s6  }
0xf: {  	[smem:$0x3FB6] =	sst s7  }
0x10: {  	[smem:$0x3FB7] =	sst s8  }
0x11: {  	[smem:$0x3FB8] =	sst s9;
	s0 =	simm.s32 @!p0 $0x0  }
0x12: {  	s1 =	sld [smem:$0x3F9E];
	s0 =	simm.s32 @p0 $0x1  }
0x13: {  	[smem:$0x3FB9] =	sst s0;
	s0 =	simm.s32 @!p1 $0x0  }
0x14: {  	s2 =	sld [smem:$0x3F9D];
	s0 =	simm.s32 @p1 $0x1  }
0x15: {  	[smem:$0x3FBA] =	sst s0;
	s0 =	simm.s32 @!p2 $0x0  }
0x16: {  	s3 =	sld [smem:$0x3FDB];
	s0 =	simm.s32 @p2 $0x1  }
0x17: {  	s4 =	simm.s32 $0x1BF5;
	[smem:$0x3FBC] =	sst s0  }
0x18: {  	s0 =	sld [smem:$0x3F9F];
	_ =	swait.ge [sflag:s4], $0x0  }
0x19: {  	s7 =	sld [smem:$0x3FA0]  }
0x1a: {  	s8 =	sadd.s32 $0xFFFFE003, lr  }
0x1b: {  	s9 =	sadd.s32 $0xFFFFFEF7, lr;
	s5 =	simm.s32 $0xFFFFFFFF;
	p2 =	slt.u32 s8, $0xFFFFF086  }
0x1c: {  	p1 =	slt.u32 s9, $0xF7A;
	s5 =	simm.s32 @!p2 $0x0  }
0x1d: {  	s5 =	simm.s32 @p1 $0x1;
	p0 =	seq.s32 s7, s2  }
0x1e: {  	s7 =	smul.u32 @!p0 $0xF7A, s2;
	p2 =	seq.s32 @!p0 s5, $0x0  }
0x1f: {  	s9 =	smul.u32 $0xF7A, s1;
	s8 =	simm.s32 @!p0 $0x1BF5;
	p2 =	por !p2, p0  }
0x20: {  	[sflag:s8] =	ssyncset.s32 @!p0 $0xFFFFF086;
	s6 =	sadd.s32 @!p0 s3, s7;
	s7 =	simm.s32 @!p0 $0x108  }
0x21: {  	s3 =	sadd.s32 s3, s9;
	s6 =	sadd.s32 @!p0 $0x88, s6;
	s7 =	simm.s32 @p2 $0x1082  }
0x22: {  	[simem:s7], [sflag:s8] =	dma.local @!p0 [hbm:s6], $0xF7A  }
0x23: {  	s9 =	sor.u32 $0xD0000000, s2;
	s6 =	simm.s32 $0x108;
	_ =	swait.ge @!p0 [sflag:s8], $0x0  }
0x24: {  	s3 =	sadd.s32 $0x88, s3;
	s6 =	simm.s32 @!p1 $0x1082;
	[sflag:s4] =	ssyncset.s32 $0xFFFFF086  }
0x25: {  	[simem:s6], [sflag:s4] =	dma.local [hbm:s3], $0xF7A  }
0x26: {  	[smem:$0x3FA0] =	sst s1;
	(tag) =	ssettag s2;
	_ =	strace s9  }
0x27: {  	s1 =	sld [smem:$0x3FB0]  }
0x28: {  	s2 =	sld [smem:$0x3FB1]  }
0x29: {  	s4 =	sld [smem:$0x3FB3]  }
0x2a: {  	p0 =	seq.s32 s5, $0x0;
	s5 =	sld [smem:$0x3FB4]  }
0x2b: {  	s6 =	sld [smem:$0x3FB5]  }
0x2c: {  	s7 =	sld [smem:$0x3FB6]  }
0x2d: {  	s3 =	simm.s32 $0x108;
	s8 =	sld [smem:$0x3FB7]  }
0x2e: {  	s3 =	simm.s32 @!p0 $0x1082;
	s9 =	sld [smem:$0x3FB8]  }
0x2f: {  	lr =	sadd.s32 s0, s3;
	s0 =	sld [smem:$0x3FAF]  }
0x30: {  	s3 =	sld [smem:$0x3FB2]  }
0x31: {  	[smem:$0x3FBB] =	sst s10  }
0x32: {  	s10 =	sld [smem:$0x3FB9];
	_ =	sdelay $0x3  }
0x33: {  	p0 =	seq.s32 s10, $0x1;
	s10 =	sld [smem:$0x3FBB];
	_ =	sdelay $0x3  }
0x34: {  	[smem:$0x3FBB] =	sst s10  }
0x35: {  	s10 =	sld [smem:$0x3FBA];
	_ =	sdelay $0x3  }
0x36: {  	p1 =	seq.s32 s10, $0x1;
	s10 =	sld [smem:$0x3FBB];
	_ =	sdelay $0x3  }
0x37: {  	[smem:$0x3FBB] =	sst s10  }
0x38: {  	s10 =	sld [smem:$0x3FBC]  }
0x39: {  	_ = 	snop;
	(pc) =	sbr.ind lr, $3  }
0x3a: {  	_ = 	snop  }
0x3b: {  	_ = 	snop  }
0x3c: {  	p2 =	seq.s32 s10, $0x1;
	s10 =	sld [smem:$0x3FBB]  }
0x3d: {  	_ =	shalt  }
0x3e: {  	_ =	shalt  }
0x3f: {  	_ =	shalt  }
0x40: {  	_ =	shalt  }
0x41: {  	_ =	shalt  }
0x42: {  	_ =	shalt  }
0x43: {  	_ =	shalt  }
0x44: {  	_ =	shalt  }
0x45: {  	_ =	shalt  }
0x46: {  	_ =	shalt  }
0x47: {  	_ =	shalt  }
0x48: {  	_ =	shalt  }
0x49: {  	_ =	shalt  }
0x4a: {  	_ =	shalt  }
0x4b: {  	_ =	shalt  }
0x4c: {  	_ =	shalt  }
0x4d: {  	_ =	shalt  }
0x4e: {  	_ =	shalt  }
0x4f: {  	_ =	shalt  }
0x50: {  	_ =	shalt  }
0x51: {  	_ =	shalt  }
0x52: {  	_ =	shalt  }
0x53: {  	_ =	shalt  }
0x54: {  	_ =	shalt  }
0x55: {  	_ =	shalt  }
0x56: {  	_ =	shalt  }
0x57: {  	_ =	shalt  }
0x58: {  	_ =	shalt  }
0x59: {  	_ =	shalt  }
0x5a: {  	_ =	shalt  }
0x5b: {  	_ =	shalt  }
0x5c: {  	_ =	shalt  }
0x5d: {  	_ =	shalt  }
0x5e: {  	_ =	shalt  }
0x5f: {  	_ =	shalt  }
0x60: {  	_ =	shalt  }
0x61: {  	_ =	shalt  }
0x62: {  	_ =	shalt  }
0x63: {  	_ =	shalt  }
0x64: {  	_ =	shalt  }
0x65: {  	_ =	shalt  }
0x66: {  	_ =	shalt  }
0x67: {  	_ =	shalt  }
0x68: {  	_ =	shalt  }
0x69: {  	_ =	shalt  }
0x6a: {  	_ =	shalt  }
0x6b: {  	_ =	shalt  }
0x6c: {  	_ =	shalt  }
0x6d: {  	_ =	shalt  }
0x6e: {  	_ =	shalt  }
0x6f: {  	_ =	shalt  }
0x70: {  	_ =	shalt  }
0x71: {  	_ =	shalt  }
0x72: {  	_ =	shalt  }
0x73: {  	_ =	shalt  }
0x74: {  	_ =	shalt  }
0x75: {  	_ =	shalt  }
0x76: {  	_ =	shalt  }
0x77: {  	_ =	shalt  }
0x78: {  	_ =	shalt  }
0x79: {  	_ =	shalt  }
0x7a: {  	_ =	shalt  }
0x7b: {  	_ =	shalt  }
0x7c: {  	_ =	shalt  }
0x7d: {  	_ =	shalt  }
0x7e: {  	_ =	shalt  }
0x7f: {  	_ =	shalt  }
0x80: {  	_ =	shalt  }
0x81: {  	_ =	shalt  }
0x82: {  	_ =	shalt  }
0x83: {  	_ =	shalt  }
0x84: {  	_ =	shalt  }
0x85: {  	_ =	shalt  }
0x86: {  	_ =	shalt  }
0x87: {  	_ =	shalt  }
.Lfunc_end0:
.L_simem_size_0:
called_computation.14_lowered:
.L_overlay_start_0:
0x88: {  	s2 =	sld [smem:$0x3FD9]  }
0x89: {  	s3 =	sld [smem:$0x3FFE];
	_ =	sdelay $0x1  }
0x8a: {  	s1 =	srdreg.scid  }
0x8b: {  	s0 =	sand.u32 $0x1, s1  }
0x8c: {  	s16 =	sshll.u32 s0, $0xA;
	s2 =	sadd.s32 s3, s2  }
0x8d: {  	s2 =	sadd.s32 s2, s16  }
0x8e: {  	[smem:$0x3FC7] =	sst s2  }
0x8f: {  	_ = 	snop  }
0x90: {  	(tm) =	ssettm $0x1  }
0x91: {  	s17 =	sld [smem:$0x3FFB];
	_ =	sdelay $0x3  }
0x92: {  	_ =	strace s17  }
0x93: {  	s2 =	sld [smem:$0x3FFC];
	_ =	sdelay $0x3  }
0x94: {  	_ =	strace s2  }
0x95: {  	s2 =	sld [smem:$0x3FFD];
	_ =	sdelay $0x3  }
0x96: {  	_ =	strace s2  }
0x97: {  	_ =	strace $0x8FFFFFFF  }
0x98: {  	s18 =	sld [smem:$0x3FDB];
	_ =	sdelay $0x1  }
0x99: {  	s19 =	simm.s32 $_scs_section_size  }
0x9a: {  	s4 =	simm.s32 $_size__tile_overlayer_lowered;
	s5 =	simm.s32 $_tile_overlayer_lowered  }
0x9b: {  	s22 =	simm.s32 $0x1BFF;
	s21 =	sshll.u32 s5, $0x1;
	s2 =	sadd.s32 s19, s18  }
0x9c: {  	s6 =	simm.s32 $0x0;
	s20 =	sshll.u32 s4, $0x1;
	s4 =	sadd.s32 s21, s2  }
0x9d: {  	[timem:s6], [sflag:s22] =	dma.local [hbm:s4], s20  }
0x9e: {  	_ =	swait.ge [sflag:s22], s20  }
0x9f: {  	s3 =	ssub.s32 $0x0, s20;
	[sflag:s22] =	ssyncset.done $0x0  }
0xa0: {  	[sflag:s22] =	ssyncadd.s32 s3;
	_ =	sdelay $0x1  }
0xa1: {  	s23 =	simm.s32 $0x1B8B  }
0xa2: {  	_ =	swait.ge [sflag:s23], $0x1  }
0xa3: {  	[sflag:s23] =	ssyncset.done $0x0  }
0xa4: {  	s25 =	simm.s32 $0x1B8E;
	s24 =	sld [smem:$0x3FFE];
	[sflag:s23] =	ssyncadd.s32 $0xFFFFFFFF  }
0xa5: {  	s26 =	simm.s32 $execute0_lowered;
	[smem:$0x3FD2] =	sst s25  }
0xa6: {  	s4 =	sshll.u32 s26, $0x1;
	_ =	strace $0x80000046;
	[dreg:$0x1] =	wrdreg $0xFFFFFFFF  }
0xa7: {  	s28 =	simm.s32 $_size_execute0_lowered;
	s2 =	sadd.s32 s2, s4;
	[dreg:$0x0] =	wrdreg $0x0  }
0xa8: {  	s4 =	sshll.u32 s28, $0x1;
	[dreg:$0x2] =	wrdreg s2  }
0xa9: {  	[dreg:$0x3] =	wrdreg s4  }
0xaa: {  	[dreg:$0x4] =	wrdreg $0xC0  }
0xab: {  	_ =	task [dreg:s6], $0x5FFFF  }
0xac: {  	[dreg:$0x1] =	wrdreg $0xFFFFFFFF  }
0xad: {  	[dreg:$0x0] =	wrdreg $0x60  }
0xae: {  	[dreg:$0x2] =	wrdreg s24  }
0xaf: {  	[dreg:$0x3] =	wrdreg $0x9  }
0xb0: {  	_ =	task.clear_ibuf [dreg:s6], $0x4FFFF;
	_ =	strace $0x90000046  }
0xb1: {  	s29 =	simm.s32 $0x9;
	_ =	strace $0x80000048  }
0xb2: {  	_ =	swait.ge [sflag:s29], $0x1  }
0xb3: {  	[sflag:s29] =	ssyncadd.s32 $0xFFFFFFFF  }
0xb4: {  	_ =	strace $0x90000048  }
0xb5: {  	_ =	sfence  }
0xb6: {  	s30 =	sld [smem:$0x0];
	_ =	sdelay $0x2  }
0xb7: {  	s31 =	sshll.u32 s1, $0xD;
	s1 =	sshrl.u32 s1, $0x2  }
0xb8: {  	s3 =	sand.u32 $0x4000, s31;
	s1 =	sadd.s32 s1, s30  }
0xb9: {  	s0 =	sor.u32 s3, s0;
	s1 =	sshll.u32 s1, $0x11  }
0xba: {  	s0 =	sor.u32 s1, s0  }
0xbb: {  	s0 =	sadd.s32 $0x8F2B, s0  }
0xbc: {  	[sflag:s0] =	ssyncadd.remote.s32 $0x1  }
0xbd: {  	_ =	sfence.sel $0xFFFF  }
0xbe: {  	[dreg:$0x0] =	wrdreg $0xFFFFFFFF;
	(pc) =	sbr.abs _section_cstart, $3  }
0xbf: {  	[dreg:$0x1] =	wrdreg $0xFFFFFFFF  }
0xc0: {  	_ =	task.clear_ibuf [dreg:s6], $0x2FFFF;
	_ =	strace $0x9FFFFFFF  }
0xc1: {  	(tm) =	ssettm $0x7FFFFFFF  }
tec
execute0_lowered:
.L_overlay_start_1:
0x0: {  	(tag) =	ssettag $0x1  }
0x1: {  	s8 =	rddreg [dreg:$0x0]  }
0x2: {  	s0 =	rddreg [dreg:$0x1];
	_ =	strace $0x80000047;
	s1 =	stileid.u32  }
0x3: {  	s3 =	srdreg.scid;
	s4 =	simm.s32 $0x1;
	s7 =	simm.s32 $0x1  }
0x4: {  	s9 =	simm.s32 $0x1;
	s10 =	simm.s32 $0x3;
	s13 =	simm.s32 $0x0  }
0x5: {  	s12 =	simm.s32 $0x0;
	s5 =	sand.u32 $0x1, s3;
	s6 =	sshll.u32 s1, $0x1  }
0x6: {  	s2 =	sadd.s32 $0x19400, s8;
	s3 =	sadd.s32 $0x2C000, s8;
	s5 =	sor.u32 s6, s5  }
.Ltmp0:
0x7: {  	[sflag:s4] =	ssyncpa.u1 $0x0;
	p0 =	slt.u32 s5, $0x13;
	(pc) =	sbr.rel .LBB2_1-.Ltmp0, $4  }
0x8: {  	s6 =	simm.s32 $0x2;
	s7 =	simm.s32 @!p0 $0x0;
	p0 =	sne.s32 s5, $0x12  }
0x9: {  	[sflag:s6] =	ssyncpa.u1 $0x0;
	s5 =	smul.u32 $0x7D0, s5;
	s9 =	simm.s32 @!p0 $0x0  }
0xa: {  	s8 =	sadd.s32 $0x1B5C00, s8;
	[sflag:s10] =	ssyncpa.u1 $0x0;
	s7 =	sadd.s32 s9, s7  }
0xb: {  	vm0 =	vmmov $0xffff;
	s10 =	simm.s32 $0x0;
	s11 =	smov.u32 s5;
	s9 =	sadd.s32 $0x1, s7  }
.LBB2_4:
0xc: {  	v2 =	vnsel vm1, $0x0, v2  }
0xd: {  	vm1 =	vgt.s32 v0, $0x0;
	v2 =	vmin.u32 v2, $0x1869F  }
0xe: {  	v0 =	vnsel vm1, $0x0, v0  }
0xf: {  	v0 =	vmin.u32 v0, $0x1869F  }
0x10: {  	[tilespmem:s18], [sflag:$0x1] =	stream.indirect_vreg.gather [hbm4b:s2+s10], $0x1, v1, vm0, $0x4038;
	[tilespmem:$0x1F40] =	vst v63  }
0x11: {  	(ifvalue) =	ssetifvalue $0x7FFFFFFF  }
0x12: {  	[tilespmem:s15], [sflag:$0x1] =	stream.indirect_vreg.gather [hbm4b:s2+s10], $0x1, v2, vm0, $0x4038;
	[tilespmem:$0x1F40] =	vst v63  }
0x13: {  	s29 =	sadd.s32 $0x10, s15;
	(ifvalue) =	ssetifvalue $0x7FFFFFFF  }
0x14: {  	[tilespmem:s29], [sflag:$0x1] =	stream.indirect_vreg.gather [hbm4b:s2+s10], $0x1, v0, vm0, $0x4038;
	[tilespmem:$0x1F40] =	vst v63  }
0x15: {  	_ =	swait.ge [sflag:s4], $0x7D0  }
0x16: {  	s30 =	sshrl.u32 s13, $0x3;
	[sflag:s4] =	ssyncset.done $0x0  }
0x17: {  	s31 =	sand.u32 $0x7, s13;
	s15 =	sadd.s32 s8, s30;
	[sflag:s4] =	ssyncadd.s32 $0xFFFFF830  }
0x18: {  	[hbm4b:s15+s31] =	stream.linear.scatter [tilespmem:s14], [sflag:$0x3], $0x7D0, $0x38;
	[tilespmem:$0x1F40] =	vst v63  }
.LBB2_5:
0x19: {  	s15 =	sadd.s32 $0xFA00, s11  }
0x1a: {  	p1 =	sgt.s32 s15, $0x1869F  }
0x1b: {  	s15 =	smov.u32 @p1 s5;
	p1 =	sne.s32 s12, s9  }
.Ltmp1:
0x1c: {  	p0 =	slt.u32 s12, $0x2;
	(pc) =	sbr.rel @!p1 .LBB2_6-.Ltmp1, $4  }
0x1d: {  	s14 =	simm.s32 @!p0 $0x3  }
0x1e: {  	_ =	swait.ge @!p0 [sflag:s14], $0x7D0  }
0x1f: {  	s16 =	sadd.s32 $0x1, s12;
	s13 =	smov.u32 s11;
	[sflag:s14] =	ssyncset.done @!p0 $0x0  }
0x20: {  	s12 =	smov.u32 s16;
	s11 =	smov.u32 s15;
	[sflag:s14] =	ssyncadd.s32 @!p0 $0xFFFFF830  }
.LBB2_1:
0x21: {  	p0 =	sge.u32 s12, s7  }
0x22: {  	s14 =	sxor.u32 @!p0 $0x1, s12  }
0x23: {  	s14 =	smul.u32 @!p0 $0x1F40, s14  }
0x24: {  	s31 =	sadd.s32 $0xFFFFFFFF, s12;
	s15 =	sshrl.u32 @!p0 s11, $0x3  }
0x25: {  	s16 =	sand.u32 @!p0 $0x7, s11;
	s15 =	sadd.s32 @!p0 s3, s15;
	s14 =	sshra.s32 @!p0 s14, $0x2  }
0x26: {  	[tilespmem:s14], [sflag:$0x2] =	stream.linear.gather @!p0 [hbm4b:s15+s16], $0x7D0, $0x38;
	[tilespmem:$0x1F40] =	vst v63  }
0x27: {  	p0 =	sge.u32 s31, s7  }
.Ltmp2:
0x28: {  	_ = 	snop;
	(pc) =	sbr.rel @p0 .LBB2_5-.Ltmp2, $1  }
0x29: {  	_ =	sdelay $0x3  }
0x2a: {  	s14 =	sand.u32 $0x1, s12  }
0x2b: {  	_ =	swait.ge [sflag:s6], $0x7D0;
	p0 =	seq.s32 s14, $0x1;
	s14 =	simm.s32 $0x7D0  }
0x2c: {  	[sflag:s6] =	ssyncset.done $0x0;
	s14 =	simm.s32 @!p0 $0x0  }
0x2d: {  	[sflag:s6] =	ssyncadd.s32 $0xFFFFF830;
	(ifvalue) =	ssetifvalue $0x7FFFFFFF;
	v0 =	vld.msk [tilespmem:s14+$0x0 ss:$0x1], $0xffff;
	_ =	sdelay $0x4  }
0x2e: {  	s15 =	sadd.s32 $0x10, s14;
	vm1 =	vgt.s32 v0, $0x0  }
0x2f: {  	v2 =	vld.msk [tilespmem:s15+$0x0 ss:$0x1], $0xffff;
	v1 =	vnsel vm1, $0x0, v0  }
0x30: {  	v1 =	vmin.u32 v1, $0x1869F;
	_ =	sdelay $0x2  }
0x31: {  	s17 =	simm.s32 $0x20;
	s14 =	sadd.s32 $0xFA0, s14;
	s16 =	sadd.s32 $0x10, s15  }
0x32: {  	s15 =	sadd.s32 $0x10, s14;
	s18 =	smov.u32 s14;
	v0 =	vld.msk [tilespmem:s16+$0x0 ss:$0x1], $0xffff;
	vm1 =	vgt.s32 v2, $0x0;
	(ifvalue) =	ssetifvalue $0x7FFFFFFF  }
.LBB2_3:
0x33: {  	[tilespmem:s18], [sflag:$0x1] =	stream.indirect_vreg.gather [hbm4b:s2+s10], $0x1, v1, vm0, $0x4038;
	[tilespmem:$0x1F40] =	vst v63  }
0x34: {  	s17 =	sadd.s32 $0x10, s17  }
0x35: {  	v2 =	vnsel vm1, $0x0, v2;
	p0 =	slt.u32 s17, $0x7C0  }
.Ltmp3:
0x36: {  	s18 =	smov.u32 s15;
	v1 =	vmin.u32 v2, $0x1869F;
	(pc) =	sbr.rel @p0 .LBB2_3-.Ltmp3, $3  }
0x37: {  	_ =	sdelay $0x1  }
0x38: {  	s16 =	sadd.s32 $0x10, s16  }
0x39: {  	vm1 =	vgt.s32 v0, $0x0;
	s15 =	sadd.s32 $0x10, s15;
	v2 =	vmov v0;
	(ifvalue) =	ssetifvalue $0x7FFFFFFF;
	v0 =	vld.msk [tilespmem:s16+$0x0 ss:$0x1], $0xffff  }
.Ltmp4:
0x3a: {  	_ = 	snop;
	(pc) =	sbr.rel .LBB2_4-.Ltmp4, $1  }
0x3b: {  	_ =	sdelay $0x3  }
.LBB2_6:
0x3c: {  	_ =	sfence.sel $0x180000  }
0x3d: {  	s2 =	simm.s32 $0x2;
	[bflag:$0x0] =	sbarrier.arrive $0xFFFF  }
0x3e: {  	s30 =	simm.s32 $0x3;
	[sflag:s2] =	ssyncpa.u1 $0x1  }
0x3f: {  	s31 =	simm.s32 $0x1;
	[sflag:s30] =	ssyncpa.u1 $0x1  }
0x40: {  	[sflag:s31] =	ssyncpa.u1 $0x1  }
0x41: {  	p0 =	sne.s32 s1, $0x0;
	_ =	strace $0x90000047  }
0x42: {  	s0 =	sadd.s32 @!p0 $0x100000, s0;
	[bflag:$0x2] =	sbarrier.arrive $0xFFFF  }
0x43: {  	[sflag:s0] =	ssyncadd.tile.s32 @!p0 $0x1;
	_ =	shalt  }
.Lfunc_end2:
_tile_overlayer_lowered:
.L_overlay_start_2:
0x44: {  	(tag) =	ssettag $0x2  }
0x45: {  	s0 =	rddreg [dreg:$0x0];
	s2 =	stileid.u32  }
0x46: {  	s1 =	rddreg [dreg:$0x1];
	p0 =	sne.s32 s2, $0x0  }
0x47: {  	s3 =	rddreg [dreg:$0x2];
	[bflag:$0x3] =	sbarrier.arrive $0xFFFF;
	s2 =	simm.s32 @!p0 $0x1C01  }
0x48: {  	[timem:s3], [sflag:s2] =	dma.local @!p0 [hbm:s0], s1  }
0x49: {  	s0 =	simm.s32 @!p0 $0x1  }
0x4a: {  	_ =	swait.ge @!p0 [sflag:s0], s1  }
0x4b: {  	s1 =	ssub.s32 @!p0 $0x0, s1;
	[sflag:s0] =	ssyncset.done @!p0 $0x0  }
0x4c: {  	[sflag:s0] =	ssyncadd.s32 @!p0 s1  }
0x4d: {  	[bflag:$0x3] =	sbarrier.arrive $0xFFFF  }
0x4e: {  	_ =	shalt  }

// kernel: gather_offload_async_start.11
scs
__scs_entry_jumppad:
0x0: {  	(pc) =	sbr.rel $0x88, $3  }
0x1: {  	(tag) =	ssettag $0x0;
	lr =	simm.s32 $0x1  }
0x2: {  	[smem:$0x3FA0] =	sst lr;
	_ =	strace $0xD0000000  }
0x3: {  	_ = 	snop  }
0x4: {  	_ = 	snop  }
0x5: {  	_ = 	snop  }
0x6: {  	_ = 	snop  }
0x7: {  	_ = 	snop  }
__scs_overlays_trampoline_lowered:
0x8: {  	[smem:$0x3FAF] =	sst s0  }
0x9: {  	[smem:$0x3FB0] =	sst s1  }
0xa: {  	[smem:$0x3FB1] =	sst s2  }
0xb: {  	[smem:$0x3FB2] =	sst s3  }
0xc: {  	[smem:$0x3FB3] =	sst s4  }
0xd: {  	[smem:$0x3FB4] =	sst s5  }
0xe: {  	[smem:$0x3FB5] =	sst s6  }
0xf: {  	[smem:$0x3FB6] =	sst s7  }
0x10: {  	[smem:$0x3FB7] =	sst s8  }
0x11: {  	[smem:$0x3FB8] =	sst s9;
	s0 =	simm.s32 @!p0 $0x0  }
0x12: {  	s1 =	sld [smem:$0x3F9E];
	s0 =	simm.s32 @p0 $0x1  }
0x13: {  	[smem:$0x3FB9] =	sst s0;
	s0 =	simm.s32 @!p1 $0x0  }
0x14: {  	s2 =	sld [smem:$0x3F9D];
	s0 =	simm.s32 @p1 $0x1  }
0x15: {  	[smem:$0x3FBA] =	sst s0;
	s0 =	simm.s32 @!p2 $0x0  }
0x16: {  	s3 =	sld [smem:$0x3FDB];
	s0 =	simm.s32 @p2 $0x1  }
0x17: {  	s4 =	simm.s32 $0x1BF5;
	[smem:$0x3FBC] =	sst s0  }
0x18: {  	s0 =	sld [smem:$0x3F9F];
	_ =	swait.ge [sflag:s4], $0x0  }
0x19: {  	s7 =	sld [smem:$0x3FA0]  }
0x1a: {  	s8 =	sadd.s32 $0xFFFFE003, lr  }
0x1b: {  	s9 =	sadd.s32 $0xFFFFFEF7, lr;
	s5 =	simm.s32 $0xFFFFFFFF;
	p2 =	slt.u32 s8, $0xFFFFF086  }
0x1c: {  	p1 =	slt.u32 s9, $0xF7A;
	s5 =	simm.s32 @!p2 $0x0  }
0x1d: {  	s5 =	simm.s32 @p1 $0x1;
	p0 =	seq.s32 s7, s2  }
0x1e: {  	s7 =	smul.u32 @!p0 $0xF7A, s2;
	p2 =	seq.s32 @!p0 s5, $0x0  }
0x1f: {  	s9 =	smul.u32 $0xF7A, s1;
	s8 =	simm.s32 @!p0 $0x1BF5;
	p2 =	por !p2, p0  }
0x20: {  	[sflag:s8] =	ssyncset.s32 @!p0 $0xFFFFF086;
	s6 =	sadd.s32 @!p0 s3, s7;
	s7 =	simm.s32 @!p0 $0x108  }
0x21: {  	s3 =	sadd.s32 s3, s9;
	s6 =	sadd.s32 @!p0 $0x88, s6;
	s7 =	simm.s32 @p2 $0x1082  }
0x22: {  	[simem:s7], [sflag:s8] =	dma.local @!p0 [hbm:s6], $0xF7A  }
0x23: {  	s9 =	sor.u32 $0xD0000000, s2;
	s6 =	simm.s32 $0x108;
	_ =	swait.ge @!p0 [sflag:s8], $0x0  }
0x24: {  	s3 =	sadd.s32 $0x88, s3;
	s6 =	simm.s32 @!p1 $0x1082;
	[sflag:s4] =	ssyncset.s32 $0xFFFFF086  }
0x25: {  	[simem:s6], [sflag:s4] =	dma.local [hbm:s3], $0xF7A  }
0x26: {  	[smem:$0x3FA0] =	sst s1;
	(tag) =	ssettag s2;
	_ =	strace s9  }
0x27: {  	s1 =	sld [smem:$0x3FB0]  }
0x28: {  	s2 =	sld [smem:$0x3FB1]  }
0x29: {  	s4 =	sld [smem:$0x3FB3]  }
0x2a: {  	p0 =	seq.s32 s5, $0x0;
	s5 =	sld [smem:$0x3FB4]  }
0x2b: {  	s6 =	sld [smem:$0x3FB5]  }
0x2c: {  	s7 =	sld [smem:$0x3FB6]  }
0x2d: {  	s3 =	simm.s32 $0x108;
	s8 =	sld [smem:$0x3FB7]  }
0x2e: {  	s3 =	simm.s32 @!p0 $0x1082;
	s9 =	sld [smem:$0x3FB8]  }
0x2f: {  	lr =	sadd.s32 s0, s3;
	s0 =	sld [smem:$0x3FAF]  }
0x30: {  	s3 =	sld [smem:$0x3FB2]  }
0x31: {  	[smem:$0x3FBB] =	sst s10  }
0x32: {  	s10 =	sld [smem:$0x3FB9];
	_ =	sdelay $0x3  }
0x33: {  	p0 =	seq.s32 s10, $0x1;
	s10 =	sld [smem:$0x3FBB];
	_ =	sdelay $0x3  }
0x34: {  	[smem:$0x3FBB] =	sst s10  }
0x35: {  	s10 =	sld [smem:$0x3FBA];
	_ =	sdelay $0x3  }
0x36: {  	p1 =	seq.s32 s10, $0x1;
	s10 =	sld [smem:$0x3FBB];
	_ =	sdelay $0x3  }
0x37: {  	[smem:$0x3FBB] =	sst s10  }
0x38: {  	s10 =	sld [smem:$0x3FBC]  }
0x39: {  	_ = 	snop;
	(pc) =	sbr.ind lr, $3  }
0x3a: {  	_ = 	snop  }
0x3b: {  	_ = 	snop  }
0x3c: {  	p2 =	seq.s32 s10, $0x1;
	s10 =	sld [smem:$0x3FBB]  }
0x3d: {  	_ =	shalt  }
0x3e: {  	_ =	shalt  }
0x3f: {  	_ =	shalt  }
0x40: {  	_ =	shalt  }
0x41: {  	_ =	shalt  }
0x42: {  	_ =	shalt  }
0x43: {  	_ =	shalt  }
0x44: {  	_ =	shalt  }
0x45: {  	_ =	shalt  }
0x46: {  	_ =	shalt  }
0x47: {  	_ =	shalt  }
0x48: {  	_ =	shalt  }
0x49: {  	_ =	shalt  }
0x4a: {  	_ =	shalt  }
0x4b: {  	_ =	shalt  }
0x4c: {  	_ =	shalt  }
0x4d: {  	_ =	shalt  }
0x4e: {  	_ =	shalt  }
0x4f: {  	_ =	shalt  }
0x50: {  	_ =	shalt  }
0x51: {  	_ =	shalt  }
0x52: {  	_ =	shalt  }
0x53: {  	_ =	shalt  }
0x54: {  	_ =	shalt  }
0x55: {  	_ =	shalt  }
0x56: {  	_ =	shalt  }
0x57: {  	_ =	shalt  }
0x58: {  	_ =	shalt  }
0x59: {  	_ =	shalt  }
0x5a: {  	_ =	shalt  }
0x5b: {  	_ =	shalt  }
0x5c: {  	_ =	shalt  }
0x5d: {  	_ =	shalt  }
0x5e: {  	_ =	shalt  }
0x5f: {  	_ =	shalt  }
0x60: {  	_ =	shalt  }
0x61: {  	_ =	shalt  }
0x62: {  	_ =	shalt  }
0x63: {  	_ =	shalt  }
0x64: {  	_ =	shalt  }
0x65: {  	_ =	shalt  }
0x66: {  	_ =	shalt  }
0x67: {  	_ =	shalt  }
0x68: {  	_ =	shalt  }
0x69: {  	_ =	shalt  }
0x6a: {  	_ =	shalt  }
0x6b: {  	_ =	shalt  }
0x6c: {  	_ =	shalt  }
0x6d: {  	_ =	shalt  }
0x6e: {  	_ =	shalt  }
0x6f: {  	_ =	shalt  }
0x70: {  	_ =	shalt  }
0x71: {  	_ =	shalt  }
0x72: {  	_ =	shalt  }
0x73: {  	_ =	shalt  }
0x74: {  	_ =	shalt  }
0x75: {  	_ =	shalt  }
0x76: {  	_ =	shalt  }
0x77: {  	_ =	shalt  }
0x78: {  	_ =	shalt  }
0x79: {  	_ =	shalt  }
0x7a: {  	_ =	shalt  }
0x7b: {  	_ =	shalt  }
0x7c: {  	_ =	shalt  }
0x7d: {  	_ =	shalt  }
0x7e: {  	_ =	shalt  }
0x7f: {  	_ =	shalt  }
0x80: {  	_ =	shalt  }
0x81: {  	_ =	shalt  }
0x82: {  	_ =	shalt  }
0x83: {  	_ =	shalt  }
0x84: {  	_ =	shalt  }
0x85: {  	_ =	shalt  }
0x86: {  	_ =	shalt  }
0x87: {  	_ =	shalt  }
.Lfunc_end0:
.L_simem_size_0:
called_computation.15_lowered:
.L_overlay_start_0:
0x88: {  	s2 =	sld [smem:$0x3FD9]  }
0x89: {  	s3 =	sld [smem:$0x3FFE];
	_ =	sdelay $0x1  }
0x8a: {  	s1 =	srdreg.scid  }
0x8b: {  	s0 =	sand.u32 $0x1, s1  }
0x8c: {  	s17 =	sshll.u32 s0, $0xA;
	s2 =	sadd.s32 s3, s2  }
0x8d: {  	s2 =	sadd.s32 s2, s17  }
0x8e: {  	[smem:$0x3FC7] =	sst s2  }
0x8f: {  	_ = 	snop  }
0x90: {  	(tm) =	ssettm $0x1  }
0x91: {  	s18 =	sld [smem:$0x3FFB];
	_ =	sdelay $0x3  }
0x92: {  	_ =	strace s18  }
0x93: {  	s2 =	sld [smem:$0x3FFC];
	_ =	sdelay $0x3  }
0x94: {  	_ =	strace s2  }
0x95: {  	s2 =	sld [smem:$0x3FFD];
	_ =	sdelay $0x3  }
0x96: {  	_ =	strace s2  }
0x97: {  	_ =	strace $0x8FFFFFFF  }
0x98: {  	s19 =	sld [smem:$0x3FDB];
	_ =	sdelay $0x1  }
0x99: {  	s20 =	simm.s32 $_scs_section_size  }
0x9a: {  	s4 =	simm.s32 $_size__tile_overlayer_lowered;
	s5 =	simm.s32 $_tile_overlayer_lowered  }
0x9b: {  	s6 =	simm.s32 $0x1BFF;
	s21 =	sshll.u32 s5, $0x1;
	s3 =	sadd.s32 s20, s19  }
0x9c: {  	s22 =	simm.s32 $0x0;
	s4 =	sshll.u32 s4, $0x1;
	s5 =	sadd.s32 s21, s3  }
0x9d: {  	[timem:s22], [sflag:s6] =	dma.local [hbm:s5], s4  }
0x9e: {  	_ =	swait.ge [sflag:s6], s4  }
0x9f: {  	s4 =	ssub.s32 $0x0, s4;
	[sflag:s6] =	ssyncset.done $0x0  }
0xa0: {  	[sflag:s6] =	ssyncadd.s32 s4;
	_ =	sdelay $0x1  }
0xa1: {  	s23 =	simm.s32 $0x1B8B  }
0xa2: {  	_ =	swait.ge [sflag:s23], $0x1  }
0xa3: {  	[sflag:s23] =	ssyncset.done $0x0  }
0xa4: {  	[sflag:s23] =	ssyncadd.s32 $0xFFFFFFFF  }
0xa5: {  	s4 =	sld [smem:$0x0]  }
0xa6: {  	s5 =	sand.u32 $0xFFFFFFFE, s1  }
0xa7: {  	p0 =	sne.s32 s1, s5  }
0xa8: {  	s5 =	sshll.u32 @p0 s5, $0xE  }
0xa9: {  	s5 =	sadd.s32 @p0 $0x11B8D, s5;
	s6 =	sshll.u32 @p0 s4, $0x11  }
0xaa: {  	s5 =	sor.u32 @p0 s6, s5  }
0xab: {  	[sflag:s5] =	ssyncadd.remote.s32 @p0 $0x1;
	_ =	sdelay $0x1  }
0xac: {  	s5 =	simm.s32 @p0 $0x1B8D  }
0xad: {  	_ =	swait.eq @p0 [sflag:s5], $0x1  }
0xae: {  	[sflag:s5] =	ssyncadd.s32 @p0 $0xFFFFFFFF  }
0xaf: {  	s6 =	sshll.u32 @!p0 s1, $0xE  }
0xb0: {  	s6 =	sor.u32 @!p0 $0x4000, s6;
	s5 =	simm.s32 @!p0 $0x1B8D  }
0xb1: {  	s4 =	sshll.u32 @!p0 s4, $0x11;
	s6 =	sadd.s32 @!p0 $0x11B8D, s6;
	_ =	swait.eq @!p0 [sflag:s5], $0x1  }
0xb2: {  	s4 =	sor.u32 @!p0 s4, s6;
	[sflag:s5] =	ssyncadd.s32 @!p0 $0xFFFFFFFF  }
0xb3: {  	s25 =	simm.s32 $0x1B8E;
	s24 =	sld [smem:$0x3FFE];
	[sflag:s4] =	ssyncadd.remote.s32 @!p0 $0x1  }
0xb4: {  	s26 =	simm.s32 $execute0_lowered;
	[smem:$0x3FD2] =	sst s25  }
0xb5: {  	s5 =	sshll.u32 s26, $0x1;
	_ =	strace $0x8000006A;
	[dreg:$0x1] =	wrdreg $0xFFFFFFFF  }
0xb6: {  	s28 =	simm.s32 $_size_execute0_lowered;
	s3 =	sadd.s32 s3, s5;
	[dreg:$0x0] =	wrdreg $0x0  }
0xb7: {  	s5 =	sshll.u32 s28, $0x1;
	[dreg:$0x2] =	wrdreg s3  }
0xb8: {  	[dreg:$0x3] =	wrdreg s5  }
0xb9: {  	[dreg:$0x4] =	wrdreg $0xC0  }
0xba: {  	_ =	task [dreg:s22], $0x5FFFF  }
0xbb: {  	[dreg:$0x1] =	wrdreg $0xFFFFFFFF  }
0xbc: {  	[dreg:$0x0] =	wrdreg $0x60  }
0xbd: {  	[dreg:$0x2] =	wrdreg s24  }
0xbe: {  	[dreg:$0x3] =	wrdreg $0xE  }
0xbf: {  	_ =	task.clear_ibuf [dreg:s22], $0x4FFFF;
	_ =	strace $0x9000006A  }
0xc0: {  	s29 =	simm.s32 $0xE;
	_ =	strace $0x8000006C  }
0xc1: {  	_ =	swait.ge [sflag:s29], $0x1  }
0xc2: {  	[sflag:s29] =	ssyncadd.s32 $0xFFFFFFFF  }
0xc3: {  	_ =	strace $0x9000006C  }
0xc4: {  	_ =	sfence  }
0xc5: {  	s30 =	sld [smem:$0x0];
	_ =	sdelay $0x2  }
0xc6: {  	s31 =	sshll.u32 s1, $0xD;
	s1 =	sshrl.u32 s1, $0x2  }
0xc7: {  	s4 =	sand.u32 $0x4000, s31;
	s1 =	sadd.s32 s1, s30  }
0xc8: {  	s0 =	sor.u32 s4, s0;
	s1 =	sshll.u32 s1, $0x11  }
0xc9: {  	s0 =	sor.u32 s1, s0  }
0xca: {  	s0 =	sadd.s32 $0x8F2B, s0  }
0xcb: {  	[sflag:s0] =	ssyncadd.remote.s32 $0x1  }
0xcc: {  	_ =	sfence.sel $0xFFFF  }
0xcd: {  	[dreg:$0x0] =	wrdreg $0xFFFFFFFF;
	(pc) =	sbr.abs _section_cstart, $3  }
0xce: {  	[dreg:$0x1] =	wrdreg $0xFFFFFFFF  }
0xcf: {  	_ =	task.clear_ibuf [dreg:s22], $0x2FFFF;
	_ =	strace $0x9FFFFFFF  }
0xd0: {  	(tm) =	ssettm $0x7FFFFFFF  }
0xd1: {  	_ =	shalt  }
tec
execute0_lowered:
.L_overlay_start_1:
0x0: {  	(tag) =	ssettag $0x1  }
0x1: {  	s0 =	srdreg.scid  }
0x2: {  	s1 =	sshll.u32 s0, $0x4  }
0x3: {  	s0 =	stileid.u32;
	s1 =	sand.u32 $0x10, s1  }
0x4: {  	s1 =	sor.u32 s0, s1  }
0x5: {  	s2 =	smul.u32 $0x7, s1  }
0x6: {  	s3 =	smin.u32 s1, $0x1A  }
0x7: {  	s2 =	sadd.s32 s3, s2  }
0x8: {  	p0 =	slt.u32 s1, $0x1A;
	s1 =	simm.s32 $0xC80;
	s2 =	smul.u32 $0x190, s2  }
0x9: {  	s1 =	simm.s32 @!p0 $0xAF0  }
0xa: {  	s1 =	sadd.s32 s1, s2  }
0xb: {  	s3 =	smin.u32 s1, $0x186A0  }
0xc: {  	s7 =	ssub.s32 s3, s2  }
0xd: {  	p0 =	sgt.s32 s7, $0x0  }
0xe: {  	s7 =	simm.s32 @!p0 $0x0  }
0xf: {  	s4 =	smulhi.u32 $0x51EB851F, s7  }
0x10: {  	s9 =	rddreg [dreg:$0x0];
	s6 =	simm.s32 $0x1;
	s11 =	simm.s32 $0x3  }
0x11: {  	s13 =	simm.s32 $0x0;
	s12 =	simm.s32 $0x0;
	s8 =	sshrl.u32 s4, $0x7  }
0x12: {  	s1 =	rddreg [dreg:$0x1];
	_ =	strace $0x8000006B;
	s10 =	smul.u32 $0x190, s8  }
.Ltmp0:
0x13: {  	s5 =	sadd.s32 $0x2C000, s9;
	[sflag:s6] =	ssyncpa.u1 $0x0;
	(pc) =	sbr.rel .LBB2_1-.Ltmp0, $4  }
0x14: {  	s4 =	sadd.s32 $0x1B8E00, s9;
	p0 =	sne.s32 s7, s10;
	s10 =	simm.s32 $0x1  }
0x15: {  	s9 =	sadd.s32 $0x34C000, s9;
	s7 =	simm.s32 $0x2;
	s10 =	simm.s32 @!p0 $0x0  }
0x16: {  	[sflag:s7] =	ssyncpa.u1 $0x0;
	p0 =	por $0x0, $0x0;
	s8 =	sadd.s32 s10, s8  }
0x17: {  	vm0 =	vmmov $0xff;
	vm1 =	vcmask $0x3F20;
	[sflag:s11] =	ssyncpa.u1 $0x0;
	s11 =	smov.u32 s2;
	s10 =	sadd.s32 $0x1, s8  }
.LBB2_6:
0x18: {  	[hbm:s17] =	stream.linear.scatter [tilespmem:s14], [sflag:$0x3], $0x400, $0x38;
	[tilespmem:$0x19320] =	vst v63  }
.LBB2_7:
0x19: {  	s13 =	sadd.s32 $0x190, s11  }
0x1a: {  	s15 =	smov.u32 s2;
	p2 =	slt.s32 s13, s3  }
0x1b: {  	s15 =	smov.u32 @p2 s13;
	p2 =	sne.s32 s12, s10  }
.Ltmp1:
0x1c: {  	p1 =	slt.u32 s12, $0x2;
	(pc) =	sbr.rel @!p2 .LBB2_8-.Ltmp1, $4  }
0x1d: {  	s14 =	simm.s32 @!p1 $0x3  }
0x1e: {  	s16 =	sadd.s32 $0x1, s12;
	_ =	swait.ge @!p1 [sflag:s14], $0xC800  }
0x1f: {  	p0 =	por !p0, !p0;
	s13 =	smov.u32 s11;
	[sflag:s14] =	ssyncset.done @!p1 $0x0  }
0x20: {  	s12 =	smov.u32 s16;
	s11 =	smov.u32 s15;
	[sflag:s14] =	ssyncadd.s32 @!p1 $0xFFFF3800  }
.LBB2_1:
0x21: {  	p1 =	sge.u32 s12, s8  }
0x22: {  	s14 =	sxor.u32 @!p1 $0xFFFFFFFF, s12  }
0x23: {  	s14 =	sand.u32 @!p1 $0x1, s14  }
0x24: {  	s14 =	smul.u32 @!p1 $0x640, s14  }
0x25: {  	s31 =	sadd.s32 $0xFFFFFFFF, s12;
	s15 =	sshrl.u32 @!p1 s11, $0x3  }
0x26: {  	s16 =	sand.u32 @!p1 $0x7, s11;
	s15 =	sadd.s32 @!p1 s5, s15;
	s14 =	sshrl.u32 @!p1 s14, $0x2  }
0x27: {  	[tilespmem:s14], [sflag:$0x2] =	stream.linear.gather @!p1 [hbm4b:s15+s16], $0x190, $0x38;
	[tilespmem:$0x19320] =	vst v63  }
0x28: {  	p1 =	sge.u32 s31, s8  }
.Ltmp2:
0x29: {  	_ = 	snop;
	(pc) =	sbr.rel @p1 .LBB2_7-.Ltmp2, $1  }
0x2a: {  	_ =	sdelay $0x3  }
0x2b: {  	s14 =	simm.s32 $0x1  }
0x2c: {  	s14 =	simm.s32 @!p0 $0x0  }
0x2d: {  	s15 =	smul.u32 $0x640, s14  }
0x2e: {  	_ =	swait.ge [sflag:s7], $0x190  }
0x2f: {  	[sflag:s7] =	ssyncset.done $0x0;
	s16 =	sshrl.u32 s15, $0x2  }
0x30: {  	[sflag:s7] =	ssyncadd.s32 $0xFFFFFE70;
	s15 =	sadd.s32 $0x0, s16  }
0x31: {  	v0 =	vld.msk [tilespmem:s15+$0x0 ss:$0x1], $0xffff;
	_ =	sdelay $0x4  }
0x32: {  	vm2 =	vgt.s32 v0, $0x0  }
0x33: {  	v0 =	vnsel vm2, $0x0, v0  }
0x34: {  	v0 =	vmin.u32 v0, $0x1869F  }
0x35: {  	v0 =	vshll.u32 v0, $0x4  }
0x36: {  	s14 =	smul.u32 $0x32000, s14;
	_ =	sdelay $0x1  }
0x37: {  	s14 =	sshrl.u32 s14, $0x2  }
0x38: {  	s14 =	sor.u32 $0x320, s14  }
0x39: {  	[tilespmem:s14], [sflag:$0x1] =	stream.indirect_vreg.gather [hbm:s4], $0x80, v0, vm0, $0x38;
	[tilespmem:$0x19320] =	vst v63  }
0x3a: {  	s17 =	sadd.s32 $0x10, s16;
	s15 =	sadd.s32 $0x400, s14  }
0x3b: {  	[tilespmem:s15], [sflag:$0x1] =	stream.indirect_vreg.gather [hbm:s4], $0x80, v0, vm1, $0x38;
	[tilespmem:$0x19320] =	vst v63  }
0x3c: {  	s18 =	simm.s32 $0x80;
	v0 =	vld.msk [tilespmem:s17+$0x0 ss:$0x1], $0xffff;
	s17 =	smov.u32 s14  }
.LBB2_3:
0x3d: {  	p1 =	sne.s32 s18, $0x600;
	_ =	sdelay $0x4  }
0x3e: {  	vm2 =	vgt.s32 v0, $0x0  }
0x3f: {  	v0 =	vnsel vm2, $0x0, v0  }
0x40: {  	v0 =	vmin.u32 v0, $0x1869F  }
0x41: {  	v0 =	vshll.u32 v0, $0x4;
	_ =	sdelay $0x3  }
.Ltmp3:
0x42: {  	s19 =	sshra.s32 s18, $0x2;
	s17 =	sadd.s32 $0x800, s17;
	(pc) =	sbr.rel @p1 .LBB2_3-.Ltmp3, $4  }
0x43: {  	[tilespmem:s17], [sflag:$0x1] =	stream.indirect_vreg.gather [hbm:s4], $0x80, v0, vm0, $0x38;
	[tilespmem:$0x19320] =	vst v63  }
0x44: {  	s19 =	sadd.s32 s19, s16;
	s20 =	sadd.s32 $0x400, s17  }
0x45: {  	[tilespmem:s20], [sflag:$0x1] =	stream.indirect_vreg.gather [hbm:s4], $0x80, v0, vm1, $0x38;
	[tilespmem:$0x19320] =	vst v63  }
0x46: {  	s18 =	sadd.s32 $0x40, s18;
	v0 =	vld.msk [tilespmem:s19+$0x0 ss:$0x1], $0xffff  }
0x47: {  	_ =	sdelay $0x3  }
0x48: {  	vm2 =	vgt.s32 v0, $0x0  }
0x49: {  	v0 =	vnsel vm2, $0x0, v0  }
0x4a: {  	v0 =	vmin.u32 v0, $0x1869F  }
0x4b: {  	v0 =	vshll.u32 v0, $0x4;
	_ =	sdelay $0x3  }
0x4c: {  	s16 =	sadd.s32 $0x800, s17  }
0x4d: {  	[tilespmem:s16], [sflag:$0x1] =	stream.indirect_vreg.gather [hbm:s4], $0x80, v0, vm0, $0x38;
	[tilespmem:$0x19320] =	vst v63  }
0x4e: {  	s16 =	sadd.s32 $0x400, s16  }
0x4f: {  	[tilespmem:s16], [sflag:$0x1] =	stream.indirect_vreg.gather [hbm:s4], $0x80, v0, vm1, $0x38;
	[tilespmem:$0x19320] =	vst v63  }
0x50: {  	s13 =	sshll.u32 s13, $0x4;
	_ =	swait.ge [sflag:s6], $0xC800  }
0x51: {  	s13 =	sadd.s32 s13, s9;
	[sflag:s6] =	ssyncset.done $0x0  }
0x52: {  	s17 =	sadd.s32 $0x0, s13;
	s16 =	simm.s32 $0x80;
	[sflag:s6] =	ssyncadd.s32 $0xFFFF3800  }
.LBB2_5:
0x53: {  	[hbm:s17] =	stream.linear.scatter [tilespmem:s14], [sflag:$0x3], $0x400, $0x38;
	[tilespmem:$0x19320] =	vst v63  }
0x54: {  	s17 =	smov.u32 s16;
	s14 =	smov.u32 s15;
	p1 =	sne.s32 s16, $0x1880  }
.Ltmp4:
0x55: {  	s16 =	sadd.s32 $0x80, s16;
	(pc) =	sbr.rel @p1 .LBB2_5-.Ltmp4, $2  }
0x56: {  	_ =	sdelay $0x2  }
0x57: {  	s15 =	sadd.s32 $0x400, s15;
	s17 =	sadd.s32 s17, s13  }
.Ltmp5:
0x58: {  	_ = 	snop;
	(pc) =	sbr.rel .LBB2_6-.Ltmp5, $1  }
0x59: {  	_ =	sdelay $0x3  }
.LBB2_8:
0x5a: {  	_ =	sfence.sel $0x180000  }
0x5b: {  	s2 =	simm.s32 $0x2;
	[bflag:$0x0] =	sbarrier.arrive $0xFFFF  }
0x5c: {  	s30 =	simm.s32 $0x3;
	[sflag:s2] =	ssyncpa.u1 $0x1  }
0x5d: {  	s31 =	simm.s32 $0x1;
	[sflag:s30] =	ssyncpa.u1 $0x1  }
0x5e: {  	[sflag:s31] =	ssyncpa.u1 $0x1  }
0x5f: {  	p0 =	sne.s32 s0, $0x0;
	_ =	strace $0x9000006B  }
0x60: {  	s0 =	sadd.s32 @!p0 $0x100000, s1;
	[bflag:$0x2] =	sbarrier.arrive $0xFFFF  }
0x61: {  	[sflag:s0] =	ssyncadd.tile.s32 @!p0 $0x1;
	_ =	shalt  }
.Lfunc_end2:
_tile_overlayer_lowered:
.L_overlay_start_2:
0x62: {  	(tag) =	ssettag $0x2  }
0x63: {  	s0 =	rddreg [dreg:$0x0];
	s2 =	stileid.u32  }
0x64: {  	s1 =	rddreg [dreg:$0x1];
	p0 =	sne.s32 s2, $0x0  }
0x65: {  	s3 =	rddreg [dreg:$0x2];
	[bflag:$0x3] =	sbarrier.arrive $0xFFFF;
	s2 =	simm.s32 @!p0 $0x1C01  }
0x66: {  	[timem:s3], [sflag:s2] =	dma.local @!p0 [hbm:s0], s1  }
0x67: {  	s0 =	simm.s32 @!p0 $0x1  }
0x68: {  	_ =	swait.ge @!p0 [sflag:s0], s1  }
0x69: {  	s1 =	ssub.s32 @!p0 $0x0, s1;
	[sflag:s0] =	ssyncset.done @!p0 $0x0  }
0x6a: {  	[sflag:s0] =	ssyncadd.s32 @!p0 s1  }
0x6b: {  	[bflag:$0x3] =	sbarrier.arrive $0xFFFF  }
0x6c: {  	_ =	shalt  }

// kernel: gather_offload_async_start.1
scs
__scs_entry_jumppad:
0x0: {  	(pc) =	sbr.rel $0x88, $3  }
0x1: {  	(tag) =	ssettag $0x0;
	lr =	simm.s32 $0x1  }
0x2: {  	[smem:$0x3FA0] =	sst lr;
	_ =	strace $0xD0000000  }
0x3: {  	_ = 	snop  }
0x4: {  	_ = 	snop  }
0x5: {  	_ = 	snop  }
0x6: {  	_ = 	snop  }
0x7: {  	_ = 	snop  }
__scs_overlays_trampoline_lowered:
0x8: {  	[smem:$0x3FAF] =	sst s0  }
0x9: {  	[smem:$0x3FB0] =	sst s1  }
0xa: {  	[smem:$0x3FB1] =	sst s2  }
0xb: {  	[smem:$0x3FB2] =	sst s3  }
0xc: {  	[smem:$0x3FB3] =	sst s4  }
0xd: {  	[smem:$0x3FB4] =	sst s5  }
0xe: {  	[smem:$0x3FB5] =	sst s6  }
0xf: {  	[smem:$0x3FB6] =	sst s7  }
0x10: {  	[smem:$0x3FB7] =	sst s8  }
0x11: {  	[smem:$0x3FB8] =	sst s9;
	s0 =	simm.s32 @!p0 $0x0  }
0x12: {  	s1 =	sld [smem:$0x3F9E];
	s0 =	simm.s32 @p0 $0x1  }
0x13: {  	[smem:$0x3FB9] =	sst s0;
	s0 =	simm.s32 @!p1 $0x0  }
0x14: {  	s2 =	sld [smem:$0x3F9D];
	s0 =	simm.s32 @p1 $0x1  }
0x15: {  	[smem:$0x3FBA] =	sst s0;
	s0 =	simm.s32 @!p2 $0x0  }
0x16: {  	s3 =	sld [smem:$0x3FDB];
	s0 =	simm.s32 @p2 $0x1  }
0x17: {  	s4 =	simm.s32 $0x1BF5;
	[smem:$0x3FBC] =	sst s0  }
0x18: {  	s0 =	sld [smem:$0x3F9F];
	_ =	swait.ge [sflag:s4], $0x0  }
0x19: {  	s7 =	sld [smem:$0x3FA0]  }
0x1a: {  	s8 =	sadd.s32 $0xFFFFE003, lr  }
0x1b: {  	s9 =	sadd.s32 $0xFFFFFEF7, lr;
	s5 =	simm.s32 $0xFFFFFFFF;
	p2 =	slt.u32 s8, $0xFFFFF086  }
0x1c: {  	p1 =	slt.u32 s9, $0xF7A;
	s5 =	simm.s32 @!p2 $0x0  }
0x1d: {  	s5 =	simm.s32 @p1 $0x1;
	p0 =	seq.s32 s7, s2  }
0x1e: {  	s7 =	smul.u32 @!p0 $0xF7A, s2;
	p2 =	seq.s32 @!p0 s5, $0x0  }
0x1f: {  	s9 =	smul.u32 $0xF7A, s1;
	s8 =	simm.s32 @!p0 $0x1BF5;
	p2 =	por !p2, p0  }
0x20: {  	[sflag:s8] =	ssyncset.s32 @!p0 $0xFFFFF086;
	s6 =	sadd.s32 @!p0 s3, s7;
	s7 =	simm.s32 @!p0 $0x108  }
0x21: {  	s3 =	sadd.s32 s3, s9;
	s6 =	sadd.s32 @!p0 $0x88, s6;
	s7 =	simm.s32 @p2 $0x1082  }
0x22: {  	[simem:s7], [sflag:s8] =	dma.local @!p0 [hbm:s6], $0xF7A  }
0x23: {  	s9 =	sor.u32 $0xD0000000, s2;
	s6 =	simm.s32 $0x108;
	_ =	swait.ge @!p0 [sflag:s8], $0x0  }
0x24: {  	s3 =	sadd.s32 $0x88, s3;
	s6 =	simm.s32 @!p1 $0x1082;
	[sflag:s4] =	ssyncset.s32 $0xFFFFF086  }
0x25: {  	[simem:s6], [sflag:s4] =	dma.local [hbm:s3], $0xF7A  }
0x26: {  	[smem:$0x3FA0] =	sst s1;
	(tag) =	ssettag s2;
	_ =	strace s9  }
0x27: {  	s1 =	sld [smem:$0x3FB0]  }
0x28: {  	s2 =	sld [smem:$0x3FB1]  }
0x29: {  	s4 =	sld [smem:$0x3FB3]  }
0x2a: {  	p0 =	seq.s32 s5, $0x0;
	s5 =	sld [smem:$0x3FB4]  }
0x2b: {  	s6 =	sld [smem:$0x3FB5]  }
0x2c: {  	s7 =	sld [smem:$0x3FB6]  }
0x2d: {  	s3 =	simm.s32 $0x108;
	s8 =	sld [smem:$0x3FB7]  }
0x2e: {  	s3 =	simm.s32 @!p0 $0x1082;
	s9 =	sld [smem:$0x3FB8]  }
0x2f: {  	lr =	sadd.s32 s0, s3;
	s0 =	sld [smem:$0x3FAF]  }
0x30: {  	s3 =	sld [smem:$0x3FB2]  }
0x31: {  	[smem:$0x3FBB] =	sst s10  }
0x32: {  	s10 =	sld [smem:$0x3FB9];
	_ =	sdelay $0x3  }
0x33: {  	p0 =	seq.s32 s10, $0x1;
	s10 =	sld [smem:$0x3FBB];
	_ =	sdelay $0x3  }
0x34: {  	[smem:$0x3FBB] =	sst s10  }
0x35: {  	s10 =	sld [smem:$0x3FBA];
	_ =	sdelay $0x3  }
0x36: {  	p1 =	seq.s32 s10, $0x1;
	s10 =	sld [smem:$0x3FBB];
	_ =	sdelay $0x3  }
0x37: {  	[smem:$0x3FBB] =	sst s10  }
0x38: {  	s10 =	sld [smem:$0x3FBC]  }
0x39: {  	_ = 	snop;
	(pc) =	sbr.ind lr, $3  }
0x3a: {  	_ = 	snop  }
0x3b: {  	_ = 	snop  }
0x3c: {  	p2 =	seq.s32 s10, $0x1;
	s10 =	sld [smem:$0x3FBB]  }
0x3d: {  	_ =	shalt  }
0x3e: {  	_ =	shalt  }
0x3f: {  	_ =	shalt  }
0x40: {  	_ =	shalt  }
0x41: {  	_ =	shalt  }
0x42: {  	_ =	shalt  }
0x43: {  	_ =	shalt  }
0x44: {  	_ =	shalt  }
0x45: {  	_ =	shalt  }
0x46: {  	_ =	shalt  }
0x47: {  	_ =	shalt  }
0x48: {  	_ =	shalt  }
0x49: {  	_ =	shalt  }
0x4a: {  	_ =	shalt  }
0x4b: {  	_ =	shalt  }
0x4c: {  	_ =	shalt  }
0x4d: {  	_ =	shalt  }
0x4e: {  	_ =	shalt  }
0x4f: {  	_ =	shalt  }
0x50: {  	_ =	shalt  }
0x51: {  	_ =	shalt  }
0x52: {  	_ =	shalt  }
0x53: {  	_ =	shalt  }
0x54: {  	_ =	shalt  }
0x55: {  	_ =	shalt  }
0x56: {  	_ =	shalt  }
0x57: {  	_ =	shalt  }
0x58: {  	_ =	shalt  }
0x59: {  	_ =	shalt  }
0x5a: {  	_ =	shalt  }
0x5b: {  	_ =	shalt  }
0x5c: {  	_ =	shalt  }
0x5d: {  	_ =	shalt  }
0x5e: {  	_ =	shalt  }
0x5f: {  	_ =	shalt  }
0x60: {  	_ =	shalt  }
0x61: {  	_ =	shalt  }
0x62: {  	_ =	shalt  }
0x63: {  	_ =	shalt  }
0x64: {  	_ =	shalt  }
0x65: {  	_ =	shalt  }
0x66: {  	_ =	shalt  }
0x67: {  	_ =	shalt  }
0x68: {  	_ =	shalt  }
0x69: {  	_ =	shalt  }
0x6a: {  	_ =	shalt  }
0x6b: {  	_ =	shalt  }
0x6c: {  	_ =	shalt  }
0x6d: {  	_ =	shalt  }
0x6e: {  	_ =	shalt  }
0x6f: {  	_ =	shalt  }
0x70: {  	_ =	shalt  }
0x71: {  	_ =	shalt  }
0x72: {  	_ =	shalt  }
0x73: {  	_ =	shalt  }
0x74: {  	_ =	shalt  }
0x75: {  	_ =	shalt  }
0x76: {  	_ =	shalt  }
0x77: {  	_ =	shalt  }
0x78: {  	_ =	shalt  }
0x79: {  	_ =	shalt  }
0x7a: {  	_ =	shalt  }
0x7b: {  	_ =	shalt  }
0x7c: {  	_ =	shalt  }
0x7d: {  	_ =	shalt  }
0x7e: {  	_ =	shalt  }
0x7f: {  	_ =	shalt  }
0x80: {  	_ =	shalt  }
0x81: {  	_ =	shalt  }
0x82: {  	_ =	shalt  }
0x83: {  	_ =	shalt  }
0x84: {  	_ =	shalt  }
0x85: {  	_ =	shalt  }
0x86: {  	_ =	shalt  }
0x87: {  	_ =	shalt  }
.Lfunc_end0:
.L_simem_size_0:
called_computation.5_lowered:
.L_overlay_start_0:
0x88: {  	s2 =	sld [smem:$0x3FD9]  }
0x89: {  	s3 =	sld [smem:$0x3FFE];
	_ =	sdelay $0x1  }
0x8a: {  	s1 =	srdreg.scid  }
0x8b: {  	s0 =	sand.u32 $0x1, s1  }
0x8c: {  	s16 =	sshll.u32 s0, $0xA;
	s2 =	sadd.s32 s3, s2  }
0x8d: {  	s2 =	sadd.s32 s2, s16  }
0x8e: {  	[smem:$0x3FC7] =	sst s2  }
0x8f: {  	_ = 	snop  }
0x90: {  	(tm) =	ssettm $0x1  }
0x91: {  	s17 =	sld [smem:$0x3FFB];
	_ =	sdelay $0x3  }
0x92: {  	_ =	strace s17  }
0x93: {  	s2 =	sld [smem:$0x3FFC];
	_ =	sdelay $0x3  }
0x94: {  	_ =	strace s2  }
0x95: {  	s2 =	sld [smem:$0x3FFD];
	_ =	sdelay $0x3  }
0x96: {  	_ =	strace s2  }
0x97: {  	_ =	strace $0x8FFFFFFF  }
0x98: {  	s18 =	sld [smem:$0x3FDB];
	_ =	sdelay $0x1  }
0x99: {  	s19 =	simm.s32 $_scs_section_size  }
0x9a: {  	s4 =	simm.s32 $_size__tile_overlayer_lowered;
	s5 =	simm.s32 $_tile_overlayer_lowered  }
0x9b: {  	s22 =	simm.s32 $0x1BFF;
	s21 =	sshll.u32 s5, $0x1;
	s2 =	sadd.s32 s19, s18  }
0x9c: {  	s6 =	simm.s32 $0x0;
	s20 =	sshll.u32 s4, $0x1;
	s4 =	sadd.s32 s21, s2  }
0x9d: {  	[timem:s6], [sflag:s22] =	dma.local [hbm:s4], s20  }
0x9e: {  	_ =	swait.ge [sflag:s22], s20  }
0x9f: {  	s3 =	ssub.s32 $0x0, s20;
	[sflag:s22] =	ssyncset.done $0x0  }
0xa0: {  	[sflag:s22] =	ssyncadd.s32 s3;
	_ =	sdelay $0x1  }
0xa1: {  	s23 =	simm.s32 $0x1B8B  }
0xa2: {  	_ =	swait.ge [sflag:s23], $0x1  }
0xa3: {  	[sflag:s23] =	ssyncset.done $0x0  }
0xa4: {  	s25 =	simm.s32 $0x1B8E;
	s24 =	sld [smem:$0x3FFE];
	[sflag:s23] =	ssyncadd.s32 $0xFFFFFFFF  }
0xa5: {  	s26 =	simm.s32 $execute0_lowered;
	[smem:$0x3FD2] =	sst s25  }
0xa6: {  	s4 =	sshll.u32 s26, $0x1;
	_ =	strace $0x80000079;
	[dreg:$0x1] =	wrdreg $0xFFFFFFFF  }
0xa7: {  	s28 =	simm.s32 $_size_execute0_lowered;
	s2 =	sadd.s32 s2, s4;
	[dreg:$0x0] =	wrdreg $0x0  }
0xa8: {  	s4 =	sshll.u32 s28, $0x1;
	[dreg:$0x2] =	wrdreg s2  }
0xa9: {  	[dreg:$0x3] =	wrdreg s4  }
0xaa: {  	[dreg:$0x4] =	wrdreg $0xC0  }
0xab: {  	_ =	task [dreg:s6], $0x5FFFF  }
0xac: {  	[dreg:$0x1] =	wrdreg $0xFFFFFFFF  }
0xad: {  	[dreg:$0x0] =	wrdreg $0x60  }
0xae: {  	[dreg:$0x2] =	wrdreg s24  }
0xaf: {  	[dreg:$0x3] =	wrdreg $0x9  }
0xb0: {  	_ =	task.clear_ibuf [dreg:s6], $0x4FFFF;
	_ =	strace $0x90000079  }
0xb1: {  	s29 =	simm.s32 $0x9;
	_ =	strace $0x8000007B  }
0xb2: {  	_ =	swait.ge [sflag:s29], $0x1  }
0xb3: {  	[sflag:s29] =	ssyncadd.s32 $0xFFFFFFFF  }
0xb4: {  	_ =	strace $0x9000007B  }
0xb5: {  	_ =	sfence  }
0xb6: {  	s30 =	sld [smem:$0x0];
	_ =	sdelay $0x2  }
0xb7: {  	s31 =	sshll.u32 s1, $0xD;
	s1 =	sshrl.u32 s1, $0x2  }
0xb8: {  	s3 =	sand.u32 $0x4000, s31;
	s1 =	sadd.s32 s1, s30  }
0xb9: {  	s0 =	sor.u32 s3, s0;
	s1 =	sshll.u32 s1, $0x11  }
0xba: {  	s0 =	sor.u32 s1, s0  }
0xbb: {  	s0 =	sadd.s32 $0x8F2B, s0  }
0xbc: {  	[sflag:s0] =	ssyncadd.remote.s32 $0x1  }
0xbd: {  	_ =	sfence.sel $0xFFFF  }
0xbe: {  	[dreg:$0x0] =	wrdreg $0xFFFFFFFF;
	(pc) =	sbr.abs _section_cstart, $3  }
0xbf: {  	[dreg:$0x1] =	wrdreg $0xFFFFFFFF  }
0xc0: {  	_ =	task.clear_ibuf [dreg:s6], $0x2FFFF;
	_ =	strace $0x9FFFFFFF  }
0xc1: {  	(tm) =	ssettm $0x7FFFFFFF  }
tec
execute0_lowered:
.L_overlay_start_1:
0x0: {  	(tag) =	ssettag $0x1  }
0x1: {  	s8 =	rddreg [dreg:$0x0]  }
0x2: {  	s0 =	rddreg [dreg:$0x1];
	_ =	strace $0x8000007A;
	s1 =	stileid.u32  }
0x3: {  	s3 =	srdreg.scid;
	s4 =	simm.s32 $0x1;
	s7 =	simm.s32 $0x1  }
0x4: {  	s9 =	simm.s32 $0x1;
	s10 =	simm.s32 $0x3;
	s13 =	simm.s32 $0x0  }
0x5: {  	s12 =	simm.s32 $0x0;
	s5 =	sand.u32 $0x1, s3;
	s6 =	sshll.u32 s1, $0x1  }
0x6: {  	s2 =	sadd.s32 $0x345C00, s8;
	s3 =	sadd.s32 $0xCC00, s8;
	s5 =	sor.u32 s6, s5  }
.Ltmp0:
0x7: {  	[sflag:s4] =	ssyncpa.u1 $0x0;
	p0 =	slt.u32 s5, $0x13;
	(pc) =	sbr.rel .LBB2_1-.Ltmp0, $4  }
0x8: {  	s6 =	simm.s32 $0x2;
	s7 =	simm.s32 @!p0 $0x0;
	p0 =	sne.s32 s5, $0x12  }
0x9: {  	[sflag:s6] =	ssyncpa.u1 $0x0;
	s5 =	smul.u32 $0x7D0, s5;
	s9 =	simm.s32 @!p0 $0x0  }
0xa: {  	s8 =	sadd.s32 $0x34C000, s8;
	[sflag:s10] =	ssyncpa.u1 $0x0;
	s7 =	sadd.s32 s9, s7  }
0xb: {  	vm0 =	vmmov $0xffff;
	s10 =	simm.s32 $0x0;
	s11 =	smov.u32 s5;
	s9 =	sadd.s32 $0x1, s7  }
.LBB2_4:
0xc: {  	v2 =	vnsel vm1, $0x0, v2  }
0xd: {  	vm1 =	vgt.s32 v0, $0x0;
	v2 =	vmin.u32 v2, $0x1869F  }
0xe: {  	v0 =	vnsel vm1, $0x0, v0  }
0xf: {  	v0 =	vmin.u32 v0, $0x1869F  }
0x10: {  	[tilespmem:s18], [sflag:$0x1] =	stream.indirect_vreg.gather [hbm4b:s2+s10], $0x1, v1, vm0, $0x4038;
	[tilespmem:$0x1F40] =	vst v63  }
0x11: {  	(ifvalue) =	ssetifvalue $0x7FFFFFFF  }
0x12: {  	[tilespmem:s15], [sflag:$0x1] =	stream.indirect_vreg.gather [hbm4b:s2+s10], $0x1, v2, vm0, $0x4038;
	[tilespmem:$0x1F40] =	vst v63  }
0x13: {  	s29 =	sadd.s32 $0x10, s15;
	(ifvalue) =	ssetifvalue $0x7FFFFFFF  }
0x14: {  	[tilespmem:s29], [sflag:$0x1] =	stream.indirect_vreg.gather [hbm4b:s2+s10], $0x1, v0, vm0, $0x4038;
	[tilespmem:$0x1F40] =	vst v63  }
0x15: {  	_ =	swait.ge [sflag:s4], $0x7D0  }
0x16: {  	s30 =	sshrl.u32 s13, $0x3;
	[sflag:s4] =	ssyncset.done $0x0  }
0x17: {  	s31 =	sand.u32 $0x7, s13;
	s15 =	sadd.s32 s8, s30;
	[sflag:s4] =	ssyncadd.s32 $0xFFFFF830  }
0x18: {  	[hbm4b:s15+s31] =	stream.linear.scatter [tilespmem:s14], [sflag:$0x3], $0x7D0, $0x38;
	[tilespmem:$0x1F40] =	vst v63  }
.LBB2_5:
0x19: {  	s15 =	sadd.s32 $0xFA00, s11  }
0x1a: {  	p1 =	sgt.s32 s15, $0x1869F  }
0x1b: {  	s15 =	smov.u32 @p1 s5;
	p1 =	sne.s32 s12, s9  }
.Ltmp1:
0x1c: {  	p0 =	slt.u32 s12, $0x2;
	(pc) =	sbr.rel @!p1 .LBB2_6-.Ltmp1, $4  }
0x1d: {  	s14 =	simm.s32 @!p0 $0x3  }
0x1e: {  	_ =	swait.ge @!p0 [sflag:s14], $0x7D0  }
0x1f: {  	s16 =	sadd.s32 $0x1, s12;
	s13 =	smov.u32 s11;
	[sflag:s14] =	ssyncset.done @!p0 $0x0  }
0x20: {  	s12 =	smov.u32 s16;
	s11 =	smov.u32 s15;
	[sflag:s14] =	ssyncadd.s32 @!p0 $0xFFFFF830  }
.LBB2_1:
0x21: {  	p0 =	sge.u32 s12, s7  }
0x22: {  	s14 =	sxor.u32 @!p0 $0x1, s12  }
0x23: {  	s14 =	smul.u32 @!p0 $0x1F40, s14  }
0x24: {  	s31 =	sadd.s32 $0xFFFFFFFF, s12;
	s15 =	sshrl.u32 @!p0 s11, $0x3  }
0x25: {  	s16 =	sand.u32 @!p0 $0x7, s11;
	s15 =	sadd.s32 @!p0 s3, s15;
	s14 =	sshra.s32 @!p0 s14, $0x2  }
0x26: {  	[tilespmem:s14], [sflag:$0x2] =	stream.linear.gather @!p0 [hbm4b:s15+s16], $0x7D0, $0x38;
	[tilespmem:$0x1F40] =	vst v63  }
0x27: {  	p0 =	sge.u32 s31, s7  }
.Ltmp2:
0x28: {  	_ = 	snop;
	(pc) =	sbr.rel @p0 .LBB2_5-.Ltmp2, $1  }
0x29: {  	_ =	sdelay $0x3  }
0x2a: {  	s14 =	sand.u32 $0x1, s12  }
0x2b: {  	_ =	swait.ge [sflag:s6], $0x7D0;
	p0 =	seq.s32 s14, $0x1;
	s14 =	simm.s32 $0x7D0  }
0x2c: {  	[sflag:s6] =	ssyncset.done $0x0;
	s14 =	simm.s32 @!p0 $0x0  }
0x2d: {  	[sflag:s6] =	ssyncadd.s32 $0xFFFFF830;
	(ifvalue) =	ssetifvalue $0x7FFFFFFF;
	v0 =	vld.msk [tilespmem:s14+$0x0 ss:$0x1], $0xffff;
	_ =	sdelay $0x4  }
0x2e: {  	s15 =	sadd.s32 $0x10, s14;
	vm1 =	vgt.s32 v0, $0x0  }
0x2f: {  	v2 =	vld.msk [tilespmem:s15+$0x0 ss:$0x1], $0xffff;
	v1 =	vnsel vm1, $0x0, v0  }
0x30: {  	v1 =	vmin.u32 v1, $0x1869F;
	_ =	sdelay $0x2  }
0x31: {  	s17 =	simm.s32 $0x20;
	s14 =	sadd.s32 $0xFA0, s14;
	s16 =	sadd.s32 $0x10, s15  }
0x32: {  	s15 =	sadd.s32 $0x10, s14;
	s18 =	smov.u32 s14;
	v0 =	vld.msk [tilespmem:s16+$0x0 ss:$0x1], $0xffff;
	vm1 =	vgt.s32 v2, $0x0;
	(ifvalue) =	ssetifvalue $0x7FFFFFFF  }
.LBB2_3:
0x33: {  	[tilespmem:s18], [sflag:$0x1] =	stream.indirect_vreg.gather [hbm4b:s2+s10], $0x1, v1, vm0, $0x4038;
	[tilespmem:$0x1F40] =	vst v63  }
0x34: {  	s17 =	sadd.s32 $0x10, s17  }
0x35: {  	v2 =	vnsel vm1, $0x0, v2;
	p0 =	slt.u32 s17, $0x7C0  }
.Ltmp3:
0x36: {  	s18 =	smov.u32 s15;
	v1 =	vmin.u32 v2, $0x1869F;
	(pc) =	sbr.rel @p0 .LBB2_3-.Ltmp3, $3  }
0x37: {  	_ =	sdelay $0x1  }
0x38: {  	s16 =	sadd.s32 $0x10, s16  }
0x39: {  	vm1 =	vgt.s32 v0, $0x0;
	s15 =	sadd.s32 $0x10, s15;
	v2 =	vmov v0;
	(ifvalue) =	ssetifvalue $0x7FFFFFFF;
	v0 =	vld.msk [tilespmem:s16+$0x0 ss:$0x1], $0xffff  }
.Ltmp4:
0x3a: {  	_ = 	snop;
	(pc) =	sbr.rel .LBB2_4-.Ltmp4, $1  }
0x3b: {  	_ =	sdelay $0x3  }
.LBB2_6:
0x3c: {  	_ =	sfence.sel $0x180000  }
0x3d: {  	s2 =	simm.s32 $0x2;
	[bflag:$0x0] =	sbarrier.arrive $0xFFFF  }
0x3e: {  	s30 =	simm.s32 $0x3;
	[sflag:s2] =	ssyncpa.u1 $0x1  }
0x3f: {  	s31 =	simm.s32 $0x1;
	[sflag:s30] =	ssyncpa.u1 $0x1  }
0x40: {  	[sflag:s31] =	ssyncpa.u1 $0x1  }
0x41: {  	p0 =	sne.s32 s1, $0x0;
	_ =	strace $0x9000007A  }
0x42: {  	s0 =	sadd.s32 @!p0 $0x100000, s0;
	[bflag:$0x2] =	sbarrier.arrive $0xFFFF  }
0x43: {  	[sflag:s0] =	ssyncadd.tile.s32 @!p0 $0x1;
	_ =	shalt  }
.Lfunc_end2:
_tile_overlayer_lowered:
.L_overlay_start_2:
0x44: {  	(tag) =	ssettag $0x2  }
0x45: {  	s0 =	rddreg [dreg:$0x0];
	s2 =	stileid.u32  }
0x46: {  	s1 =	rddreg [dreg:$0x1];
	p0 =	sne.s32 s2, $0x0  }
0x47: {  	s3 =	rddreg [dreg:$0x2];
	[bflag:$0x3] =	sbarrier.arrive $0xFFFF;
	s2 =	simm.s32 @!p0 $0x1C01  }
0x48: {  	[timem:s3], [sflag:s2] =	dma.local @!p0 [hbm:s0], s1  }
0x49: {  	s0 =	simm.s32 @!p0 $0x1  }
0x4a: {  	_ =	swait.ge @!p0 [sflag:s0], s1  }
0x4b: {  	s1 =	ssub.s32 @!p0 $0x0, s1;
	[sflag:s0] =	ssyncset.done @!p0 $0x0  }
0x4c: {  	[sflag:s0] =	ssyncadd.s32 @!p0 s1  }
0x4d: {  	[bflag:$0x3] =	sbarrier.arrive $0xFFFF  }
0x4e: {  	_ =	shalt  }

// kernel: gather_offload_async_start.2
scs
__scs_entry_jumppad:
0x0: {  	(pc) =	sbr.rel $0x88, $3  }
0x1: {  	(tag) =	ssettag $0x0;
	lr =	simm.s32 $0x1  }
0x2: {  	[smem:$0x3FA0] =	sst lr;
	_ =	strace $0xD0000000  }
0x3: {  	_ = 	snop  }
0x4: {  	_ = 	snop  }
0x5: {  	_ = 	snop  }
0x6: {  	_ = 	snop  }
0x7: {  	_ = 	snop  }
__scs_overlays_trampoline_lowered:
0x8: {  	[smem:$0x3FAF] =	sst s0  }
0x9: {  	[smem:$0x3FB0] =	sst s1  }
0xa: {  	[smem:$0x3FB1] =	sst s2  }
0xb: {  	[smem:$0x3FB2] =	sst s3  }
0xc: {  	[smem:$0x3FB3] =	sst s4  }
0xd: {  	[smem:$0x3FB4] =	sst s5  }
0xe: {  	[smem:$0x3FB5] =	sst s6  }
0xf: {  	[smem:$0x3FB6] =	sst s7  }
0x10: {  	[smem:$0x3FB7] =	sst s8  }
0x11: {  	[smem:$0x3FB8] =	sst s9;
	s0 =	simm.s32 @!p0 $0x0  }
0x12: {  	s1 =	sld [smem:$0x3F9E];
	s0 =	simm.s32 @p0 $0x1  }
0x13: {  	[smem:$0x3FB9] =	sst s0;
	s0 =	simm.s32 @!p1 $0x0  }
0x14: {  	s2 =	sld [smem:$0x3F9D];
	s0 =	simm.s32 @p1 $0x1  }
0x15: {  	[smem:$0x3FBA] =	sst s0;
	s0 =	simm.s32 @!p2 $0x0  }
0x16: {  	s3 =	sld [smem:$0x3FDB];
	s0 =	simm.s32 @p2 $0x1  }
0x17: {  	s4 =	simm.s32 $0x1BF5;
	[smem:$0x3FBC] =	sst s0  }
0x18: {  	s0 =	sld [smem:$0x3F9F];
	_ =	swait.ge [sflag:s4], $0x0  }
0x19: {  	s7 =	sld [smem:$0x3FA0]  }
0x1a: {  	s8 =	sadd.s32 $0xFFFFE003, lr  }
0x1b: {  	s9 =	sadd.s32 $0xFFFFFEF7, lr;
	s5 =	simm.s32 $0xFFFFFFFF;
	p2 =	slt.u32 s8, $0xFFFFF086  }
0x1c: {  	p1 =	slt.u32 s9, $0xF7A;
	s5 =	simm.s32 @!p2 $0x0  }
0x1d: {  	s5 =	simm.s32 @p1 $0x1;
	p0 =	seq.s32 s7, s2  }
0x1e: {  	s7 =	smul.u32 @!p0 $0xF7A, s2;
	p2 =	seq.s32 @!p0 s5, $0x0  }
0x1f: {  	s9 =	smul.u32 $0xF7A, s1;
	s8 =	simm.s32 @!p0 $0x1BF5;
	p2 =	por !p2, p0  }
0x20: {  	[sflag:s8] =	ssyncset.s32 @!p0 $0xFFFFF086;
	s6 =	sadd.s32 @!p0 s3, s7;
	s7 =	simm.s32 @!p0 $0x108  }
0x21: {  	s3 =	sadd.s32 s3, s9;
	s6 =	sadd.s32 @!p0 $0x88, s6;
	s7 =	simm.s32 @p2 $0x1082  }
0x22: {  	[simem:s7], [sflag:s8] =	dma.local @!p0 [hbm:s6], $0xF7A  }
0x23: {  	s9 =	sor.u32 $0xD0000000, s2;
	s6 =	simm.s32 $0x108;
	_ =	swait.ge @!p0 [sflag:s8], $0x0  }
0x24: {  	s3 =	sadd.s32 $0x88, s3;
	s6 =	simm.s32 @!p1 $0x1082;
	[sflag:s4] =	ssyncset.s32 $0xFFFFF086  }
0x25: {  	[simem:s6], [sflag:s4] =	dma.local [hbm:s3], $0xF7A  }
0x26: {  	[smem:$0x3FA0] =	sst s1;
	(tag) =	ssettag s2;
	_ =	strace s9  }
0x27: {  	s1 =	sld [smem:$0x3FB0]  }
0x28: {  	s2 =	sld [smem:$0x3FB1]  }
0x29: {  	s4 =	sld [smem:$0x3FB3]  }
0x2a: {  	p0 =	seq.s32 s5, $0x0;
	s5 =	sld [smem:$0x3FB4]  }
0x2b: {  	s6 =	sld [smem:$0x3FB5]  }
0x2c: {  	s7 =	sld [smem:$0x3FB6]  }
0x2d: {  	s3 =	simm.s32 $0x108;
	s8 =	sld [smem:$0x3FB7]  }
0x2e: {  	s3 =	simm.s32 @!p0 $0x1082;
	s9 =	sld [smem:$0x3FB8]  }
0x2f: {  	lr =	sadd.s32 s0, s3;
	s0 =	sld [smem:$0x3FAF]  }
0x30: {  	s3 =	sld [smem:$0x3FB2]  }
0x31: {  	[smem:$0x3FBB] =	sst s10  }
0x32: {  	s10 =	sld [smem:$0x3FB9];
	_ =	sdelay $0x3  }
0x33: {  	p0 =	seq.s32 s10, $0x1;
	s10 =	sld [smem:$0x3FBB];
	_ =	sdelay $0x3  }
0x34: {  	[smem:$0x3FBB] =	sst s10  }
0x35: {  	s10 =	sld [smem:$0x3FBA];
	_ =	sdelay $0x3  }
0x36: {  	p1 =	seq.s32 s10, $0x1;
	s10 =	sld [smem:$0x3FBB];
	_ =	sdelay $0x3  }
0x37: {  	[smem:$0x3FBB] =	sst s10  }
0x38: {  	s10 =	sld [smem:$0x3FBC]  }
0x39: {  	_ = 	snop;
	(pc) =	sbr.ind lr, $3  }
0x3a: {  	_ = 	snop  }
0x3b: {  	_ = 	snop  }
0x3c: {  	p2 =	seq.s32 s10, $0x1;
	s10 =	sld [smem:$0x3FBB]  }
0x3d: {  	_ =	shalt  }
0x3e: {  	_ =	shalt  }
0x3f: {  	_ =	shalt  }
0x40: {  	_ =	shalt  }
0x41: {  	_ =	shalt  }
0x42: {  	_ =	shalt  }
0x43: {  	_ =	shalt  }
0x44: {  	_ =	shalt  }
0x45: {  	_ =	shalt  }
0x46: {  	_ =	shalt  }
0x47: {  	_ =	shalt  }
0x48: {  	_ =	shalt  }
0x49: {  	_ =	shalt  }
0x4a: {  	_ =	shalt  }
0x4b: {  	_ =	shalt  }
0x4c: {  	_ =	shalt  }
0x4d: {  	_ =	shalt  }
0x4e: {  	_ =	shalt  }
0x4f: {  	_ =	shalt  }
0x50: {  	_ =	shalt  }
0x51: {  	_ =	shalt  }
0x52: {  	_ =	shalt  }
0x53: {  	_ =	shalt  }
0x54: {  	_ =	shalt  }
0x55: {  	_ =	shalt  }
0x56: {  	_ =	shalt  }
0x57: {  	_ =	shalt  }
0x58: {  	_ =	shalt  }
0x59: {  	_ =	shalt  }
0x5a: {  	_ =	shalt  }
0x5b: {  	_ =	shalt  }
0x5c: {  	_ =	shalt  }
0x5d: {  	_ =	shalt  }
0x5e: {  	_ =	shalt  }
0x5f: {  	_ =	shalt  }
0x60: {  	_ =	shalt  }
0x61: {  	_ =	shalt  }
0x62: {  	_ =	shalt  }
0x63: {  	_ =	shalt  }
0x64: {  	_ =	shalt  }
0x65: {  	_ =	shalt  }
0x66: {  	_ =	shalt  }
0x67: {  	_ =	shalt  }
0x68: {  	_ =	shalt  }
0x69: {  	_ =	shalt  }
0x6a: {  	_ =	shalt  }
0x6b: {  	_ =	shalt  }
0x6c: {  	_ =	shalt  }
0x6d: {  	_ =	shalt  }
0x6e: {  	_ =	shalt  }
0x6f: {  	_ =	shalt  }
0x70: {  	_ =	shalt  }
0x71: {  	_ =	shalt  }
0x72: {  	_ =	shalt  }
0x73: {  	_ =	shalt  }
0x74: {  	_ =	shalt  }
0x75: {  	_ =	shalt  }
0x76: {  	_ =	shalt  }
0x77: {  	_ =	shalt  }
0x78: {  	_ =	shalt  }
0x79: {  	_ =	shalt  }
0x7a: {  	_ =	shalt  }
0x7b: {  	_ =	shalt  }
0x7c: {  	_ =	shalt  }
0x7d: {  	_ =	shalt  }
0x7e: {  	_ =	shalt  }
0x7f: {  	_ =	shalt  }
0x80: {  	_ =	shalt  }
0x81: {  	_ =	shalt  }
0x82: {  	_ =	shalt  }
0x83: {  	_ =	shalt  }
0x84: {  	_ =	shalt  }
0x85: {  	_ =	shalt  }
0x86: {  	_ =	shalt  }
0x87: {  	_ =	shalt  }
.Lfunc_end0:
.L_simem_size_0:
called_computation.6_lowered:
.L_overlay_start_0:
0x88: {  	s2 =	sld [smem:$0x3FD9]  }
0x89: {  	s3 =	sld [smem:$0x3FFE];
	_ =	sdelay $0x1  }
0x8a: {  	s1 =	srdreg.scid  }
0x8b: {  	s0 =	sand.u32 $0x1, s1  }
0x8c: {  	s16 =	sshll.u32 s0, $0xA;
	s2 =	sadd.s32 s3, s2  }
0x8d: {  	s2 =	sadd.s32 s2, s16  }
0x8e: {  	[smem:$0x3FC7] =	sst s2  }
0x8f: {  	_ = 	snop  }
0x90: {  	(tm) =	ssettm $0x1  }
0x91: {  	s17 =	sld [smem:$0x3FFB];
	_ =	sdelay $0x3  }
0x92: {  	_ =	strace s17  }
0x93: {  	s2 =	sld [smem:$0x3FFC];
	_ =	sdelay $0x3  }
0x94: {  	_ =	strace s2  }
0x95: {  	s2 =	sld [smem:$0x3FFD];
	_ =	sdelay $0x3  }
0x96: {  	_ =	strace s2  }
0x97: {  	_ =	strace $0x8FFFFFFF  }
0x98: {  	s18 =	sld [smem:$0x3FDB];
	_ =	sdelay $0x1  }
0x99: {  	s19 =	simm.s32 $_scs_section_size  }
0x9a: {  	s4 =	simm.s32 $_size__tile_overlayer_lowered;
	s5 =	simm.s32 $_tile_overlayer_lowered  }
0x9b: {  	s22 =	simm.s32 $0x1BFF;
	s21 =	sshll.u32 s5, $0x1;
	s2 =	sadd.s32 s19, s18  }
0x9c: {  	s6 =	simm.s32 $0x0;
	s20 =	sshll.u32 s4, $0x1;
	s4 =	sadd.s32 s21, s2  }
0x9d: {  	[timem:s6], [sflag:s22] =	dma.local [hbm:s4], s20  }
0x9e: {  	_ =	swait.ge [sflag:s22], s20  }
0x9f: {  	s3 =	ssub.s32 $0x0, s20;
	[sflag:s22] =	ssyncset.done $0x0  }
0xa0: {  	[sflag:s22] =	ssyncadd.s32 s3;
	_ =	sdelay $0x1  }
0xa1: {  	s23 =	simm.s32 $0x1B8B  }
0xa2: {  	_ =	swait.ge [sflag:s23], $0x1  }
0xa3: {  	[sflag:s23] =	ssyncset.done $0x0  }
0xa4: {  	s25 =	simm.s32 $0x1B8E;
	s24 =	sld [smem:$0x3FFE];
	[sflag:s23] =	ssyncadd.s32 $0xFFFFFFFF  }
0xa5: {  	s26 =	simm.s32 $execute0_lowered;
	[smem:$0x3FD2] =	sst s25  }
0xa6: {  	s4 =	sshll.u32 s26, $0x1;
	_ =	strace $0x8000007C;
	[dreg:$0x1] =	wrdreg $0xFFFFFFFF  }
0xa7: {  	s28 =	simm.s32 $_size_execute0_lowered;
	s2 =	sadd.s32 s2, s4;
	[dreg:$0x0] =	wrdreg $0x0  }
0xa8: {  	s4 =	sshll.u32 s28, $0x1;
	[dreg:$0x2] =	wrdreg s2  }
0xa9: {  	[dreg:$0x3] =	wrdreg s4  }
0xaa: {  	[dreg:$0x4] =	wrdreg $0xC0  }
0xab: {  	_ =	task [dreg:s6], $0x5FFFF  }
0xac: {  	[dreg:$0x1] =	wrdreg $0xFFFFFFFF  }
0xad: {  	[dreg:$0x0] =	wrdreg $0x60  }
0xae: {  	[dreg:$0x2] =	wrdreg s24  }
0xaf: {  	[dreg:$0x3] =	wrdreg $0x9  }
0xb0: {  	_ =	task.clear_ibuf [dreg:s6], $0x4FFFF;
	_ =	strace $0x9000007C  }
0xb1: {  	s29 =	simm.s32 $0x9;
	_ =	strace $0x8000007E  }
0xb2: {  	_ =	swait.ge [sflag:s29], $0x1  }
0xb3: {  	[sflag:s29] =	ssyncadd.s32 $0xFFFFFFFF  }
0xb4: {  	_ =	strace $0x9000007E  }
0xb5: {  	_ =	sfence  }
0xb6: {  	s30 =	sld [smem:$0x0];
	_ =	sdelay $0x2  }
0xb7: {  	s31 =	sshll.u32 s1, $0xD;
	s1 =	sshrl.u32 s1, $0x2  }
0xb8: {  	s3 =	sand.u32 $0x4000, s31;
	s1 =	sadd.s32 s1, s30  }
0xb9: {  	s0 =	sor.u32 s3, s0;
	s1 =	sshll.u32 s1, $0x11  }
0xba: {  	s0 =	sor.u32 s1, s0  }
0xbb: {  	s0 =	sadd.s32 $0x8F2B, s0  }
0xbc: {  	[sflag:s0] =	ssyncadd.remote.s32 $0x1  }
0xbd: {  	_ =	sfence.sel $0xFFFF  }
0xbe: {  	[dreg:$0x0] =	wrdreg $0xFFFFFFFF;
	(pc) =	sbr.abs _section_cstart, $3  }
0xbf: {  	[dreg:$0x1] =	wrdreg $0xFFFFFFFF  }
0xc0: {  	_ =	task.clear_ibuf [dreg:s6], $0x2FFFF;
	_ =	strace $0x9FFFFFFF  }
0xc1: {  	(tm) =	ssettm $0x7FFFFFFF  }
tec
execute0_lowered:
.L_overlay_start_1:
0x0: {  	(tag) =	ssettag $0x1  }
0x1: {  	s8 =	rddreg [dreg:$0x0]  }
0x2: {  	s0 =	rddreg [dreg:$0x1];
	_ =	strace $0x8000007D;
	s1 =	stileid.u32  }
0x3: {  	s3 =	srdreg.scid;
	s4 =	simm.s32 $0x1;
	s7 =	simm.s32 $0x1  }
0x4: {  	s9 =	simm.s32 $0x1;
	s10 =	simm.s32 $0x3;
	s13 =	simm.s32 $0x0  }
0x5: {  	s12 =	simm.s32 $0x0;
	s5 =	sand.u32 $0x1, s3;
	s6 =	sshll.u32 s1, $0x1  }
0x6: {  	s2 =	sadd.s32 $0x33F800, s8;
	s3 =	sadd.s32 $0x6800, s8;
	s5 =	sor.u32 s6, s5  }
.Ltmp0:
0x7: {  	[sflag:s4] =	ssyncpa.u1 $0x0;
	p0 =	slt.u32 s5, $0x13;
	(pc) =	sbr.rel .LBB2_1-.Ltmp0, $4  }
0x8: {  	s6 =	simm.s32 $0x2;
	s7 =	simm.s32 @!p0 $0x0;
	p0 =	sne.s32 s5, $0x12  }
0x9: {  	[sflag:s6] =	ssyncpa.u1 $0x0;
	s5 =	smul.u32 $0x7D0, s5;
	s9 =	simm.s32 @!p0 $0x0  }
0xa: {  	s8 =	sadd.s32 $0x34C000, s8;
	[sflag:s10] =	ssyncpa.u1 $0x0;
	s7 =	sadd.s32 s9, s7  }
0xb: {  	vm0 =	vmmov $0xffff;
	s10 =	simm.s32 $0x0;
	s11 =	smov.u32 s5;
	s9 =	sadd.s32 $0x1, s7  }
.LBB2_4:
0xc: {  	v2 =	vnsel vm1, $0x0, v2  }
0xd: {  	vm1 =	vgt.s32 v0, $0x0;
	v2 =	vmin.u32 v2, $0x1869F  }
0xe: {  	v0 =	vnsel vm1, $0x0, v0  }
0xf: {  	v0 =	vmin.u32 v0, $0x1869F  }
0x10: {  	[tilespmem:s18], [sflag:$0x1] =	stream.indirect_vreg.gather [hbm4b:s2+s10], $0x1, v1, vm0, $0x4038;
	[tilespmem:$0x1F40] =	vst v63  }
0x11: {  	(ifvalue) =	ssetifvalue $0x7FFFFFFF  }
0x12: {  	[tilespmem:s15], [sflag:$0x1] =	stream.indirect_vreg.gather [hbm4b:s2+s10], $0x1, v2, vm0, $0x4038;
	[tilespmem:$0x1F40] =	vst v63  }
0x13: {  	s29 =	sadd.s32 $0x10, s15;
	(ifvalue) =	ssetifvalue $0x7FFFFFFF  }
0x14: {  	[tilespmem:s29], [sflag:$0x1] =	stream.indirect_vreg.gather [hbm4b:s2+s10], $0x1, v0, vm0, $0x4038;
	[tilespmem:$0x1F40] =	vst v63  }
0x15: {  	_ =	swait.ge [sflag:s4], $0x7D0  }
0x16: {  	s30 =	sshrl.u32 s13, $0x3;
	[sflag:s4] =	ssyncset.done $0x0  }
0x17: {  	s31 =	sand.u32 $0x7, s13;
	s15 =	sadd.s32 s8, s30;
	[sflag:s4] =	ssyncadd.s32 $0xFFFFF830  }
0x18: {  	[hbm4b:s15+s31] =	stream.linear.scatter [tilespmem:s14], [sflag:$0x3], $0x7D0, $0x38;
	[tilespmem:$0x1F40] =	vst v63  }
.LBB2_5:
0x19: {  	s15 =	sadd.s32 $0xFA00, s11  }
0x1a: {  	p1 =	sgt.s32 s15, $0x1869F  }
0x1b: {  	s15 =	smov.u32 @p1 s5;
	p1 =	sne.s32 s12, s9  }
.Ltmp1:
0x1c: {  	p0 =	slt.u32 s12, $0x2;
	(pc) =	sbr.rel @!p1 .LBB2_6-.Ltmp1, $4  }
0x1d: {  	s14 =	simm.s32 @!p0 $0x3  }
0x1e: {  	_ =	swait.ge @!p0 [sflag:s14], $0x7D0  }
0x1f: {  	s16 =	sadd.s32 $0x1, s12;
	s13 =	smov.u32 s11;
	[sflag:s14] =	ssyncset.done @!p0 $0x0  }
0x20: {  	s12 =	smov.u32 s16;
	s11 =	smov.u32 s15;
	[sflag:s14] =	ssyncadd.s32 @!p0 $0xFFFFF830  }
.LBB2_1:
0x21: {  	p0 =	sge.u32 s12, s7  }
0x22: {  	s14 =	sxor.u32 @!p0 $0x1, s12  }
0x23: {  	s14 =	smul.u32 @!p0 $0x1F40, s14  }
0x24: {  	s31 =	sadd.s32 $0xFFFFFFFF, s12;
	s15 =	sshrl.u32 @!p0 s11, $0x3  }
0x25: {  	s16 =	sand.u32 @!p0 $0x7, s11;
	s15 =	sadd.s32 @!p0 s3, s15;
	s14 =	sshra.s32 @!p0 s14, $0x2  }
0x26: {  	[tilespmem:s14], [sflag:$0x2] =	stream.linear.gather @!p0 [hbm4b:s15+s16], $0x7D0, $0x38;
	[tilespmem:$0x1F40] =	vst v63  }
0x27: {  	p0 =	sge.u32 s31, s7  }
.Ltmp2:
0x28: {  	_ = 	snop;
	(pc) =	sbr.rel @p0 .LBB2_5-.Ltmp2, $1  }
0x29: {  	_ =	sdelay $0x3  }
0x2a: {  	s14 =	sand.u32 $0x1, s12  }
0x2b: {  	_ =	swait.ge [sflag:s6], $0x7D0;
	p0 =	seq.s32 s14, $0x1;
	s14 =	simm.s32 $0x7D0  }
0x2c: {  	[sflag:s6] =	ssyncset.done $0x0;
	s14 =	simm.s32 @!p0 $0x0  }
0x2d: {  	[sflag:s6] =	ssyncadd.s32 $0xFFFFF830;
	(ifvalue) =	ssetifvalue $0x7FFFFFFF;
	v0 =	vld.msk [tilespmem:s14+$0x0 ss:$0x1], $0xffff;
	_ =	sdelay $0x4  }
0x2e: {  	s15 =	sadd.s32 $0x10, s14;
	vm1 =	vgt.s32 v0, $0x0  }
0x2f: {  	v2 =	vld.msk [tilespmem:s15+$0x0 ss:$0x1], $0xffff;
	v1 =	vnsel vm1, $0x0, v0  }
0x30: {  	v1 =	vmin.u32 v1, $0x1869F;
	_ =	sdelay $0x2  }
0x31: {  	s17 =	simm.s32 $0x20;
	s14 =	sadd.s32 $0xFA0, s14;
	s16 =	sadd.s32 $0x10, s15  }
0x32: {  	s15 =	sadd.s32 $0x10, s14;
	s18 =	smov.u32 s14;
	v0 =	vld.msk [tilespmem:s16+$0x0 ss:$0x1], $0xffff;
	vm1 =	vgt.s32 v2, $0x0;
	(ifvalue) =	ssetifvalue $0x7FFFFFFF  }
.LBB2_3:
0x33: {  	[tilespmem:s18], [sflag:$0x1] =	stream.indirect_vreg.gather [hbm4b:s2+s10], $0x1, v1, vm0, $0x4038;
	[tilespmem:$0x1F40] =	vst v63  }
0x34: {  	s17 =	sadd.s32 $0x10, s17  }
0x35: {  	v2 =	vnsel vm1, $0x0, v2;
	p0 =	slt.u32 s17, $0x7C0  }
.Ltmp3:
0x36: {  	s18 =	smov.u32 s15;
	v1 =	vmin.u32 v2, $0x1869F;
	(pc) =	sbr.rel @p0 .LBB2_3-.Ltmp3, $3  }
0x37: {  	_ =	sdelay $0x1  }
0x38: {  	s16 =	sadd.s32 $0x10, s16  }
0x39: {  	vm1 =	vgt.s32 v0, $0x0;
	s15 =	sadd.s32 $0x10, s15;
	v2 =	vmov v0;
	(ifvalue) =	ssetifvalue $0x7FFFFFFF;
	v0 =	vld.msk [tilespmem:s16+$0x0 ss:$0x1], $0xffff  }
.Ltmp4:
0x3a: {  	_ = 	snop;
	(pc) =	sbr.rel .LBB2_4-.Ltmp4, $1  }
0x3b: {  	_ =	sdelay $0x3  }
.LBB2_6:
0x3c: {  	_ =	sfence.sel $0x180000  }
0x3d: {  	s2 =	simm.s32 $0x2;
	[bflag:$0x0] =	sbarrier.arrive $0xFFFF  }
0x3e: {  	s30 =	simm.s32 $0x3;
	[sflag:s2] =	ssyncpa.u1 $0x1  }
0x3f: {  	s31 =	simm.s32 $0x1;
	[sflag:s30] =	ssyncpa.u1 $0x1  }
0x40: {  	[sflag:s31] =	ssyncpa.u1 $0x1  }
0x41: {  	p0 =	sne.s32 s1, $0x0;
	_ =	strace $0x9000007D  }
0x42: {  	s0 =	sadd.s32 @!p0 $0x100000, s0;
	[bflag:$0x2] =	sbarrier.arrive $0xFFFF  }
0x43: {  	[sflag:s0] =	ssyncadd.tile.s32 @!p0 $0x1;
	_ =	shalt  }
.Lfunc_end2:
_tile_overlayer_lowered:
.L_overlay_start_2:
0x44: {  	(tag) =	ssettag $0x2  }
0x45: {  	s0 =	rddreg [dreg:$0x0];
	s2 =	stileid.u32  }
0x46: {  	s1 =	rddreg [dreg:$0x1];
	p0 =	sne.s32 s2, $0x0  }
0x47: {  	s3 =	rddreg [dreg:$0x2];
	[bflag:$0x3] =	sbarrier.arrive $0xFFFF;
	s2 =	simm.s32 @!p0 $0x1C01  }
0x48: {  	[timem:s3], [sflag:s2] =	dma.local @!p0 [hbm:s0], s1  }
0x49: {  	s0 =	simm.s32 @!p0 $0x1  }
0x4a: {  	_ =	swait.ge @!p0 [sflag:s0], s1  }
0x4b: {  	s1 =	ssub.s32 @!p0 $0x0, s1;
	[sflag:s0] =	ssyncset.done @!p0 $0x0  }
0x4c: {  	[sflag:s0] =	ssyncadd.s32 @!p0 s1  }
0x4d: {  	[bflag:$0x3] =	sbarrier.arrive $0xFFFF  }
0x4e: {  	_ =	shalt  }

// kernel: gather_offload_async_start.3
scs
__scs_entry_jumppad:
0x0: {  	(pc) =	sbr.rel $0x88, $3  }
0x1: {  	(tag) =	ssettag $0x0;
	lr =	simm.s32 $0x1  }
0x2: {  	[smem:$0x3FA0] =	sst lr;
	_ =	strace $0xD0000000  }
0x3: {  	_ = 	snop  }
0x4: {  	_ = 	snop  }
0x5: {  	_ = 	snop  }
0x6: {  	_ = 	snop  }
0x7: {  	_ = 	snop  }
__scs_overlays_trampoline_lowered:
0x8: {  	[smem:$0x3FAF] =	sst s0  }
0x9: {  	[smem:$0x3FB0] =	sst s1  }
0xa: {  	[smem:$0x3FB1] =	sst s2  }
0xb: {  	[smem:$0x3FB2] =	sst s3  }
0xc: {  	[smem:$0x3FB3] =	sst s4  }
0xd: {  	[smem:$0x3FB4] =	sst s5  }
0xe: {  	[smem:$0x3FB5] =	sst s6  }
0xf: {  	[smem:$0x3FB6] =	sst s7  }
0x10: {  	[smem:$0x3FB7] =	sst s8  }
0x11: {  	[smem:$0x3FB8] =	sst s9;
	s0 =	simm.s32 @!p0 $0x0  }
0x12: {  	s1 =	sld [smem:$0x3F9E];
	s0 =	simm.s32 @p0 $0x1  }
0x13: {  	[smem:$0x3FB9] =	sst s0;
	s0 =	simm.s32 @!p1 $0x0  }
0x14: {  	s2 =	sld [smem:$0x3F9D];
	s0 =	simm.s32 @p1 $0x1  }
0x15: {  	[smem:$0x3FBA] =	sst s0;
	s0 =	simm.s32 @!p2 $0x0  }
0x16: {  	s3 =	sld [smem:$0x3FDB];
	s0 =	simm.s32 @p2 $0x1  }
0x17: {  	s4 =	simm.s32 $0x1BF5;
	[smem:$0x3FBC] =	sst s0  }
0x18: {  	s0 =	sld [smem:$0x3F9F];
	_ =	swait.ge [sflag:s4], $0x0  }
0x19: {  	s7 =	sld [smem:$0x3FA0]  }
0x1a: {  	s8 =	sadd.s32 $0xFFFFE003, lr  }
0x1b: {  	s9 =	sadd.s32 $0xFFFFFEF7, lr;
	s5 =	simm.s32 $0xFFFFFFFF;
	p2 =	slt.u32 s8, $0xFFFFF086  }
0x1c: {  	p1 =	slt.u32 s9, $0xF7A;
	s5 =	simm.s32 @!p2 $0x0  }
0x1d: {  	s5 =	simm.s32 @p1 $0x1;
	p0 =	seq.s32 s7, s2  }
0x1e: {  	s7 =	smul.u32 @!p0 $0xF7A, s2;
	p2 =	seq.s32 @!p0 s5, $0x0  }
0x1f: {  	s9 =	smul.u32 $0xF7A, s1;
	s8 =	simm.s32 @!p0 $0x1BF5;
	p2 =	por !p2, p0  }
0x20: {  	[sflag:s8] =	ssyncset.s32 @!p0 $0xFFFFF086;
	s6 =	sadd.s32 @!p0 s3, s7;
	s7 =	simm.s32 @!p0 $0x108  }
0x21: {  	s3 =	sadd.s32 s3, s9;
	s6 =	sadd.s32 @!p0 $0x88, s6;
	s7 =	simm.s32 @p2 $0x1082  }
0x22: {  	[simem:s7], [sflag:s8] =	dma.local @!p0 [hbm:s6], $0xF7A  }
0x23: {  	s9 =	sor.u32 $0xD0000000, s2;
	s6 =	simm.s32 $0x108;
	_ =	swait.ge @!p0 [sflag:s8], $0x0  }
0x24: {  	s3 =	sadd.s32 $0x88, s3;
	s6 =	simm.s32 @!p1 $0x1082;
	[sflag:s4] =	ssyncset.s32 $0xFFFFF086  }
0x25: {  	[simem:s6], [sflag:s4] =	dma.local [hbm:s3], $0xF7A  }
0x26: {  	[smem:$0x3FA0] =	sst s1;
	(tag) =	ssettag s2;
	_ =	strace s9  }
0x27: {  	s1 =	sld [smem:$0x3FB0]  }
0x28: {  	s2 =	sld [smem:$0x3FB1]  }
0x29: {  	s4 =	sld [smem:$0x3FB3]  }
0x2a: {  	p0 =	seq.s32 s5, $0x0;
	s5 =	sld [smem:$0x3FB4]  }
0x2b: {  	s6 =	sld [smem:$0x3FB5]  }
0x2c: {  	s7 =	sld [smem:$0x3FB6]  }
0x2d: {  	s3 =	simm.s32 $0x108;
	s8 =	sld [smem:$0x3FB7]  }
0x2e: {  	s3 =	simm.s32 @!p0 $0x1082;
	s9 =	sld [smem:$0x3FB8]  }
0x2f: {  	lr =	sadd.s32 s0, s3;
	s0 =	sld [smem:$0x3FAF]  }
0x30: {  	s3 =	sld [smem:$0x3FB2]  }
0x31: {  	[smem:$0x3FBB] =	sst s10  }
0x32: {  	s10 =	sld [smem:$0x3FB9];
	_ =	sdelay $0x3  }
0x33: {  	p0 =	seq.s32 s10, $0x1;
	s10 =	sld [smem:$0x3FBB];
	_ =	sdelay $0x3  }
0x34: {  	[smem:$0x3FBB] =	sst s10  }
0x35: {  	s10 =	sld [smem:$0x3FBA];
	_ =	sdelay $0x3  }
0x36: {  	p1 =	seq.s32 s10, $0x1;
	s10 =	sld [smem:$0x3FBB];
	_ =	sdelay $0x3  }
0x37: {  	[smem:$0x3FBB] =	sst s10  }
0x38: {  	s10 =	sld [smem:$0x3FBC]  }
0x39: {  	_ = 	snop;
	(pc) =	sbr.ind lr, $3  }
0x3a: {  	_ = 	snop  }
0x3b: {  	_ = 	snop  }
0x3c: {  	p2 =	seq.s32 s10, $0x1;
	s10 =	sld [smem:$0x3FBB]  }
0x3d: {  	_ =	shalt  }
0x3e: {  	_ =	shalt  }
0x3f: {  	_ =	shalt  }
0x40: {  	_ =	shalt  }
0x41: {  	_ =	shalt  }
0x42: {  	_ =	shalt  }
0x43: {  	_ =	shalt  }
0x44: {  	_ =	shalt  }
0x45: {  	_ =	shalt  }
0x46: {  	_ =	shalt  }
0x47: {  	_ =	shalt  }
0x48: {  	_ =	shalt  }
0x49: {  	_ =	shalt  }
0x4a: {  	_ =	shalt  }
0x4b: {  	_ =	shalt  }
0x4c: {  	_ =	shalt  }
0x4d: {  	_ =	shalt  }
0x4e: {  	_ =	shalt  }
0x4f: {  	_ =	shalt  }
0x50: {  	_ =	shalt  }
0x51: {  	_ =	shalt  }
0x52: {  	_ =	shalt  }
0x53: {  	_ =	shalt  }
0x54: {  	_ =	shalt  }
0x55: {  	_ =	shalt  }
0x56: {  	_ =	shalt  }
0x57: {  	_ =	shalt  }
0x58: {  	_ =	shalt  }
0x59: {  	_ =	shalt  }
0x5a: {  	_ =	shalt  }
0x5b: {  	_ =	shalt  }
0x5c: {  	_ =	shalt  }
0x5d: {  	_ =	shalt  }
0x5e: {  	_ =	shalt  }
0x5f: {  	_ =	shalt  }
0x60: {  	_ =	shalt  }
0x61: {  	_ =	shalt  }
0x62: {  	_ =	shalt  }
0x63: {  	_ =	shalt  }
0x64: {  	_ =	shalt  }
0x65: {  	_ =	shalt  }
0x66: {  	_ =	shalt  }
0x67: {  	_ =	shalt  }
0x68: {  	_ =	shalt  }
0x69: {  	_ =	shalt  }
0x6a: {  	_ =	shalt  }
0x6b: {  	_ =	shalt  }
0x6c: {  	_ =	shalt  }
0x6d: {  	_ =	shalt  }
0x6e: {  	_ =	shalt  }
0x6f: {  	_ =	shalt  }
0x70: {  	_ =	shalt  }
0x71: {  	_ =	shalt  }
0x72: {  	_ =	shalt  }
0x73: {  	_ =	shalt  }
0x74: {  	_ =	shalt  }
0x75: {  	_ =	shalt  }
0x76: {  	_ =	shalt  }
0x77: {  	_ =	shalt  }
0x78: {  	_ =	shalt  }
0x79: {  	_ =	shalt  }
0x7a: {  	_ =	shalt  }
0x7b: {  	_ =	shalt  }
0x7c: {  	_ =	shalt  }
0x7d: {  	_ =	shalt  }
0x7e: {  	_ =	shalt  }
0x7f: {  	_ =	shalt  }
0x80: {  	_ =	shalt  }
0x81: {  	_ =	shalt  }
0x82: {  	_ =	shalt  }
0x83: {  	_ =	shalt  }
0x84: {  	_ =	shalt  }
0x85: {  	_ =	shalt  }
0x86: {  	_ =	shalt  }
0x87: {  	_ =	shalt  }
.Lfunc_end0:
.L_simem_size_0:
called_computation.7_lowered:
.L_overlay_start_0:
0x88: {  	s2 =	sld [smem:$0x3FD9]  }
0x89: {  	s3 =	sld [smem:$0x3FFE];
	_ =	sdelay $0x1  }
0x8a: {  	s1 =	srdreg.scid  }
0x8b: {  	s0 =	sand.u32 $0x1, s1  }
0x8c: {  	s16 =	sshll.u32 s0, $0xA;
	s2 =	sadd.s32 s3, s2  }
0x8d: {  	s2 =	sadd.s32 s2, s16  }
0x8e: {  	[smem:$0x3FC7] =	sst s2  }
0x8f: {  	_ = 	snop  }
0x90: {  	(tm) =	ssettm $0x1  }
0x91: {  	s17 =	sld [smem:$0x3FFB];
	_ =	sdelay $0x3  }
0x92: {  	_ =	strace s17  }
0x93: {  	s2 =	sld [smem:$0x3FFC];
	_ =	sdelay $0x3  }
0x94: {  	_ =	strace s2  }
0x95: {  	s2 =	sld [smem:$0x3FFD];
	_ =	sdelay $0x3  }
0x96: {  	_ =	strace s2  }
0x97: {  	_ =	strace $0x8FFFFFFF  }
0x98: {  	s18 =	sld [smem:$0x3FDB];
	_ =	sdelay $0x1  }
0x99: {  	s19 =	simm.s32 $_scs_section_size  }
0x9a: {  	s4 =	simm.s32 $_size__tile_overlayer_lowered;
	s5 =	simm.s32 $_tile_overlayer_lowered  }
0x9b: {  	s22 =	simm.s32 $0x1BFF;
	s21 =	sshll.u32 s5, $0x1;
	s2 =	sadd.s32 s19, s18  }
0x9c: {  	s6 =	simm.s32 $0x0;
	s20 =	sshll.u32 s4, $0x1;
	s4 =	sadd.s32 s21, s2  }
0x9d: {  	[timem:s6], [sflag:s22] =	dma.local [hbm:s4], s20  }
0x9e: {  	_ =	swait.ge [sflag:s22], s20  }
0x9f: {  	s3 =	ssub.s32 $0x0, s20;
	[sflag:s22] =	ssyncset.done $0x0  }
0xa0: {  	[sflag:s22] =	ssyncadd.s32 s3;
	_ =	sdelay $0x1  }
0xa1: {  	s23 =	simm.s32 $0x1B8B  }
0xa2: {  	_ =	swait.ge [sflag:s23], $0x1  }
0xa3: {  	[sflag:s23] =	ssyncset.done $0x0  }
0xa4: {  	s25 =	simm.s32 $0x1B8E;
	s24 =	sld [smem:$0x3FFE];
	[sflag:s23] =	ssyncadd.s32 $0xFFFFFFFF  }
0xa5: {  	s26 =	simm.s32 $execute0_lowered;
	[smem:$0x3FD2] =	sst s25  }
0xa6: {  	s4 =	sshll.u32 s26, $0x1;
	_ =	strace $0x8000007F;
	[dreg:$0x1] =	wrdreg $0xFFFFFFFF  }
0xa7: {  	s28 =	simm.s32 $_size_execute0_lowered;
	s2 =	sadd.s32 s2, s4;
	[dreg:$0x0] =	wrdreg $0x0  }
0xa8: {  	s4 =	sshll.u32 s28, $0x1;
	[dreg:$0x2] =	wrdreg s2  }
0xa9: {  	[dreg:$0x3] =	wrdreg s4  }
0xaa: {  	[dreg:$0x4] =	wrdreg $0xC0  }
0xab: {  	_ =	task [dreg:s6], $0x5FFFF  }
0xac: {  	[dreg:$0x1] =	wrdreg $0xFFFFFFFF  }
0xad: {  	[dreg:$0x0] =	wrdreg $0x60  }
0xae: {  	[dreg:$0x2] =	wrdreg s24  }
0xaf: {  	[dreg:$0x3] =	wrdreg $0x9  }
0xb0: {  	_ =	task.clear_ibuf [dreg:s6], $0x4FFFF;
	_ =	strace $0x9000007F  }
0xb1: {  	s29 =	simm.s32 $0x9;
	_ =	strace $0x80000081  }
0xb2: {  	_ =	swait.ge [sflag:s29], $0x1  }
0xb3: {  	[sflag:s29] =	ssyncadd.s32 $0xFFFFFFFF  }
0xb4: {  	_ =	strace $0x90000081  }
0xb5: {  	_ =	sfence  }
0xb6: {  	s30 =	sld [smem:$0x0];
	_ =	sdelay $0x2  }
0xb7: {  	s31 =	sshll.u32 s1, $0xD;
	s1 =	sshrl.u32 s1, $0x2  }
0xb8: {  	s3 =	sand.u32 $0x4000, s31;
	s1 =	sadd.s32 s1, s30  }
0xb9: {  	s0 =	sor.u32 s3, s0;
	s1 =	sshll.u32 s1, $0x11  }
0xba: {  	s0 =	sor.u32 s1, s0  }
0xbb: {  	s0 =	sadd.s32 $0x8F2B, s0  }
0xbc: {  	[sflag:s0] =	ssyncadd.remote.s32 $0x1  }
0xbd: {  	_ =	sfence.sel $0xFFFF  }
0xbe: {  	[dreg:$0x0] =	wrdreg $0xFFFFFFFF;
	(pc) =	sbr.abs _section_cstart, $3  }
0xbf: {  	[dreg:$0x1] =	wrdreg $0xFFFFFFFF  }
0xc0: {  	_ =	task.clear_ibuf [dreg:s6], $0x2FFFF;
	_ =	strace $0x9FFFFFFF  }
0xc1: {  	(tm) =	ssettm $0x7FFFFFFF  }
tec
execute0_lowered:
.L_overlay_start_1:
0x0: {  	(tag) =	ssettag $0x1  }
0x1: {  	s8 =	rddreg [dreg:$0x0]  }
0x2: {  	s0 =	rddreg [dreg:$0x1];
	_ =	strace $0x80000080;
	s1 =	stileid.u32  }
0x3: {  	s3 =	srdreg.scid;
	s4 =	simm.s32 $0x1;
	s7 =	simm.s32 $0x1  }
0x4: {  	s9 =	simm.s32 $0x1;
	s10 =	simm.s32 $0x3;
	s13 =	simm.s32 $0x0  }
0x5: {  	s12 =	simm.s32 $0x0;
	s5 =	sand.u32 $0x1, s3;
	s6 =	sshll.u32 s1, $0x1  }
0x6: {  	s2 =	sadd.s32 $0x1B5C00, s8;
	s3 =	sadd.s32 $0x400, s8;
	s5 =	sor.u32 s6, s5  }
.Ltmp0:
0x7: {  	[sflag:s4] =	ssyncpa.u1 $0x0;
	p0 =	slt.u32 s5, $0x13;
	(pc) =	sbr.rel .LBB2_1-.Ltmp0, $4  }
0x8: {  	s6 =	simm.s32 $0x2;
	s7 =	simm.s32 @!p0 $0x0;
	p0 =	sne.s32 s5, $0x12  }
0x9: {  	[sflag:s6] =	ssyncpa.u1 $0x0;
	s5 =	smul.u32 $0x7D0, s5;
	s9 =	simm.s32 @!p0 $0x0  }
0xa: {  	s8 =	sadd.s32 $0x34C000, s8;
	[sflag:s10] =	ssyncpa.u1 $0x0;
	s7 =	sadd.s32 s9, s7  }
0xb: {  	vm0 =	vmmov $0xffff;
	s10 =	simm.s32 $0x0;
	s11 =	smov.u32 s5;
	s9 =	sadd.s32 $0x1, s7  }
.LBB2_4:
0xc: {  	v2 =	vnsel vm1, $0x0, v2  }
0xd: {  	vm1 =	vgt.s32 v0, $0x0;
	v2 =	vmin.u32 v2, $0x1869F  }
0xe: {  	v0 =	vnsel vm1, $0x0, v0  }
0xf: {  	v0 =	vmin.u32 v0, $0x1869F  }
0x10: {  	[tilespmem:s18], [sflag:$0x1] =	stream.indirect_vreg.gather [hbm4b:s2+s10], $0x1, v1, vm0, $0x4038;
	[tilespmem:$0x1F40] =	vst v63  }
0x11: {  	(ifvalue) =	ssetifvalue $0x7FFFFFFF  }
0x12: {  	[tilespmem:s15], [sflag:$0x1] =	stream.indirect_vreg.gather [hbm4b:s2+s10], $0x1, v2, vm0, $0x4038;
	[tilespmem:$0x1F40] =	vst v63  }
0x13: {  	s29 =	sadd.s32 $0x10, s15;
	(ifvalue) =	ssetifvalue $0x7FFFFFFF  }
0x14: {  	[tilespmem:s29], [sflag:$0x1] =	stream.indirect_vreg.gather [hbm4b:s2+s10], $0x1, v0, vm0, $0x4038;
	[tilespmem:$0x1F40] =	vst v63  }
0x15: {  	_ =	swait.ge [sflag:s4], $0x7D0  }
0x16: {  	s30 =	sshrl.u32 s13, $0x3;
	[sflag:s4] =	ssyncset.done $0x0  }
0x17: {  	s31 =	sand.u32 $0x7, s13;
	s15 =	sadd.s32 s8, s30;
	[sflag:s4] =	ssyncadd.s32 $0xFFFFF830  }
0x18: {  	[hbm4b:s15+s31] =	stream.linear.scatter [tilespmem:s14], [sflag:$0x3], $0x7D0, $0x38;
	[tilespmem:$0x1F40] =	vst v63  }
.LBB2_5:
0x19: {  	s15 =	sadd.s32 $0xFA00, s11  }
0x1a: {  	p1 =	sgt.s32 s15, $0x1869F  }
0x1b: {  	s15 =	smov.u32 @p1 s5;
	p1 =	sne.s32 s12, s9  }
.Ltmp1:
0x1c: {  	p0 =	slt.u32 s12, $0x2;
	(pc) =	sbr.rel @!p1 .LBB2_6-.Ltmp1, $4  }
0x1d: {  	s14 =	simm.s32 @!p0 $0x3  }
0x1e: {  	_ =	swait.ge @!p0 [sflag:s14], $0x7D0  }
0x1f: {  	s16 =	sadd.s32 $0x1, s12;
	s13 =	smov.u32 s11;
	[sflag:s14] =	ssyncset.done @!p0 $0x0  }
0x20: {  	s12 =	smov.u32 s16;
	s11 =	smov.u32 s15;
	[sflag:s14] =	ssyncadd.s32 @!p0 $0xFFFFF830  }
.LBB2_1:
0x21: {  	p0 =	sge.u32 s12, s7  }
0x22: {  	s14 =	sxor.u32 @!p0 $0x1, s12  }
0x23: {  	s14 =	smul.u32 @!p0 $0x1F40, s14  }
0x24: {  	s31 =	sadd.s32 $0xFFFFFFFF, s12;
	s15 =	sshrl.u32 @!p0 s11, $0x3  }
0x25: {  	s16 =	sand.u32 @!p0 $0x7, s11;
	s15 =	sadd.s32 @!p0 s3, s15;
	s14 =	sshra.s32 @!p0 s14, $0x2  }
0x26: {  	[tilespmem:s14], [sflag:$0x2] =	stream.linear.gather @!p0 [hbm4b:s15+s16], $0x7D0, $0x38;
	[tilespmem:$0x1F40] =	vst v63  }
0x27: {  	p0 =	sge.u32 s31, s7  }
.Ltmp2:
0x28: {  	_ = 	snop;
	(pc) =	sbr.rel @p0 .LBB2_5-.Ltmp2, $1  }
0x29: {  	_ =	sdelay $0x3  }
0x2a: {  	s14 =	sand.u32 $0x1, s12  }
0x2b: {  	_ =	swait.ge [sflag:s6], $0x7D0;
	p0 =	seq.s32 s14, $0x1;
	s14 =	simm.s32 $0x7D0  }
0x2c: {  	[sflag:s6] =	ssyncset.done $0x0;
	s14 =	simm.s32 @!p0 $0x0  }
0x2d: {  	[sflag:s6] =	ssyncadd.s32 $0xFFFFF830;
	(ifvalue) =	ssetifvalue $0x7FFFFFFF;
	v0 =	vld.msk [tilespmem:s14+$0x0 ss:$0x1], $0xffff;
	_ =	sdelay $0x4  }
0x2e: {  	s15 =	sadd.s32 $0x10, s14;
	vm1 =	vgt.s32 v0, $0x0  }
0x2f: {  	v2 =	vld.msk [tilespmem:s15+$0x0 ss:$0x1], $0xffff;
	v1 =	vnsel vm1, $0x0, v0  }
0x30: {  	v1 =	vmin.u32 v1, $0x1869F;
	_ =	sdelay $0x2  }
0x31: {  	s17 =	simm.s32 $0x20;
	s14 =	sadd.s32 $0xFA0, s14;
	s16 =	sadd.s32 $0x10, s15  }
0x32: {  	s15 =	sadd.s32 $0x10, s14;
	s18 =	smov.u32 s14;
	v0 =	vld.msk [tilespmem:s16+$0x0 ss:$0x1], $0xffff;
	vm1 =	vgt.s32 v2, $0x0;
	(ifvalue) =	ssetifvalue $0x7FFFFFFF  }
.LBB2_3:
0x33: {  	[tilespmem:s18], [sflag:$0x1] =	stream.indirect_vreg.gather [hbm4b:s2+s10], $0x1, v1, vm0, $0x4038;
	[tilespmem:$0x1F40] =	vst v63  }
0x34: {  	s17 =	sadd.s32 $0x10, s17  }
0x35: {  	v2 =	vnsel vm1, $0x0, v2;
	p0 =	slt.u32 s17, $0x7C0  }
.Ltmp3:
0x36: {  	s18 =	smov.u32 s15;
	v1 =	vmin.u32 v2, $0x1869F;
	(pc) =	sbr.rel @p0 .LBB2_3-.Ltmp3, $3  }
0x37: {  	_ =	sdelay $0x1  }
0x38: {  	s16 =	sadd.s32 $0x10, s16  }
0x39: {  	vm1 =	vgt.s32 v0, $0x0;
	s15 =	sadd.s32 $0x10, s15;
	v2 =	vmov v0;
	(ifvalue) =	ssetifvalue $0x7FFFFFFF;
	v0 =	vld.msk [tilespmem:s16+$0x0 ss:$0x1], $0xffff  }
.Ltmp4:
0x3a: {  	_ = 	snop;
	(pc) =	sbr.rel .LBB2_4-.Ltmp4, $1  }
0x3b: {  	_ =	sdelay $0x3  }
.LBB2_6:
0x3c: {  	_ =	sfence.sel $0x180000  }
0x3d: {  	s2 =	simm.s32 $0x2;
	[bflag:$0x0] =	sbarrier.arrive $0xFFFF  }
0x3e: {  	s30 =	simm.s32 $0x3;
	[sflag:s2] =	ssyncpa.u1 $0x1  }
0x3f: {  	s31 =	simm.s32 $0x1;
	[sflag:s30] =	ssyncpa.u1 $0x1  }
0x40: {  	[sflag:s31] =	ssyncpa.u1 $0x1  }
0x41: {  	p0 =	sne.s32 s1, $0x0;
	_ =	strace $0x90000080  }
0x42: {  	s0 =	sadd.s32 @!p0 $0x100000, s0;
	[bflag:$0x2] =	sbarrier.arrive $0xFFFF  }
0x43: {  	[sflag:s0] =	ssyncadd.tile.s32 @!p0 $0x1;
	_ =	shalt  }
.Lfunc_end2:
_tile_overlayer_lowered:
.L_overlay_start_2:
0x44: {  	(tag) =	ssettag $0x2  }
0x45: {  	s0 =	rddreg [dreg:$0x0];
	s2 =	stileid.u32  }
0x46: {  	s1 =	rddreg [dreg:$0x1];
	p0 =	sne.s32 s2, $0x0  }
0x47: {  	s3 =	rddreg [dreg:$0x2];
	[bflag:$0x3] =	sbarrier.arrive $0xFFFF;
	s2 =	simm.s32 @!p0 $0x1C01  }
0x48: {  	[timem:s3], [sflag:s2] =	dma.local @!p0 [hbm:s0], s1  }
0x49: {  	s0 =	simm.s32 @!p0 $0x1  }
0x4a: {  	_ =	swait.ge @!p0 [sflag:s0], s1  }
0x4b: {  	s1 =	ssub.s32 @!p0 $0x0, s1;
	[sflag:s0] =	ssyncset.done @!p0 $0x0  }
0x4c: {  	[sflag:s0] =	ssyncadd.s32 @!p0 s1  }
0x4d: {  	[bflag:$0x3] =	sbarrier.arrive $0xFFFF  }
0x4e: {  	_ =	shalt  }

// kernel: gather_offload_async_start.4
scs
__scs_entry_jumppad:
0x0: {  	(pc) =	sbr.rel $0x88, $3  }
0x1: {  	(tag) =	ssettag $0x0;
	lr =	simm.s32 $0x1  }
0x2: {  	[smem:$0x3FA0] =	sst lr;
	_ =	strace $0xD0000000  }
0x3: {  	_ = 	snop  }
0x4: {  	_ = 	snop  }
0x5: {  	_ = 	snop  }
0x6: {  	_ = 	snop  }
0x7: {  	_ = 	snop  }
__scs_overlays_trampoline_lowered:
0x8: {  	[smem:$0x3FAF] =	sst s0  }
0x9: {  	[smem:$0x3FB0] =	sst s1  }
0xa: {  	[smem:$0x3FB1] =	sst s2  }
0xb: {  	[smem:$0x3FB2] =	sst s3  }
0xc: {  	[smem:$0x3FB3] =	sst s4  }
0xd: {  	[smem:$0x3FB4] =	sst s5  }
0xe: {  	[smem:$0x3FB5] =	sst s6  }
0xf: {  	[smem:$0x3FB6] =	sst s7  }
0x10: {  	[smem:$0x3FB7] =	sst s8  }
0x11: {  	[smem:$0x3FB8] =	sst s9;
	s0 =	simm.s32 @!p0 $0x0  }
0x12: {  	s1 =	sld [smem:$0x3F9E];
	s0 =	simm.s32 @p0 $0x1  }
0x13: {  	[smem:$0x3FB9] =	sst s0;
	s0 =	simm.s32 @!p1 $0x0  }
0x14: {  	s2 =	sld [smem:$0x3F9D];
	s0 =	simm.s32 @p1 $0x1  }
0x15: {  	[smem:$0x3FBA] =	sst s0;
	s0 =	simm.s32 @!p2 $0x0  }
0x16: {  	s3 =	sld [smem:$0x3FDB];
	s0 =	simm.s32 @p2 $0x1  }
0x17: {  	s4 =	simm.s32 $0x1BF5;
	[smem:$0x3FBC] =	sst s0  }
0x18: {  	s0 =	sld [smem:$0x3F9F];
	_ =	swait.ge [sflag:s4], $0x0  }
0x19: {  	s7 =	sld [smem:$0x3FA0]  }
0x1a: {  	s8 =	sadd.s32 $0xFFFFE003, lr  }
0x1b: {  	s9 =	sadd.s32 $0xFFFFFEF7, lr;
	s5 =	simm.s32 $0xFFFFFFFF;
	p2 =	slt.u32 s8, $0xFFFFF086  }
0x1c: {  	p1 =	slt.u32 s9, $0xF7A;
	s5 =	simm.s32 @!p2 $0x0  }
0x1d: {  	s5 =	simm.s32 @p1 $0x1;
	p0 =	seq.s32 s7, s2  }
0x1e: {  	s7 =	smul.u32 @!p0 $0xF7A, s2;
	p2 =	seq.s32 @!p0 s5, $0x0  }
0x1f: {  	s9 =	smul.u32 $0xF7A, s1;
	s8 =	simm.s32 @!p0 $0x1BF5;
	p2 =	por !p2, p0  }
0x20: {  	[sflag:s8] =	ssyncset.s32 @!p0 $0xFFFFF086;
	s6 =	sadd.s32 @!p0 s3, s7;
	s7 =	simm.s32 @!p0 $0x108  }
0x21: {  	s3 =	sadd.s32 s3, s9;
	s6 =	sadd.s32 @!p0 $0x88, s6;
	s7 =	simm.s32 @p2 $0x1082  }
0x22: {  	[simem:s7], [sflag:s8] =	dma.local @!p0 [hbm:s6], $0xF7A  }
0x23: {  	s9 =	sor.u32 $0xD0000000, s2;
	s6 =	simm.s32 $0x108;
	_ =	swait.ge @!p0 [sflag:s8], $0x0  }
0x24: {  	s3 =	sadd.s32 $0x88, s3;
	s6 =	simm.s32 @!p1 $0x1082;
	[sflag:s4] =	ssyncset.s32 $0xFFFFF086  }
0x25: {  	[simem:s6], [sflag:s4] =	dma.local [hbm:s3], $0xF7A  }
0x26: {  	[smem:$0x3FA0] =	sst s1;
	(tag) =	ssettag s2;
	_ =	strace s9  }
0x27: {  	s1 =	sld [smem:$0x3FB0]  }
0x28: {  	s2 =	sld [smem:$0x3FB1]  }
0x29: {  	s4 =	sld [smem:$0x3FB3]  }
0x2a: {  	p0 =	seq.s32 s5, $0x0;
	s5 =	sld [smem:$0x3FB4]  }
0x2b: {  	s6 =	sld [smem:$0x3FB5]  }
0x2c: {  	s7 =	sld [smem:$0x3FB6]  }
0x2d: {  	s3 =	simm.s32 $0x108;
	s8 =	sld [smem:$0x3FB7]  }
0x2e: {  	s3 =	simm.s32 @!p0 $0x1082;
	s9 =	sld [smem:$0x3FB8]  }
0x2f: {  	lr =	sadd.s32 s0, s3;
	s0 =	sld [smem:$0x3FAF]  }
0x30: {  	s3 =	sld [smem:$0x3FB2]  }
0x31: {  	[smem:$0x3FBB] =	sst s10  }
0x32: {  	s10 =	sld [smem:$0x3FB9];
	_ =	sdelay $0x3  }
0x33: {  	p0 =	seq.s32 s10, $0x1;
	s10 =	sld [smem:$0x3FBB];
	_ =	sdelay $0x3  }
0x34: {  	[smem:$0x3FBB] =	sst s10  }
0x35: {  	s10 =	sld [smem:$0x3FBA];
	_ =	sdelay $0x3  }
0x36: {  	p1 =	seq.s32 s10, $0x1;
	s10 =	sld [smem:$0x3FBB];
	_ =	sdelay $0x3  }
0x37: {  	[smem:$0x3FBB] =	sst s10  }
0x38: {  	s10 =	sld [smem:$0x3FBC]  }
0x39: {  	_ = 	snop;
	(pc) =	sbr.ind lr, $3  }
0x3a: {  	_ = 	snop  }
0x3b: {  	_ = 	snop  }
0x3c: {  	p2 =	seq.s32 s10, $0x1;
	s10 =	sld [smem:$0x3FBB]  }
0x3d: {  	_ =	shalt  }
0x3e: {  	_ =	shalt  }
0x3f: {  	_ =	shalt  }
0x40: {  	_ =	shalt  }
0x41: {  	_ =	shalt  }
0x42: {  	_ =	shalt  }
0x43: {  	_ =	shalt  }
0x44: {  	_ =	shalt  }
0x45: {  	_ =	shalt  }
0x46: {  	_ =	shalt  }
0x47: {  	_ =	shalt  }
0x48: {  	_ =	shalt  }
0x49: {  	_ =	shalt  }
0x4a: {  	_ =	shalt  }
0x4b: {  	_ =	shalt  }
0x4c: {  	_ =	shalt  }
0x4d: {  	_ =	shalt  }
0x4e: {  	_ =	shalt  }
0x4f: {  	_ =	shalt  }
0x50: {  	_ =	shalt  }
0x51: {  	_ =	shalt  }
0x52: {  	_ =	shalt  }
0x53: {  	_ =	shalt  }
0x54: {  	_ =	shalt  }
0x55: {  	_ =	shalt  }
0x56: {  	_ =	shalt  }
0x57: {  	_ =	shalt  }
0x58: {  	_ =	shalt  }
0x59: {  	_ =	shalt  }
0x5a: {  	_ =	shalt  }
0x5b: {  	_ =	shalt  }
0x5c: {  	_ =	shalt  }
0x5d: {  	_ =	shalt  }
0x5e: {  	_ =	shalt  }
0x5f: {  	_ =	shalt  }
0x60: {  	_ =	shalt  }
0x61: {  	_ =	shalt  }
0x62: {  	_ =	shalt  }
0x63: {  	_ =	shalt  }
0x64: {  	_ =	shalt  }
0x65: {  	_ =	shalt  }
0x66: {  	_ =	shalt  }
0x67: {  	_ =	shalt  }
0x68: {  	_ =	shalt  }
0x69: {  	_ =	shalt  }
0x6a: {  	_ =	shalt  }
0x6b: {  	_ =	shalt  }
0x6c: {  	_ =	shalt  }
0x6d: {  	_ =	shalt  }
0x6e: {  	_ =	shalt  }
0x6f: {  	_ =	shalt  }
0x70: {  	_ =	shalt  }
0x71: {  	_ =	shalt  }
0x72: {  	_ =	shalt  }
0x73: {  	_ =	shalt  }
0x74: {  	_ =	shalt  }
0x75: {  	_ =	shalt  }
0x76: {  	_ =	shalt  }
0x77: {  	_ =	shalt  }
0x78: {  	_ =	shalt  }
0x79: {  	_ =	shalt  }
0x7a: {  	_ =	shalt  }
0x7b: {  	_ =	shalt  }
0x7c: {  	_ =	shalt  }
0x7d: {  	_ =	shalt  }
0x7e: {  	_ =	shalt  }
0x7f: {  	_ =	shalt  }
0x80: {  	_ =	shalt  }
0x81: {  	_ =	shalt  }
0x82: {  	_ =	shalt  }
0x83: {  	_ =	shalt  }
0x84: {  	_ =	shalt  }
0x85: {  	_ =	shalt  }
0x86: {  	_ =	shalt  }
0x87: {  	_ =	shalt  }
.Lfunc_end0:
.L_simem_size_0:
called_computation.8_lowered:
.L_overlay_start_0:
0x88: {  	s2 =	sld [smem:$0x3FD9]  }
0x89: {  	s3 =	sld [smem:$0x3FFE];
	_ =	sdelay $0x1  }
0x8a: {  	s1 =	srdreg.scid  }
0x8b: {  	s0 =	sand.u32 $0x1, s1  }
0x8c: {  	s16 =	sshll.u32 s0, $0xA;
	s2 =	sadd.s32 s3, s2  }
0x8d: {  	s2 =	sadd.s32 s2, s16  }
0x8e: {  	[smem:$0x3FC7] =	sst s2  }
0x8f: {  	_ = 	snop  }
0x90: {  	(tm) =	ssettm $0x1  }
0x91: {  	s17 =	sld [smem:$0x3FFB];
	_ =	sdelay $0x3  }
0x92: {  	_ =	strace s17  }
0x93: {  	s2 =	sld [smem:$0x3FFC];
	_ =	sdelay $0x3  }
0x94: {  	_ =	strace s2  }
0x95: {  	s2 =	sld [smem:$0x3FFD];
	_ =	sdelay $0x3  }
0x96: {  	_ =	strace s2  }
0x97: {  	_ =	strace $0x8FFFFFFF  }
0x98: {  	s18 =	sld [smem:$0x3FDB];
	_ =	sdelay $0x1  }
0x99: {  	s19 =	simm.s32 $_scs_section_size  }
0x9a: {  	s4 =	simm.s32 $_size__tile_overlayer_lowered;
	s5 =	simm.s32 $_tile_overlayer_lowered  }
0x9b: {  	s22 =	simm.s32 $0x1BFF;
	s21 =	sshll.u32 s5, $0x1;
	s2 =	sadd.s32 s19, s18  }
0x9c: {  	s6 =	simm.s32 $0x0;
	s20 =	sshll.u32 s4, $0x1;
	s4 =	sadd.s32 s21, s2  }
0x9d: {  	[timem:s6], [sflag:s22] =	dma.local [hbm:s4], s20  }
0x9e: {  	_ =	swait.ge [sflag:s22], s20  }
0x9f: {  	s3 =	ssub.s32 $0x0, s20;
	[sflag:s22] =	ssyncset.done $0x0  }
0xa0: {  	[sflag:s22] =	ssyncadd.s32 s3;
	_ =	sdelay $0x1  }
0xa1: {  	s23 =	simm.s32 $0x1B8B  }
0xa2: {  	_ =	swait.ge [sflag:s23], $0x1  }
0xa3: {  	[sflag:s23] =	ssyncset.done $0x0  }
0xa4: {  	s25 =	simm.s32 $0x1B8E;
	s24 =	sld [smem:$0x3FFE];
	[sflag:s23] =	ssyncadd.s32 $0xFFFFFFFF  }
0xa5: {  	s26 =	simm.s32 $execute0_lowered;
	[smem:$0x3FD2] =	sst s25  }
0xa6: {  	s4 =	sshll.u32 s26, $0x1;
	_ =	strace $0x8000004F;
	[dreg:$0x1] =	wrdreg $0xFFFFFFFF  }
0xa7: {  	s28 =	simm.s32 $_size_execute0_lowered;
	s2 =	sadd.s32 s2, s4;
	[dreg:$0x0] =	wrdreg $0x0  }
0xa8: {  	s4 =	sshll.u32 s28, $0x1;
	[dreg:$0x2] =	wrdreg s2  }
0xa9: {  	[dreg:$0x3] =	wrdreg s4  }
0xaa: {  	[dreg:$0x4] =	wrdreg $0xC0  }
0xab: {  	_ =	task [dreg:s6], $0x5FFFF  }
0xac: {  	[dreg:$0x1] =	wrdreg $0xFFFFFFFF  }
0xad: {  	[dreg:$0x0] =	wrdreg $0x60  }
0xae: {  	[dreg:$0x2] =	wrdreg s24  }
0xaf: {  	[dreg:$0x3] =	wrdreg $0x9  }
0xb0: {  	_ =	task.clear_ibuf [dreg:s6], $0x4FFFF;
	_ =	strace $0x9000004F  }
0xb1: {  	s29 =	simm.s32 $0x9;
	_ =	strace $0x80000051  }
0xb2: {  	_ =	swait.ge [sflag:s29], $0x1  }
0xb3: {  	[sflag:s29] =	ssyncadd.s32 $0xFFFFFFFF  }
0xb4: {  	_ =	strace $0x90000051  }
0xb5: {  	_ =	sfence  }
0xb6: {  	s30 =	sld [smem:$0x0];
	_ =	sdelay $0x2  }
0xb7: {  	s31 =	sshll.u32 s1, $0xD;
	s1 =	sshrl.u32 s1, $0x2  }
0xb8: {  	s3 =	sand.u32 $0x4000, s31;
	s1 =	sadd.s32 s1, s30  }
0xb9: {  	s0 =	sor.u32 s3, s0;
	s1 =	sshll.u32 s1, $0x11  }
0xba: {  	s0 =	sor.u32 s1, s0  }
0xbb: {  	s0 =	sadd.s32 $0x8F2B, s0  }
0xbc: {  	[sflag:s0] =	ssyncadd.remote.s32 $0x1  }
0xbd: {  	_ =	sfence.sel $0xFFFF  }
0xbe: {  	[dreg:$0x0] =	wrdreg $0xFFFFFFFF;
	(pc) =	sbr.abs _section_cstart, $3  }
0xbf: {  	[dreg:$0x1] =	wrdreg $0xFFFFFFFF  }
0xc0: {  	_ =	task.clear_ibuf [dreg:s6], $0x2FFFF;
	_ =	strace $0x9FFFFFFF  }
0xc1: {  	(tm) =	ssettm $0x7FFFFFFF  }
tec
execute0_lowered:
.L_overlay_start_1:
0x0: {  	(tag) =	ssettag $0x1  }
0x1: {  	s8 =	rddreg [dreg:$0x0]  }
0x2: {  	s0 =	rddreg [dreg:$0x1];
	_ =	strace $0x80000050;
	s1 =	stileid.u32  }
0x3: {  	s3 =	srdreg.scid;
	s4 =	simm.s32 $0x1;
	s7 =	simm.s32 $0x1  }
0x4: {  	s9 =	simm.s32 $0x1;
	s10 =	simm.s32 $0x3;
	s13 =	simm.s32 $0x0  }
0x5: {  	s12 =	simm.s32 $0x0;
	s5 =	sand.u32 $0x1, s3;
	s6 =	sshll.u32 s1, $0x1  }
0x6: {  	s2 =	sadd.s32 $0x1C600, s8;
	s3 =	sadd.s32 $0x22A00, s8;
	s5 =	sor.u32 s6, s5  }
.Ltmp0:
0x7: {  	[sflag:s4] =	ssyncpa.u1 $0x0;
	p0 =	slt.u32 s5, $0x13;
	(pc) =	sbr.rel .LBB2_1-.Ltmp0, $4  }
0x8: {  	s6 =	simm.s32 $0x2;
	s7 =	simm.s32 @!p0 $0x0;
	p0 =	sne.s32 s5, $0x12  }
0x9: {  	[sflag:s6] =	ssyncpa.u1 $0x0;
	s5 =	smul.u32 $0x7D0, s5;
	s9 =	simm.s32 @!p0 $0x0  }
0xa: {  	s8 =	sadd.s32 $0x1F800, s8;
	[sflag:s10] =	ssyncpa.u1 $0x0;
	s7 =	sadd.s32 s9, s7  }
0xb: {  	vm0 =	vmmov $0xffff;
	s10 =	simm.s32 $0x0;
	s11 =	smov.u32 s5;
	s9 =	sadd.s32 $0x1, s7  }
.LBB2_4:
0xc: {  	v2 =	vnsel vm1, $0x0, v2  }
0xd: {  	vm1 =	vgt.s32 v0, $0x0;
	v2 =	vmin.u32 v2, $0x1869F  }
0xe: {  	v0 =	vnsel vm1, $0x0, v0  }
0xf: {  	v0 =	vmin.u32 v0, $0x1869F  }
0x10: {  	[tilespmem:s18], [sflag:$0x1] =	stream.indirect_vreg.gather [hbm4b:s2+s10], $0x1, v1, vm0, $0x4038;
	[tilespmem:$0x1F40] =	vst v63  }
0x11: {  	(ifvalue) =	ssetifvalue $0x7FFFFFFF  }
0x12: {  	[tilespmem:s15], [sflag:$0x1] =	stream.indirect_vreg.gather [hbm4b:s2+s10], $0x1, v2, vm0, $0x4038;
	[tilespmem:$0x1F40] =	vst v63  }
0x13: {  	s29 =	sadd.s32 $0x10, s15;
	(ifvalue) =	ssetifvalue $0x7FFFFFFF  }
0x14: {  	[tilespmem:s29], [sflag:$0x1] =	stream.indirect_vreg.gather [hbm4b:s2+s10], $0x1, v0, vm0, $0x4038;
	[tilespmem:$0x1F40] =	vst v63  }
0x15: {  	_ =	swait.ge [sflag:s4], $0x7D0  }
0x16: {  	s30 =	sshrl.u32 s13, $0x3;
	[sflag:s4] =	ssyncset.done $0x0  }
0x17: {  	s31 =	sand.u32 $0x7, s13;
	s15 =	sadd.s32 s8, s30;
	[sflag:s4] =	ssyncadd.s32 $0xFFFFF830  }
0x18: {  	[hbm4b:s15+s31] =	stream.linear.scatter [tilespmem:s14], [sflag:$0x3], $0x7D0, $0x38;
	[tilespmem:$0x1F40] =	vst v63  }
.LBB2_5:
0x19: {  	s15 =	sadd.s32 $0xFA00, s11  }
0x1a: {  	p1 =	sgt.s32 s15, $0x1869F  }
0x1b: {  	s15 =	smov.u32 @p1 s5;
	p1 =	sne.s32 s12, s9  }
.Ltmp1:
0x1c: {  	p0 =	slt.u32 s12, $0x2;
	(pc) =	sbr.rel @!p1 .LBB2_6-.Ltmp1, $4  }
0x1d: {  	s14 =	simm.s32 @!p0 $0x3  }
0x1e: {  	_ =	swait.ge @!p0 [sflag:s14], $0x7D0  }
0x1f: {  	s16 =	sadd.s32 $0x1, s12;
	s13 =	smov.u32 s11;
	[sflag:s14] =	ssyncset.done @!p0 $0x0  }
0x20: {  	s12 =	smov.u32 s16;
	s11 =	smov.u32 s15;
	[sflag:s14] =	ssyncadd.s32 @!p0 $0xFFFFF830  }
.LBB2_1:
0x21: {  	p0 =	sge.u32 s12, s7  }
0x22: {  	s14 =	sxor.u32 @!p0 $0x1, s12  }
0x23: {  	s14 =	smul.u32 @!p0 $0x1F40, s14  }
0x24: {  	s31 =	sadd.s32 $0xFFFFFFFF, s12;
	s15 =	sshrl.u32 @!p0 s11, $0x3  }
0x25: {  	s16 =	sand.u32 @!p0 $0x7, s11;
	s15 =	sadd.s32 @!p0 s3, s15;
	s14 =	sshra.s32 @!p0 s14, $0x2  }
0x26: {  	[tilespmem:s14], [sflag:$0x2] =	stream.linear.gather @!p0 [hbm4b:s15+s16], $0x7D0, $0x38;
	[tilespmem:$0x1F40] =	vst v63  }
0x27: {  	p0 =	sge.u32 s31, s7  }
.Ltmp2:
0x28: {  	_ = 	snop;
	(pc) =	sbr.rel @p0 .LBB2_5-.Ltmp2, $1  }
0x29: {  	_ =	sdelay $0x3  }
0x2a: {  	s14 =	sand.u32 $0x1, s12  }
0x2b: {  	_ =	swait.ge [sflag:s6], $0x7D0;
	p0 =	seq.s32 s14, $0x1;
	s14 =	simm.s32 $0x7D0  }
0x2c: {  	[sflag:s6] =	ssyncset.done $0x0;
	s14 =	simm.s32 @!p0 $0x0  }
0x2d: {  	[sflag:s6] =	ssyncadd.s32 $0xFFFFF830;
	(ifvalue) =	ssetifvalue $0x7FFFFFFF;
	v0 =	vld.msk [tilespmem:s14+$0x0 ss:$0x1], $0xffff;
	_ =	sdelay $0x4  }
0x2e: {  	s15 =	sadd.s32 $0x10, s14;
	vm1 =	vgt.s32 v0, $0x0  }
0x2f: {  	v2 =	vld.msk [tilespmem:s15+$0x0 ss:$0x1], $0xffff;
	v1 =	vnsel vm1, $0x0, v0  }
0x30: {  	v1 =	vmin.u32 v1, $0x1869F;
	_ =	sdelay $0x2  }
0x31: {  	s17 =	simm.s32 $0x20;
	s14 =	sadd.s32 $0xFA0, s14;
	s16 =	sadd.s32 $0x10, s15  }
0x32: {  	s15 =	sadd.s32 $0x10, s14;
	s18 =	smov.u32 s14;
	v0 =	vld.msk [tilespmem:s16+$0x0 ss:$0x1], $0xffff;
	vm1 =	vgt.s32 v2, $0x0;
	(ifvalue) =	ssetifvalue $0x7FFFFFFF  }
.LBB2_3:
0x33: {  	[tilespmem:s18], [sflag:$0x1] =	stream.indirect_vreg.gather [hbm4b:s2+s10], $0x1, v1, vm0, $0x4038;
	[tilespmem:$0x1F40] =	vst v63  }
0x34: {  	s17 =	sadd.s32 $0x10, s17  }
0x35: {  	v2 =	vnsel vm1, $0x0, v2;
	p0 =	slt.u32 s17, $0x7C0  }
.Ltmp3:
0x36: {  	s18 =	smov.u32 s15;
	v1 =	vmin.u32 v2, $0x1869F;
	(pc) =	sbr.rel @p0 .LBB2_3-.Ltmp3, $3  }
0x37: {  	_ =	sdelay $0x1  }
0x38: {  	s16 =	sadd.s32 $0x10, s16  }
0x39: {  	vm1 =	vgt.s32 v0, $0x0;
	s15 =	sadd.s32 $0x10, s15;
	v2 =	vmov v0;
	(ifvalue) =	ssetifvalue $0x7FFFFFFF;
	v0 =	vld.msk [tilespmem:s16+$0x0 ss:$0x1], $0xffff  }
.Ltmp4:
0x3a: {  	_ = 	snop;
	(pc) =	sbr.rel .LBB2_4-.Ltmp4, $1  }
0x3b: {  	_ =	sdelay $0x3  }
.LBB2_6:
0x3c: {  	_ =	sfence.sel $0x180000  }
0x3d: {  	s2 =	simm.s32 $0x2;
	[bflag:$0x0] =	sbarrier.arrive $0xFFFF  }
0x3e: {  	s30 =	simm.s32 $0x3;
	[sflag:s2] =	ssyncpa.u1 $0x1  }
0x3f: {  	s31 =	simm.s32 $0x1;
	[sflag:s30] =	ssyncpa.u1 $0x1  }
0x40: {  	[sflag:s31] =	ssyncpa.u1 $0x1  }
0x41: {  	p0 =	sne.s32 s1, $0x0;
	_ =	strace $0x90000050  }
0x42: {  	s0 =	sadd.s32 @!p0 $0x100000, s0;
	[bflag:$0x2] =	sbarrier.arrive $0xFFFF  }
0x43: {  	[sflag:s0] =	ssyncadd.tile.s32 @!p0 $0x1;
	_ =	shalt  }
.Lfunc_end2:
_tile_overlayer_lowered:
.L_overlay_start_2:
0x44: {  	(tag) =	ssettag $0x2  }
0x45: {  	s0 =	rddreg [dreg:$0x0];
	s2 =	stileid.u32  }
0x46: {  	s1 =	rddreg [dreg:$0x1];
	p0 =	sne.s32 s2, $0x0  }
0x47: {  	s3 =	rddreg [dreg:$0x2];
	[bflag:$0x3] =	sbarrier.arrive $0xFFFF;
	s2 =	simm.s32 @!p0 $0x1C01  }
0x48: {  	[timem:s3], [sflag:s2] =	dma.local @!p0 [hbm:s0], s1  }
0x49: {  	s0 =	simm.s32 @!p0 $0x1  }
0x4a: {  	_ =	swait.ge @!p0 [sflag:s0], s1  }
0x4b: {  	s1 =	ssub.s32 @!p0 $0x0, s1;
	[sflag:s0] =	ssyncset.done @!p0 $0x0  }
0x4c: {  	[sflag:s0] =	ssyncadd.s32 @!p0 s1  }
0x4d: {  	[bflag:$0x3] =	sbarrier.arrive $0xFFFF  }
0x4e: {  	_ =	shalt  }

// kernel: gather_offload_async_start.5
scs
__scs_entry_jumppad:
0x0: {  	(pc) =	sbr.rel $0x88, $3  }
0x1: {  	(tag) =	ssettag $0x0;
	lr =	simm.s32 $0x1  }
0x2: {  	[smem:$0x3FA0] =	sst lr;
	_ =	strace $0xD0000000  }
0x3: {  	_ = 	snop  }
0x4: {  	_ = 	snop  }
0x5: {  	_ = 	snop  }
0x6: {  	_ = 	snop  }
0x7: {  	_ = 	snop  }
__scs_overlays_trampoline_lowered:
0x8: {  	[smem:$0x3FAF] =	sst s0  }
0x9: {  	[smem:$0x3FB0] =	sst s1  }
0xa: {  	[smem:$0x3FB1] =	sst s2  }
0xb: {  	[smem:$0x3FB2] =	sst s3  }
0xc: {  	[smem:$0x3FB3] =	sst s4  }
0xd: {  	[smem:$0x3FB4] =	sst s5  }
0xe: {  	[smem:$0x3FB5] =	sst s6  }
0xf: {  	[smem:$0x3FB6] =	sst s7  }
0x10: {  	[smem:$0x3FB7] =	sst s8  }
0x11: {  	[smem:$0x3FB8] =	sst s9;
	s0 =	simm.s32 @!p0 $0x0  }
0x12: {  	s1 =	sld [smem:$0x3F9E];
	s0 =	simm.s32 @p0 $0x1  }
0x13: {  	[smem:$0x3FB9] =	sst s0;
	s0 =	simm.s32 @!p1 $0x0  }
0x14: {  	s2 =	sld [smem:$0x3F9D];
	s0 =	simm.s32 @p1 $0x1  }
0x15: {  	[smem:$0x3FBA] =	sst s0;
	s0 =	simm.s32 @!p2 $0x0  }
0x16: {  	s3 =	sld [smem:$0x3FDB];
	s0 =	simm.s32 @p2 $0x1  }
0x17: {  	s4 =	simm.s32 $0x1BF5;
	[smem:$0x3FBC] =	sst s0  }
0x18: {  	s0 =	sld [smem:$0x3F9F];
	_ =	swait.ge [sflag:s4], $0x0  }
0x19: {  	s7 =	sld [smem:$0x3FA0]  }
0x1a: {  	s8 =	sadd.s32 $0xFFFFE003, lr  }
0x1b: {  	s9 =	sadd.s32 $0xFFFFFEF7, lr;
	s5 =	simm.s32 $0xFFFFFFFF;
	p2 =	slt.u32 s8, $0xFFFFF086  }
0x1c: {  	p1 =	slt.u32 s9, $0xF7A;
	s5 =	simm.s32 @!p2 $0x0  }
0x1d: {  	s5 =	simm.s32 @p1 $0x1;
	p0 =	seq.s32 s7, s2  }
0x1e: {  	s7 =	smul.u32 @!p0 $0xF7A, s2;
	p2 =	seq.s32 @!p0 s5, $0x0  }
0x1f: {  	s9 =	smul.u32 $0xF7A, s1;
	s8 =	simm.s32 @!p0 $0x1BF5;
	p2 =	por !p2, p0  }
0x20: {  	[sflag:s8] =	ssyncset.s32 @!p0 $0xFFFFF086;
	s6 =	sadd.s32 @!p0 s3, s7;
	s7 =	simm.s32 @!p0 $0x108  }
0x21: {  	s3 =	sadd.s32 s3, s9;
	s6 =	sadd.s32 @!p0 $0x88, s6;
	s7 =	simm.s32 @p2 $0x1082  }
0x22: {  	[simem:s7], [sflag:s8] =	dma.local @!p0 [hbm:s6], $0xF7A  }
0x23: {  	s9 =	sor.u32 $0xD0000000, s2;
	s6 =	simm.s32 $0x108;
	_ =	swait.ge @!p0 [sflag:s8], $0x0  }
0x24: {  	s3 =	sadd.s32 $0x88, s3;
	s6 =	simm.s32 @!p1 $0x1082;
	[sflag:s4] =	ssyncset.s32 $0xFFFFF086  }
0x25: {  	[simem:s6], [sflag:s4] =	dma.local [hbm:s3], $0xF7A  }
0x26: {  	[smem:$0x3FA0] =	sst s1;
	(tag) =	ssettag s2;
	_ =	strace s9  }
0x27: {  	s1 =	sld [smem:$0x3FB0]  }
0x28: {  	s2 =	sld [smem:$0x3FB1]  }
0x29: {  	s4 =	sld [smem:$0x3FB3]  }
0x2a: {  	p0 =	seq.s32 s5, $0x0;
	s5 =	sld [smem:$0x3FB4]  }
0x2b: {  	s6 =	sld [smem:$0x3FB5]  }
0x2c: {  	s7 =	sld [smem:$0x3FB6]  }
0x2d: {  	s3 =	simm.s32 $0x108;
	s8 =	sld [smem:$0x3FB7]  }
0x2e: {  	s3 =	simm.s32 @!p0 $0x1082;
	s9 =	sld [smem:$0x3FB8]  }
0x2f: {  	lr =	sadd.s32 s0, s3;
	s0 =	sld [smem:$0x3FAF]  }
0x30: {  	s3 =	sld [smem:$0x3FB2]  }
0x31: {  	[smem:$0x3FBB] =	sst s10  }
0x32: {  	s10 =	sld [smem:$0x3FB9];
	_ =	sdelay $0x3  }
0x33: {  	p0 =	seq.s32 s10, $0x1;
	s10 =	sld [smem:$0x3FBB];
	_ =	sdelay $0x3  }
0x34: {  	[smem:$0x3FBB] =	sst s10  }
0x35: {  	s10 =	sld [smem:$0x3FBA];
	_ =	sdelay $0x3  }
0x36: {  	p1 =	seq.s32 s10, $0x1;
	s10 =	sld [smem:$0x3FBB];
	_ =	sdelay $0x3  }
0x37: {  	[smem:$0x3FBB] =	sst s10  }
0x38: {  	s10 =	sld [smem:$0x3FBC]  }
0x39: {  	_ = 	snop;
	(pc) =	sbr.ind lr, $3  }
0x3a: {  	_ = 	snop  }
0x3b: {  	_ = 	snop  }
0x3c: {  	p2 =	seq.s32 s10, $0x1;
	s10 =	sld [smem:$0x3FBB]  }
0x3d: {  	_ =	shalt  }
0x3e: {  	_ =	shalt  }
0x3f: {  	_ =	shalt  }
0x40: {  	_ =	shalt  }
0x41: {  	_ =	shalt  }
0x42: {  	_ =	shalt  }
0x43: {  	_ =	shalt  }
0x44: {  	_ =	shalt  }
0x45: {  	_ =	shalt  }
0x46: {  	_ =	shalt  }
0x47: {  	_ =	shalt  }
0x48: {  	_ =	shalt  }
0x49: {  	_ =	shalt  }
0x4a: {  	_ =	shalt  }
0x4b: {  	_ =	shalt  }
0x4c: {  	_ =	shalt  }
0x4d: {  	_ =	shalt  }
0x4e: {  	_ =	shalt  }
0x4f: {  	_ =	shalt  }
0x50: {  	_ =	shalt  }
0x51: {  	_ =	shalt  }
0x52: {  	_ =	shalt  }
0x53: {  	_ =	shalt  }
0x54: {  	_ =	shalt  }
0x55: {  	_ =	shalt  }
0x56: {  	_ =	shalt  }
0x57: {  	_ =	shalt  }
0x58: {  	_ =	shalt  }
0x59: {  	_ =	shalt  }
0x5a: {  	_ =	shalt  }
0x5b: {  	_ =	shalt  }
0x5c: {  	_ =	shalt  }
0x5d: {  	_ =	shalt  }
0x5e: {  	_ =	shalt  }
0x5f: {  	_ =	shalt  }
0x60: {  	_ =	shalt  }
0x61: {  	_ =	shalt  }
0x62: {  	_ =	shalt  }
0x63: {  	_ =	shalt  }
0x64: {  	_ =	shalt  }
0x65: {  	_ =	shalt  }
0x66: {  	_ =	shalt  }
0x67: {  	_ =	shalt  }
0x68: {  	_ =	shalt  }
0x69: {  	_ =	shalt  }
0x6a: {  	_ =	shalt  }
0x6b: {  	_ =	shalt  }
0x6c: {  	_ =	shalt  }
0x6d: {  	_ =	shalt  }
0x6e: {  	_ =	shalt  }
0x6f: {  	_ =	shalt  }
0x70: {  	_ =	shalt  }
0x71: {  	_ =	shalt  }
0x72: {  	_ =	shalt  }
0x73: {  	_ =	shalt  }
0x74: {  	_ =	shalt  }
0x75: {  	_ =	shalt  }
0x76: {  	_ =	shalt  }
0x77: {  	_ =	shalt  }
0x78: {  	_ =	shalt  }
0x79: {  	_ =	shalt  }
0x7a: {  	_ =	shalt  }
0x7b: {  	_ =	shalt  }
0x7c: {  	_ =	shalt  }
0x7d: {  	_ =	shalt  }
0x7e: {  	_ =	shalt  }
0x7f: {  	_ =	shalt  }
0x80: {  	_ =	shalt  }
0x81: {  	_ =	shalt  }
0x82: {  	_ =	shalt  }
0x83: {  	_ =	shalt  }
0x84: {  	_ =	shalt  }
0x85: {  	_ =	shalt  }
0x86: {  	_ =	shalt  }
0x87: {  	_ =	shalt  }
.Lfunc_end0:
.L_simem_size_0:
called_computation.9_lowered:
.L_overlay_start_0:
0x88: {  	s2 =	sld [smem:$0x3FD9]  }
0x89: {  	s3 =	sld [smem:$0x3FFE];
	_ =	sdelay $0x1  }
0x8a: {  	s1 =	srdreg.scid  }
0x8b: {  	s0 =	sand.u32 $0x1, s1  }
0x8c: {  	s17 =	sshll.u32 s0, $0xA;
	s2 =	sadd.s32 s3, s2  }
0x8d: {  	s2 =	sadd.s32 s2, s17  }
0x8e: {  	[smem:$0x3FC7] =	sst s2  }
0x8f: {  	_ = 	snop  }
0x90: {  	(tm) =	ssettm $0x1  }
0x91: {  	s18 =	sld [smem:$0x3FFB];
	_ =	sdelay $0x3  }
0x92: {  	_ =	strace s18  }
0x93: {  	s2 =	sld [smem:$0x3FFC];
	_ =	sdelay $0x3  }
0x94: {  	_ =	strace s2  }
0x95: {  	s2 =	sld [smem:$0x3FFD];
	_ =	sdelay $0x3  }
0x96: {  	_ =	strace s2  }
0x97: {  	_ =	strace $0x8FFFFFFF  }
0x98: {  	s19 =	sld [smem:$0x3FDB];
	_ =	sdelay $0x1  }
0x99: {  	s20 =	simm.s32 $_scs_section_size  }
0x9a: {  	s4 =	simm.s32 $_size__tile_overlayer_lowered;
	s5 =	simm.s32 $_tile_overlayer_lowered  }
0x9b: {  	s6 =	simm.s32 $0x1BFF;
	s21 =	sshll.u32 s5, $0x1;
	s3 =	sadd.s32 s20, s19  }
0x9c: {  	s22 =	simm.s32 $0x0;
	s4 =	sshll.u32 s4, $0x1;
	s5 =	sadd.s32 s21, s3  }
0x9d: {  	[timem:s22], [sflag:s6] =	dma.local [hbm:s5], s4  }
0x9e: {  	_ =	swait.ge [sflag:s6], s4  }
0x9f: {  	s4 =	ssub.s32 $0x0, s4;
	[sflag:s6] =	ssyncset.done $0x0  }
0xa0: {  	[sflag:s6] =	ssyncadd.s32 s4;
	_ =	sdelay $0x1  }
0xa1: {  	s23 =	simm.s32 $0x1B8B  }
0xa2: {  	_ =	swait.ge [sflag:s23], $0x1  }
0xa3: {  	[sflag:s23] =	ssyncset.done $0x0  }
0xa4: {  	[sflag:s23] =	ssyncadd.s32 $0xFFFFFFFF  }
0xa5: {  	s4 =	sld [smem:$0x0]  }
0xa6: {  	s5 =	sand.u32 $0xFFFFFFFE, s1  }
0xa7: {  	p0 =	sne.s32 s1, s5  }
0xa8: {  	s5 =	sshll.u32 @p0 s5, $0xE  }
0xa9: {  	s5 =	sadd.s32 @p0 $0x11B8D, s5;
	s6 =	sshll.u32 @p0 s4, $0x11  }
0xaa: {  	s5 =	sor.u32 @p0 s6, s5  }
0xab: {  	[sflag:s5] =	ssyncadd.remote.s32 @p0 $0x1;
	_ =	sdelay $0x1  }
0xac: {  	s5 =	simm.s32 @p0 $0x1B8D  }
0xad: {  	_ =	swait.eq @p0 [sflag:s5], $0x1  }
0xae: {  	[sflag:s5] =	ssyncadd.s32 @p0 $0xFFFFFFFF  }
0xaf: {  	s6 =	sshll.u32 @!p0 s1, $0xE  }
0xb0: {  	s6 =	sor.u32 @!p0 $0x4000, s6;
	s5 =	simm.s32 @!p0 $0x1B8D  }
0xb1: {  	s4 =	sshll.u32 @!p0 s4, $0x11;
	s6 =	sadd.s32 @!p0 $0x11B8D, s6;
	_ =	swait.eq @!p0 [sflag:s5], $0x1  }
0xb2: {  	s4 =	sor.u32 @!p0 s4, s6;
	[sflag:s5] =	ssyncadd.s32 @!p0 $0xFFFFFFFF  }
0xb3: {  	s25 =	simm.s32 $0x1B8E;
	s24 =	sld [smem:$0x3FFE];
	[sflag:s4] =	ssyncadd.remote.s32 @!p0 $0x1  }
0xb4: {  	s26 =	simm.s32 $execute0_lowered;
	[smem:$0x3FD2] =	sst s25  }
0xb5: {  	s5 =	sshll.u32 s26, $0x1;
	_ =	strace $0x80000070;
	[dreg:$0x1] =	wrdreg $0xFFFFFFFF  }
0xb6: {  	s28 =	simm.s32 $_size_execute0_lowered;
	s3 =	sadd.s32 s3, s5;
	[dreg:$0x0] =	wrdreg $0x0  }
0xb7: {  	s5 =	sshll.u32 s28, $0x1;
	[dreg:$0x2] =	wrdreg s3  }
0xb8: {  	[dreg:$0x3] =	wrdreg s5  }
0xb9: {  	[dreg:$0x4] =	wrdreg $0xC0  }
0xba: {  	_ =	task [dreg:s22], $0x5FFFF  }
0xbb: {  	[dreg:$0x1] =	wrdreg $0xFFFFFFFF  }
0xbc: {  	[dreg:$0x0] =	wrdreg $0x60  }
0xbd: {  	[dreg:$0x2] =	wrdreg s24  }
0xbe: {  	[dreg:$0x3] =	wrdreg $0xF  }
0xbf: {  	_ =	task.clear_ibuf [dreg:s22], $0x4FFFF;
	_ =	strace $0x90000070  }
0xc0: {  	s29 =	simm.s32 $0xF;
	_ =	strace $0x80000072  }
0xc1: {  	_ =	swait.ge [sflag:s29], $0x1  }
0xc2: {  	[sflag:s29] =	ssyncadd.s32 $0xFFFFFFFF  }
0xc3: {  	_ =	strace $0x90000072  }
0xc4: {  	_ =	sfence  }
0xc5: {  	s30 =	sld [smem:$0x0];
	_ =	sdelay $0x2  }
0xc6: {  	s31 =	sshll.u32 s1, $0xD;
	s1 =	sshrl.u32 s1, $0x2  }
0xc7: {  	s4 =	sand.u32 $0x4000, s31;
	s1 =	sadd.s32 s1, s30  }
0xc8: {  	s0 =	sor.u32 s4, s0;
	s1 =	sshll.u32 s1, $0x11  }
0xc9: {  	s0 =	sor.u32 s1, s0  }
0xca: {  	s0 =	sadd.s32 $0x8F2B, s0  }
0xcb: {  	[sflag:s0] =	ssyncadd.remote.s32 $0x1  }
0xcc: {  	_ =	sfence.sel $0xFFFF  }
0xcd: {  	[dreg:$0x0] =	wrdreg $0xFFFFFFFF;
	(pc) =	sbr.abs _section_cstart, $3  }
0xce: {  	[dreg:$0x1] =	wrdreg $0xFFFFFFFF  }
0xcf: {  	_ =	task.clear_ibuf [dreg:s22], $0x2FFFF;
	_ =	strace $0x9FFFFFFF  }
0xd0: {  	(tm) =	ssettm $0x7FFFFFFF  }
0xd1: {  	_ =	shalt  }
tec
execute0_lowered:
.L_overlay_start_1:
0x0: {  	(tag) =	ssettag $0x1  }
0x1: {  	s0 =	srdreg.scid  }
0x2: {  	s1 =	sshll.u32 s0, $0x4  }
0x3: {  	s0 =	stileid.u32;
	s1 =	sand.u32 $0x10, s1  }
0x4: {  	s1 =	sor.u32 s0, s1  }
0x5: {  	s2 =	smul.u32 $0x7, s1  }
0x6: {  	s3 =	smin.u32 s1, $0x1A  }
0x7: {  	s2 =	sadd.s32 s3, s2  }
0x8: {  	p0 =	slt.u32 s1, $0x1A;
	s1 =	simm.s32 $0xC80;
	s2 =	smul.u32 $0x190, s2  }
0x9: {  	s1 =	simm.s32 @!p0 $0xAF0  }
0xa: {  	s1 =	sadd.s32 s1, s2  }
0xb: {  	s3 =	smin.u32 s1, $0x186A0  }
0xc: {  	s7 =	ssub.s32 s3, s2  }
0xd: {  	p0 =	sgt.s32 s7, $0x0  }
0xe: {  	s7 =	simm.s32 @!p0 $0x0  }
0xf: {  	s31 =	smulhi.u32 $0x51EB851F, s7  }
0x10: {  	s9 =	rddreg [dreg:$0x0];
	s6 =	simm.s32 $0x1;
	s11 =	simm.s32 $0x3  }
0x11: {  	s13 =	simm.s32 $0x0;
	s12 =	simm.s32 $0x0;
	s8 =	sshrl.u32 s31, $0x7  }
0x12: {  	s4 =	sadd.s32 $0x2F200, s9;
	s5 =	sadd.s32 $0x22A00, s9;
	s10 =	smul.u32 $0x190, s8  }
.Ltmp0:
0x13: {  	s9 =	sadd.s32 $0x659400, s9;
	s1 =	rddreg [dreg:$0x1];
	(pc) =	sbr.rel .LBB2_1-.Ltmp0, $4  }
0x14: {  	_ =	strace $0x80000071;
	p0 =	sne.s32 s7, s10;
	s10 =	simm.s32 $0x1  }
0x15: {  	[sflag:s6] =	ssyncpa.u1 $0x0;
	s7 =	simm.s32 $0x2;
	s10 =	simm.s32 @!p0 $0x0  }
0x16: {  	[sflag:s7] =	ssyncpa.u1 $0x0;
	p0 =	por $0x0, $0x0;
	s8 =	sadd.s32 s10, s8  }
0x17: {  	vm0 =	vmmov $0xff;
	vm1 =	vcmask $0x3F20;
	[sflag:s11] =	ssyncpa.u1 $0x0;
	s11 =	smov.u32 s2;
	s10 =	sadd.s32 $0x1, s8  }
.LBB2_6:
0x18: {  	[hbm:s17] =	stream.linear.scatter [tilespmem:s14], [sflag:$0x3], $0x400, $0x38;
	[tilespmem:$0x19320] =	vst v63  }
.LBB2_7:
0x19: {  	s13 =	sadd.s32 $0x190, s11  }
0x1a: {  	s15 =	smov.u32 s2;
	p2 =	slt.s32 s13, s3  }
0x1b: {  	s15 =	smov.u32 @p2 s13;
	p2 =	sne.s32 s12, s10  }
.Ltmp1:
0x1c: {  	p1 =	slt.u32 s12, $0x2;
	(pc) =	sbr.rel @!p2 .LBB2_8-.Ltmp1, $4  }
0x1d: {  	s14 =	simm.s32 @!p1 $0x3  }
0x1e: {  	s16 =	sadd.s32 $0x1, s12;
	_ =	swait.ge @!p1 [sflag:s14], $0xC800  }
0x1f: {  	p0 =	por !p0, !p0;
	s13 =	smov.u32 s11;
	[sflag:s14] =	ssyncset.done @!p1 $0x0  }
0x20: {  	s12 =	smov.u32 s16;
	s11 =	smov.u32 s15;
	[sflag:s14] =	ssyncadd.s32 @!p1 $0xFFFF3800  }
.LBB2_1:
0x21: {  	p1 =	sge.u32 s12, s8  }
0x22: {  	s14 =	sxor.u32 @!p1 $0xFFFFFFFF, s12  }
0x23: {  	s14 =	sand.u32 @!p1 $0x1, s14  }
0x24: {  	s14 =	smul.u32 @!p1 $0x640, s14  }
0x25: {  	s31 =	sadd.s32 $0xFFFFFFFF, s12;
	s15 =	sshrl.u32 @!p1 s11, $0x3  }
0x26: {  	s16 =	sand.u32 @!p1 $0x7, s11;
	s15 =	sadd.s32 @!p1 s5, s15;
	s14 =	sshrl.u32 @!p1 s14, $0x2  }
0x27: {  	[tilespmem:s14], [sflag:$0x2] =	stream.linear.gather @!p1 [hbm4b:s15+s16], $0x190, $0x38;
	[tilespmem:$0x19320] =	vst v63  }
0x28: {  	p1 =	sge.u32 s31, s8  }
.Ltmp2:
0x29: {  	_ = 	snop;
	(pc) =	sbr.rel @p1 .LBB2_7-.Ltmp2, $1  }
0x2a: {  	_ =	sdelay $0x3  }
0x2b: {  	s14 =	simm.s32 $0x1  }
0x2c: {  	s14 =	simm.s32 @!p0 $0x0  }
0x2d: {  	s15 =	smul.u32 $0x640, s14  }
0x2e: {  	_ =	swait.ge [sflag:s7], $0x190  }
0x2f: {  	[sflag:s7] =	ssyncset.done $0x0;
	s16 =	sshrl.u32 s15, $0x2  }
0x30: {  	[sflag:s7] =	ssyncadd.s32 $0xFFFFFE70;
	s15 =	sadd.s32 $0x0, s16  }
0x31: {  	v0 =	vld.msk [tilespmem:s15+$0x0 ss:$0x1], $0xffff;
	_ =	sdelay $0x4  }
0x32: {  	vm2 =	vgt.s32 v0, $0x0  }
0x33: {  	v0 =	vnsel vm2, $0x0, v0  }
0x34: {  	v0 =	vmin.u32 v0, $0x1869F  }
0x35: {  	v0 =	vshll.u32 v0, $0x4  }
0x36: {  	s14 =	smul.u32 $0x32000, s14;
	_ =	sdelay $0x1  }
0x37: {  	s14 =	sshrl.u32 s14, $0x2  }
0x38: {  	s14 =	sor.u32 $0x320, s14  }
0x39: {  	[tilespmem:s14], [sflag:$0x1] =	stream.indirect_vreg.gather [hbm:s4], $0x80, v0, vm0, $0x38;
	[tilespmem:$0x19320] =	vst v63  }
0x3a: {  	s17 =	sadd.s32 $0x10, s16;
	s15 =	sadd.s32 $0x400, s14  }
0x3b: {  	[tilespmem:s15], [sflag:$0x1] =	stream.indirect_vreg.gather [hbm:s4], $0x80, v0, vm1, $0x38;
	[tilespmem:$0x19320] =	vst v63  }
0x3c: {  	s18 =	simm.s32 $0x80;
	v0 =	vld.msk [tilespmem:s17+$0x0 ss:$0x1], $0xffff;
	s17 =	smov.u32 s14  }
.LBB2_3:
0x3d: {  	p1 =	sne.s32 s18, $0x600;
	_ =	sdelay $0x4  }
0x3e: {  	vm2 =	vgt.s32 v0, $0x0  }
0x3f: {  	v0 =	vnsel vm2, $0x0, v0  }
0x40: {  	v0 =	vmin.u32 v0, $0x1869F  }
0x41: {  	v0 =	vshll.u32 v0, $0x4;
	_ =	sdelay $0x3  }
.Ltmp3:
0x42: {  	s19 =	sshra.s32 s18, $0x2;
	s17 =	sadd.s32 $0x800, s17;
	(pc) =	sbr.rel @p1 .LBB2_3-.Ltmp3, $4  }
0x43: {  	[tilespmem:s17], [sflag:$0x1] =	stream.indirect_vreg.gather [hbm:s4], $0x80, v0, vm0, $0x38;
	[tilespmem:$0x19320] =	vst v63  }
0x44: {  	s19 =	sadd.s32 s19, s16;
	s20 =	sadd.s32 $0x400, s17  }
0x45: {  	[tilespmem:s20], [sflag:$0x1] =	stream.indirect_vreg.gather [hbm:s4], $0x80, v0, vm1, $0x38;
	[tilespmem:$0x19320] =	vst v63  }
0x46: {  	s18 =	sadd.s32 $0x40, s18;
	v0 =	vld.msk [tilespmem:s19+$0x0 ss:$0x1], $0xffff  }
0x47: {  	_ =	sdelay $0x3  }
0x48: {  	vm2 =	vgt.s32 v0, $0x0  }
0x49: {  	v0 =	vnsel vm2, $0x0, v0  }
0x4a: {  	v0 =	vmin.u32 v0, $0x1869F  }
0x4b: {  	v0 =	vshll.u32 v0, $0x4;
	_ =	sdelay $0x3  }
0x4c: {  	s16 =	sadd.s32 $0x800, s17  }
0x4d: {  	[tilespmem:s16], [sflag:$0x1] =	stream.indirect_vreg.gather [hbm:s4], $0x80, v0, vm0, $0x38;
	[tilespmem:$0x19320] =	vst v63  }
0x4e: {  	s16 =	sadd.s32 $0x400, s16  }
0x4f: {  	[tilespmem:s16], [sflag:$0x1] =	stream.indirect_vreg.gather [hbm:s4], $0x80, v0, vm1, $0x38;
	[tilespmem:$0x19320] =	vst v63  }
0x50: {  	s13 =	sshll.u32 s13, $0x4;
	_ =	swait.ge [sflag:s6], $0xC800  }
0x51: {  	s13 =	sadd.s32 s13, s9;
	[sflag:s6] =	ssyncset.done $0x0  }
0x52: {  	s17 =	sadd.s32 $0x0, s13;
	s16 =	simm.s32 $0x80;
	[sflag:s6] =	ssyncadd.s32 $0xFFFF3800  }
.LBB2_5:
0x53: {  	[hbm:s17] =	stream.linear.scatter [tilespmem:s14], [sflag:$0x3], $0x400, $0x38;
	[tilespmem:$0x19320] =	vst v63  }
0x54: {  	s17 =	smov.u32 s16;
	s14 =	smov.u32 s15;
	p1 =	sne.s32 s16, $0x1880  }
.Ltmp4:
0x55: {  	s16 =	sadd.s32 $0x80, s16;
	(pc) =	sbr.rel @p1 .LBB2_5-.Ltmp4, $2  }
0x56: {  	_ =	sdelay $0x2  }
0x57: {  	s15 =	sadd.s32 $0x400, s15;
	s17 =	sadd.s32 s17, s13  }
.Ltmp5:
0x58: {  	_ = 	snop;
	(pc) =	sbr.rel .LBB2_6-.Ltmp5, $1  }
0x59: {  	_ =	sdelay $0x3  }
.LBB2_8:
0x5a: {  	_ =	sfence.sel $0x180000  }
0x5b: {  	s2 =	simm.s32 $0x2;
	[bflag:$0x0] =	sbarrier.arrive $0xFFFF  }
0x5c: {  	s30 =	simm.s32 $0x3;
	[sflag:s2] =	ssyncpa.u1 $0x1  }
0x5d: {  	s31 =	simm.s32 $0x1;
	[sflag:s30] =	ssyncpa.u1 $0x1  }
0x5e: {  	[sflag:s31] =	ssyncpa.u1 $0x1  }
0x5f: {  	p0 =	sne.s32 s0, $0x0;
	_ =	strace $0x90000071  }
0x60: {  	s0 =	sadd.s32 @!p0 $0x100000, s1;
	[bflag:$0x2] =	sbarrier.arrive $0xFFFF  }
0x61: {  	[sflag:s0] =	ssyncadd.tile.s32 @!p0 $0x1;
	_ =	shalt  }
.Lfunc_end2:
_tile_overlayer_lowered:
.L_overlay_start_2:
0x62: {  	(tag) =	ssettag $0x2  }
0x63: {  	s0 =	rddreg [dreg:$0x0];
	s2 =	stileid.u32  }
0x64: {  	s1 =	rddreg [dreg:$0x1];
	p0 =	sne.s32 s2, $0x0  }
0x65: {  	s3 =	rddreg [dreg:$0x2];
	[bflag:$0x3] =	sbarrier.arrive $0xFFFF;
	s2 =	simm.s32 @!p0 $0x1C01  }
0x66: {  	[timem:s3], [sflag:s2] =	dma.local @!p0 [hbm:s0], s1  }
0x67: {  	s0 =	simm.s32 @!p0 $0x1  }
0x68: {  	_ =	swait.ge @!p0 [sflag:s0], s1  }
0x69: {  	s1 =	ssub.s32 @!p0 $0x0, s1;
	[sflag:s0] =	ssyncset.done @!p0 $0x0  }
0x6a: {  	[sflag:s0] =	ssyncadd.s32 @!p0 s1  }
0x6b: {  	[bflag:$0x3] =	sbarrier.arrive $0xFFFF  }
0x6c: {  	_ =	shalt  }

// kernel: gather_offload_async_start.6
scs
__scs_entry_jumppad:
0x0: {  	(pc) =	sbr.rel $0x88, $3  }
0x1: {  	(tag) =	ssettag $0x0;
	lr =	simm.s32 $0x1  }
0x2: {  	[smem:$0x3FA0] =	sst lr;
	_ =	strace $0xD0000000  }
0x3: {  	_ = 	snop  }
0x4: {  	_ = 	snop  }
0x5: {  	_ = 	snop  }
0x6: {  	_ = 	snop  }
0x7: {  	_ = 	snop  }
__scs_overlays_trampoline_lowered:
0x8: {  	[smem:$0x3FAF] =	sst s0  }
0x9: {  	[smem:$0x3FB0] =	sst s1  }
0xa: {  	[smem:$0x3FB1] =	sst s2  }
0xb: {  	[smem:$0x3FB2] =	sst s3  }
0xc: {  	[smem:$0x3FB3] =	sst s4  }
0xd: {  	[smem:$0x3FB4] =	sst s5  }
0xe: {  	[smem:$0x3FB5] =	sst s6  }
0xf: {  	[smem:$0x3FB6] =	sst s7  }
0x10: {  	[smem:$0x3FB7] =	sst s8  }
0x11: {  	[smem:$0x3FB8] =	sst s9;
	s0 =	simm.s32 @!p0 $0x0  }
0x12: {  	s1 =	sld [smem:$0x3F9E];
	s0 =	simm.s32 @p0 $0x1  }
0x13: {  	[smem:$0x3FB9] =	sst s0;
	s0 =	simm.s32 @!p1 $0x0  }
0x14: {  	s2 =	sld [smem:$0x3F9D];
	s0 =	simm.s32 @p1 $0x1  }
0x15: {  	[smem:$0x3FBA] =	sst s0;
	s0 =	simm.s32 @!p2 $0x0  }
0x16: {  	s3 =	sld [smem:$0x3FDB];
	s0 =	simm.s32 @p2 $0x1  }
0x17: {  	s4 =	simm.s32 $0x1BF5;
	[smem:$0x3FBC] =	sst s0  }
0x18: {  	s0 =	sld [smem:$0x3F9F];
	_ =	swait.ge [sflag:s4], $0x0  }
0x19: {  	s7 =	sld [smem:$0x3FA0]  }
0x1a: {  	s8 =	sadd.s32 $0xFFFFE003, lr  }
0x1b: {  	s9 =	sadd.s32 $0xFFFFFEF7, lr;
	s5 =	simm.s32 $0xFFFFFFFF;
	p2 =	slt.u32 s8, $0xFFFFF086  }
0x1c: {  	p1 =	slt.u32 s9, $0xF7A;
	s5 =	simm.s32 @!p2 $0x0  }
0x1d: {  	s5 =	simm.s32 @p1 $0x1;
	p0 =	seq.s32 s7, s2  }
0x1e: {  	s7 =	smul.u32 @!p0 $0xF7A, s2;
	p2 =	seq.s32 @!p0 s5, $0x0  }
0x1f: {  	s9 =	smul.u32 $0xF7A, s1;
	s8 =	simm.s32 @!p0 $0x1BF5;
	p2 =	por !p2, p0  }
0x20: {  	[sflag:s8] =	ssyncset.s32 @!p0 $0xFFFFF086;
	s6 =	sadd.s32 @!p0 s3, s7;
	s7 =	simm.s32 @!p0 $0x108  }
0x21: {  	s3 =	sadd.s32 s3, s9;
	s6 =	sadd.s32 @!p0 $0x88, s6;
	s7 =	simm.s32 @p2 $0x1082  }
0x22: {  	[simem:s7], [sflag:s8] =	dma.local @!p0 [hbm:s6], $0xF7A  }
0x23: {  	s9 =	sor.u32 $0xD0000000, s2;
	s6 =	simm.s32 $0x108;
	_ =	swait.ge @!p0 [sflag:s8], $0x0  }
0x24: {  	s3 =	sadd.s32 $0x88, s3;
	s6 =	simm.s32 @!p1 $0x1082;
	[sflag:s4] =	ssyncset.s32 $0xFFFFF086  }
0x25: {  	[simem:s6], [sflag:s4] =	dma.local [hbm:s3], $0xF7A  }
0x26: {  	[smem:$0x3FA0] =	sst s1;
	(tag) =	ssettag s2;
	_ =	strace s9  }
0x27: {  	s1 =	sld [smem:$0x3FB0]  }
0x28: {  	s2 =	sld [smem:$0x3FB1]  }
0x29: {  	s4 =	sld [smem:$0x3FB3]  }
0x2a: {  	p0 =	seq.s32 s5, $0x0;
	s5 =	sld [smem:$0x3FB4]  }
0x2b: {  	s6 =	sld [smem:$0x3FB5]  }
0x2c: {  	s7 =	sld [smem:$0x3FB6]  }
0x2d: {  	s3 =	simm.s32 $0x108;
	s8 =	sld [smem:$0x3FB7]  }
0x2e: {  	s3 =	simm.s32 @!p0 $0x1082;
	s9 =	sld [smem:$0x3FB8]  }
0x2f: {  	lr =	sadd.s32 s0, s3;
	s0 =	sld [smem:$0x3FAF]  }
0x30: {  	s3 =	sld [smem:$0x3FB2]  }
0x31: {  	[smem:$0x3FBB] =	sst s10  }
0x32: {  	s10 =	sld [smem:$0x3FB9];
	_ =	sdelay $0x3  }
0x33: {  	p0 =	seq.s32 s10, $0x1;
	s10 =	sld [smem:$0x3FBB];
	_ =	sdelay $0x3  }
0x34: {  	[smem:$0x3FBB] =	sst s10  }
0x35: {  	s10 =	sld [smem:$0x3FBA];
	_ =	sdelay $0x3  }
0x36: {  	p1 =	seq.s32 s10, $0x1;
	s10 =	sld [smem:$0x3FBB];
	_ =	sdelay $0x3  }
0x37: {  	[smem:$0x3FBB] =	sst s10  }
0x38: {  	s10 =	sld [smem:$0x3FBC]  }
0x39: {  	_ = 	snop;
	(pc) =	sbr.ind lr, $3  }
0x3a: {  	_ = 	snop  }
0x3b: {  	_ = 	snop  }
0x3c: {  	p2 =	seq.s32 s10, $0x1;
	s10 =	sld [smem:$0x3FBB]  }
0x3d: {  	_ =	shalt  }
0x3e: {  	_ =	shalt  }
0x3f: {  	_ =	shalt  }
0x40: {  	_ =	shalt  }
0x41: {  	_ =	shalt  }
0x42: {  	_ =	shalt  }
0x43: {  	_ =	shalt  }
0x44: {  	_ =	shalt  }
0x45: {  	_ =	shalt  }
0x46: {  	_ =	shalt  }
0x47: {  	_ =	shalt  }
0x48: {  	_ =	shalt  }
0x49: {  	_ =	shalt  }
0x4a: {  	_ =	shalt  }
0x4b: {  	_ =	shalt  }
0x4c: {  	_ =	shalt  }
0x4d: {  	_ =	shalt  }
0x4e: {  	_ =	shalt  }
0x4f: {  	_ =	shalt  }
0x50: {  	_ =	shalt  }
0x51: {  	_ =	shalt  }
0x52: {  	_ =	shalt  }
0x53: {  	_ =	shalt  }
0x54: {  	_ =	shalt  }
0x55: {  	_ =	shalt  }
0x56: {  	_ =	shalt  }
0x57: {  	_ =	shalt  }
0x58: {  	_ =	shalt  }
0x59: {  	_ =	shalt  }
0x5a: {  	_ =	shalt  }
0x5b: {  	_ =	shalt  }
0x5c: {  	_ =	shalt  }
0x5d: {  	_ =	shalt  }
0x5e: {  	_ =	shalt  }
0x5f: {  	_ =	shalt  }
0x60: {  	_ =	shalt  }
0x61: {  	_ =	shalt  }
0x62: {  	_ =	shalt  }
0x63: {  	_ =	shalt  }
0x64: {  	_ =	shalt  }
0x65: {  	_ =	shalt  }
0x66: {  	_ =	shalt  }
0x67: {  	_ =	shalt  }
0x68: {  	_ =	shalt  }
0x69: {  	_ =	shalt  }
0x6a: {  	_ =	shalt  }
0x6b: {  	_ =	shalt  }
0x6c: {  	_ =	shalt  }
0x6d: {  	_ =	shalt  }
0x6e: {  	_ =	shalt  }
0x6f: {  	_ =	shalt  }
0x70: {  	_ =	shalt  }
0x71: {  	_ =	shalt  }
0x72: {  	_ =	shalt  }
0x73: {  	_ =	shalt  }
0x74: {  	_ =	shalt  }
0x75: {  	_ =	shalt  }
0x76: {  	_ =	shalt  }
0x77: {  	_ =	shalt  }
0x78: {  	_ =	shalt  }
0x79: {  	_ =	shalt  }
0x7a: {  	_ =	shalt  }
0x7b: {  	_ =	shalt  }
0x7c: {  	_ =	shalt  }
0x7d: {  	_ =	shalt  }
0x7e: {  	_ =	shalt  }
0x7f: {  	_ =	shalt  }
0x80: {  	_ =	shalt  }
0x81: {  	_ =	shalt  }
0x82: {  	_ =	shalt  }
0x83: {  	_ =	shalt  }
0x84: {  	_ =	shalt  }
0x85: {  	_ =	shalt  }
0x86: {  	_ =	shalt  }
0x87: {  	_ =	shalt  }
.Lfunc_end0:
.L_simem_size_0:
called_computation.10_lowered:
.L_overlay_start_0:
0x88: {  	s2 =	sld [smem:$0x3FD9]  }
0x89: {  	s3 =	sld [smem:$0x3FFE];
	_ =	sdelay $0x1  }
0x8a: {  	s1 =	srdreg.scid  }
0x8b: {  	s0 =	sand.u32 $0x1, s1  }
0x8c: {  	s14 =	sshll.u32 s0, $0xA;
	s2 =	sadd.s32 s3, s2  }
0x8d: {  	s2 =	sadd.s32 s2, s14  }
0x8e: {  	[smem:$0x3FC7] =	sst s2  }
0x8f: {  	_ = 	snop  }
0x90: {  	s2 =	sld [smem:$0x3FD0];
	_ =	sdelay $0x2  }
0x91: {  	s15 =	simm.s32 $0x13;
	s4 =	simm.s32 $0x10  }
0x92: {  	[smem:s4], [sflag:s15] =	dma.local [hbm:s2], $0x1  }
0x93: {  	_ =	swait.eq [sflag:s15], $0x1  }
0x94: {  	[sflag:s15] =	ssyncset.done $0x0  }
0x95: {  	[sflag:s15] =	ssyncadd.s32 $0xFFFFFFFF  }
0x96: {  	s16 =	sld [smem:$0x10];
	(tm) =	ssettm $0x1  }
0x97: {  	s17 =	sld [smem:$0x3FFB];
	_ =	sdelay $0x3  }
0x98: {  	_ =	strace s17  }
0x99: {  	s3 =	sld [smem:$0x3FFC];
	_ =	sdelay $0x3  }
0x9a: {  	_ =	strace s3  }
0x9b: {  	s3 =	sld [smem:$0x3FFD];
	_ =	sdelay $0x3  }
0x9c: {  	_ =	strace s3  }
0x9d: {  	_ =	strace $0x8FFFFFFF  }
0x9e: {  	s18 =	sld [smem:$0x3FDB];
	_ =	sdelay $0x1  }
0x9f: {  	s19 =	simm.s32 $_scs_section_size  }
0xa0: {  	s5 =	simm.s32 $_size__tile_overlayer_lowered;
	s6 =	simm.s32 $_tile_overlayer_lowered  }
0xa1: {  	s22 =	simm.s32 $0x1BFF;
	s21 =	sshll.u32 s6, $0x1;
	s3 =	sadd.s32 s19, s18  }
0xa2: {  	s7 =	simm.s32 $0x0;
	s20 =	sshll.u32 s5, $0x1;
	s5 =	sadd.s32 s21, s3  }
0xa3: {  	[timem:s7], [sflag:s22] =	dma.local [hbm:s5], s20  }
0xa4: {  	_ =	swait.ge [sflag:s22], s20  }
0xa5: {  	s4 =	ssub.s32 $0x0, s20;
	[sflag:s22] =	ssyncset.done $0x0  }
0xa6: {  	[sflag:s22] =	ssyncadd.s32 s4;
	_ =	sdelay $0x1  }
0xa7: {  	s23 =	simm.s32 $0x1B8B  }
0xa8: {  	_ =	swait.ge [sflag:s23], $0x1  }
0xa9: {  	[sflag:s23] =	ssyncset.done $0x0  }
0xaa: {  	s25 =	simm.s32 $0x1B8E;
	s24 =	sld [smem:$0x3FFE];
	[sflag:s23] =	ssyncadd.s32 $0xFFFFFFFF  }
0xab: {  	s26 =	simm.s32 $execute0_lowered;
	[smem:$0x3FD2] =	sst s25  }
0xac: {  	s5 =	sshll.u32 s26, $0x1;
	_ =	strace $0x80000049;
	[dreg:$0x1] =	wrdreg $0xFFFFFFFF  }
0xad: {  	s28 =	simm.s32 $_size_execute0_lowered;
	s3 =	sadd.s32 s3, s5;
	[dreg:$0x0] =	wrdreg $0x0  }
0xae: {  	s5 =	sshll.u32 s28, $0x1;
	[dreg:$0x2] =	wrdreg s3  }
0xaf: {  	[dreg:$0x3] =	wrdreg s5  }
0xb0: {  	[dreg:$0x4] =	wrdreg $0xC0  }
0xb1: {  	_ =	task [dreg:s7], $0x5FFFF  }
0xb2: {  	[dreg:$0x1] =	wrdreg $0xFFFFFFFF  }
0xb3: {  	[dreg:$0x0] =	wrdreg $0x60  }
0xb4: {  	[dreg:$0x2] =	wrdreg s16  }
0xb5: {  	[dreg:$0x3] =	wrdreg s24  }
0xb6: {  	[dreg:$0x4] =	wrdreg $0x9  }
0xb7: {  	_ =	task.clear_ibuf [dreg:s7], $0x5FFFF;
	_ =	strace $0x90000049  }
0xb8: {  	s29 =	simm.s32 $0x9;
	_ =	strace $0x8000004B  }
0xb9: {  	_ =	swait.ge [sflag:s29], $0x1  }
0xba: {  	[sflag:s29] =	ssyncadd.s32 $0xFFFFFFFF  }
0xbb: {  	_ =	strace $0x9000004B  }
0xbc: {  	_ =	sfence  }
0xbd: {  	s30 =	sld [smem:$0x0];
	_ =	sdelay $0x2  }
0xbe: {  	s31 =	sshll.u32 s1, $0xD;
	s1 =	sshrl.u32 s1, $0x2  }
0xbf: {  	s3 =	sand.u32 $0x4000, s31;
	s1 =	sadd.s32 s1, s30  }
0xc0: {  	s0 =	sor.u32 s3, s0;
	s1 =	sshll.u32 s1, $0x11  }
0xc1: {  	s0 =	sor.u32 s1, s0  }
0xc2: {  	s0 =	sadd.s32 $0x8F2B, s0  }
0xc3: {  	[sflag:s0] =	ssyncadd.remote.s32 $0x1  }
0xc4: {  	_ =	sfence.sel $0xFFFF  }
0xc5: {  	[dreg:$0x0] =	wrdreg $0xFFFFFFFF;
	(pc) =	sbr.abs _section_cstart, $3  }
0xc6: {  	[dreg:$0x1] =	wrdreg $0xFFFFFFFF  }
0xc7: {  	_ =	task.clear_ibuf [dreg:s7], $0x2FFFF;
	_ =	strace $0x9FFFFFFF  }
0xc8: {  	(tm) =	ssettm $0x7FFFFFFF  }
0xc9: {  	_ =	shalt  }
tec
execute0_lowered:
.L_overlay_start_1:
0x0: {  	(tag) =	ssettag $0x1  }
0x1: {  	s2 =	rddreg [dreg:$0x0]  }
0x2: {  	s8 =	rddreg [dreg:$0x1]  }
0x3: {  	s0 =	rddreg [dreg:$0x2];
	s1 =	stileid.u32  }
0x4: {  	s3 =	srdreg.scid;
	_ =	strace $0x8000004A;
	s4 =	simm.s32 $0x1  }
0x5: {  	s7 =	simm.s32 $0x1;
	s9 =	simm.s32 $0x1;
	s10 =	simm.s32 $0x3  }
0x6: {  	s13 =	simm.s32 $0x0;
	s5 =	sand.u32 $0x1, s3;
	s6 =	sshll.u32 s1, $0x1  }
0x7: {  	s12 =	simm.s32 $0x0;
	s3 =	sadd.s32 $0x28E00, s8;
	s5 =	sor.u32 s6, s5  }
.Ltmp0:
0x8: {  	[sflag:s4] =	ssyncpa.u1 $0x0;
	p0 =	slt.u32 s5, $0x13;
	(pc) =	sbr.rel .LBB2_1-.Ltmp0, $4  }
0x9: {  	s6 =	simm.s32 $0x2;
	s7 =	simm.s32 @!p0 $0x0;
	p0 =	sne.s32 s5, $0x12  }
0xa: {  	[sflag:s6] =	ssyncpa.u1 $0x0;
	s5 =	smul.u32 $0x7D0, s5;
	s9 =	simm.s32 @!p0 $0x0  }
0xb: {  	s8 =	sadd.s32 $0x33F800, s8;
	[sflag:s10] =	ssyncpa.u1 $0x0;
	s7 =	sadd.s32 s9, s7  }
0xc: {  	vm0 =	vmmov $0xffff;
	s10 =	simm.s32 $0x0;
	s11 =	smov.u32 s5;
	s9 =	sadd.s32 $0x1, s7  }
.LBB2_4:
0xd: {  	v2 =	vnsel vm1, $0x0, v2  }
0xe: {  	vm1 =	vgt.s32 v0, $0x0;
	v2 =	vmin.u32 v2, $0x1869F  }
0xf: {  	v0 =	vnsel vm1, $0x0, v0  }
0x10: {  	v0 =	vmin.u32 v0, $0x1869F  }
0x11: {  	[tilespmem:s18], [sflag:$0x1] =	stream.indirect_vreg.gather [hbm4b:s2+s10], $0x1, v1, vm0, $0x4038;
	[tilespmem:$0x1F40] =	vst v63  }
0x12: {  	(ifvalue) =	ssetifvalue $0x7FFFFFFF  }
0x13: {  	[tilespmem:s15], [sflag:$0x1] =	stream.indirect_vreg.gather [hbm4b:s2+s10], $0x1, v2, vm0, $0x4038;
	[tilespmem:$0x1F40] =	vst v63  }
0x14: {  	s29 =	sadd.s32 $0x10, s15;
	(ifvalue) =	ssetifvalue $0x7FFFFFFF  }
0x15: {  	[tilespmem:s29], [sflag:$0x1] =	stream.indirect_vreg.gather [hbm4b:s2+s10], $0x1, v0, vm0, $0x4038;
	[tilespmem:$0x1F40] =	vst v63  }
0x16: {  	_ =	swait.ge [sflag:s4], $0x7D0  }
0x17: {  	s30 =	sshrl.u32 s13, $0x3;
	[sflag:s4] =	ssyncset.done $0x0  }
0x18: {  	s31 =	sand.u32 $0x7, s13;
	s15 =	sadd.s32 s8, s30;
	[sflag:s4] =	ssyncadd.s32 $0xFFFFF830  }
0x19: {  	[hbm4b:s15+s31] =	stream.linear.scatter [tilespmem:s14], [sflag:$0x3], $0x7D0, $0x38;
	[tilespmem:$0x1F40] =	vst v63  }
.LBB2_5:
0x1a: {  	s15 =	sadd.s32 $0xFA00, s11  }
0x1b: {  	p1 =	sgt.s32 s15, $0x1869F  }
0x1c: {  	s15 =	smov.u32 @p1 s5;
	p1 =	sne.s32 s12, s9  }
.Ltmp1:
0x1d: {  	p0 =	slt.u32 s12, $0x2;
	(pc) =	sbr.rel @!p1 .LBB2_6-.Ltmp1, $4  }
0x1e: {  	s14 =	simm.s32 @!p0 $0x3  }
0x1f: {  	_ =	swait.ge @!p0 [sflag:s14], $0x7D0  }
0x20: {  	s16 =	sadd.s32 $0x1, s12;
	s13 =	smov.u32 s11;
	[sflag:s14] =	ssyncset.done @!p0 $0x0  }
0x21: {  	s12 =	smov.u32 s16;
	s11 =	smov.u32 s15;
	[sflag:s14] =	ssyncadd.s32 @!p0 $0xFFFFF830  }
.LBB2_1:
0x22: {  	p0 =	sge.u32 s12, s7  }
0x23: {  	s14 =	sxor.u32 @!p0 $0x1, s12  }
0x24: {  	s14 =	smul.u32 @!p0 $0x1F40, s14  }
0x25: {  	s31 =	sadd.s32 $0xFFFFFFFF, s12;
	s15 =	sshrl.u32 @!p0 s11, $0x3  }
0x26: {  	s16 =	sand.u32 @!p0 $0x7, s11;
	s15 =	sadd.s32 @!p0 s3, s15;
	s14 =	sshra.s32 @!p0 s14, $0x2  }
0x27: {  	[tilespmem:s14], [sflag:$0x2] =	stream.linear.gather @!p0 [hbm4b:s15+s16], $0x7D0, $0x38;
	[tilespmem:$0x1F40] =	vst v63  }
0x28: {  	p0 =	sge.u32 s31, s7  }
.Ltmp2:
0x29: {  	_ = 	snop;
	(pc) =	sbr.rel @p0 .LBB2_5-.Ltmp2, $1  }
0x2a: {  	_ =	sdelay $0x3  }
0x2b: {  	s14 =	sand.u32 $0x1, s12  }
0x2c: {  	_ =	swait.ge [sflag:s6], $0x7D0;
	p0 =	seq.s32 s14, $0x1;
	s14 =	simm.s32 $0x7D0  }
0x2d: {  	[sflag:s6] =	ssyncset.done $0x0;
	s14 =	simm.s32 @!p0 $0x0  }
0x2e: {  	[sflag:s6] =	ssyncadd.s32 $0xFFFFF830;
	(ifvalue) =	ssetifvalue $0x7FFFFFFF;
	v0 =	vld.msk [tilespmem:s14+$0x0 ss:$0x1], $0xffff;
	_ =	sdelay $0x4  }
0x2f: {  	s15 =	sadd.s32 $0x10, s14;
	vm1 =	vgt.s32 v0, $0x0  }
0x30: {  	v2 =	vld.msk [tilespmem:s15+$0x0 ss:$0x1], $0xffff;
	v1 =	vnsel vm1, $0x0, v0  }
0x31: {  	v1 =	vmin.u32 v1, $0x1869F;
	_ =	sdelay $0x2  }
0x32: {  	s17 =	simm.s32 $0x20;
	s14 =	sadd.s32 $0xFA0, s14;
	s16 =	sadd.s32 $0x10, s15  }
0x33: {  	s15 =	sadd.s32 $0x10, s14;
	s18 =	smov.u32 s14;
	v0 =	vld.msk [tilespmem:s16+$0x0 ss:$0x1], $0xffff;
	vm1 =	vgt.s32 v2, $0x0;
	(ifvalue) =	ssetifvalue $0x7FFFFFFF  }
.LBB2_3:
0x34: {  	[tilespmem:s18], [sflag:$0x1] =	stream.indirect_vreg.gather [hbm4b:s2+s10], $0x1, v1, vm0, $0x4038;
	[tilespmem:$0x1F40] =	vst v63  }
0x35: {  	s17 =	sadd.s32 $0x10, s17  }
0x36: {  	v2 =	vnsel vm1, $0x0, v2;
	p0 =	slt.u32 s17, $0x7C0  }
.Ltmp3:
0x37: {  	s18 =	smov.u32 s15;
	v1 =	vmin.u32 v2, $0x1869F;
	(pc) =	sbr.rel @p0 .LBB2_3-.Ltmp3, $3  }
0x38: {  	_ =	sdelay $0x1  }
0x39: {  	s16 =	sadd.s32 $0x10, s16  }
0x3a: {  	vm1 =	vgt.s32 v0, $0x0;
	s15 =	sadd.s32 $0x10, s15;
	v2 =	vmov v0;
	(ifvalue) =	ssetifvalue $0x7FFFFFFF;
	v0 =	vld.msk [tilespmem:s16+$0x0 ss:$0x1], $0xffff  }
.Ltmp4:
0x3b: {  	_ = 	snop;
	(pc) =	sbr.rel .LBB2_4-.Ltmp4, $1  }
0x3c: {  	_ =	sdelay $0x3  }
.LBB2_6:
0x3d: {  	_ =	sfence.sel $0x180000  }
0x3e: {  	s2 =	simm.s32 $0x2;
	[bflag:$0x0] =	sbarrier.arrive $0xFFFF  }
0x3f: {  	s30 =	simm.s32 $0x3;
	[sflag:s2] =	ssyncpa.u1 $0x1  }
0x40: {  	s31 =	simm.s32 $0x1;
	[sflag:s30] =	ssyncpa.u1 $0x1  }
0x41: {  	[sflag:s31] =	ssyncpa.u1 $0x1  }
0x42: {  	p0 =	sne.s32 s1, $0x0;
	_ =	strace $0x9000004A  }
0x43: {  	s0 =	sadd.s32 @!p0 $0x100000, s0;
	[bflag:$0x2] =	sbarrier.arrive $0xFFFF  }
0x44: {  	[sflag:s0] =	ssyncadd.tile.s32 @!p0 $0x1;
	_ =	shalt  }
.Lfunc_end2:
_tile_overlayer_lowered:
.L_overlay_start_2:
0x45: {  	(tag) =	ssettag $0x2  }
0x46: {  	s0 =	rddreg [dreg:$0x0];
	s2 =	stileid.u32  }
0x47: {  	s1 =	rddreg [dreg:$0x1];
	p0 =	sne.s32 s2, $0x0  }
0x48: {  	s3 =	rddreg [dreg:$0x2];
	[bflag:$0x3] =	sbarrier.arrive $0xFFFF;
	s2 =	simm.s32 @!p0 $0x1C01  }
0x49: {  	[timem:s3], [sflag:s2] =	dma.local @!p0 [hbm:s0], s1  }
0x4a: {  	s0 =	simm.s32 @!p0 $0x1  }
0x4b: {  	_ =	swait.ge @!p0 [sflag:s0], s1  }
0x4c: {  	s1 =	ssub.s32 @!p0 $0x0, s1;
	[sflag:s0] =	ssyncset.done @!p0 $0x0  }
0x4d: {  	[sflag:s0] =	ssyncadd.s32 @!p0 s1  }
0x4e: {  	[bflag:$0x3] =	sbarrier.arrive $0xFFFF  }
0x4f: {  	_ =	shalt  }

// kernel: gather_offload_async_start.7
scs
__scs_entry_jumppad:
0x0: {  	(pc) =	sbr.rel $0x88, $3  }
0x1: {  	(tag) =	ssettag $0x0;
	lr =	simm.s32 $0x1  }
0x2: {  	[smem:$0x3FA0] =	sst lr;
	_ =	strace $0xD0000000  }
0x3: {  	_ = 	snop  }
0x4: {  	_ = 	snop  }
0x5: {  	_ = 	snop  }
0x6: {  	_ = 	snop  }
0x7: {  	_ = 	snop  }
__scs_overlays_trampoline_lowered:
0x8: {  	[smem:$0x3FAF] =	sst s0  }
0x9: {  	[smem:$0x3FB0] =	sst s1  }
0xa: {  	[smem:$0x3FB1] =	sst s2  }
0xb: {  	[smem:$0x3FB2] =	sst s3  }
0xc: {  	[smem:$0x3FB3] =	sst s4  }
0xd: {  	[smem:$0x3FB4] =	sst s5  }
0xe: {  	[smem:$0x3FB5] =	sst s6  }
0xf: {  	[smem:$0x3FB6] =	sst s7  }
0x10: {  	[smem:$0x3FB7] =	sst s8  }
0x11: {  	[smem:$0x3FB8] =	sst s9;
	s0 =	simm.s32 @!p0 $0x0  }
0x12: {  	s1 =	sld [smem:$0x3F9E];
	s0 =	simm.s32 @p0 $0x1  }
0x13: {  	[smem:$0x3FB9] =	sst s0;
	s0 =	simm.s32 @!p1 $0x0  }
0x14: {  	s2 =	sld [smem:$0x3F9D];
	s0 =	simm.s32 @p1 $0x1  }
0x15: {  	[smem:$0x3FBA] =	sst s0;
	s0 =	simm.s32 @!p2 $0x0  }
0x16: {  	s3 =	sld [smem:$0x3FDB];
	s0 =	simm.s32 @p2 $0x1  }
0x17: {  	s4 =	simm.s32 $0x1BF5;
	[smem:$0x3FBC] =	sst s0  }
0x18: {  	s0 =	sld [smem:$0x3F9F];
	_ =	swait.ge [sflag:s4], $0x0  }
0x19: {  	s7 =	sld [smem:$0x3FA0]  }
0x1a: {  	s8 =	sadd.s32 $0xFFFFE003, lr  }
0x1b: {  	s9 =	sadd.s32 $0xFFFFFEF7, lr;
	s5 =	simm.s32 $0xFFFFFFFF;
	p2 =	slt.u32 s8, $0xFFFFF086  }
0x1c: {  	p1 =	slt.u32 s9, $0xF7A;
	s5 =	simm.s32 @!p2 $0x0  }
0x1d: {  	s5 =	simm.s32 @p1 $0x1;
	p0 =	seq.s32 s7, s2  }
0x1e: {  	s7 =	smul.u32 @!p0 $0xF7A, s2;
	p2 =	seq.s32 @!p0 s5, $0x0  }
0x1f: {  	s9 =	smul.u32 $0xF7A, s1;
	s8 =	simm.s32 @!p0 $0x1BF5;
	p2 =	por !p2, p0  }
0x20: {  	[sflag:s8] =	ssyncset.s32 @!p0 $0xFFFFF086;
	s6 =	sadd.s32 @!p0 s3, s7;
	s7 =	simm.s32 @!p0 $0x108  }
0x21: {  	s3 =	sadd.s32 s3, s9;
	s6 =	sadd.s32 @!p0 $0x88, s6;
	s7 =	simm.s32 @p2 $0x1082  }
0x22: {  	[simem:s7], [sflag:s8] =	dma.local @!p0 [hbm:s6], $0xF7A  }
0x23: {  	s9 =	sor.u32 $0xD0000000, s2;
	s6 =	simm.s32 $0x108;
	_ =	swait.ge @!p0 [sflag:s8], $0x0  }
0x24: {  	s3 =	sadd.s32 $0x88, s3;
	s6 =	simm.s32 @!p1 $0x1082;
	[sflag:s4] =	ssyncset.s32 $0xFFFFF086  }
0x25: {  	[simem:s6], [sflag:s4] =	dma.local [hbm:s3], $0xF7A  }
0x26: {  	[smem:$0x3FA0] =	sst s1;
	(tag) =	ssettag s2;
	_ =	strace s9  }
0x27: {  	s1 =	sld [smem:$0x3FB0]  }
0x28: {  	s2 =	sld [smem:$0x3FB1]  }
0x29: {  	s4 =	sld [smem:$0x3FB3]  }
0x2a: {  	p0 =	seq.s32 s5, $0x0;
	s5 =	sld [smem:$0x3FB4]  }
0x2b: {  	s6 =	sld [smem:$0x3FB5]  }
0x2c: {  	s7 =	sld [smem:$0x3FB6]  }
0x2d: {  	s3 =	simm.s32 $0x108;
	s8 =	sld [smem:$0x3FB7]  }
0x2e: {  	s3 =	simm.s32 @!p0 $0x1082;
	s9 =	sld [smem:$0x3FB8]  }
0x2f: {  	lr =	sadd.s32 s0, s3;
	s0 =	sld [smem:$0x3FAF]  }
0x30: {  	s3 =	sld [smem:$0x3FB2]  }
0x31: {  	[smem:$0x3FBB] =	sst s10  }
0x32: {  	s10 =	sld [smem:$0x3FB9];
	_ =	sdelay $0x3  }
0x33: {  	p0 =	seq.s32 s10, $0x1;
	s10 =	sld [smem:$0x3FBB];
	_ =	sdelay $0x3  }
0x34: {  	[smem:$0x3FBB] =	sst s10  }
0x35: {  	s10 =	sld [smem:$0x3FBA];
	_ =	sdelay $0x3  }
0x36: {  	p1 =	seq.s32 s10, $0x1;
	s10 =	sld [smem:$0x3FBB];
	_ =	sdelay $0x3  }
0x37: {  	[smem:$0x3FBB] =	sst s10  }
0x38: {  	s10 =	sld [smem:$0x3FBC]  }
0x39: {  	_ = 	snop;
	(pc) =	sbr.ind lr, $3  }
0x3a: {  	_ = 	snop  }
0x3b: {  	_ = 	snop  }
0x3c: {  	p2 =	seq.s32 s10, $0x1;
	s10 =	sld [smem:$0x3FBB]  }
0x3d: {  	_ =	shalt  }
0x3e: {  	_ =	shalt  }
0x3f: {  	_ =	shalt  }
0x40: {  	_ =	shalt  }
0x41: {  	_ =	shalt  }
0x42: {  	_ =	shalt  }
0x43: {  	_ =	shalt  }
0x44: {  	_ =	shalt  }
0x45: {  	_ =	shalt  }
0x46: {  	_ =	shalt  }
0x47: {  	_ =	shalt  }
0x48: {  	_ =	shalt  }
0x49: {  	_ =	shalt  }
0x4a: {  	_ =	shalt  }
0x4b: {  	_ =	shalt  }
0x4c: {  	_ =	shalt  }
0x4d: {  	_ =	shalt  }
0x4e: {  	_ =	shalt  }
0x4f: {  	_ =	shalt  }
0x50: {  	_ =	shalt  }
0x51: {  	_ =	shalt  }
0x52: {  	_ =	shalt  }
0x53: {  	_ =	shalt  }
0x54: {  	_ =	shalt  }
0x55: {  	_ =	shalt  }
0x56: {  	_ =	shalt  }
0x57: {  	_ =	shalt  }
0x58: {  	_ =	shalt  }
0x59: {  	_ =	shalt  }
0x5a: {  	_ =	shalt  }
0x5b: {  	_ =	shalt  }
0x5c: {  	_ =	shalt  }
0x5d: {  	_ =	shalt  }
0x5e: {  	_ =	shalt  }
0x5f: {  	_ =	shalt  }
0x60: {  	_ =	shalt  }
0x61: {  	_ =	shalt  }
0x62: {  	_ =	shalt  }
0x63: {  	_ =	shalt  }
0x64: {  	_ =	shalt  }
0x65: {  	_ =	shalt  }
0x66: {  	_ =	shalt  }
0x67: {  	_ =	shalt  }
0x68: {  	_ =	shalt  }
0x69: {  	_ =	shalt  }
0x6a: {  	_ =	shalt  }
0x6b: {  	_ =	shalt  }
0x6c: {  	_ =	shalt  }
0x6d: {  	_ =	shalt  }
0x6e: {  	_ =	shalt  }
0x6f: {  	_ =	shalt  }
0x70: {  	_ =	shalt  }
0x71: {  	_ =	shalt  }
0x72: {  	_ =	shalt  }
0x73: {  	_ =	shalt  }
0x74: {  	_ =	shalt  }
0x75: {  	_ =	shalt  }
0x76: {  	_ =	shalt  }
0x77: {  	_ =	shalt  }
0x78: {  	_ =	shalt  }
0x79: {  	_ =	shalt  }
0x7a: {  	_ =	shalt  }
0x7b: {  	_ =	shalt  }
0x7c: {  	_ =	shalt  }
0x7d: {  	_ =	shalt  }
0x7e: {  	_ =	shalt  }
0x7f: {  	_ =	shalt  }
0x80: {  	_ =	shalt  }
0x81: {  	_ =	shalt  }
0x82: {  	_ =	shalt  }
0x83: {  	_ =	shalt  }
0x84: {  	_ =	shalt  }
0x85: {  	_ =	shalt  }
0x86: {  	_ =	shalt  }
0x87: {  	_ =	shalt  }
.Lfunc_end0:
.L_simem_size_0:
called_computation.11_lowered:
.L_overlay_start_0:
0x88: {  	s2 =	sld [smem:$0x3FD9]  }
0x89: {  	s3 =	sld [smem:$0x3FFE];
	_ =	sdelay $0x1  }
0x8a: {  	s1 =	srdreg.scid  }
0x8b: {  	s0 =	sand.u32 $0x1, s1  }
0x8c: {  	s17 =	sshll.u32 s0, $0xA;
	s2 =	sadd.s32 s3, s2  }
0x8d: {  	s2 =	sadd.s32 s2, s17  }
0x8e: {  	[smem:$0x3FC7] =	sst s2  }
0x8f: {  	_ = 	snop  }
0x90: {  	(tm) =	ssettm $0x1  }
0x91: {  	s18 =	sld [smem:$0x3FFB];
	_ =	sdelay $0x3  }
0x92: {  	_ =	strace s18  }
0x93: {  	s2 =	sld [smem:$0x3FFC];
	_ =	sdelay $0x3  }
0x94: {  	_ =	strace s2  }
0x95: {  	s2 =	sld [smem:$0x3FFD];
	_ =	sdelay $0x3  }
0x96: {  	_ =	strace s2  }
0x97: {  	_ =	strace $0x8FFFFFFF  }
0x98: {  	s19 =	sld [smem:$0x3FDB];
	_ =	sdelay $0x1  }
0x99: {  	s20 =	simm.s32 $_scs_section_size  }
0x9a: {  	s4 =	simm.s32 $_size__tile_overlayer_lowered;
	s5 =	simm.s32 $_tile_overlayer_lowered  }
0x9b: {  	s6 =	simm.s32 $0x1BFF;
	s21 =	sshll.u32 s5, $0x1;
	s3 =	sadd.s32 s20, s19  }
0x9c: {  	s22 =	simm.s32 $0x0;
	s4 =	sshll.u32 s4, $0x1;
	s5 =	sadd.s32 s21, s3  }
0x9d: {  	[timem:s22], [sflag:s6] =	dma.local [hbm:s5], s4  }
0x9e: {  	_ =	swait.ge [sflag:s6], s4  }
0x9f: {  	s4 =	ssub.s32 $0x0, s4;
	[sflag:s6] =	ssyncset.done $0x0  }
0xa0: {  	[sflag:s6] =	ssyncadd.s32 s4;
	_ =	sdelay $0x1  }
0xa1: {  	s23 =	simm.s32 $0x1B8B  }
0xa2: {  	_ =	swait.ge [sflag:s23], $0x1  }
0xa3: {  	[sflag:s23] =	ssyncset.done $0x0  }
0xa4: {  	[sflag:s23] =	ssyncadd.s32 $0xFFFFFFFF  }
0xa5: {  	s4 =	sld [smem:$0x0]  }
0xa6: {  	s5 =	sand.u32 $0xFFFFFFFE, s1  }
0xa7: {  	p0 =	sne.s32 s1, s5  }
0xa8: {  	s5 =	sshll.u32 @p0 s5, $0xE  }
0xa9: {  	s5 =	sadd.s32 @p0 $0x11B8D, s5;
	s6 =	sshll.u32 @p0 s4, $0x11  }
0xaa: {  	s5 =	sor.u32 @p0 s6, s5  }
0xab: {  	[sflag:s5] =	ssyncadd.remote.s32 @p0 $0x1;
	_ =	sdelay $0x1  }
0xac: {  	s5 =	simm.s32 @p0 $0x1B8D  }
0xad: {  	_ =	swait.eq @p0 [sflag:s5], $0x1  }
0xae: {  	[sflag:s5] =	ssyncadd.s32 @p0 $0xFFFFFFFF  }
0xaf: {  	s6 =	sshll.u32 @!p0 s1, $0xE  }
0xb0: {  	s6 =	sor.u32 @!p0 $0x4000, s6;
	s5 =	simm.s32 @!p0 $0x1B8D  }
0xb1: {  	s4 =	sshll.u32 @!p0 s4, $0x11;
	s6 =	sadd.s32 @!p0 $0x11B8D, s6;
	_ =	swait.eq @!p0 [sflag:s5], $0x1  }
0xb2: {  	s4 =	sor.u32 @!p0 s4, s6;
	[sflag:s5] =	ssyncadd.s32 @!p0 $0xFFFFFFFF  }
0xb3: {  	s25 =	simm.s32 $0x1B8E;
	s24 =	sld [smem:$0x3FFE];
	[sflag:s4] =	ssyncadd.remote.s32 @!p0 $0x1  }
0xb4: {  	s26 =	simm.s32 $execute0_lowered;
	[smem:$0x3FD2] =	sst s25  }
0xb5: {  	s5 =	sshll.u32 s26, $0x1;
	_ =	strace $0x8000006D;
	[dreg:$0x1] =	wrdreg $0xFFFFFFFF  }
0xb6: {  	s28 =	simm.s32 $_size_execute0_lowered;
	s3 =	sadd.s32 s3, s5;
	[dreg:$0x0] =	wrdreg $0x0  }
0xb7: {  	s5 =	sshll.u32 s28, $0x1;
	[dreg:$0x2] =	wrdreg s3  }
0xb8: {  	[dreg:$0x3] =	wrdreg s5  }
0xb9: {  	[dreg:$0x4] =	wrdreg $0xC0  }
0xba: {  	_ =	task [dreg:s22], $0x5FFFF  }
0xbb: {  	[dreg:$0x1] =	wrdreg $0xFFFFFFFF  }
0xbc: {  	[dreg:$0x0] =	wrdreg $0x60  }
0xbd: {  	[dreg:$0x2] =	wrdreg s24  }
0xbe: {  	[dreg:$0x3] =	wrdreg $0xD  }
0xbf: {  	_ =	task.clear_ibuf [dreg:s22], $0x4FFFF;
	_ =	strace $0x9000006D  }
0xc0: {  	s29 =	simm.s32 $0xD;
	_ =	strace $0x8000006F  }
0xc1: {  	_ =	swait.ge [sflag:s29], $0x1  }
0xc2: {  	[sflag:s29] =	ssyncadd.s32 $0xFFFFFFFF  }
0xc3: {  	_ =	strace $0x9000006F  }
0xc4: {  	_ =	sfence  }
0xc5: {  	s30 =	sld [smem:$0x0];
	_ =	sdelay $0x2  }
0xc6: {  	s31 =	sshll.u32 s1, $0xD;
	s1 =	sshrl.u32 s1, $0x2  }
0xc7: {  	s4 =	sand.u32 $0x4000, s31;
	s1 =	sadd.s32 s1, s30  }
0xc8: {  	s0 =	sor.u32 s4, s0;
	s1 =	sshll.u32 s1, $0x11  }
0xc9: {  	s0 =	sor.u32 s1, s0  }
0xca: {  	s0 =	sadd.s32 $0x8F2B, s0  }
0xcb: {  	[sflag:s0] =	ssyncadd.remote.s32 $0x1  }
0xcc: {  	_ =	sfence.sel $0xFFFF  }
0xcd: {  	[dreg:$0x0] =	wrdreg $0xFFFFFFFF;
	(pc) =	sbr.abs _section_cstart, $3  }
0xce: {  	[dreg:$0x1] =	wrdreg $0xFFFFFFFF  }
0xcf: {  	_ =	task.clear_ibuf [dreg:s22], $0x2FFFF;
	_ =	strace $0x9FFFFFFF  }
0xd0: {  	(tm) =	ssettm $0x7FFFFFFF  }
0xd1: {  	_ =	shalt  }
tec
execute0_lowered:
.L_overlay_start_1:
0x0: {  	(tag) =	ssettag $0x1  }
0x1: {  	s0 =	srdreg.scid  }
0x2: {  	s1 =	sshll.u32 s0, $0x4  }
0x3: {  	s0 =	stileid.u32;
	s1 =	sand.u32 $0x10, s1  }
0x4: {  	s1 =	sor.u32 s0, s1  }
0x5: {  	s2 =	smul.u32 $0x7, s1  }
0x6: {  	s3 =	smin.u32 s1, $0x1A  }
0x7: {  	s2 =	sadd.s32 s3, s2  }
0x8: {  	p0 =	slt.u32 s1, $0x1A;
	s1 =	simm.s32 $0xC80;
	s2 =	smul.u32 $0x190, s2  }
0x9: {  	s1 =	simm.s32 @!p0 $0xAF0  }
0xa: {  	s1 =	sadd.s32 s1, s2  }
0xb: {  	s3 =	smin.u32 s1, $0x186A0  }
0xc: {  	s7 =	ssub.s32 s3, s2  }
0xd: {  	p0 =	sgt.s32 s7, $0x0  }
0xe: {  	s7 =	simm.s32 @!p0 $0x0  }
0xf: {  	s31 =	smulhi.u32 $0x51EB851F, s7  }
0x10: {  	s9 =	rddreg [dreg:$0x0];
	s6 =	simm.s32 $0x1;
	s11 =	simm.s32 $0x3  }
0x11: {  	s13 =	simm.s32 $0x0;
	s12 =	simm.s32 $0x0;
	s8 =	sshrl.u32 s31, $0x7  }
0x12: {  	s4 =	sadd.s32 $0x2F200, s9;
	s5 =	sadd.s32 $0x28E00, s9;
	s10 =	smul.u32 $0x190, s8  }
.Ltmp0:
0x13: {  	s9 =	sadd.s32 $0x4D2A00, s9;
	s1 =	rddreg [dreg:$0x1];
	(pc) =	sbr.rel .LBB2_1-.Ltmp0, $4  }
0x14: {  	_ =	strace $0x8000006E;
	p0 =	sne.s32 s7, s10;
	s10 =	simm.s32 $0x1  }
0x15: {  	[sflag:s6] =	ssyncpa.u1 $0x0;
	s7 =	simm.s32 $0x2;
	s10 =	simm.s32 @!p0 $0x0  }
0x16: {  	[sflag:s7] =	ssyncpa.u1 $0x0;
	p0 =	por $0x0, $0x0;
	s8 =	sadd.s32 s10, s8  }
0x17: {  	vm0 =	vmmov $0xff;
	vm1 =	vcmask $0x3F20;
	[sflag:s11] =	ssyncpa.u1 $0x0;
	s11 =	smov.u32 s2;
	s10 =	sadd.s32 $0x1, s8  }
.LBB2_6:
0x18: {  	[hbm:s17] =	stream.linear.scatter [tilespmem:s14], [sflag:$0x3], $0x400, $0x38;
	[tilespmem:$0x19320] =	vst v63  }
.LBB2_7:
0x19: {  	s13 =	sadd.s32 $0x190, s11  }
0x1a: {  	s15 =	smov.u32 s2;
	p2 =	slt.s32 s13, s3  }
0x1b: {  	s15 =	smov.u32 @p2 s13;
	p2 =	sne.s32 s12, s10  }
.Ltmp1:
0x1c: {  	p1 =	slt.u32 s12, $0x2;
	(pc) =	sbr.rel @!p2 .LBB2_8-.Ltmp1, $4  }
0x1d: {  	s14 =	simm.s32 @!p1 $0x3  }
0x1e: {  	s16 =	sadd.s32 $0x1, s12;
	_ =	swait.ge @!p1 [sflag:s14], $0xC800  }
0x1f: {  	p0 =	por !p0, !p0;
	s13 =	smov.u32 s11;
	[sflag:s14] =	ssyncset.done @!p1 $0x0  }
0x20: {  	s12 =	smov.u32 s16;
	s11 =	smov.u32 s15;
	[sflag:s14] =	ssyncadd.s32 @!p1 $0xFFFF3800  }
.LBB2_1:
0x21: {  	p1 =	sge.u32 s12, s8  }
0x22: {  	s14 =	sxor.u32 @!p1 $0xFFFFFFFF, s12  }
0x23: {  	s14 =	sand.u32 @!p1 $0x1, s14  }
0x24: {  	s14 =	smul.u32 @!p1 $0x640, s14  }
0x25: {  	s31 =	sadd.s32 $0xFFFFFFFF, s12;
	s15 =	sshrl.u32 @!p1 s11, $0x3  }
0x26: {  	s16 =	sand.u32 @!p1 $0x7, s11;
	s15 =	sadd.s32 @!p1 s5, s15;
	s14 =	sshrl.u32 @!p1 s14, $0x2  }
0x27: {  	[tilespmem:s14], [sflag:$0x2] =	stream.linear.gather @!p1 [hbm4b:s15+s16], $0x190, $0x38;
	[tilespmem:$0x19320] =	vst v63  }
0x28: {  	p1 =	sge.u32 s31, s8  }
.Ltmp2:
0x29: {  	_ = 	snop;
	(pc) =	sbr.rel @p1 .LBB2_7-.Ltmp2, $1  }
0x2a: {  	_ =	sdelay $0x3  }
0x2b: {  	s14 =	simm.s32 $0x1  }
0x2c: {  	s14 =	simm.s32 @!p0 $0x0  }
0x2d: {  	s15 =	smul.u32 $0x640, s14  }
0x2e: {  	_ =	swait.ge [sflag:s7], $0x190  }
0x2f: {  	[sflag:s7] =	ssyncset.done $0x0;
	s16 =	sshrl.u32 s15, $0x2  }
0x30: {  	[sflag:s7] =	ssyncadd.s32 $0xFFFFFE70;
	s15 =	sadd.s32 $0x0, s16  }
0x31: {  	v0 =	vld.msk [tilespmem:s15+$0x0 ss:$0x1], $0xffff;
	_ =	sdelay $0x4  }
0x32: {  	vm2 =	vgt.s32 v0, $0x0  }
0x33: {  	v0 =	vnsel vm2, $0x0, v0  }
0x34: {  	v0 =	vmin.u32 v0, $0x1869F  }
0x35: {  	v0 =	vshll.u32 v0, $0x4  }
0x36: {  	s14 =	smul.u32 $0x32000, s14;
	_ =	sdelay $0x1  }
0x37: {  	s14 =	sshrl.u32 s14, $0x2  }
0x38: {  	s14 =	sor.u32 $0x320, s14  }
0x39: {  	[tilespmem:s14], [sflag:$0x1] =	stream.indirect_vreg.gather [hbm:s4], $0x80, v0, vm0, $0x38;
	[tilespmem:$0x19320] =	vst v63  }
0x3a: {  	s17 =	sadd.s32 $0x10, s16;
	s15 =	sadd.s32 $0x400, s14  }
0x3b: {  	[tilespmem:s15], [sflag:$0x1] =	stream.indirect_vreg.gather [hbm:s4], $0x80, v0, vm1, $0x38;
	[tilespmem:$0x19320] =	vst v63  }
0x3c: {  	s18 =	simm.s32 $0x80;
	v0 =	vld.msk [tilespmem:s17+$0x0 ss:$0x1], $0xffff;
	s17 =	smov.u32 s14  }
.LBB2_3:
0x3d: {  	p1 =	sne.s32 s18, $0x600;
	_ =	sdelay $0x4  }
0x3e: {  	vm2 =	vgt.s32 v0, $0x0  }
0x3f: {  	v0 =	vnsel vm2, $0x0, v0  }
0x40: {  	v0 =	vmin.u32 v0, $0x1869F  }
0x41: {  	v0 =	vshll.u32 v0, $0x4;
	_ =	sdelay $0x3  }
.Ltmp3:
0x42: {  	s19 =	sshra.s32 s18, $0x2;
	s17 =	sadd.s32 $0x800, s17;
	(pc) =	sbr.rel @p1 .LBB2_3-.Ltmp3, $4  }
0x43: {  	[tilespmem:s17], [sflag:$0x1] =	stream.indirect_vreg.gather [hbm:s4], $0x80, v0, vm0, $0x38;
	[tilespmem:$0x19320] =	vst v63  }
0x44: {  	s19 =	sadd.s32 s19, s16;
	s20 =	sadd.s32 $0x400, s17  }
0x45: {  	[tilespmem:s20], [sflag:$0x1] =	stream.indirect_vreg.gather [hbm:s4], $0x80, v0, vm1, $0x38;
	[tilespmem:$0x19320] =	vst v63  }
0x46: {  	s18 =	sadd.s32 $0x40, s18;
	v0 =	vld.msk [tilespmem:s19+$0x0 ss:$0x1], $0xffff  }
0x47: {  	_ =	sdelay $0x3  }
0x48: {  	vm2 =	vgt.s32 v0, $0x0  }
0x49: {  	v0 =	vnsel vm2, $0x0, v0  }
0x4a: {  	v0 =	vmin.u32 v0, $0x1869F  }
0x4b: {  	v0 =	vshll.u32 v0, $0x4;
	_ =	sdelay $0x3  }
0x4c: {  	s16 =	sadd.s32 $0x800, s17  }
0x4d: {  	[tilespmem:s16], [sflag:$0x1] =	stream.indirect_vreg.gather [hbm:s4], $0x80, v0, vm0, $0x38;
	[tilespmem:$0x19320] =	vst v63  }
0x4e: {  	s16 =	sadd.s32 $0x400, s16  }
0x4f: {  	[tilespmem:s16], [sflag:$0x1] =	stream.indirect_vreg.gather [hbm:s4], $0x80, v0, vm1, $0x38;
	[tilespmem:$0x19320] =	vst v63  }
0x50: {  	s13 =	sshll.u32 s13, $0x4;
	_ =	swait.ge [sflag:s6], $0xC800  }
0x51: {  	s13 =	sadd.s32 s13, s9;
	[sflag:s6] =	ssyncset.done $0x0  }
0x52: {  	s17 =	sadd.s32 $0x0, s13;
	s16 =	simm.s32 $0x80;
	[sflag:s6] =	ssyncadd.s32 $0xFFFF3800  }
.LBB2_5:
0x53: {  	[hbm:s17] =	stream.linear.scatter [tilespmem:s14], [sflag:$0x3], $0x400, $0x38;
	[tilespmem:$0x19320] =	vst v63  }
0x54: {  	s17 =	smov.u32 s16;
	s14 =	smov.u32 s15;
	p1 =	sne.s32 s16, $0x1880  }
.Ltmp4:
0x55: {  	s16 =	sadd.s32 $0x80, s16;
	(pc) =	sbr.rel @p1 .LBB2_5-.Ltmp4, $2  }
0x56: {  	_ =	sdelay $0x2  }
0x57: {  	s15 =	sadd.s32 $0x400, s15;
	s17 =	sadd.s32 s17, s13  }
.Ltmp5:
0x58: {  	_ = 	snop;
	(pc) =	sbr.rel .LBB2_6-.Ltmp5, $1  }
0x59: {  	_ =	sdelay $0x3  }
.LBB2_8:
0x5a: {  	_ =	sfence.sel $0x180000  }
0x5b: {  	s2 =	simm.s32 $0x2;
	[bflag:$0x0] =	sbarrier.arrive $0xFFFF  }
0x5c: {  	s30 =	simm.s32 $0x3;
	[sflag:s2] =	ssyncpa.u1 $0x1  }
0x5d: {  	s31 =	simm.s32 $0x1;
	[sflag:s30] =	ssyncpa.u1 $0x1  }
0x5e: {  	[sflag:s31] =	ssyncpa.u1 $0x1  }
0x5f: {  	p0 =	sne.s32 s0, $0x0;
	_ =	strace $0x9000006E  }
0x60: {  	s0 =	sadd.s32 @!p0 $0x100000, s1;
	[bflag:$0x2] =	sbarrier.arrive $0xFFFF  }
0x61: {  	[sflag:s0] =	ssyncadd.tile.s32 @!p0 $0x1;
	_ =	shalt  }
.Lfunc_end2:
_tile_overlayer_lowered:
.L_overlay_start_2:
0x62: {  	(tag) =	ssettag $0x2  }
0x63: {  	s0 =	rddreg [dreg:$0x0];
	s2 =	stileid.u32  }
0x64: {  	s1 =	rddreg [dreg:$0x1];
	p0 =	sne.s32 s2, $0x0  }
0x65: {  	s3 =	rddreg [dreg:$0x2];
	[bflag:$0x3] =	sbarrier.arrive $0xFFFF;
	s2 =	simm.s32 @!p0 $0x1C01  }
0x66: {  	[timem:s3], [sflag:s2] =	dma.local @!p0 [hbm:s0], s1  }
0x67: {  	s0 =	simm.s32 @!p0 $0x1  }
0x68: {  	_ =	swait.ge @!p0 [sflag:s0], s1  }
0x69: {  	s1 =	ssub.s32 @!p0 $0x0, s1;
	[sflag:s0] =	ssyncset.done @!p0 $0x0  }
0x6a: {  	[sflag:s0] =	ssyncadd.s32 @!p0 s1  }
0x6b: {  	[bflag:$0x3] =	sbarrier.arrive $0xFFFF  }
0x6c: {  	_ =	shalt  }

// kernel: gather_offload_async_start.8
scs
__scs_entry_jumppad:
0x0: {  	(pc) =	sbr.rel $0x88, $3  }
0x1: {  	(tag) =	ssettag $0x0;
	lr =	simm.s32 $0x1  }
0x2: {  	[smem:$0x3FA0] =	sst lr;
	_ =	strace $0xD0000000  }
0x3: {  	_ = 	snop  }
0x4: {  	_ = 	snop  }
0x5: {  	_ = 	snop  }
0x6: {  	_ = 	snop  }
0x7: {  	_ = 	snop  }
__scs_overlays_trampoline_lowered:
0x8: {  	[smem:$0x3FAF] =	sst s0  }
0x9: {  	[smem:$0x3FB0] =	sst s1  }
0xa: {  	[smem:$0x3FB1] =	sst s2  }
0xb: {  	[smem:$0x3FB2] =	sst s3  }
0xc: {  	[smem:$0x3FB3] =	sst s4  }
0xd: {  	[smem:$0x3FB4] =	sst s5  }
0xe: {  	[smem:$0x3FB5] =	sst s6  }
0xf: {  	[smem:$0x3FB6] =	sst s7  }
0x10: {  	[smem:$0x3FB7] =	sst s8  }
0x11: {  	[smem:$0x3FB8] =	sst s9;
	s0 =	simm.s32 @!p0 $0x0  }
0x12: {  	s1 =	sld [smem:$0x3F9E];
	s0 =	simm.s32 @p0 $0x1  }
0x13: {  	[smem:$0x3FB9] =	sst s0;
	s0 =	simm.s32 @!p1 $0x0  }
0x14: {  	s2 =	sld [smem:$0x3F9D];
	s0 =	simm.s32 @p1 $0x1  }
0x15: {  	[smem:$0x3FBA] =	sst s0;
	s0 =	simm.s32 @!p2 $0x0  }
0x16: {  	s3 =	sld [smem:$0x3FDB];
	s0 =	simm.s32 @p2 $0x1  }
0x17: {  	s4 =	simm.s32 $0x1BF5;
	[smem:$0x3FBC] =	sst s0  }
0x18: {  	s0 =	sld [smem:$0x3F9F];
	_ =	swait.ge [sflag:s4], $0x0  }
0x19: {  	s7 =	sld [smem:$0x3FA0]  }
0x1a: {  	s8 =	sadd.s32 $0xFFFFE003, lr  }
0x1b: {  	s9 =	sadd.s32 $0xFFFFFEF7, lr;
	s5 =	simm.s32 $0xFFFFFFFF;
	p2 =	slt.u32 s8, $0xFFFFF086  }
0x1c: {  	p1 =	slt.u32 s9, $0xF7A;
	s5 =	simm.s32 @!p2 $0x0  }
0x1d: {  	s5 =	simm.s32 @p1 $0x1;
	p0 =	seq.s32 s7, s2  }
0x1e: {  	s7 =	smul.u32 @!p0 $0xF7A, s2;
	p2 =	seq.s32 @!p0 s5, $0x0  }
0x1f: {  	s9 =	smul.u32 $0xF7A, s1;
	s8 =	simm.s32 @!p0 $0x1BF5;
	p2 =	por !p2, p0  }
0x20: {  	[sflag:s8] =	ssyncset.s32 @!p0 $0xFFFFF086;
	s6 =	sadd.s32 @!p0 s3, s7;
	s7 =	simm.s32 @!p0 $0x108  }
0x21: {  	s3 =	sadd.s32 s3, s9;
	s6 =	sadd.s32 @!p0 $0x88, s6;
	s7 =	simm.s32 @p2 $0x1082  }
0x22: {  	[simem:s7], [sflag:s8] =	dma.local @!p0 [hbm:s6], $0xF7A  }
0x23: {  	s9 =	sor.u32 $0xD0000000, s2;
	s6 =	simm.s32 $0x108;
	_ =	swait.ge @!p0 [sflag:s8], $0x0  }
0x24: {  	s3 =	sadd.s32 $0x88, s3;
	s6 =	simm.s32 @!p1 $0x1082;
	[sflag:s4] =	ssyncset.s32 $0xFFFFF086  }
0x25: {  	[simem:s6], [sflag:s4] =	dma.local [hbm:s3], $0xF7A  }
0x26: {  	[smem:$0x3FA0] =	sst s1;
	(tag) =	ssettag s2;
	_ =	strace s9  }
0x27: {  	s1 =	sld [smem:$0x3FB0]  }
0x28: {  	s2 =	sld [smem:$0x3FB1]  }
0x29: {  	s4 =	sld [smem:$0x3FB3]  }
0x2a: {  	p0 =	seq.s32 s5, $0x0;
	s5 =	sld [smem:$0x3FB4]  }
0x2b: {  	s6 =	sld [smem:$0x3FB5]  }
0x2c: {  	s7 =	sld [smem:$0x3FB6]  }
0x2d: {  	s3 =	simm.s32 $0x108;
	s8 =	sld [smem:$0x3FB7]  }
0x2e: {  	s3 =	simm.s32 @!p0 $0x1082;
	s9 =	sld [smem:$0x3FB8]  }
0x2f: {  	lr =	sadd.s32 s0, s3;
	s0 =	sld [smem:$0x3FAF]  }
0x30: {  	s3 =	sld [smem:$0x3FB2]  }
0x31: {  	[smem:$0x3FBB] =	sst s10  }
0x32: {  	s10 =	sld [smem:$0x3FB9];
	_ =	sdelay $0x3  }
0x33: {  	p0 =	seq.s32 s10, $0x1;
	s10 =	sld [smem:$0x3FBB];
	_ =	sdelay $0x3  }
0x34: {  	[smem:$0x3FBB] =	sst s10  }
0x35: {  	s10 =	sld [smem:$0x3FBA];
	_ =	sdelay $0x3  }
0x36: {  	p1 =	seq.s32 s10, $0x1;
	s10 =	sld [smem:$0x3FBB];
	_ =	sdelay $0x3  }
0x37: {  	[smem:$0x3FBB] =	sst s10  }
0x38: {  	s10 =	sld [smem:$0x3FBC]  }
0x39: {  	_ = 	snop;
	(pc) =	sbr.ind lr, $3  }
0x3a: {  	_ = 	snop  }
0x3b: {  	_ = 	snop  }
0x3c: {  	p2 =	seq.s32 s10, $0x1;
	s10 =	sld [smem:$0x3FBB]  }
0x3d: {  	_ =	shalt  }
0x3e: {  	_ =	shalt  }
0x3f: {  	_ =	shalt  }
0x40: {  	_ =	shalt  }
0x41: {  	_ =	shalt  }
0x42: {  	_ =	shalt  }
0x43: {  	_ =	shalt  }
0x44: {  	_ =	shalt  }
0x45: {  	_ =	shalt  }
0x46: {  	_ =	shalt  }
0x47: {  	_ =	shalt  }
0x48: {  	_ =	shalt  }
0x49: {  	_ =	shalt  }
0x4a: {  	_ =	shalt  }
0x4b: {  	_ =	shalt  }
0x4c: {  	_ =	shalt  }
0x4d: {  	_ =	shalt  }
0x4e: {  	_ =	shalt  }
0x4f: {  	_ =	shalt  }
0x50: {  	_ =	shalt  }
0x51: {  	_ =	shalt  }
0x52: {  	_ =	shalt  }
0x53: {  	_ =	shalt  }
0x54: {  	_ =	shalt  }
0x55: {  	_ =	shalt  }
0x56: {  	_ =	shalt  }
0x57: {  	_ =	shalt  }
0x58: {  	_ =	shalt  }
0x59: {  	_ =	shalt  }
0x5a: {  	_ =	shalt  }
0x5b: {  	_ =	shalt  }
0x5c: {  	_ =	shalt  }
0x5d: {  	_ =	shalt  }
0x5e: {  	_ =	shalt  }
0x5f: {  	_ =	shalt  }
0x60: {  	_ =	shalt  }
0x61: {  	_ =	shalt  }
0x62: {  	_ =	shalt  }
0x63: {  	_ =	shalt  }
0x64: {  	_ =	shalt  }
0x65: {  	_ =	shalt  }
0x66: {  	_ =	shalt  }
0x67: {  	_ =	shalt  }
0x68: {  	_ =	shalt  }
0x69: {  	_ =	shalt  }
0x6a: {  	_ =	shalt  }
0x6b: {  	_ =	shalt  }
0x6c: {  	_ =	shalt  }
0x6d: {  	_ =	shalt  }
0x6e: {  	_ =	shalt  }
0x6f: {  	_ =	shalt  }
0x70: {  	_ =	shalt  }
0x71: {  	_ =	shalt  }
0x72: {  	_ =	shalt  }
0x73: {  	_ =	shalt  }
0x74: {  	_ =	shalt  }
0x75: {  	_ =	shalt  }
0x76: {  	_ =	shalt  }
0x77: {  	_ =	shalt  }
0x78: {  	_ =	shalt  }
0x79: {  	_ =	shalt  }
0x7a: {  	_ =	shalt  }
0x7b: {  	_ =	shalt  }
0x7c: {  	_ =	shalt  }
0x7d: {  	_ =	shalt  }
0x7e: {  	_ =	shalt  }
0x7f: {  	_ =	shalt  }
0x80: {  	_ =	shalt  }
0x81: {  	_ =	shalt  }
0x82: {  	_ =	shalt  }
0x83: {  	_ =	shalt  }
0x84: {  	_ =	shalt  }
0x85: {  	_ =	shalt  }
0x86: {  	_ =	shalt  }
0x87: {  	_ =	shalt  }
.Lfunc_end0:
.L_simem_size_0:
called_computation.12_lowered:
.L_overlay_start_0:
0x88: {  	s2 =	sld [smem:$0x3FD9]  }
0x89: {  	s3 =	sld [smem:$0x3FFE];
	_ =	sdelay $0x1  }
0x8a: {  	s1 =	srdreg.scid  }
0x8b: {  	s0 =	sand.u32 $0x1, s1  }
0x8c: {  	s16 =	sshll.u32 s0, $0xA;
	s2 =	sadd.s32 s3, s2  }
0x8d: {  	s2 =	sadd.s32 s2, s16  }
0x8e: {  	[smem:$0x3FC7] =	sst s2  }
0x8f: {  	_ = 	snop  }
0x90: {  	(tm) =	ssettm $0x1  }
0x91: {  	s17 =	sld [smem:$0x3FFB];
	_ =	sdelay $0x3  }
0x92: {  	_ =	strace s17  }
0x93: {  	s2 =	sld [smem:$0x3FFC];
	_ =	sdelay $0x3  }
0x94: {  	_ =	strace s2  }
0x95: {  	s2 =	sld [smem:$0x3FFD];
	_ =	sdelay $0x3  }
0x96: {  	_ =	strace s2  }
0x97: {  	_ =	strace $0x8FFFFFFF  }
0x98: {  	s18 =	sld [smem:$0x3FDB];
	_ =	sdelay $0x1  }
0x99: {  	s19 =	simm.s32 $_scs_section_size  }
0x9a: {  	s4 =	simm.s32 $_size__tile_overlayer_lowered;
	s5 =	simm.s32 $_tile_overlayer_lowered  }
0x9b: {  	s22 =	simm.s32 $0x1BFF;
	s21 =	sshll.u32 s5, $0x1;
	s2 =	sadd.s32 s19, s18  }
0x9c: {  	s6 =	simm.s32 $0x0;
	s20 =	sshll.u32 s4, $0x1;
	s4 =	sadd.s32 s21, s2  }
0x9d: {  	[timem:s6], [sflag:s22] =	dma.local [hbm:s4], s20  }
0x9e: {  	_ =	swait.ge [sflag:s22], s20  }
0x9f: {  	s3 =	ssub.s32 $0x0, s20;
	[sflag:s22] =	ssyncset.done $0x0  }
0xa0: {  	[sflag:s22] =	ssyncadd.s32 s3;
	_ =	sdelay $0x1  }
0xa1: {  	s23 =	simm.s32 $0x1B8B  }
0xa2: {  	_ =	swait.ge [sflag:s23], $0x1  }
0xa3: {  	[sflag:s23] =	ssyncset.done $0x0  }
0xa4: {  	s25 =	simm.s32 $0x1B8E;
	s24 =	sld [smem:$0x3FFE];
	[sflag:s23] =	ssyncadd.s32 $0xFFFFFFFF  }
0xa5: {  	s26 =	simm.s32 $execute0_lowered;
	[smem:$0x3FD2] =	sst s25  }
0xa6: {  	s4 =	sshll.u32 s26, $0x1;
	_ =	strace $0x8000004C;
	[dreg:$0x1] =	wrdreg $0xFFFFFFFF  }
0xa7: {  	s28 =	simm.s32 $_size_execute0_lowered;
	s2 =	sadd.s32 s2, s4;
	[dreg:$0x0] =	wrdreg $0x0  }
0xa8: {  	s4 =	sshll.u32 s28, $0x1;
	[dreg:$0x2] =	wrdreg s2  }
0xa9: {  	[dreg:$0x3] =	wrdreg s4  }
0xaa: {  	[dreg:$0x4] =	wrdreg $0xC0  }
0xab: {  	_ =	task [dreg:s6], $0x5FFFF  }
0xac: {  	[dreg:$0x1] =	wrdreg $0xFFFFFFFF  }
0xad: {  	[dreg:$0x0] =	wrdreg $0x60  }
0xae: {  	[dreg:$0x2] =	wrdreg s24  }
0xaf: {  	[dreg:$0x3] =	wrdreg $0x9  }
0xb0: {  	_ =	task.clear_ibuf [dreg:s6], $0x4FFFF;
	_ =	strace $0x9000004C  }
0xb1: {  	s29 =	simm.s32 $0x9;
	_ =	strace $0x8000004E  }
0xb2: {  	_ =	swait.ge [sflag:s29], $0x1  }
0xb3: {  	[sflag:s29] =	ssyncadd.s32 $0xFFFFFFFF  }
0xb4: {  	_ =	strace $0x9000004E  }
0xb5: {  	_ =	sfence  }
0xb6: {  	s30 =	sld [smem:$0x0];
	_ =	sdelay $0x2  }
0xb7: {  	s31 =	sshll.u32 s1, $0xD;
	s1 =	sshrl.u32 s1, $0x2  }
0xb8: {  	s3 =	sand.u32 $0x4000, s31;
	s1 =	sadd.s32 s1, s30  }
0xb9: {  	s0 =	sor.u32 s3, s0;
	s1 =	sshll.u32 s1, $0x11  }
0xba: {  	s0 =	sor.u32 s1, s0  }
0xbb: {  	s0 =	sadd.s32 $0x8F2B, s0  }
0xbc: {  	[sflag:s0] =	ssyncadd.remote.s32 $0x1  }
0xbd: {  	_ =	sfence.sel $0xFFFF  }
0xbe: {  	[dreg:$0x0] =	wrdreg $0xFFFFFFFF;
	(pc) =	sbr.abs _section_cstart, $3  }
0xbf: {  	[dreg:$0x1] =	wrdreg $0xFFFFFFFF  }
0xc0: {  	_ =	task.clear_ibuf [dreg:s6], $0x2FFFF;
	_ =	strace $0x9FFFFFFF  }
0xc1: {  	(tm) =	ssettm $0x7FFFFFFF  }
tec
execute0_lowered:
.L_overlay_start_1:
0x0: {  	(tag) =	ssettag $0x1  }
0x1: {  	s8 =	rddreg [dreg:$0x0]  }
0x2: {  	s0 =	rddreg [dreg:$0x1];
	_ =	strace $0x8000004D;
	s1 =	stileid.u32  }
0x3: {  	s3 =	srdreg.scid;
	s4 =	simm.s32 $0x1;
	s7 =	simm.s32 $0x1  }
0x4: {  	s9 =	simm.s32 $0x1;
	s10 =	simm.s32 $0x3;
	s13 =	simm.s32 $0x0  }
0x5: {  	s12 =	simm.s32 $0x0;
	s5 =	sand.u32 $0x1, s3;
	s6 =	sshll.u32 s1, $0x1  }
0x6: {  	s2 =	sadd.s32 $0x1F800, s8;
	s3 =	sadd.s32 $0x25C00, s8;
	s5 =	sor.u32 s6, s5  }
.Ltmp0:
0x7: {  	[sflag:s4] =	ssyncpa.u1 $0x0;
	p0 =	slt.u32 s5, $0x13;
	(pc) =	sbr.rel .LBB2_1-.Ltmp0, $4  }
0x8: {  	s6 =	simm.s32 $0x2;
	s7 =	simm.s32 @!p0 $0x0;
	p0 =	sne.s32 s5, $0x12  }
0x9: {  	[sflag:s6] =	ssyncpa.u1 $0x0;
	s5 =	smul.u32 $0x7D0, s5;
	s9 =	simm.s32 @!p0 $0x0  }
0xa: {  	s8 =	sadd.s32 $0x345C00, s8;
	[sflag:s10] =	ssyncpa.u1 $0x0;
	s7 =	sadd.s32 s9, s7  }
0xb: {  	vm0 =	vmmov $0xffff;
	s10 =	simm.s32 $0x0;
	s11 =	smov.u32 s5;
	s9 =	sadd.s32 $0x1, s7  }
.LBB2_4:
0xc: {  	v2 =	vnsel vm1, $0x0, v2  }
0xd: {  	vm1 =	vgt.s32 v0, $0x0;
	v2 =	vmin.u32 v2, $0x1869F  }
0xe: {  	v0 =	vnsel vm1, $0x0, v0  }
0xf: {  	v0 =	vmin.u32 v0, $0x1869F  }
0x10: {  	[tilespmem:s18], [sflag:$0x1] =	stream.indirect_vreg.gather [hbm4b:s2+s10], $0x1, v1, vm0, $0x4038;
	[tilespmem:$0x1F40] =	vst v63  }
0x11: {  	(ifvalue) =	ssetifvalue $0x7FFFFFFF  }
0x12: {  	[tilespmem:s15], [sflag:$0x1] =	stream.indirect_vreg.gather [hbm4b:s2+s10], $0x1, v2, vm0, $0x4038;
	[tilespmem:$0x1F40] =	vst v63  }
0x13: {  	s29 =	sadd.s32 $0x10, s15;
	(ifvalue) =	ssetifvalue $0x7FFFFFFF  }
0x14: {  	[tilespmem:s29], [sflag:$0x1] =	stream.indirect_vreg.gather [hbm4b:s2+s10], $0x1, v0, vm0, $0x4038;
	[tilespmem:$0x1F40] =	vst v63  }
0x15: {  	_ =	swait.ge [sflag:s4], $0x7D0  }
0x16: {  	s30 =	sshrl.u32 s13, $0x3;
	[sflag:s4] =	ssyncset.done $0x0  }
0x17: {  	s31 =	sand.u32 $0x7, s13;
	s15 =	sadd.s32 s8, s30;
	[sflag:s4] =	ssyncadd.s32 $0xFFFFF830  }
0x18: {  	[hbm4b:s15+s31] =	stream.linear.scatter [tilespmem:s14], [sflag:$0x3], $0x7D0, $0x38;
	[tilespmem:$0x1F40] =	vst v63  }
.LBB2_5:
0x19: {  	s15 =	sadd.s32 $0xFA00, s11  }
0x1a: {  	p1 =	sgt.s32 s15, $0x1869F  }
0x1b: {  	s15 =	smov.u32 @p1 s5;
	p1 =	sne.s32 s12, s9  }
.Ltmp1:
0x1c: {  	p0 =	slt.u32 s12, $0x2;
	(pc) =	sbr.rel @!p1 .LBB2_6-.Ltmp1, $4  }
0x1d: {  	s14 =	simm.s32 @!p0 $0x3  }
0x1e: {  	_ =	swait.ge @!p0 [sflag:s14], $0x7D0  }
0x1f: {  	s16 =	sadd.s32 $0x1, s12;
	s13 =	smov.u32 s11;
	[sflag:s14] =	ssyncset.done @!p0 $0x0  }
0x20: {  	s12 =	smov.u32 s16;
	s11 =	smov.u32 s15;
	[sflag:s14] =	ssyncadd.s32 @!p0 $0xFFFFF830  }
.LBB2_1:
0x21: {  	p0 =	sge.u32 s12, s7  }
0x22: {  	s14 =	sxor.u32 @!p0 $0x1, s12  }
0x23: {  	s14 =	smul.u32 @!p0 $0x1F40, s14  }
0x24: {  	s31 =	sadd.s32 $0xFFFFFFFF, s12;
	s15 =	sshrl.u32 @!p0 s11, $0x3  }
0x25: {  	s16 =	sand.u32 @!p0 $0x7, s11;
	s15 =	sadd.s32 @!p0 s3, s15;
	s14 =	sshra.s32 @!p0 s14, $0x2  }
0x26: {  	[tilespmem:s14], [sflag:$0x2] =	stream.linear.gather @!p0 [hbm4b:s15+s16], $0x7D0, $0x38;
	[tilespmem:$0x1F40] =	vst v63  }
0x27: {  	p0 =	sge.u32 s31, s7  }
.Ltmp2:
0x28: {  	_ = 	snop;
	(pc) =	sbr.rel @p0 .LBB2_5-.Ltmp2, $1  }
0x29: {  	_ =	sdelay $0x3  }
0x2a: {  	s14 =	sand.u32 $0x1, s12  }
0x2b: {  	_ =	swait.ge [sflag:s6], $0x7D0;
	p0 =	seq.s32 s14, $0x1;
	s14 =	simm.s32 $0x7D0  }
0x2c: {  	[sflag:s6] =	ssyncset.done $0x0;
	s14 =	simm.s32 @!p0 $0x0  }
0x2d: {  	[sflag:s6] =	ssyncadd.s32 $0xFFFFF830;
	(ifvalue) =	ssetifvalue $0x7FFFFFFF;
	v0 =	vld.msk [tilespmem:s14+$0x0 ss:$0x1], $0xffff;
	_ =	sdelay $0x4  }
0x2e: {  	s15 =	sadd.s32 $0x10, s14;
	vm1 =	vgt.s32 v0, $0x0  }
0x2f: {  	v2 =	vld.msk [tilespmem:s15+$0x0 ss:$0x1], $0xffff;
	v1 =	vnsel vm1, $0x0, v0  }
0x30: {  	v1 =	vmin.u32 v1, $0x1869F;
	_ =	sdelay $0x2  }
0x31: {  	s17 =	simm.s32 $0x20;
	s14 =	sadd.s32 $0xFA0, s14;
	s16 =	sadd.s32 $0x10, s15  }
0x32: {  	s15 =	sadd.s32 $0x10, s14;
	s18 =	smov.u32 s14;
	v0 =	vld.msk [tilespmem:s16+$0x0 ss:$0x1], $0xffff;
	vm1 =	vgt.s32 v2, $0x0;
	(ifvalue) =	ssetifvalue $0x7FFFFFFF  }
.LBB2_3:
0x33: {  	[tilespmem:s18], [sflag:$0x1] =	stream.indirect_vreg.gather [hbm4b:s2+s10], $0x1, v1, vm0, $0x4038;
	[tilespmem:$0x1F40] =	vst v63  }
0x34: {  	s17 =	sadd.s32 $0x10, s17  }
0x35: {  	v2 =	vnsel vm1, $0x0, v2;
	p0 =	slt.u32 s17, $0x7C0  }
.Ltmp3:
0x36: {  	s18 =	smov.u32 s15;
	v1 =	vmin.u32 v2, $0x1869F;
	(pc) =	sbr.rel @p0 .LBB2_3-.Ltmp3, $3  }
0x37: {  	_ =	sdelay $0x1  }
0x38: {  	s16 =	sadd.s32 $0x10, s16  }
0x39: {  	vm1 =	vgt.s32 v0, $0x0;
	s15 =	sadd.s32 $0x10, s15;
	v2 =	vmov v0;
	(ifvalue) =	ssetifvalue $0x7FFFFFFF;
	v0 =	vld.msk [tilespmem:s16+$0x0 ss:$0x1], $0xffff  }
.Ltmp4:
0x3a: {  	_ = 	snop;
	(pc) =	sbr.rel .LBB2_4-.Ltmp4, $1  }
0x3b: {  	_ =	sdelay $0x3  }
.LBB2_6:
0x3c: {  	_ =	sfence.sel $0x180000  }
0x3d: {  	s2 =	simm.s32 $0x2;
	[bflag:$0x0] =	sbarrier.arrive $0xFFFF  }
0x3e: {  	s30 =	simm.s32 $0x3;
	[sflag:s2] =	ssyncpa.u1 $0x1  }
0x3f: {  	s31 =	simm.s32 $0x1;
	[sflag:s30] =	ssyncpa.u1 $0x1  }
0x40: {  	[sflag:s31] =	ssyncpa.u1 $0x1  }
0x41: {  	p0 =	sne.s32 s1, $0x0;
	_ =	strace $0x9000004D  }
0x42: {  	s0 =	sadd.s32 @!p0 $0x100000, s0;
	[bflag:$0x2] =	sbarrier.arrive $0xFFFF  }
0x43: {  	[sflag:s0] =	ssyncadd.tile.s32 @!p0 $0x1;
	_ =	shalt  }
.Lfunc_end2:
_tile_overlayer_lowered:
.L_overlay_start_2:
0x44: {  	(tag) =	ssettag $0x2  }
0x45: {  	s0 =	rddreg [dreg:$0x0];
	s2 =	stileid.u32  }
0x46: {  	s1 =	rddreg [dreg:$0x1];
	p0 =	sne.s32 s2, $0x0  }
0x47: {  	s3 =	rddreg [dreg:$0x2];
	[bflag:$0x3] =	sbarrier.arrive $0xFFFF;
	s2 =	simm.s32 @!p0 $0x1C01  }
0x48: {  	[timem:s3], [sflag:s2] =	dma.local @!p0 [hbm:s0], s1  }
0x49: {  	s0 =	simm.s32 @!p0 $0x1  }
0x4a: {  	_ =	swait.ge @!p0 [sflag:s0], s1  }
0x4b: {  	s1 =	ssub.s32 @!p0 $0x0, s1;
	[sflag:s0] =	ssyncset.done @!p0 $0x0  }
0x4c: {  	[sflag:s0] =	ssyncadd.s32 @!p0 s1  }
0x4d: {  	[bflag:$0x3] =	sbarrier.arrive $0xFFFF  }
0x4e: {  	_ =	shalt  }

// kernel: gather_offload_async_start.9
scs
__scs_entry_jumppad:
0x0: {  	(pc) =	sbr.rel $0x88, $3  }
0x1: {  	(tag) =	ssettag $0x0;
	lr =	simm.s32 $0x1  }
0x2: {  	[smem:$0x3FA0] =	sst lr;
	_ =	strace $0xD0000000  }
0x3: {  	_ = 	snop  }
0x4: {  	_ = 	snop  }
0x5: {  	_ = 	snop  }
0x6: {  	_ = 	snop  }
0x7: {  	_ = 	snop  }
__scs_overlays_trampoline_lowered:
0x8: {  	[smem:$0x3FAF] =	sst s0  }
0x9: {  	[smem:$0x3FB0] =	sst s1  }
0xa: {  	[smem:$0x3FB1] =	sst s2  }
0xb: {  	[smem:$0x3FB2] =	sst s3  }
0xc: {  	[smem:$0x3FB3] =	sst s4  }
0xd: {  	[smem:$0x3FB4] =	sst s5  }
0xe: {  	[smem:$0x3FB5] =	sst s6  }
0xf: {  	[smem:$0x3FB6] =	sst s7  }
0x10: {  	[smem:$0x3FB7] =	sst s8  }
0x11: {  	[smem:$0x3FB8] =	sst s9;
	s0 =	simm.s32 @!p0 $0x0  }
0x12: {  	s1 =	sld [smem:$0x3F9E];
	s0 =	simm.s32 @p0 $0x1  }
0x13: {  	[smem:$0x3FB9] =	sst s0;
	s0 =	simm.s32 @!p1 $0x0  }
0x14: {  	s2 =	sld [smem:$0x3F9D];
	s0 =	simm.s32 @p1 $0x1  }
0x15: {  	[smem:$0x3FBA] =	sst s0;
	s0 =	simm.s32 @!p2 $0x0  }
0x16: {  	s3 =	sld [smem:$0x3FDB];
	s0 =	simm.s32 @p2 $0x1  }
0x17: {  	s4 =	simm.s32 $0x1BF5;
	[smem:$0x3FBC] =	sst s0  }
0x18: {  	s0 =	sld [smem:$0x3F9F];
	_ =	swait.ge [sflag:s4], $0x0  }
0x19: {  	s7 =	sld [smem:$0x3FA0]  }
0x1a: {  	s8 =	sadd.s32 $0xFFFFE003, lr  }
0x1b: {  	s9 =	sadd.s32 $0xFFFFFEF7, lr;
	s5 =	simm.s32 $0xFFFFFFFF;
	p2 =	slt.u32 s8, $0xFFFFF086  }
0x1c: {  	p1 =	slt.u32 s9, $0xF7A;
	s5 =	simm.s32 @!p2 $0x0  }
0x1d: {  	s5 =	simm.s32 @p1 $0x1;
	p0 =	seq.s32 s7, s2  }
0x1e: {  	s7 =	smul.u32 @!p0 $0xF7A, s2;
	p2 =	seq.s32 @!p0 s5, $0x0  }
0x1f: {  	s9 =	smul.u32 $0xF7A, s1;
	s8 =	simm.s32 @!p0 $0x1BF5;
	p2 =	por !p2, p0  }
0x20: {  	[sflag:s8] =	ssyncset.s32 @!p0 $0xFFFFF086;
	s6 =	sadd.s32 @!p0 s3, s7;
	s7 =	simm.s32 @!p0 $0x108  }
0x21: {  	s3 =	sadd.s32 s3, s9;
	s6 =	sadd.s32 @!p0 $0x88, s6;
	s7 =	simm.s32 @p2 $0x1082  }
0x22: {  	[simem:s7], [sflag:s8] =	dma.local @!p0 [hbm:s6], $0xF7A  }
0x23: {  	s9 =	sor.u32 $0xD0000000, s2;
	s6 =	simm.s32 $0x108;
	_ =	swait.ge @!p0 [sflag:s8], $0x0  }
0x24: {  	s3 =	sadd.s32 $0x88, s3;
	s6 =	simm.s32 @!p1 $0x1082;
	[sflag:s4] =	ssyncset.s32 $0xFFFFF086  }
0x25: {  	[simem:s6], [sflag:s4] =	dma.local [hbm:s3], $0xF7A  }
0x26: {  	[smem:$0x3FA0] =	sst s1;
	(tag) =	ssettag s2;
	_ =	strace s9  }
0x27: {  	s1 =	sld [smem:$0x3FB0]  }
0x28: {  	s2 =	sld [smem:$0x3FB1]  }
0x29: {  	s4 =	sld [smem:$0x3FB3]  }
0x2a: {  	p0 =	seq.s32 s5, $0x0;
	s5 =	sld [smem:$0x3FB4]  }
0x2b: {  	s6 =	sld [smem:$0x3FB5]  }
0x2c: {  	s7 =	sld [smem:$0x3FB6]  }
0x2d: {  	s3 =	simm.s32 $0x108;
	s8 =	sld [smem:$0x3FB7]  }
0x2e: {  	s3 =	simm.s32 @!p0 $0x1082;
	s9 =	sld [smem:$0x3FB8]  }
0x2f: {  	lr =	sadd.s32 s0, s3;
	s0 =	sld [smem:$0x3FAF]  }
0x30: {  	s3 =	sld [smem:$0x3FB2]  }
0x31: {  	[smem:$0x3FBB] =	sst s10  }
0x32: {  	s10 =	sld [smem:$0x3FB9];
	_ =	sdelay $0x3  }
0x33: {  	p0 =	seq.s32 s10, $0x1;
	s10 =	sld [smem:$0x3FBB];
	_ =	sdelay $0x3  }
0x34: {  	[smem:$0x3FBB] =	sst s10  }
0x35: {  	s10 =	sld [smem:$0x3FBA];
	_ =	sdelay $0x3  }
0x36: {  	p1 =	seq.s32 s10, $0x1;
	s10 =	sld [smem:$0x3FBB];
	_ =	sdelay $0x3  }
0x37: {  	[smem:$0x3FBB] =	sst s10  }
0x38: {  	s10 =	sld [smem:$0x3FBC]  }
0x39: {  	_ = 	snop;
	(pc) =	sbr.ind lr, $3  }
0x3a: {  	_ = 	snop  }
0x3b: {  	_ = 	snop  }
0x3c: {  	p2 =	seq.s32 s10, $0x1;
	s10 =	sld [smem:$0x3FBB]  }
0x3d: {  	_ =	shalt  }
0x3e: {  	_ =	shalt  }
0x3f: {  	_ =	shalt  }
0x40: {  	_ =	shalt  }
0x41: {  	_ =	shalt  }
0x42: {  	_ =	shalt  }
0x43: {  	_ =	shalt  }
0x44: {  	_ =	shalt  }
0x45: {  	_ =	shalt  }
0x46: {  	_ =	shalt  }
0x47: {  	_ =	shalt  }
0x48: {  	_ =	shalt  }
0x49: {  	_ =	shalt  }
0x4a: {  	_ =	shalt  }
0x4b: {  	_ =	shalt  }
0x4c: {  	_ =	shalt  }
0x4d: {  	_ =	shalt  }
0x4e: {  	_ =	shalt  }
0x4f: {  	_ =	shalt  }
0x50: {  	_ =	shalt  }
0x51: {  	_ =	shalt  }
0x52: {  	_ =	shalt  }
0x53: {  	_ =	shalt  }
0x54: {  	_ =	shalt  }
0x55: {  	_ =	shalt  }
0x56: {  	_ =	shalt  }
0x57: {  	_ =	shalt  }
0x58: {  	_ =	shalt  }
0x59: {  	_ =	shalt  }
0x5a: {  	_ =	shalt  }
0x5b: {  	_ =	shalt  }
0x5c: {  	_ =	shalt  }
0x5d: {  	_ =	shalt  }
0x5e: {  	_ =	shalt  }
0x5f: {  	_ =	shalt  }
0x60: {  	_ =	shalt  }
0x61: {  	_ =	shalt  }
0x62: {  	_ =	shalt  }
0x63: {  	_ =	shalt  }
0x64: {  	_ =	shalt  }
0x65: {  	_ =	shalt  }
0x66: {  	_ =	shalt  }
0x67: {  	_ =	shalt  }
0x68: {  	_ =	shalt  }
0x69: {  	_ =	shalt  }
0x6a: {  	_ =	shalt  }
0x6b: {  	_ =	shalt  }
0x6c: {  	_ =	shalt  }
0x6d: {  	_ =	shalt  }
0x6e: {  	_ =	shalt  }
0x6f: {  	_ =	shalt  }
0x70: {  	_ =	shalt  }
0x71: {  	_ =	shalt  }
0x72: {  	_ =	shalt  }
0x73: {  	_ =	shalt  }
0x74: {  	_ =	shalt  }
0x75: {  	_ =	shalt  }
0x76: {  	_ =	shalt  }
0x77: {  	_ =	shalt  }
0x78: {  	_ =	shalt  }
0x79: {  	_ =	shalt  }
0x7a: {  	_ =	shalt  }
0x7b: {  	_ =	shalt  }
0x7c: {  	_ =	shalt  }
0x7d: {  	_ =	shalt  }
0x7e: {  	_ =	shalt  }
0x7f: {  	_ =	shalt  }
0x80: {  	_ =	shalt  }
0x81: {  	_ =	shalt  }
0x82: {  	_ =	shalt  }
0x83: {  	_ =	shalt  }
0x84: {  	_ =	shalt  }
0x85: {  	_ =	shalt  }
0x86: {  	_ =	shalt  }
0x87: {  	_ =	shalt  }
.Lfunc_end0:
.L_simem_size_0:
called_computation.13_lowered:
.L_overlay_start_0:
0x88: {  	s2 =	sld [smem:$0x3FD9]  }
0x89: {  	s3 =	sld [smem:$0x3FFE];
	_ =	sdelay $0x1  }
0x8a: {  	s1 =	srdreg.scid  }
0x8b: {  	s0 =	sand.u32 $0x1, s1  }
0x8c: {  	s17 =	sshll.u32 s0, $0xA;
	s2 =	sadd.s32 s3, s2  }
0x8d: {  	s2 =	sadd.s32 s2, s17  }
0x8e: {  	[smem:$0x3FC7] =	sst s2  }
0x8f: {  	_ = 	snop  }
0x90: {  	(tm) =	ssettm $0x1  }
0x91: {  	s18 =	sld [smem:$0x3FFB];
	_ =	sdelay $0x3  }
0x92: {  	_ =	strace s18  }
0x93: {  	s2 =	sld [smem:$0x3FFC];
	_ =	sdelay $0x3  }
0x94: {  	_ =	strace s2  }
0x95: {  	s2 =	sld [smem:$0x3FFD];
	_ =	sdelay $0x3  }
0x96: {  	_ =	strace s2  }
0x97: {  	_ =	strace $0x8FFFFFFF  }
0x98: {  	s19 =	sld [smem:$0x3FDB];
	_ =	sdelay $0x1  }
0x99: {  	s20 =	simm.s32 $_scs_section_size  }
0x9a: {  	s4 =	simm.s32 $_size__tile_overlayer_lowered;
	s5 =	simm.s32 $_tile_overlayer_lowered  }
0x9b: {  	s6 =	simm.s32 $0x1BFF;
	s21 =	sshll.u32 s5, $0x1;
	s3 =	sadd.s32 s20, s19  }
0x9c: {  	s22 =	simm.s32 $0x0;
	s4 =	sshll.u32 s4, $0x1;
	s5 =	sadd.s32 s21, s3  }
0x9d: {  	[timem:s22], [sflag:s6] =	dma.local [hbm:s5], s4  }
0x9e: {  	_ =	swait.ge [sflag:s6], s4  }
0x9f: {  	s4 =	ssub.s32 $0x0, s4;
	[sflag:s6] =	ssyncset.done $0x0  }
0xa0: {  	[sflag:s6] =	ssyncadd.s32 s4;
	_ =	sdelay $0x1  }
0xa1: {  	s23 =	simm.s32 $0x1B8B  }
0xa2: {  	_ =	swait.ge [sflag:s23], $0x1  }
0xa3: {  	[sflag:s23] =	ssyncset.done $0x0  }
0xa4: {  	[sflag:s23] =	ssyncadd.s32 $0xFFFFFFFF  }
0xa5: {  	s4 =	sld [smem:$0x0]  }
0xa6: {  	s5 =	sand.u32 $0xFFFFFFFE, s1  }
0xa7: {  	p0 =	sne.s32 s1, s5  }
0xa8: {  	s5 =	sshll.u32 @p0 s5, $0xE  }
0xa9: {  	s5 =	sadd.s32 @p0 $0x11B8D, s5;
	s6 =	sshll.u32 @p0 s4, $0x11  }
0xaa: {  	s5 =	sor.u32 @p0 s6, s5  }
0xab: {  	[sflag:s5] =	ssyncadd.remote.s32 @p0 $0x1;
	_ =	sdelay $0x1  }
0xac: {  	s5 =	simm.s32 @p0 $0x1B8D  }
0xad: {  	_ =	swait.eq @p0 [sflag:s5], $0x1  }
0xae: {  	[sflag:s5] =	ssyncadd.s32 @p0 $0xFFFFFFFF  }
0xaf: {  	s6 =	sshll.u32 @!p0 s1, $0xE  }
0xb0: {  	s6 =	sor.u32 @!p0 $0x4000, s6;
	s5 =	simm.s32 @!p0 $0x1B8D  }
0xb1: {  	s4 =	sshll.u32 @!p0 s4, $0x11;
	s6 =	sadd.s32 @!p0 $0x11B8D, s6;
	_ =	swait.eq @!p0 [sflag:s5], $0x1  }
0xb2: {  	s4 =	sor.u32 @!p0 s4, s6;
	[sflag:s5] =	ssyncadd.s32 @!p0 $0xFFFFFFFF  }
0xb3: {  	s25 =	simm.s32 $0x1B8E;
	s24 =	sld [smem:$0x3FFE];
	[sflag:s4] =	ssyncadd.remote.s32 @!p0 $0x1  }
0xb4: {  	s26 =	simm.s32 $execute0_lowered;
	[smem:$0x3FD2] =	sst s25  }
0xb5: {  	s5 =	sshll.u32 s26, $0x1;
	_ =	strace $0x80000073;
	[dreg:$0x1] =	wrdreg $0xFFFFFFFF  }
0xb6: {  	s28 =	simm.s32 $_size_execute0_lowered;
	s3 =	sadd.s32 s3, s5;
	[dreg:$0x0] =	wrdreg $0x0  }
0xb7: {  	s5 =	sshll.u32 s28, $0x1;
	[dreg:$0x2] =	wrdreg s3  }
0xb8: {  	[dreg:$0x3] =	wrdreg s5  }
0xb9: {  	[dreg:$0x4] =	wrdreg $0xC0  }
0xba: {  	_ =	task [dreg:s22], $0x5FFFF  }
0xbb: {  	[dreg:$0x1] =	wrdreg $0xFFFFFFFF  }
0xbc: {  	[dreg:$0x0] =	wrdreg $0x60  }
0xbd: {  	[dreg:$0x2] =	wrdreg s24  }
0xbe: {  	[dreg:$0x3] =	wrdreg $0x9  }
0xbf: {  	_ =	task.clear_ibuf [dreg:s22], $0x4FFFF;
	_ =	strace $0x90000073  }
0xc0: {  	s29 =	simm.s32 $0x9;
	_ =	strace $0x80000075  }
0xc1: {  	_ =	swait.ge [sflag:s29], $0x1  }
0xc2: {  	[sflag:s29] =	ssyncadd.s32 $0xFFFFFFFF  }
0xc3: {  	_ =	strace $0x90000075  }
0xc4: {  	_ =	sfence  }
0xc5: {  	s30 =	sld [smem:$0x0];
	_ =	sdelay $0x2  }
0xc6: {  	s31 =	sshll.u32 s1, $0xD;
	s1 =	sshrl.u32 s1, $0x2  }
0xc7: {  	s4 =	sand.u32 $0x4000, s31;
	s1 =	sadd.s32 s1, s30  }
0xc8: {  	s0 =	sor.u32 s4, s0;
	s1 =	sshll.u32 s1, $0x11  }
0xc9: {  	s0 =	sor.u32 s1, s0  }
0xca: {  	s0 =	sadd.s32 $0x8F2B, s0  }
0xcb: {  	[sflag:s0] =	ssyncadd.remote.s32 $0x1  }
0xcc: {  	_ =	sfence.sel $0xFFFF  }
0xcd: {  	[dreg:$0x0] =	wrdreg $0xFFFFFFFF;
	(pc) =	sbr.abs _section_cstart, $3  }
0xce: {  	[dreg:$0x1] =	wrdreg $0xFFFFFFFF  }
0xcf: {  	_ =	task.clear_ibuf [dreg:s22], $0x2FFFF;
	_ =	strace $0x9FFFFFFF  }
0xd0: {  	(tm) =	ssettm $0x7FFFFFFF  }
0xd1: {  	_ =	shalt  }
tec
execute0_lowered:
.L_overlay_start_1:
0x0: {  	(tag) =	ssettag $0x1  }
0x1: {  	s0 =	srdreg.scid  }
0x2: {  	s1 =	sshll.u32 s0, $0x4  }
0x3: {  	s0 =	stileid.u32;
	s1 =	sand.u32 $0x10, s1  }
0x4: {  	s1 =	sor.u32 s0, s1  }
0x5: {  	s2 =	smul.u32 $0x7, s1  }
0x6: {  	s3 =	smin.u32 s1, $0x1A  }
0x7: {  	s2 =	sadd.s32 s3, s2  }
0x8: {  	p0 =	slt.u32 s1, $0x1A;
	s1 =	simm.s32 $0xC80;
	s2 =	smul.u32 $0x190, s2  }
0x9: {  	s1 =	simm.s32 @!p0 $0xAF0  }
0xa: {  	s1 =	sadd.s32 s1, s2  }
0xb: {  	s3 =	smin.u32 s1, $0x186A0  }
0xc: {  	s7 =	ssub.s32 s3, s2  }
0xd: {  	p0 =	sgt.s32 s7, $0x0  }
0xe: {  	s7 =	simm.s32 @!p0 $0x0  }
0xf: {  	s4 =	smulhi.u32 $0x51EB851F, s7  }
0x10: {  	s9 =	rddreg [dreg:$0x0];
	s6 =	simm.s32 $0x1;
	s11 =	simm.s32 $0x3  }
0x11: {  	s13 =	simm.s32 $0x0;
	s12 =	simm.s32 $0x0;
	s8 =	sshrl.u32 s4, $0x7  }
0x12: {  	s1 =	rddreg [dreg:$0x1];
	_ =	strace $0x80000074;
	s10 =	smul.u32 $0x190, s8  }
.Ltmp0:
0x13: {  	s5 =	sadd.s32 $0x25C00, s9;
	[sflag:s6] =	ssyncpa.u1 $0x0;
	(pc) =	sbr.rel .LBB2_1-.Ltmp0, $4  }
0x14: {  	s4 =	sadd.s32 $0x1B8E00, s9;
	p0 =	sne.s32 s7, s10;
	s10 =	simm.s32 $0x1  }
0x15: {  	s9 =	sadd.s32 $0x33F800, s9;
	s7 =	simm.s32 $0x2;
	s10 =	simm.s32 @!p0 $0x0  }
0x16: {  	[sflag:s7] =	ssyncpa.u1 $0x0;
	p0 =	por $0x0, $0x0;
	s8 =	sadd.s32 s10, s8  }
0x17: {  	vm0 =	vmmov $0xff;
	vm1 =	vcmask $0x3F20;
	[sflag:s11] =	ssyncpa.u1 $0x0;
	s11 =	smov.u32 s2;
	s10 =	sadd.s32 $0x1, s8  }
.LBB2_6:
0x18: {  	[hbm:s17] =	stream.linear.scatter [tilespmem:s14], [sflag:$0x3], $0x400, $0x38;
	[tilespmem:$0x19320] =	vst v63  }
.LBB2_7:
0x19: {  	s13 =	sadd.s32 $0x190, s11  }
0x1a: {  	s15 =	smov.u32 s2;
	p2 =	slt.s32 s13, s3  }
0x1b: {  	s15 =	smov.u32 @p2 s13;
	p2 =	sne.s32 s12, s10  }
.Ltmp1:
0x1c: {  	p1 =	slt.u32 s12, $0x2;
	(pc) =	sbr.rel @!p2 .LBB2_8-.Ltmp1, $4  }
0x1d: {  	s14 =	simm.s32 @!p1 $0x3  }
0x1e: {  	s16 =	sadd.s32 $0x1, s12;
	_ =	swait.ge @!p1 [sflag:s14], $0xC800  }
0x1f: {  	p0 =	por !p0, !p0;
	s13 =	smov.u32 s11;
	[sflag:s14] =	ssyncset.done @!p1 $0x0  }
0x20: {  	s12 =	smov.u32 s16;
	s11 =	smov.u32 s15;
	[sflag:s14] =	ssyncadd.s32 @!p1 $0xFFFF3800  }
.LBB2_1:
0x21: {  	p1 =	sge.u32 s12, s8  }
0x22: {  	s14 =	sxor.u32 @!p1 $0xFFFFFFFF, s12  }
0x23: {  	s14 =	sand.u32 @!p1 $0x1, s14  }
0x24: {  	s14 =	smul.u32 @!p1 $0x640, s14  }
0x25: {  	s31 =	sadd.s32 $0xFFFFFFFF, s12;
	s15 =	sshrl.u32 @!p1 s11, $0x3  }
0x26: {  	s16 =	sand.u32 @!p1 $0x7, s11;
	s15 =	sadd.s32 @!p1 s5, s15;
	s14 =	sshrl.u32 @!p1 s14, $0x2  }
0x27: {  	[tilespmem:s14], [sflag:$0x2] =	stream.linear.gather @!p1 [hbm4b:s15+s16], $0x190, $0x38;
	[tilespmem:$0x19320] =	vst v63  }
0x28: {  	p1 =	sge.u32 s31, s8  }
.Ltmp2:
0x29: {  	_ = 	snop;
	(pc) =	sbr.rel @p1 .LBB2_7-.Ltmp2, $1  }
0x2a: {  	_ =	sdelay $0x3  }
0x2b: {  	s14 =	simm.s32 $0x1  }
0x2c: {  	s14 =	simm.s32 @!p0 $0x0  }
0x2d: {  	s15 =	smul.u32 $0x640, s14  }
0x2e: {  	_ =	swait.ge [sflag:s7], $0x190  }
0x2f: {  	[sflag:s7] =	ssyncset.done $0x0;
	s16 =	sshrl.u32 s15, $0x2  }
0x30: {  	[sflag:s7] =	ssyncadd.s32 $0xFFFFFE70;
	s15 =	sadd.s32 $0x0, s16  }
0x31: {  	v0 =	vld.msk [tilespmem:s15+$0x0 ss:$0x1], $0xffff;
	_ =	sdelay $0x4  }
0x32: {  	vm2 =	vgt.s32 v0, $0x0  }
0x33: {  	v0 =	vnsel vm2, $0x0, v0  }
0x34: {  	v0 =	vmin.u32 v0, $0x1869F  }
0x35: {  	v0 =	vshll.u32 v0, $0x4  }
0x36: {  	s14 =	smul.u32 $0x32000, s14;
	_ =	sdelay $0x1  }
0x37: {  	s14 =	sshrl.u32 s14, $0x2  }
0x38: {  	s14 =	sor.u32 $0x320, s14  }
0x39: {  	[tilespmem:s14], [sflag:$0x1] =	stream.indirect_vreg.gather [hbm:s4], $0x80, v0, vm0, $0x38;
	[tilespmem:$0x19320] =	vst v63  }
0x3a: {  	s17 =	sadd.s32 $0x10, s16;
	s15 =	sadd.s32 $0x400, s14  }
0x3b: {  	[tilespmem:s15], [sflag:$0x1] =	stream.indirect_vreg.gather [hbm:s4], $0x80, v0, vm1, $0x38;
	[tilespmem:$0x19320] =	vst v63  }
0x3c: {  	s18 =	simm.s32 $0x80;
	v0 =	vld.msk [tilespmem:s17+$0x0 ss:$0x1], $0xffff;
	s17 =	smov.u32 s14  }
.LBB2_3:
0x3d: {  	p1 =	sne.s32 s18, $0x600;
	_ =	sdelay $0x4  }
0x3e: {  	vm2 =	vgt.s32 v0, $0x0  }
0x3f: {  	v0 =	vnsel vm2, $0x0, v0  }
0x40: {  	v0 =	vmin.u32 v0, $0x1869F  }
0x41: {  	v0 =	vshll.u32 v0, $0x4;
	_ =	sdelay $0x3  }
.Ltmp3:
0x42: {  	s19 =	sshra.s32 s18, $0x2;
	s17 =	sadd.s32 $0x800, s17;
	(pc) =	sbr.rel @p1 .LBB2_3-.Ltmp3, $4  }
0x43: {  	[tilespmem:s17], [sflag:$0x1] =	stream.indirect_vreg.gather [hbm:s4], $0x80, v0, vm0, $0x38;
	[tilespmem:$0x19320] =	vst v63  }
0x44: {  	s19 =	sadd.s32 s19, s16;
	s20 =	sadd.s32 $0x400, s17  }
0x45: {  	[tilespmem:s20], [sflag:$0x1] =	stream.indirect_vreg.gather [hbm:s4], $0x80, v0, vm1, $0x38;
	[tilespmem:$0x19320] =	vst v63  }
0x46: {  	s18 =	sadd.s32 $0x40, s18;
	v0 =	vld.msk [tilespmem:s19+$0x0 ss:$0x1], $0xffff  }
0x47: {  	_ =	sdelay $0x3  }
0x48: {  	vm2 =	vgt.s32 v0, $0x0  }
0x49: {  	v0 =	vnsel vm2, $0x0, v0  }
0x4a: {  	v0 =	vmin.u32 v0, $0x1869F  }
0x4b: {  	v0 =	vshll.u32 v0, $0x4;
	_ =	sdelay $0x3  }
0x4c: {  	s16 =	sadd.s32 $0x800, s17  }
0x4d: {  	[tilespmem:s16], [sflag:$0x1] =	stream.indirect_vreg.gather [hbm:s4], $0x80, v0, vm0, $0x38;
	[tilespmem:$0x19320] =	vst v63  }
0x4e: {  	s16 =	sadd.s32 $0x400, s16  }
0x4f: {  	[tilespmem:s16], [sflag:$0x1] =	stream.indirect_vreg.gather [hbm:s4], $0x80, v0, vm1, $0x38;
	[tilespmem:$0x19320] =	vst v63  }
0x50: {  	s13 =	sshll.u32 s13, $0x4;
	_ =	swait.ge [sflag:s6], $0xC800  }
0x51: {  	s13 =	sadd.s32 s13, s9;
	[sflag:s6] =	ssyncset.done $0x0  }
0x52: {  	s17 =	sadd.s32 $0x0, s13;
	s16 =	simm.s32 $0x80;
	[sflag:s6] =	ssyncadd.s32 $0xFFFF3800  }
.LBB2_5:
0x53: {  	[hbm:s17] =	stream.linear.scatter [tilespmem:s14], [sflag:$0x3], $0x400, $0x38;
	[tilespmem:$0x19320] =	vst v63  }
0x54: {  	s17 =	smov.u32 s16;
	s14 =	smov.u32 s15;
	p1 =	sne.s32 s16, $0x1880  }
.Ltmp4:
0x55: {  	s16 =	sadd.s32 $0x80, s16;
	(pc) =	sbr.rel @p1 .LBB2_5-.Ltmp4, $2  }
0x56: {  	_ =	sdelay $0x2  }
0x57: {  	s15 =	sadd.s32 $0x400, s15;
	s17 =	sadd.s32 s17, s13  }
.Ltmp5:
0x58: {  	_ = 	snop;
	(pc) =	sbr.rel .LBB2_6-.Ltmp5, $1  }
0x59: {  	_ =	sdelay $0x3  }
.LBB2_8:
0x5a: {  	_ =	sfence.sel $0x180000  }
0x5b: {  	s2 =	simm.s32 $0x2;
	[bflag:$0x0] =	sbarrier.arrive $0xFFFF  }
0x5c: {  	s30 =	simm.s32 $0x3;
	[sflag:s2] =	ssyncpa.u1 $0x1  }
0x5d: {  	s31 =	simm.s32 $0x1;
	[sflag:s30] =	ssyncpa.u1 $0x1  }
0x5e: {  	[sflag:s31] =	ssyncpa.u1 $0x1  }
0x5f: {  	p0 =	sne.s32 s0, $0x0;
	_ =	strace $0x90000074  }
0x60: {  	s0 =	sadd.s32 @!p0 $0x100000, s1;
	[bflag:$0x2] =	sbarrier.arrive $0xFFFF  }
0x61: {  	[sflag:s0] =	ssyncadd.tile.s32 @!p0 $0x1;
	_ =	shalt  }
.Lfunc_end2:
_tile_overlayer_lowered:
.L_overlay_start_2:
0x62: {  	(tag) =	ssettag $0x2  }
0x63: {  	s0 =	rddreg [dreg:$0x0];
	s2 =	stileid.u32  }
0x64: {  	s1 =	rddreg [dreg:$0x1];
	p0 =	sne.s32 s2, $0x0  }
0x65: {  	s3 =	rddreg [dreg:$0x2];
	[bflag:$0x3] =	sbarrier.arrive $0xFFFF;
	s2 =	simm.s32 @!p0 $0x1C01  }
0x66: {  	[timem:s3], [sflag:s2] =	dma.local @!p0 [hbm:s0], s1  }
0x67: {  	s0 =	simm.s32 @!p0 $0x1  }
0x68: {  	_ =	swait.ge @!p0 [sflag:s0], s1  }
0x69: {  	s1 =	ssub.s32 @!p0 $0x0, s1;
	[sflag:s0] =	ssyncset.done @!p0 $0x0  }
0x6a: {  	[sflag:s0] =	ssyncadd.s32 @!p0 s1  }
0x6b: {  	[bflag:$0x3] =	sbarrier.arrive $0xFFFF  }
0x6c: {  	_ =	shalt  }

// kernel: gather_offload_async_start
scs
__scs_entry_jumppad:
0x0: {  	(pc) =	sbr.rel $0x88, $3  }
0x1: {  	(tag) =	ssettag $0x0;
	lr =	simm.s32 $0x1  }
0x2: {  	[smem:$0x3FA0] =	sst lr;
	_ =	strace $0xD0000000  }
0x3: {  	_ = 	snop  }
0x4: {  	_ = 	snop  }
0x5: {  	_ = 	snop  }
0x6: {  	_ = 	snop  }
0x7: {  	_ = 	snop  }
__scs_overlays_trampoline_lowered:
0x8: {  	[smem:$0x3FAF] =	sst s0  }
0x9: {  	[smem:$0x3FB0] =	sst s1  }
0xa: {  	[smem:$0x3FB1] =	sst s2  }
0xb: {  	[smem:$0x3FB2] =	sst s3  }
0xc: {  	[smem:$0x3FB3] =	sst s4  }
0xd: {  	[smem:$0x3FB4] =	sst s5  }
0xe: {  	[smem:$0x3FB5] =	sst s6  }
0xf: {  	[smem:$0x3FB6] =	sst s7  }
0x10: {  	[smem:$0x3FB7] =	sst s8  }
0x11: {  	[smem:$0x3FB8] =	sst s9;
	s0 =	simm.s32 @!p0 $0x0  }
0x12: {  	s1 =	sld [smem:$0x3F9E];
	s0 =	simm.s32 @p0 $0x1  }
0x13: {  	[smem:$0x3FB9] =	sst s0;
	s0 =	simm.s32 @!p1 $0x0  }
0x14: {  	s2 =	sld [smem:$0x3F9D];
	s0 =	simm.s32 @p1 $0x1  }
0x15: {  	[smem:$0x3FBA] =	sst s0;
	s0 =	simm.s32 @!p2 $0x0  }
0x16: {  	s3 =	sld [smem:$0x3FDB];
	s0 =	simm.s32 @p2 $0x1  }
0x17: {  	s4 =	simm.s32 $0x1BF5;
	[smem:$0x3FBC] =	sst s0  }
0x18: {  	s0 =	sld [smem:$0x3F9F];
	_ =	swait.ge [sflag:s4], $0x0  }
0x19: {  	s7 =	sld [smem:$0x3FA0]  }
0x1a: {  	s8 =	sadd.s32 $0xFFFFE003, lr  }
0x1b: {  	s9 =	sadd.s32 $0xFFFFFEF7, lr;
	s5 =	simm.s32 $0xFFFFFFFF;
	p2 =	slt.u32 s8, $0xFFFFF086  }
0x1c: {  	p1 =	slt.u32 s9, $0xF7A;
	s5 =	simm.s32 @!p2 $0x0  }
0x1d: {  	s5 =	simm.s32 @p1 $0x1;
	p0 =	seq.s32 s7, s2  }
0x1e: {  	s7 =	smul.u32 @!p0 $0xF7A, s2;
	p2 =	seq.s32 @!p0 s5, $0x0  }
0x1f: {  	s9 =	smul.u32 $0xF7A, s1;
	s8 =	simm.s32 @!p0 $0x1BF5;
	p2 =	por !p2, p0  }
0x20: {  	[sflag:s8] =	ssyncset.s32 @!p0 $0xFFFFF086;
	s6 =	sadd.s32 @!p0 s3, s7;
	s7 =	simm.s32 @!p0 $0x108  }
0x21: {  	s3 =	sadd.s32 s3, s9;
	s6 =	sadd.s32 @!p0 $0x88, s6;
	s7 =	simm.s32 @p2 $0x1082  }
0x22: {  	[simem:s7], [sflag:s8] =	dma.local @!p0 [hbm:s6], $0xF7A  }
0x23: {  	s9 =	sor.u32 $0xD0000000, s2;
	s6 =	simm.s32 $0x108;
	_ =	swait.ge @!p0 [sflag:s8], $0x0  }
0x24: {  	s3 =	sadd.s32 $0x88, s3;
	s6 =	simm.s32 @!p1 $0x1082;
	[sflag:s4] =	ssyncset.s32 $0xFFFFF086  }
0x25: {  	[simem:s6], [sflag:s4] =	dma.local [hbm:s3], $0xF7A  }
0x26: {  	[smem:$0x3FA0] =	sst s1;
	(tag) =	ssettag s2;
	_ =	strace s9  }
0x27: {  	s1 =	sld [smem:$0x3FB0]  }
0x28: {  	s2 =	sld [smem:$0x3FB1]  }
0x29: {  	s4 =	sld [smem:$0x3FB3]  }
0x2a: {  	p0 =	seq.s32 s5, $0x0;
	s5 =	sld [smem:$0x3FB4]  }
0x2b: {  	s6 =	sld [smem:$0x3FB5]  }
0x2c: {  	s7 =	sld [smem:$0x3FB6]  }
0x2d: {  	s3 =	simm.s32 $0x108;
	s8 =	sld [smem:$0x3FB7]  }
0x2e: {  	s3 =	simm.s32 @!p0 $0x1082;
	s9 =	sld [smem:$0x3FB8]  }
0x2f: {  	lr =	sadd.s32 s0, s3;
	s0 =	sld [smem:$0x3FAF]  }
0x30: {  	s3 =	sld [smem:$0x3FB2]  }
0x31: {  	[smem:$0x3FBB] =	sst s10  }
0x32: {  	s10 =	sld [smem:$0x3FB9];
	_ =	sdelay $0x3  }
0x33: {  	p0 =	seq.s32 s10, $0x1;
	s10 =	sld [smem:$0x3FBB];
	_ =	sdelay $0x3  }
0x34: {  	[smem:$0x3FBB] =	sst s10  }
0x35: {  	s10 =	sld [smem:$0x3FBA];
	_ =	sdelay $0x3  }
0x36: {  	p1 =	seq.s32 s10, $0x1;
	s10 =	sld [smem:$0x3FBB];
	_ =	sdelay $0x3  }
0x37: {  	[smem:$0x3FBB] =	sst s10  }
0x38: {  	s10 =	sld [smem:$0x3FBC]  }
0x39: {  	_ = 	snop;
	(pc) =	sbr.ind lr, $3  }
0x3a: {  	_ = 	snop  }
0x3b: {  	_ = 	snop  }
0x3c: {  	p2 =	seq.s32 s10, $0x1;
	s10 =	sld [smem:$0x3FBB]  }
0x3d: {  	_ =	shalt  }
0x3e: {  	_ =	shalt  }
0x3f: {  	_ =	shalt  }
0x40: {  	_ =	shalt  }
0x41: {  	_ =	shalt  }
0x42: {  	_ =	shalt  }
0x43: {  	_ =	shalt  }
0x44: {  	_ =	shalt  }
0x45: {  	_ =	shalt  }
0x46: {  	_ =	shalt  }
0x47: {  	_ =	shalt  }
0x48: {  	_ =	shalt  }
0x49: {  	_ =	shalt  }
0x4a: {  	_ =	shalt  }
0x4b: {  	_ =	shalt  }
0x4c: {  	_ =	shalt  }
0x4d: {  	_ =	shalt  }
0x4e: {  	_ =	shalt  }
0x4f: {  	_ =	shalt  }
0x50: {  	_ =	shalt  }
0x51: {  	_ =	shalt  }
0x52: {  	_ =	shalt  }
0x53: {  	_ =	shalt  }
0x54: {  	_ =	shalt  }
0x55: {  	_ =	shalt  }
0x56: {  	_ =	shalt  }
0x57: {  	_ =	shalt  }
0x58: {  	_ =	shalt  }
0x59: {  	_ =	shalt  }
0x5a: {  	_ =	shalt  }
0x5b: {  	_ =	shalt  }
0x5c: {  	_ =	shalt  }
0x5d: {  	_ =	shalt  }
0x5e: {  	_ =	shalt  }
0x5f: {  	_ =	shalt  }
0x60: {  	_ =	shalt  }
0x61: {  	_ =	shalt  }
0x62: {  	_ =	shalt  }
0x63: {  	_ =	shalt  }
0x64: {  	_ =	shalt  }
0x65: {  	_ =	shalt  }
0x66: {  	_ =	shalt  }
0x67: {  	_ =	shalt  }
0x68: {  	_ =	shalt  }
0x69: {  	_ =	shalt  }
0x6a: {  	_ =	shalt  }
0x6b: {  	_ =	shalt  }
0x6c: {  	_ =	shalt  }
0x6d: {  	_ =	shalt  }
0x6e: {  	_ =	shalt  }
0x6f: {  	_ =	shalt  }
0x70: {  	_ =	shalt  }
0x71: {  	_ =	shalt  }
0x72: {  	_ =	shalt  }
0x73: {  	_ =	shalt  }
0x74: {  	_ =	shalt  }
0x75: {  	_ =	shalt  }
0x76: {  	_ =	shalt  }
0x77: {  	_ =	shalt  }
0x78: {  	_ =	shalt  }
0x79: {  	_ =	shalt  }
0x7a: {  	_ =	shalt  }
0x7b: {  	_ =	shalt  }
0x7c: {  	_ =	shalt  }
0x7d: {  	_ =	shalt  }
0x7e: {  	_ =	shalt  }
0x7f: {  	_ =	shalt  }
0x80: {  	_ =	shalt  }
0x81: {  	_ =	shalt  }
0x82: {  	_ =	shalt  }
0x83: {  	_ =	shalt  }
0x84: {  	_ =	shalt  }
0x85: {  	_ =	shalt  }
0x86: {  	_ =	shalt  }
0x87: {  	_ =	shalt  }
.Lfunc_end0:
.L_simem_size_0:
called_computation.4_lowered:
.L_overlay_start_0:
0x88: {  	s2 =	sld [smem:$0x3FD9]  }
0x89: {  	s3 =	sld [smem:$0x3FFE];
	_ =	sdelay $0x1  }
0x8a: {  	s1 =	srdreg.scid  }
0x8b: {  	s0 =	sand.u32 $0x1, s1  }
0x8c: {  	s16 =	sshll.u32 s0, $0xA;
	s2 =	sadd.s32 s3, s2  }
0x8d: {  	s2 =	sadd.s32 s2, s16  }
0x8e: {  	[smem:$0x3FC7] =	sst s2  }
0x8f: {  	_ = 	snop  }
0x90: {  	(tm) =	ssettm $0x1  }
0x91: {  	s17 =	sld [smem:$0x3FFB];
	_ =	sdelay $0x3  }
0x92: {  	_ =	strace s17  }
0x93: {  	s2 =	sld [smem:$0x3FFC];
	_ =	sdelay $0x3  }
0x94: {  	_ =	strace s2  }
0x95: {  	s2 =	sld [smem:$0x3FFD];
	_ =	sdelay $0x3  }
0x96: {  	_ =	strace s2  }
0x97: {  	_ =	strace $0x8FFFFFFF  }
0x98: {  	s18 =	sld [smem:$0x3FDB];
	_ =	sdelay $0x1  }
0x99: {  	s19 =	simm.s32 $_scs_section_size  }
0x9a: {  	s4 =	simm.s32 $_size__tile_overlayer_lowered;
	s5 =	simm.s32 $_tile_overlayer_lowered  }
0x9b: {  	s22 =	simm.s32 $0x1BFF;
	s21 =	sshll.u32 s5, $0x1;
	s2 =	sadd.s32 s19, s18  }
0x9c: {  	s6 =	simm.s32 $0x0;
	s20 =	sshll.u32 s4, $0x1;
	s4 =	sadd.s32 s21, s2  }
0x9d: {  	[timem:s6], [sflag:s22] =	dma.local [hbm:s4], s20  }
0x9e: {  	_ =	swait.ge [sflag:s22], s20  }
0x9f: {  	s3 =	ssub.s32 $0x0, s20;
	[sflag:s22] =	ssyncset.done $0x0  }
0xa0: {  	[sflag:s22] =	ssyncadd.s32 s3;
	_ =	sdelay $0x1  }
0xa1: {  	s23 =	simm.s32 $0x1B8B  }
0xa2: {  	_ =	swait.ge [sflag:s23], $0x1  }
0xa3: {  	[sflag:s23] =	ssyncset.done $0x0  }
0xa4: {  	s25 =	simm.s32 $0x1B8E;
	s24 =	sld [smem:$0x3FFE];
	[sflag:s23] =	ssyncadd.s32 $0xFFFFFFFF  }
0xa5: {  	s26 =	simm.s32 $execute0_lowered;
	[smem:$0x3FD2] =	sst s25  }
0xa6: {  	s4 =	sshll.u32 s26, $0x1;
	_ =	strace $0x80000076;
	[dreg:$0x1] =	wrdreg $0xFFFFFFFF  }
0xa7: {  	s28 =	simm.s32 $_size_execute0_lowered;
	s2 =	sadd.s32 s2, s4;
	[dreg:$0x0] =	wrdreg $0x0  }
0xa8: {  	s4 =	sshll.u32 s28, $0x1;
	[dreg:$0x2] =	wrdreg s2  }
0xa9: {  	[dreg:$0x3] =	wrdreg s4  }
0xaa: {  	[dreg:$0x4] =	wrdreg $0xC0  }
0xab: {  	_ =	task [dreg:s6], $0x5FFFF  }
0xac: {  	[dreg:$0x1] =	wrdreg $0xFFFFFFFF  }
0xad: {  	[dreg:$0x0] =	wrdreg $0x60  }
0xae: {  	[dreg:$0x2] =	wrdreg s24  }
0xaf: {  	[dreg:$0x3] =	wrdreg $0x9  }
0xb0: {  	_ =	task.clear_ibuf [dreg:s6], $0x4FFFF;
	_ =	strace $0x90000076  }
0xb1: {  	s29 =	simm.s32 $0x9;
	_ =	strace $0x80000078  }
0xb2: {  	_ =	swait.ge [sflag:s29], $0x1  }
0xb3: {  	[sflag:s29] =	ssyncadd.s32 $0xFFFFFFFF  }
0xb4: {  	_ =	strace $0x90000078  }
0xb5: {  	_ =	sfence  }
0xb6: {  	s30 =	sld [smem:$0x0];
	_ =	sdelay $0x2  }
0xb7: {  	s31 =	sshll.u32 s1, $0xD;
	s1 =	sshrl.u32 s1, $0x2  }
0xb8: {  	s3 =	sand.u32 $0x4000, s31;
	s1 =	sadd.s32 s1, s30  }
0xb9: {  	s0 =	sor.u32 s3, s0;
	s1 =	sshll.u32 s1, $0x11  }
0xba: {  	s0 =	sor.u32 s1, s0  }
0xbb: {  	s0 =	sadd.s32 $0x8F2B, s0  }
0xbc: {  	[sflag:s0] =	ssyncadd.remote.s32 $0x1  }
0xbd: {  	_ =	sfence.sel $0xFFFF  }
0xbe: {  	[dreg:$0x0] =	wrdreg $0xFFFFFFFF;
	(pc) =	sbr.abs _section_cstart, $3  }
0xbf: {  	[dreg:$0x1] =	wrdreg $0xFFFFFFFF  }
0xc0: {  	_ =	task.clear_ibuf [dreg:s6], $0x2FFFF;
	_ =	strace $0x9FFFFFFF  }
0xc1: {  	(tm) =	ssettm $0x7FFFFFFF  }
tec
execute0_lowered:
.L_overlay_start_1:
0x0: {  	(tag) =	ssettag $0x1  }
0x1: {  	s8 =	rddreg [dreg:$0x0]  }
0x2: {  	s0 =	rddreg [dreg:$0x1];
	_ =	strace $0x80000077;
	s1 =	stileid.u32  }
0x3: {  	s3 =	srdreg.scid;
	s4 =	simm.s32 $0x1;
	s7 =	simm.s32 $0x1  }
0x4: {  	s9 =	simm.s32 $0x1;
	s10 =	simm.s32 $0x3;
	s13 =	simm.s32 $0x0  }
0x5: {  	s12 =	simm.s32 $0x0;
	s5 =	sand.u32 $0x1, s3;
	s6 =	sshll.u32 s1, $0x1  }
0x6: {  	s2 =	sadd.s32 $0x1F800, s8;
	s3 =	sadd.s32 $0x13000, s8;
	s5 =	sor.u32 s6, s5  }
.Ltmp0:
0x7: {  	[sflag:s4] =	ssyncpa.u1 $0x0;
	p0 =	slt.u32 s5, $0x13;
	(pc) =	sbr.rel .LBB2_1-.Ltmp0, $4  }
0x8: {  	s6 =	simm.s32 $0x2;
	s7 =	simm.s32 @!p0 $0x0;
	p0 =	sne.s32 s5, $0x12  }
0x9: {  	[sflag:s6] =	ssyncpa.u1 $0x0;
	s5 =	smul.u32 $0x7D0, s5;
	s9 =	simm.s32 @!p0 $0x0  }
0xa: {  	s8 =	sadd.s32 $0x34C000, s8;
	[sflag:s10] =	ssyncpa.u1 $0x0;
	s7 =	sadd.s32 s9, s7  }
0xb: {  	vm0 =	vmmov $0xffff;
	s10 =	simm.s32 $0x0;
	s11 =	smov.u32 s5;
	s9 =	sadd.s32 $0x1, s7  }
.LBB2_4:
0xc: {  	v2 =	vnsel vm1, $0x0, v2  }
0xd: {  	vm1 =	vgt.s32 v0, $0x0;
	v2 =	vmin.u32 v2, $0x1869F  }
0xe: {  	v0 =	vnsel vm1, $0x0, v0  }
0xf: {  	v0 =	vmin.u32 v0, $0x1869F  }
0x10: {  	[tilespmem:s18], [sflag:$0x1] =	stream.indirect_vreg.gather [hbm4b:s2+s10], $0x1, v1, vm0, $0x4038;
	[tilespmem:$0x1F40] =	vst v63  }
0x11: {  	(ifvalue) =	ssetifvalue $0x7FFFFFFF  }
0x12: {  	[tilespmem:s15], [sflag:$0x1] =	stream.indirect_vreg.gather [hbm4b:s2+s10], $0x1, v2, vm0, $0x4038;
	[tilespmem:$0x1F40] =	vst v63  }
0x13: {  	s29 =	sadd.s32 $0x10, s15;
	(ifvalue) =	ssetifvalue $0x7FFFFFFF  }
0x14: {  	[tilespmem:s29], [sflag:$0x1] =	stream.indirect_vreg.gather [hbm4b:s2+s10], $0x1, v0, vm0, $0x4038;
	[tilespmem:$0x1F40] =	vst v63  }
0x15: {  	_ =	swait.ge [sflag:s4], $0x7D0  }
0x16: {  	s30 =	sshrl.u32 s13, $0x3;
	[sflag:s4] =	ssyncset.done $0x0  }
0x17: {  	s31 =	sand.u32 $0x7, s13;
	s15 =	sadd.s32 s8, s30;
	[sflag:s4] =	ssyncadd.s32 $0xFFFFF830  }
0x18: {  	[hbm4b:s15+s31] =	stream.linear.scatter [tilespmem:s14], [sflag:$0x3], $0x7D0, $0x38;
	[tilespmem:$0x1F40] =	vst v63  }
.LBB2_5:
0x19: {  	s15 =	sadd.s32 $0xFA00, s11  }
0x1a: {  	p1 =	sgt.s32 s15, $0x1869F  }
0x1b: {  	s15 =	smov.u32 @p1 s5;
	p1 =	sne.s32 s12, s9  }
.Ltmp1:
0x1c: {  	p0 =	slt.u32 s12, $0x2;
	(pc) =	sbr.rel @!p1 .LBB2_6-.Ltmp1, $4  }
0x1d: {  	s14 =	simm.s32 @!p0 $0x3  }
0x1e: {  	_ =	swait.ge @!p0 [sflag:s14], $0x7D0  }
0x1f: {  	s16 =	sadd.s32 $0x1, s12;
	s13 =	smov.u32 s11;
	[sflag:s14] =	ssyncset.done @!p0 $0x0  }
0x20: {  	s12 =	smov.u32 s16;
	s11 =	smov.u32 s15;
	[sflag:s14] =	ssyncadd.s32 @!p0 $0xFFFFF830  }
.LBB2_1:
0x21: {  	p0 =	sge.u32 s12, s7  }
0x22: {  	s14 =	sxor.u32 @!p0 $0x1, s12  }
0x23: {  	s14 =	smul.u32 @!p0 $0x1F40, s14  }
0x24: {  	s31 =	sadd.s32 $0xFFFFFFFF, s12;
	s15 =	sshrl.u32 @!p0 s11, $0x3  }
0x25: {  	s16 =	sand.u32 @!p0 $0x7, s11;
	s15 =	sadd.s32 @!p0 s3, s15;
	s14 =	sshra.s32 @!p0 s14, $0x2  }
0x26: {  	[tilespmem:s14], [sflag:$0x2] =	stream.linear.gather @!p0 [hbm4b:s15+s16], $0x7D0, $0x38;
	[tilespmem:$0x1F40] =	vst v63  }
0x27: {  	p0 =	sge.u32 s31, s7  }
.Ltmp2:
0x28: {  	_ = 	snop;
	(pc) =	sbr.rel @p0 .LBB2_5-.Ltmp2, $1  }
0x29: {  	_ =	sdelay $0x3  }
0x2a: {  	s14 =	sand.u32 $0x1, s12  }
0x2b: {  	_ =	swait.ge [sflag:s6], $0x7D0;
	p0 =	seq.s32 s14, $0x1;
	s14 =	simm.s32 $0x7D0  }
0x2c: {  	[sflag:s6] =	ssyncset.done $0x0;
	s14 =	simm.s32 @!p0 $0x0  }
0x2d: {  	[sflag:s6] =	ssyncadd.s32 $0xFFFFF830;
	(ifvalue) =	ssetifvalue $0x7FFFFFFF;
	v0 =	vld.msk [tilespmem:s14+$0x0 ss:$0x1], $0xffff;
	_ =	sdelay $0x4  }
0x2e: {  	s15 =	sadd.s32 $0x10, s14;
	vm1 =	vgt.s32 v0, $0x0  }
0x2f: {  	v2 =	vld.msk [tilespmem:s15+$0x0 ss:$0x1], $0xffff;
	v1 =	vnsel vm1, $0x0, v0  }
0x30: {  	v1 =	vmin.u32 v1, $0x1869F;
	_ =	sdelay $0x2  }
0x31: {  	s17 =	simm.s32 $0x20;
	s14 =	sadd.s32 $0xFA0, s14;
	s16 =	sadd.s32 $0x10, s15  }
0x32: {  	s15 =	sadd.s32 $0x10, s14;
	s18 =	smov.u32 s14;
	v0 =	vld.msk [tilespmem:s16+$0x0 ss:$0x1], $0xffff;
	vm1 =	vgt.s32 v2, $0x0;
	(ifvalue) =	ssetifvalue $0x7FFFFFFF  }
.LBB2_3:
0x33: {  	[tilespmem:s18], [sflag:$0x1] =	stream.indirect_vreg.gather [hbm4b:s2+s10], $0x1, v1, vm0, $0x4038;
	[tilespmem:$0x1F40] =	vst v63  }
0x34: {  	s17 =	sadd.s32 $0x10, s17  }
0x35: {  	v2 =	vnsel vm1, $0x0, v2;
	p0 =	slt.u32 s17, $0x7C0  }
.Ltmp3:
0x36: {  	s18 =	smov.u32 s15;
	v1 =	vmin.u32 v2, $0x1869F;
	(pc) =	sbr.rel @p0 .LBB2_3-.Ltmp3, $3  }
0x37: {  	_ =	sdelay $0x1  }
0x38: {  	s16 =	sadd.s32 $0x10, s16  }
0x39: {  	vm1 =	vgt.s32 v0, $0x0;
	s15 =	sadd.s32 $0x10, s15;
	v2 =	vmov v0;
	(ifvalue) =	ssetifvalue $0x7FFFFFFF;
	v0 =	vld.msk [tilespmem:s16+$0x0 ss:$0x1], $0xffff  }
.Ltmp4:
0x3a: {  	_ = 	snop;
	(pc) =	sbr.rel .LBB2_4-.Ltmp4, $1  }
0x3b: {  	_ =	sdelay $0x3  }
.LBB2_6:
0x3c: {  	_ =	sfence.sel $0x180000  }
0x3d: {  	s2 =	simm.s32 $0x2;
	[bflag:$0x0] =	sbarrier.arrive $0xFFFF  }
0x3e: {  	s30 =	simm.s32 $0x3;
	[sflag:s2] =	ssyncpa.u1 $0x1  }
0x3f: {  	s31 =	simm.s32 $0x1;
	[sflag:s30] =	ssyncpa.u1 $0x1  }
0x40: {  	[sflag:s31] =	ssyncpa.u1 $0x1  }
0x41: {  	p0 =	sne.s32 s1, $0x0;
	_ =	strace $0x90000077  }
0x42: {  	s0 =	sadd.s32 @!p0 $0x100000, s0;
	[bflag:$0x2] =	sbarrier.arrive $0xFFFF  }
0x43: {  	[sflag:s0] =	ssyncadd.tile.s32 @!p0 $0x1;
	_ =	shalt  }
.Lfunc_end2:
_tile_overlayer_lowered:
.L_overlay_start_2:
0x44: {  	(tag) =	ssettag $0x2  }
0x45: {  	s0 =	rddreg [dreg:$0x0];
	s2 =	stileid.u32  }
0x46: {  	s1 =	rddreg [dreg:$0x1];
	p0 =	sne.s32 s2, $0x0  }
0x47: {  	s3 =	rddreg [dreg:$0x2];
	[bflag:$0x3] =	sbarrier.arrive $0xFFFF;
	s2 =	simm.s32 @!p0 $0x1C01  }
0x48: {  	[timem:s3], [sflag:s2] =	dma.local @!p0 [hbm:s0], s1  }
0x49: {  	s0 =	simm.s32 @!p0 $0x1  }
0x4a: {  	_ =	swait.ge @!p0 [sflag:s0], s1  }
0x4b: {  	s1 =	ssub.s32 @!p0 $0x0, s1;
	[sflag:s0] =	ssyncset.done @!p0 $0x0  }
0x4c: {  	[sflag:s0] =	ssyncadd.s32 @!p0 s1  }
0x4d: {  	[bflag:$0x3] =	sbarrier.arrive $0xFFFF  }
0x4e: {  	_ =	shalt  }

// kernel: scatter_offload_async_start.1
scs
__scs_entry_jumppad:
0x0: {  	(pc) =	sbr.rel $0x88, $3  }
0x1: {  	(tag) =	ssettag $0x0;
	lr =	simm.s32 $0x1  }
0x2: {  	[smem:$0x3FA0] =	sst lr;
	_ =	strace $0xD0000000  }
0x3: {  	_ = 	snop  }
0x4: {  	_ = 	snop  }
0x5: {  	_ = 	snop  }
0x6: {  	_ = 	snop  }
0x7: {  	_ = 	snop  }
__scs_overlays_trampoline_lowered:
0x8: {  	[smem:$0x3FAF] =	sst s0  }
0x9: {  	[smem:$0x3FB0] =	sst s1  }
0xa: {  	[smem:$0x3FB1] =	sst s2  }
0xb: {  	[smem:$0x3FB2] =	sst s3  }
0xc: {  	[smem:$0x3FB3] =	sst s4  }
0xd: {  	[smem:$0x3FB4] =	sst s5  }
0xe: {  	[smem:$0x3FB5] =	sst s6  }
0xf: {  	[smem:$0x3FB6] =	sst s7  }
0x10: {  	[smem:$0x3FB7] =	sst s8  }
0x11: {  	[smem:$0x3FB8] =	sst s9;
	s0 =	simm.s32 @!p0 $0x0  }
0x12: {  	s1 =	sld [smem:$0x3F9E];
	s0 =	simm.s32 @p0 $0x1  }
0x13: {  	[smem:$0x3FB9] =	sst s0;
	s0 =	simm.s32 @!p1 $0x0  }
0x14: {  	s2 =	sld [smem:$0x3F9D];
	s0 =	simm.s32 @p1 $0x1  }
0x15: {  	[smem:$0x3FBA] =	sst s0;
	s0 =	simm.s32 @!p2 $0x0  }
0x16: {  	s3 =	sld [smem:$0x3FDB];
	s0 =	simm.s32 @p2 $0x1  }
0x17: {  	s4 =	simm.s32 $0x1BF5;
	[smem:$0x3FBC] =	sst s0  }
0x18: {  	s0 =	sld [smem:$0x3F9F];
	_ =	swait.ge [sflag:s4], $0x0  }
0x19: {  	s7 =	sld [smem:$0x3FA0]  }
0x1a: {  	s8 =	sadd.s32 $0xFFFFE003, lr  }
0x1b: {  	s9 =	sadd.s32 $0xFFFFFEF7, lr;
	s5 =	simm.s32 $0xFFFFFFFF;
	p2 =	slt.u32 s8, $0xFFFFF086  }
0x1c: {  	p1 =	slt.u32 s9, $0xF7A;
	s5 =	simm.s32 @!p2 $0x0  }
0x1d: {  	s5 =	simm.s32 @p1 $0x1;
	p0 =	seq.s32 s7, s2  }
0x1e: {  	s7 =	smul.u32 @!p0 $0xF7A, s2;
	p2 =	seq.s32 @!p0 s5, $0x0  }
0x1f: {  	s9 =	smul.u32 $0xF7A, s1;
	s8 =	simm.s32 @!p0 $0x1BF5;
	p2 =	por !p2, p0  }
0x20: {  	[sflag:s8] =	ssyncset.s32 @!p0 $0xFFFFF086;
	s6 =	sadd.s32 @!p0 s3, s7;
	s7 =	simm.s32 @!p0 $0x108  }
0x21: {  	s3 =	sadd.s32 s3, s9;
	s6 =	sadd.s32 @!p0 $0x88, s6;
	s7 =	simm.s32 @p2 $0x1082  }
0x22: {  	[simem:s7], [sflag:s8] =	dma.local @!p0 [hbm:s6], $0xF7A  }
0x23: {  	s9 =	sor.u32 $0xD0000000, s2;
	s6 =	simm.s32 $0x108;
	_ =	swait.ge @!p0 [sflag:s8], $0x0  }
0x24: {  	s3 =	sadd.s32 $0x88, s3;
	s6 =	simm.s32 @!p1 $0x1082;
	[sflag:s4] =	ssyncset.s32 $0xFFFFF086  }
0x25: {  	[simem:s6], [sflag:s4] =	dma.local [hbm:s3], $0xF7A  }
0x26: {  	[smem:$0x3FA0] =	sst s1;
	(tag) =	ssettag s2;
	_ =	strace s9  }
0x27: {  	s1 =	sld [smem:$0x3FB0]  }
0x28: {  	s2 =	sld [smem:$0x3FB1]  }
0x29: {  	s4 =	sld [smem:$0x3FB3]  }
0x2a: {  	p0 =	seq.s32 s5, $0x0;
	s5 =	sld [smem:$0x3FB4]  }
0x2b: {  	s6 =	sld [smem:$0x3FB5]  }
0x2c: {  	s7 =	sld [smem:$0x3FB6]  }
0x2d: {  	s3 =	simm.s32 $0x108;
	s8 =	sld [smem:$0x3FB7]  }
0x2e: {  	s3 =	simm.s32 @!p0 $0x1082;
	s9 =	sld [smem:$0x3FB8]  }
0x2f: {  	lr =	sadd.s32 s0, s3;
	s0 =	sld [smem:$0x3FAF]  }
0x30: {  	s3 =	sld [smem:$0x3FB2]  }
0x31: {  	[smem:$0x3FBB] =	sst s10  }
0x32: {  	s10 =	sld [smem:$0x3FB9];
	_ =	sdelay $0x3  }
0x33: {  	p0 =	seq.s32 s10, $0x1;
	s10 =	sld [smem:$0x3FBB];
	_ =	sdelay $0x3  }
0x34: {  	[smem:$0x3FBB] =	sst s10  }
0x35: {  	s10 =	sld [smem:$0x3FBA];
	_ =	sdelay $0x3  }
0x36: {  	p1 =	seq.s32 s10, $0x1;
	s10 =	sld [smem:$0x3FBB];
	_ =	sdelay $0x3  }
0x37: {  	[smem:$0x3FBB] =	sst s10  }
0x38: {  	s10 =	sld [smem:$0x3FBC]  }
0x39: {  	_ = 	snop;
	(pc) =	sbr.ind lr, $3  }
0x3a: {  	_ = 	snop  }
0x3b: {  	_ = 	snop  }
0x3c: {  	p2 =	seq.s32 s10, $0x1;
	s10 =	sld [smem:$0x3FBB]  }
0x3d: {  	_ =	shalt  }
0x3e: {  	_ =	shalt  }
0x3f: {  	_ =	shalt  }
0x40: {  	_ =	shalt  }
0x41: {  	_ =	shalt  }
0x42: {  	_ =	shalt  }
0x43: {  	_ =	shalt  }
0x44: {  	_ =	shalt  }
0x45: {  	_ =	shalt  }
0x46: {  	_ =	shalt  }
0x47: {  	_ =	shalt  }
0x48: {  	_ =	shalt  }
0x49: {  	_ =	shalt  }
0x4a: {  	_ =	shalt  }
0x4b: {  	_ =	shalt  }
0x4c: {  	_ =	shalt  }
0x4d: {  	_ =	shalt  }
0x4e: {  	_ =	shalt  }
0x4f: {  	_ =	shalt  }
0x50: {  	_ =	shalt  }
0x51: {  	_ =	shalt  }
0x52: {  	_ =	shalt  }
0x53: {  	_ =	shalt  }
0x54: {  	_ =	shalt  }
0x55: {  	_ =	shalt  }
0x56: {  	_ =	shalt  }
0x57: {  	_ =	shalt  }
0x58: {  	_ =	shalt  }
0x59: {  	_ =	shalt  }
0x5a: {  	_ =	shalt  }
0x5b: {  	_ =	shalt  }
0x5c: {  	_ =	shalt  }
0x5d: {  	_ =	shalt  }
0x5e: {  	_ =	shalt  }
0x5f: {  	_ =	shalt  }
0x60: {  	_ =	shalt  }
0x61: {  	_ =	shalt  }
0x62: {  	_ =	shalt  }
0x63: {  	_ =	shalt  }
0x64: {  	_ =	shalt  }
0x65: {  	_ =	shalt  }
0x66: {  	_ =	shalt  }
0x67: {  	_ =	shalt  }
0x68: {  	_ =	shalt  }
0x69: {  	_ =	shalt  }
0x6a: {  	_ =	shalt  }
0x6b: {  	_ =	shalt  }
0x6c: {  	_ =	shalt  }
0x6d: {  	_ =	shalt  }
0x6e: {  	_ =	shalt  }
0x6f: {  	_ =	shalt  }
0x70: {  	_ =	shalt  }
0x71: {  	_ =	shalt  }
0x72: {  	_ =	shalt  }
0x73: {  	_ =	shalt  }
0x74: {  	_ =	shalt  }
0x75: {  	_ =	shalt  }
0x76: {  	_ =	shalt  }
0x77: {  	_ =	shalt  }
0x78: {  	_ =	shalt  }
0x79: {  	_ =	shalt  }
0x7a: {  	_ =	shalt  }
0x7b: {  	_ =	shalt  }
0x7c: {  	_ =	shalt  }
0x7d: {  	_ =	shalt  }
0x7e: {  	_ =	shalt  }
0x7f: {  	_ =	shalt  }
0x80: {  	_ =	shalt  }
0x81: {  	_ =	shalt  }
0x82: {  	_ =	shalt  }
0x83: {  	_ =	shalt  }
0x84: {  	_ =	shalt  }
0x85: {  	_ =	shalt  }
0x86: {  	_ =	shalt  }
0x87: {  	_ =	shalt  }
.Lfunc_end0:
.L_simem_size_0:
called_computation.1_lowered:
.L_overlay_start_0:
0x88: {  	s0 =	sld [smem:$0x3FD9]  }
0x89: {  	s1 =	sld [smem:$0x3FFE];
	_ =	sdelay $0x3  }
0x8a: {  	s0 =	sadd.s32 s1, s0  }
0x8b: {  	[smem:$0x3FC7] =	sst s0  }
0x8c: {  	_ = 	snop  }
0x8d: {  	s14 =	sld [smem:$0x3FD0];
	_ =	sdelay $0x2  }
0x8e: {  	s2 =	simm.s32 $0x13;
	s15 =	simm.s32 $0x10  }
0x8f: {  	[smem:s15], [sflag:s2] =	dma.local [hbm:s14], $0x1  }
0x90: {  	_ =	swait.eq [sflag:s2], $0x1  }
0x91: {  	[sflag:s2] =	ssyncset.done $0x0  }
0x92: {  	[sflag:s2] =	ssyncadd.s32 $0xFFFFFFFF  }
0x93: {  	s2 =	sld [smem:$0x13];
	(tm) =	ssettm $0x1  }
0x94: {  	s16 =	sld [smem:$0x3FFB];
	_ =	sdelay $0x3  }
0x95: {  	_ =	strace s16  }
0x96: {  	s1 =	sld [smem:$0x3FFC];
	_ =	sdelay $0x3  }
0x97: {  	_ =	strace s1  }
0x98: {  	s1 =	sld [smem:$0x3FFD];
	_ =	sdelay $0x3  }
0x99: {  	_ =	strace s1  }
0x9a: {  	_ =	strace $0x8FFFFFFF  }
0x9b: {  	s17 =	sld [smem:$0x3FDB];
	_ =	sdelay $0x1  }
0x9c: {  	s3 =	simm.s32 $_scs_section_size  }
0x9d: {  	s4 =	simm.s32 $_size__tile_overlayer_lowered;
	s5 =	simm.s32 $_tile_overlayer_lowered  }
0x9e: {  	s6 =	simm.s32 $0x1BFF;
	s18 =	sshll.u32 s5, $0x1;
	s3 =	sadd.s32 s3, s17  }
0x9f: {  	s19 =	simm.s32 $0x0;
	s4 =	sshll.u32 s4, $0x1;
	s5 =	sadd.s32 s18, s3  }
0xa0: {  	[timem:s19], [sflag:s6] =	dma.local [hbm:s5], s4  }
0xa1: {  	_ =	swait.ge [sflag:s6], s4  }
0xa2: {  	s4 =	ssub.s32 $0x0, s4;
	[sflag:s6] =	ssyncset.done $0x0  }
0xa3: {  	[sflag:s6] =	ssyncadd.s32 s4;
	_ =	sdelay $0x1  }
0xa4: {  	s20 =	simm.s32 $0x1B8B  }
0xa5: {  	_ =	swait.ge [sflag:s20], $0x1  }
0xa6: {  	[sflag:s20] =	ssyncset.done $0x0  }
0xa7: {  	s22 =	simm.s32 $0x1B8E;
	s21 =	sld [smem:$0x3FFE];
	[sflag:s20] =	ssyncadd.s32 $0xFFFFFFFF  }
0xa8: {  	s23 =	simm.s32 $execute0_lowered;
	[smem:$0x3FD2] =	sst s22  }
0xa9: {  	s5 =	sshll.u32 s23, $0x1;
	_ =	strace $0x80000058;
	[dreg:$0x1] =	wrdreg $0xFFFFFFFF  }
0xaa: {  	s24 =	simm.s32 $_size_execute0_lowered;
	s5 =	sadd.s32 s3, s5;
	[dreg:$0x0] =	wrdreg $0x0  }
0xab: {  	s6 =	sshll.u32 s24, $0x1;
	[dreg:$0x2] =	wrdreg s5  }
0xac: {  	[dreg:$0x3] =	wrdreg s6  }
0xad: {  	[dreg:$0x4] =	wrdreg $0xC0  }
0xae: {  	s25 =	simm.s32 $execute1_lowered;
	_ =	task [dreg:s19], $0x5FFFF  }
0xaf: {  	s5 =	sshll.u32 s25, $0x1;
	[dreg:$0x1] =	wrdreg $0xFFFFFFFF  }
0xb0: {  	s3 =	sadd.s32 s3, s5;
	[dreg:$0x0] =	wrdreg $0x60  }
0xb1: {  	[dreg:$0x2] =	wrdreg s3  }
0xb2: {  	[dreg:$0x3] =	wrdreg s21  }
0xb3: {  	[dreg:$0x4] =	wrdreg $0xF  }
0xb4: {  	_ =	task.clear_ibuf [dreg:s19], $0x5FFFF;
	_ =	strace $0x90000058  }
0xb5: {  	s26 =	simm.s32 $0xF;
	_ =	strace $0x8000005A  }
0xb6: {  	_ =	swait.ge [sflag:s26], $0x1  }
0xb7: {  	[sflag:s26] =	ssyncadd.s32 $0xFFFFFFFF  }
0xb8: {  	_ =	strace $0x9000005A  }
0xb9: {  	_ =	strace $0x8000005B;
	[dreg:$0x1] =	wrdreg $0xFFFFFFFF  }
0xba: {  	[dreg:$0x0] =	wrdreg $0x2030  }
0xbb: {  	[dreg:$0x2] =	wrdreg s21  }
0xbc: {  	[dreg:$0x3] =	wrdreg s2  }
0xbd: {  	[dreg:$0x4] =	wrdreg $0x10  }
0xbe: {  	_ =	task.clear_ibuf [dreg:s19], $0x5FFFF;
	_ =	strace $0x9000005B  }
0xbf: {  	_ =	strace $0x8000005D  }
0xc0: {  	_ =	swait.ge [sflag:s15], $0x1  }
0xc1: {  	[sflag:s15] =	ssyncadd.s32 $0xFFFFFFFF  }
0xc2: {  	_ =	strace $0x9000005D  }
0xc3: {  	_ =	sfence  }
0xc4: {  	s28 =	sld [smem:$0x0];
	_ =	sdelay $0x1  }
0xc5: {  	s29 =	srdreg.scid  }
0xc6: {  	s30 =	sshll.u32 s29, $0xD;
	s31 =	sshrl.u32 s29, $0x2  }
0xc7: {  	s3 =	sand.u32 $0x4000, s30;
	s2 =	sand.u32 $0x1, s29;
	s0 =	sadd.s32 s31, s28  }
0xc8: {  	s2 =	sor.u32 s3, s2;
	s0 =	sshll.u32 s0, $0x11  }
0xc9: {  	s0 =	sor.u32 s0, s2  }
0xca: {  	s0 =	sadd.s32 $0x8F2B, s0  }
0xcb: {  	[sflag:s0] =	ssyncadd.remote.s32 $0x1  }
0xcc: {  	_ =	sfence.sel $0xFFFF  }
0xcd: {  	[dreg:$0x0] =	wrdreg $0xFFFFFFFF;
	(pc) =	sbr.abs _section_cstart, $3  }
0xce: {  	[dreg:$0x1] =	wrdreg $0xFFFFFFFF  }
0xcf: {  	_ =	task.clear_ibuf [dreg:s19], $0x2FFFF;
	_ =	strace $0x9FFFFFFF  }
0xd0: {  	(tm) =	ssettm $0x7FFFFFFF  }
0xd1: {  	_ =	shalt  }
tec
execute0_lowered:
.L_overlay_start_1:
0x0: {  	(tag) =	ssettag $0x1  }
0x1: {  	s2 =	rddreg [dreg:$0x0]  }
0x2: {  	s4 =	rddreg [dreg:$0x1]  }
0x3: {  	s0 =	rddreg [dreg:$0x2];
	s3 =	stileid.u32  }
0x4: {  	[bflag:$0x3] =	sbarrier.arrive $0xFFFF;
	s1 =	simm.s32 $_size_execute1_lowered;
	p0 =	sne.s32 s3, $0x0  }
0x5: {  	s1 =	sshll.u32 s1, $0x1;
	s5 =	simm.s32 @!p0 $0x1C3F;
	s6 =	simm.s32 @!p0 $0x4060  }
0x6: {  	[timem:s6], [sflag:s5] =	dma.local @!p0 [hbm:s2], s1  }
0x7: {  	s2 =	smul.u32 $0x180, s3  }
.Ltmp0:
0x8: {  	s31 =	simm.s32 $0x2;
	s7 =	simm.s32 $0x180;
	(pc) =	sbr.rel .LBB2_1-.Ltmp0, $4  }
0x9: {  	s8 =	simm.s32 $0x480;
	s10 =	simm.s32 $0x0;
	s9 =	simm.s32 $0x0  }
0xa: {  	s3 =	simm.s32 $0x1;
	_ =	strace $0x80000059;
	s30 =	sshrl.u32 s2, $0x3  }
0xb: {  	s6 =	simm.s32 $0x0;
	[sflag:s3] =	ssyncpa.u1 $0x0;
	s5 =	sadd.s32 s30, s4  }
0xc: {  	s4 =	sadd.s32 $0x1CE00, s4;
	[sflag:s31] =	ssyncpa.u1 $0x0;
	s5 =	sadd.s32 $0x1C600, s5  }
.LBB2_7:
0xd: {  	p1 =	seq.s32 s9, $0x2  }
.Ltmp1:
0xe: {  	_ = 	snop;
	(pc) =	sbr.rel @p1 .LBB2_9-.Ltmp1, $1  }
0xf: {  	_ =	sdelay $0x3  }
.LBB2_8:
0x10: {  	s9 =	sadd.s32 $0x1, s9;
	s10 =	smov.u32 s2  }
.LBB2_1:
0x11: {  	p1 =	sne.s32 s9, $0x0  }
.Ltmp2:
0x12: {  	_ = 	snop;
	(pc) =	sbr.rel @!p1 .LBB2_2-.Ltmp2, $1  }
0x13: {  	_ =	sdelay $0x3  }
0x14: {  	s11 =	sand.u32 $0x1, s9  }
0x15: {  	p1 =	seq.s32 s11, $0x0  }
.Ltmp3:
0x16: {  	_ = 	snop;
	(pc) =	sbr.rel @p1 .LBB2_7-.Ltmp3, $1  }
0x17: {  	_ =	sdelay $0x3  }
0x18: {  	_ =	swait.ge [sflag:s3], $0x180  }
0x19: {  	[sflag:s3] =	ssyncset.done $0x0  }
0x1a: {  	[sflag:s3] =	ssyncadd.s32 $0xFFFFFE80  }
0x1b: {  	v0 =	vld [tilespmem:$0x180]  }
0x1c: {  	v1 =	vld [tilespmem:$0x190]  }
0x1d: {  	v2 =	vld [tilespmem:$0x1A0]  }
0x1e: {  	v3 =	vld [tilespmem:$0x1B0]  }
0x1f: {  	v4 =	vld [tilespmem:$0x1C0]  }
0x20: {  	v53 =	vld [tilespmem:$0x1D0];
	[tilespmem:$0x480] =	vst v0  }
0x21: {  	v54 =	vld [tilespmem:$0x1E0];
	[tilespmem:$0x490] =	vst v1  }
0x22: {  	v55 =	vld [tilespmem:$0x1F0];
	[tilespmem:$0x4A0] =	vst v2  }
0x23: {  	v56 =	vld [tilespmem:$0x200];
	[tilespmem:$0x4B0] =	vst v3  }
0x24: {  	v57 =	vld [tilespmem:$0x210];
	[tilespmem:$0x4C0] =	vst v4  }
0x25: {  	v58 =	vld [tilespmem:$0x220];
	[tilespmem:$0x4D0] =	vst v53  }
0x26: {  	v59 =	vld [tilespmem:$0x230];
	[tilespmem:$0x4E0] =	vst v54  }
0x27: {  	v60 =	vld [tilespmem:$0x240];
	[tilespmem:$0x4F0] =	vst v55  }
0x28: {  	v61 =	vld [tilespmem:$0x250];
	[tilespmem:$0x500] =	vst v56  }
0x29: {  	v62 =	vld [tilespmem:$0x260];
	[tilespmem:$0x510] =	vst v57  }
0x2a: {  	v63 =	vld [tilespmem:$0x270];
	[tilespmem:$0x520] =	vst v58  }
0x2b: {  	[tilespmem:$0x530] =	vst v59  }
0x2c: {  	[tilespmem:$0x540] =	vst v60  }
0x2d: {  	[tilespmem:$0x550] =	vst v61  }
0x2e: {  	[tilespmem:$0x560] =	vst v62  }
0x2f: {  	s11 =	simm.s32 $0xF0;
	s12 =	simm.s32 $0x580;
	s13 =	simm.s32 $0x280;
	[tilespmem:$0x570] =	vst v63  }
.LBB2_5:
0x30: {  	s11 =	sadd.s32 $0x10, s11  }
0x31: {  	v0 =	vld [tilespmem:s13+$0x0];
	p1 =	slt.u32 s11, $0x170  }
.Ltmp4:
0x32: {  	_ = 	snop;
	(pc) =	sbr.rel @p1 .LBB2_5-.Ltmp4, $2  }
0x33: {  	_ =	sdelay $0x2  }
0x34: {  	s13 =	sadd.s32 $0x10, s13;
	[tilespmem:s12+$0x0] =	vst v0;
	s12 =	sadd.s32 $0x10, s12  }
.Ltmp5:
0x35: {  	(pc) =	sbr.rel .LBB2_7-.Ltmp5, $4  }
0x36: {  	_ = 	snop  }
0x37: {  	s10 =	sshrl.u32 s10, $0x3  }
0x38: {  	s10 =	sadd.s32 s4, s10  }
0x39: {  	[hbm4b:s10+s6] =	stream.linear.scatter [tilespmem:s8], [sflag:$0x2], $0x180, $0x38;
	[tilespmem:$0x600] =	vst v63  }
.LBB2_2:
.Ltmp6:
0x3a: {  	(pc) =	sbr.rel .LBB2_8-.Ltmp6, $2  }
0x3b: {  	_ =	sdelay $0x2  }
0x3c: {  	[tilespmem:s7], [sflag:$0x1] =	stream.linear.gather [hbm4b:s5+s6], $0x180, $0x38;
	[tilespmem:$0x600] =	vst v63  }
.LBB2_9:
0x3d: {  	s2 =	simm.s32 $0x2  }
0x3e: {  	_ =	swait.ge [sflag:s2], $0x180  }
0x3f: {  	[sflag:s2] =	ssyncset.done $0x0  }
0x40: {  	[sflag:s2] =	ssyncadd.s32 $0xFFFFFE80  }
0x41: {  	_ =	sfence.sel $0x180000  }
0x42: {  	s3 =	simm.s32 $0x1;
	[bflag:$0x0] =	sbarrier.arrive $0xFFFF  }
0x43: {  	[sflag:s3] =	ssyncpa.u1 $0x1  }
0x44: {  	[sflag:s2] =	ssyncpa.u1 $0x1  }
0x45: {  	_ =	strace $0x90000059  }
0x46: {  	s0 =	sadd.s32 @!p0 $0x100000, s0;
	[bflag:$0x2] =	sbarrier.arrive $0xFFFF  }
0x47: {  	[sflag:s0] =	ssyncadd.tile.s32 @!p0 $0x1;
	s0 =	simm.s32 @!p0 $0x3F  }
0x48: {  	_ =	swait.ge @!p0 [sflag:s0], s1  }
0x49: {  	s1 =	ssub.s32 @!p0 $0x0, s1;
	[sflag:s0] =	ssyncset.done @!p0 $0x0  }
0x4a: {  	[sflag:s0] =	ssyncadd.s32 @!p0 s1  }
0x4b: {  	[bflag:$0x3] =	sbarrier.arrive $0xFFFF  }
0x4c: {  	_ =	shalt  }
.Lfunc_end2:
execute1_lowered:
.L_overlay_start_2:
0x4d: {  	(tag) =	ssettag $0x2  }
0x4e: {  	s7 =	rddreg [dreg:$0x0]  }
0x4f: {  	s2 =	rddreg [dreg:$0x1]  }
0x50: {  	s0 =	rddreg [dreg:$0x2]  }
0x51: {  	_ =	strace $0x8000005C;
	s4 =	stileid.u32;
	s5 =	simm.s32 $0x3E  }
0x52: {  	s1 =	sadd.s32 $0x1CE00, s7;
	p0 =	sne.s32 s4, $0x0;
	[sflag:s5] =	ssyncpa.u1 $0x0  }
0x53: {  	s30 =	smin.u32 s4, $0x9;
	s3 =	simm.s32 @!p0 $0x1C3E;
	s6 =	simm.s32 @!p0 $0x0  }
0x54: {  	[spmem:s6], [sflag:s3] =	dma.local @!p0 [hbm:s1], $0x300  }
0x55: {  	s3 =	sadd.s32 s4, s30  }
0x56: {  	p1 =	slt.u32 s4, $0x9;
	s4 =	simm.s32 $0x1F40;
	s3 =	smul.u32 $0xFA0, s3  }
0x57: {  	s4 =	simm.s32 @!p1 $0xFA0  }
0x58: {  	s4 =	sadd.s32 s4, s3  }
0x59: {  	s4 =	smin.u32 s4, $0x186A0  }
0x5a: {  	s8 =	ssub.s32 s4, s3  }
0x5b: {  	p1 =	sgt.s32 s8, $0x0  }
0x5c: {  	s8 =	simm.s32 @!p1 $0x0  }
0x5d: {  	s6 =	simm.s32 @!p0 $0x3E;
	s31 =	smulhi.u32 $0x10624DD3, s8  }
0x5e: {  	_ =	swait.ge @!p0 [sflag:s6], $0x300  }
0x5f: {  	[sflag:s6] =	ssyncset.done @!p0 $0x0;
	s9 =	sshrl.u32 s31, $0x8  }
0x60: {  	s11 =	simm.s32 $0x0;
	[sflag:s6] =	ssyncadd.s32 @!p0 $0xFFFFFD00;
	s10 =	smul.u32 $0xFA0, s9  }
.Ltmp7:
0x61: {  	s7 =	sadd.s32 $0x348E00, s7;
	[bflag:$0x0] =	sbarrier.arrive $0xFFFF;
	(pc) =	sbr.rel .LBB3_1-.Ltmp7, $4  }
0x62: {  	s6 =	simm.s32 $0x2;
	[sflag:s5] =	ssyncpa.u1 $0x1;
	s5 =	simm.s32 $0x1  }
0x63: {  	[sflag:s5] =	ssyncpa.u1 $0x0;
	p1 =	sne.s32 s8, s10;
	s8 =	simm.s32 $0x1  }
0x64: {  	(ifvalue) =	ssetifvalue $0x1800;
	[sflag:s6] =	ssyncpa.u1 $0x0;
	s8 =	simm.s32 @!p1 $0x0  }
0x65: {  	vm0 =	vmmov $0xffff;
	s10 =	smov.u32 s3;
	s8 =	sadd.s32 s8, s9;
	s9 =	simm.s32 $0x0  }
.LBB3_5:
0x66: {  	p2 =	sne.s32 s11, s8  }
.Ltmp8:
0x67: {  	_ = 	snop;
	(pc) =	sbr.rel @!p2 .LBB3_6-.Ltmp8, $4  }
0x68: {  	_ = 	snop  }
0x69: {  	s12 =	sadd.s32 $0xFA0, s10  }
0x6a: {  	s10 =	smov.u32 s3;
	s13 =	sadd.s32 $0x1, s11;
	p1 =	slt.s32 s12, s4  }
0x6b: {  	s11 =	smov.u32 s13;
	s10 =	smov.u32 @p1 s12  }
.LBB3_1:
0x6c: {  	p1 =	sge.u32 s11, s8  }
0x6d: {  	s12 =	sxor.u32 @!p1 $0xFFFFFFFF, s11  }
0x6e: {  	s12 =	sand.u32 @!p1 $0x1, s12  }
0x6f: {  	s12 =	smul.u32 @!p1 $0xFA0, s12  }
0x70: {  	s13 =	sshrl.u32 @!p1 s10, $0x3  }
0x71: {  	s16 =	sand.u32 @!p1 $0x7, s10;
	s14 =	sadd.s32 @!p1 s2, s13;
	s15 =	sadd.s32 @!p1 $0x180, s12  }
0x72: {  	[tilespmem:s15], [sflag:$0x2] =	stream.linear.gather @!p1 [hbm4b:s14+s16], $0xFA0, $0x38;
	[tilespmem:$0x4000] =	vst v63  }
0x73: {  	s13 =	sadd.s32 @!p1 s7, s13;
	s12 =	sadd.s32 @!p1 $0x20C0, s12  }
0x74: {  	[tilespmem:s12], [sflag:$0x2] =	stream.linear.gather @!p1 [hbm4b:s13+s16], $0xFA0, $0x38;
	[tilespmem:$0x4000] =	vst v63  }
0x75: {  	p1 =	seq.s32 s11, $0x0  }
.Ltmp9:
0x76: {  	_ = 	snop;
	(pc) =	sbr.rel @p1 .LBB3_5-.Ltmp9, $1  }
0x77: {  	_ =	sdelay $0x3  }
0x78: {  	s12 =	sand.u32 $0x1, s11  }
0x79: {  	_ =	swait.ge [sflag:s6], $0x1F40;
	p1 =	seq.s32 s12, $0x1;
	s12 =	simm.s32 $0xFA0  }
0x7a: {  	[sflag:s6] =	ssyncset.done $0x0;
	s12 =	simm.s32 @!p1 $0x0  }
0x7b: {  	[sflag:s6] =	ssyncadd.s32 $0xFFFFE0C0;
	s14 =	sadd.s32 $0x180, s12  }
0x7c: {  	v0 =	vld.msk [tilespmem:s14+$0x0 ss:$0x1], $0xffff;
	_ =	sdelay $0x4  }
0x7d: {  	v0 =	vmin.u32 v0, $0x1800;
	_ =	sdelay $0x3  }
0x7e: {  	s13 =	simm.s32 $0x0;
	s12 =	sadd.s32 $0x20C0, s12;
	s14 =	sadd.s32 $0x10, s14  }
0x7f: {  	[spmem:s9] =	stream.indirect_vreg.scatter.add.s32 [tilespmem:s12], [sflag:$0x1], $0x1, v0, vm0, $0x4038;
	[tilespmem:$0x4000] =	vst v63  }
.LBB3_3:
0x80: {  	v0 =	vld.msk [tilespmem:s14+$0x0 ss:$0x1], $0xffff;
	s13 =	sadd.s32 $0x10, s13  }
0x81: {  	p1 =	slt.u32 s13, $0xF90;
	_ =	sdelay $0x4  }
0x82: {  	v0 =	vmin.u32 v0, $0x1800  }
.Ltmp10:
0x83: {  	(pc) =	sbr.rel @p1 .LBB3_3-.Ltmp10, $3  }
0x84: {  	_ =	sdelay $0x1  }
0x85: {  	s14 =	sadd.s32 $0x10, s14;
	s12 =	sadd.s32 $0x10, s12  }
0x86: {  	[spmem:s9] =	stream.indirect_vreg.scatter.add.s32 [tilespmem:s12], [sflag:$0x1], $0x1, v0, vm0, $0x4038;
	[tilespmem:$0x4000] =	vst v63  }
.Ltmp11:
0x87: {  	(pc) =	sbr.rel .LBB3_5-.Ltmp11, $4  }
0x88: {  	_ = 	snop  }
0x89: {  	_ =	swait.ge [sflag:s5], $0xFA0  }
0x8a: {  	[sflag:s5] =	ssyncset.done $0x0  }
0x8b: {  	[sflag:s5] =	ssyncadd.s32 $0xFFFFF060  }
.LBB3_6:
0x8c: {  	_ =	sfence.sel $0x180000  }
0x8d: {  	s2 =	simm.s32 $0x2;
	[bflag:$0x0] =	sbarrier.arrive $0xFFFF  }
0x8e: {  	s30 =	simm.s32 $0x1;
	[sflag:s2] =	ssyncpa.u1 $0x1  }
0x8f: {  	[sflag:s30] =	ssyncpa.u1 $0x1  }
0x90: {  	_ =	sfence.stream.spmem  }
0x91: {  	s31 =	simm.s32 $0x3D;
	[bflag:$0x0] =	sbarrier.arrive $0xFFFF  }
0x92: {  	s2 =	simm.s32 @p0 $0x3D;
	[sflag:s31] =	ssyncpa.u1 $0x0  }
0x93: {  	[sflag:s2] =	ssyncpa.u1 @p0 $0x1  }
0x94: {  	[bflag:$0x0] =	sbarrier.arrive @p0 $0xFFFF  }
0x95: {  	_ =	strace @p0 $0x9000005C  }
0x96: {  	s3 =	simm.s32 @!p0 $0x1C3D;
	s2 =	simm.s32 @!p0 $0x0;
	[bflag:$0x2] =	sbarrier.arrive @p0 $0xFFFF  }
0x97: {  	[hbm:s1], [sflag:s3] =	dma.local @!p0 [spmem:s2], $0x300  }
0x98: {  	s1 =	simm.s32 @!p0 $0x3D  }
0x99: {  	_ =	swait.ge @!p0 [sflag:s1], $0x300  }
0x9a: {  	[sflag:s1] =	ssyncset.done @!p0 $0x0  }
0x9b: {  	[sflag:s1] =	ssyncadd.s32 @!p0 $0xFFFFFD00  }
0x9c: {  	[sflag:s1] =	ssyncpa.u1 @!p0 $0x1  }
0x9d: {  	[bflag:$0x0] =	sbarrier.arrive @!p0 $0xFFFF  }
0x9e: {  	_ =	strace @!p0 $0x9000005C  }
0x9f: {  	s0 =	sadd.s32 @!p0 $0x100000, s0;
	[bflag:$0x2] =	sbarrier.arrive @!p0 $0xFFFF  }
0xa0: {  	[sflag:s0] =	ssyncadd.tile.s32 @!p0 $0x1;
	_ =	shalt  }
.Lfunc_end3:
_tile_overlayer_lowered:
.L_overlay_start_3:
0xa1: {  	(tag) =	ssettag $0x3  }
0xa2: {  	s0 =	rddreg [dreg:$0x0];
	s2 =	stileid.u32  }
0xa3: {  	s1 =	rddreg [dreg:$0x1];
	p0 =	sne.s32 s2, $0x0  }
0xa4: {  	s3 =	rddreg [dreg:$0x2];
	[bflag:$0x3] =	sbarrier.arrive $0xFFFF;
	s2 =	simm.s32 @!p0 $0x1C01  }
0xa5: {  	[timem:s3], [sflag:s2] =	dma.local @!p0 [hbm:s0], s1  }
0xa6: {  	s0 =	simm.s32 @!p0 $0x1  }
0xa7: {  	_ =	swait.ge @!p0 [sflag:s0], s1  }
0xa8: {  	s1 =	ssub.s32 @!p0 $0x0, s1;
	[sflag:s0] =	ssyncset.done @!p0 $0x0  }
0xa9: {  	[sflag:s0] =	ssyncadd.s32 @!p0 s1  }
0xaa: {  	[bflag:$0x3] =	sbarrier.arrive $0xFFFF  }
0xab: {  	_ =	shalt  }

// kernel: scatter_offload_async_start.2
scs
__scs_entry_jumppad:
0x0: {  	(pc) =	sbr.rel $0x88, $3  }
0x1: {  	(tag) =	ssettag $0x0;
	lr =	simm.s32 $0x1  }
0x2: {  	[smem:$0x3FA0] =	sst lr;
	_ =	strace $0xD0000000  }
0x3: {  	_ = 	snop  }
0x4: {  	_ = 	snop  }
0x5: {  	_ = 	snop  }
0x6: {  	_ = 	snop  }
0x7: {  	_ = 	snop  }
__scs_overlays_trampoline_lowered:
0x8: {  	[smem:$0x3FAF] =	sst s0  }
0x9: {  	[smem:$0x3FB0] =	sst s1  }
0xa: {  	[smem:$0x3FB1] =	sst s2  }
0xb: {  	[smem:$0x3FB2] =	sst s3  }
0xc: {  	[smem:$0x3FB3] =	sst s4  }
0xd: {  	[smem:$0x3FB4] =	sst s5  }
0xe: {  	[smem:$0x3FB5] =	sst s6  }
0xf: {  	[smem:$0x3FB6] =	sst s7  }
0x10: {  	[smem:$0x3FB7] =	sst s8  }
0x11: {  	[smem:$0x3FB8] =	sst s9;
	s0 =	simm.s32 @!p0 $0x0  }
0x12: {  	s1 =	sld [smem:$0x3F9E];
	s0 =	simm.s32 @p0 $0x1  }
0x13: {  	[smem:$0x3FB9] =	sst s0;
	s0 =	simm.s32 @!p1 $0x0  }
0x14: {  	s2 =	sld [smem:$0x3F9D];
	s0 =	simm.s32 @p1 $0x1  }
0x15: {  	[smem:$0x3FBA] =	sst s0;
	s0 =	simm.s32 @!p2 $0x0  }
0x16: {  	s3 =	sld [smem:$0x3FDB];
	s0 =	simm.s32 @p2 $0x1  }
0x17: {  	s4 =	simm.s32 $0x1BF5;
	[smem:$0x3FBC] =	sst s0  }
0x18: {  	s0 =	sld [smem:$0x3F9F];
	_ =	swait.ge [sflag:s4], $0x0  }
0x19: {  	s7 =	sld [smem:$0x3FA0]  }
0x1a: {  	s8 =	sadd.s32 $0xFFFFE003, lr  }
0x1b: {  	s9 =	sadd.s32 $0xFFFFFEF7, lr;
	s5 =	simm.s32 $0xFFFFFFFF;
	p2 =	slt.u32 s8, $0xFFFFF086  }
0x1c: {  	p1 =	slt.u32 s9, $0xF7A;
	s5 =	simm.s32 @!p2 $0x0  }
0x1d: {  	s5 =	simm.s32 @p1 $0x1;
	p0 =	seq.s32 s7, s2  }
0x1e: {  	s7 =	smul.u32 @!p0 $0xF7A, s2;
	p2 =	seq.s32 @!p0 s5, $0x0  }
0x1f: {  	s9 =	smul.u32 $0xF7A, s1;
	s8 =	simm.s32 @!p0 $0x1BF5;
	p2 =	por !p2, p0  }
0x20: {  	[sflag:s8] =	ssyncset.s32 @!p0 $0xFFFFF086;
	s6 =	sadd.s32 @!p0 s3, s7;
	s7 =	simm.s32 @!p0 $0x108  }
0x21: {  	s3 =	sadd.s32 s3, s9;
	s6 =	sadd.s32 @!p0 $0x88, s6;
	s7 =	simm.s32 @p2 $0x1082  }
0x22: {  	[simem:s7], [sflag:s8] =	dma.local @!p0 [hbm:s6], $0xF7A  }
0x23: {  	s9 =	sor.u32 $0xD0000000, s2;
	s6 =	simm.s32 $0x108;
	_ =	swait.ge @!p0 [sflag:s8], $0x0  }
0x24: {  	s3 =	sadd.s32 $0x88, s3;
	s6 =	simm.s32 @!p1 $0x1082;
	[sflag:s4] =	ssyncset.s32 $0xFFFFF086  }
0x25: {  	[simem:s6], [sflag:s4] =	dma.local [hbm:s3], $0xF7A  }
0x26: {  	[smem:$0x3FA0] =	sst s1;
	(tag) =	ssettag s2;
	_ =	strace s9  }
0x27: {  	s1 =	sld [smem:$0x3FB0]  }
0x28: {  	s2 =	sld [smem:$0x3FB1]  }
0x29: {  	s4 =	sld [smem:$0x3FB3]  }
0x2a: {  	p0 =	seq.s32 s5, $0x0;
	s5 =	sld [smem:$0x3FB4]  }
0x2b: {  	s6 =	sld [smem:$0x3FB5]  }
0x2c: {  	s7 =	sld [smem:$0x3FB6]  }
0x2d: {  	s3 =	simm.s32 $0x108;
	s8 =	sld [smem:$0x3FB7]  }
0x2e: {  	s3 =	simm.s32 @!p0 $0x1082;
	s9 =	sld [smem:$0x3FB8]  }
0x2f: {  	lr =	sadd.s32 s0, s3;
	s0 =	sld [smem:$0x3FAF]  }
0x30: {  	s3 =	sld [smem:$0x3FB2]  }
0x31: {  	[smem:$0x3FBB] =	sst s10  }
0x32: {  	s10 =	sld [smem:$0x3FB9];
	_ =	sdelay $0x3  }
0x33: {  	p0 =	seq.s32 s10, $0x1;
	s10 =	sld [smem:$0x3FBB];
	_ =	sdelay $0x3  }
0x34: {  	[smem:$0x3FBB] =	sst s10  }
0x35: {  	s10 =	sld [smem:$0x3FBA];
	_ =	sdelay $0x3  }
0x36: {  	p1 =	seq.s32 s10, $0x1;
	s10 =	sld [smem:$0x3FBB];
	_ =	sdelay $0x3  }
0x37: {  	[smem:$0x3FBB] =	sst s10  }
0x38: {  	s10 =	sld [smem:$0x3FBC]  }
0x39: {  	_ = 	snop;
	(pc) =	sbr.ind lr, $3  }
0x3a: {  	_ = 	snop  }
0x3b: {  	_ = 	snop  }
0x3c: {  	p2 =	seq.s32 s10, $0x1;
	s10 =	sld [smem:$0x3FBB]  }
0x3d: {  	_ =	shalt  }
0x3e: {  	_ =	shalt  }
0x3f: {  	_ =	shalt  }
0x40: {  	_ =	shalt  }
0x41: {  	_ =	shalt  }
0x42: {  	_ =	shalt  }
0x43: {  	_ =	shalt  }
0x44: {  	_ =	shalt  }
0x45: {  	_ =	shalt  }
0x46: {  	_ =	shalt  }
0x47: {  	_ =	shalt  }
0x48: {  	_ =	shalt  }
0x49: {  	_ =	shalt  }
0x4a: {  	_ =	shalt  }
0x4b: {  	_ =	shalt  }
0x4c: {  	_ =	shalt  }
0x4d: {  	_ =	shalt  }
0x4e: {  	_ =	shalt  }
0x4f: {  	_ =	shalt  }
0x50: {  	_ =	shalt  }
0x51: {  	_ =	shalt  }
0x52: {  	_ =	shalt  }
0x53: {  	_ =	shalt  }
0x54: {  	_ =	shalt  }
0x55: {  	_ =	shalt  }
0x56: {  	_ =	shalt  }
0x57: {  	_ =	shalt  }
0x58: {  	_ =	shalt  }
0x59: {  	_ =	shalt  }
0x5a: {  	_ =	shalt  }
0x5b: {  	_ =	shalt  }
0x5c: {  	_ =	shalt  }
0x5d: {  	_ =	shalt  }
0x5e: {  	_ =	shalt  }
0x5f: {  	_ =	shalt  }
0x60: {  	_ =	shalt  }
0x61: {  	_ =	shalt  }
0x62: {  	_ =	shalt  }
0x63: {  	_ =	shalt  }
0x64: {  	_ =	shalt  }
0x65: {  	_ =	shalt  }
0x66: {  	_ =	shalt  }
0x67: {  	_ =	shalt  }
0x68: {  	_ =	shalt  }
0x69: {  	_ =	shalt  }
0x6a: {  	_ =	shalt  }
0x6b: {  	_ =	shalt  }
0x6c: {  	_ =	shalt  }
0x6d: {  	_ =	shalt  }
0x6e: {  	_ =	shalt  }
0x6f: {  	_ =	shalt  }
0x70: {  	_ =	shalt  }
0x71: {  	_ =	shalt  }
0x72: {  	_ =	shalt  }
0x73: {  	_ =	shalt  }
0x74: {  	_ =	shalt  }
0x75: {  	_ =	shalt  }
0x76: {  	_ =	shalt  }
0x77: {  	_ =	shalt  }
0x78: {  	_ =	shalt  }
0x79: {  	_ =	shalt  }
0x7a: {  	_ =	shalt  }
0x7b: {  	_ =	shalt  }
0x7c: {  	_ =	shalt  }
0x7d: {  	_ =	shalt  }
0x7e: {  	_ =	shalt  }
0x7f: {  	_ =	shalt  }
0x80: {  	_ =	shalt  }
0x81: {  	_ =	shalt  }
0x82: {  	_ =	shalt  }
0x83: {  	_ =	shalt  }
0x84: {  	_ =	shalt  }
0x85: {  	_ =	shalt  }
0x86: {  	_ =	shalt  }
0x87: {  	_ =	shalt  }
.Lfunc_end0:
.L_simem_size_0:
called_computation.2_lowered:
.L_overlay_start_0:
0x88: {  	s0 =	sld [smem:$0x3FD9]  }
0x89: {  	s1 =	sld [smem:$0x3FFE];
	_ =	sdelay $0x3  }
0x8a: {  	s0 =	sadd.s32 s1, s0  }
0x8b: {  	[smem:$0x3FC7] =	sst s0  }
0x8c: {  	_ = 	snop  }
0x8d: {  	(tm) =	ssettm $0x1  }
0x8e: {  	s14 =	sld [smem:$0x3FFB];
	_ =	sdelay $0x3  }
0x8f: {  	_ =	strace s14  }
0x90: {  	s0 =	sld [smem:$0x3FFC];
	_ =	sdelay $0x3  }
0x91: {  	_ =	strace s0  }
0x92: {  	s0 =	sld [smem:$0x3FFD];
	_ =	sdelay $0x3  }
0x93: {  	_ =	strace s0  }
0x94: {  	_ =	strace $0x8FFFFFFF  }
0x95: {  	s15 =	sld [smem:$0x3FDB];
	_ =	sdelay $0x1  }
0x96: {  	s16 =	simm.s32 $_scs_section_size  }
0x97: {  	s2 =	simm.s32 $_size__tile_overlayer_lowered;
	s3 =	simm.s32 $_tile_overlayer_lowered  }
0x98: {  	s4 =	simm.s32 $0x1BFF;
	s17 =	sshll.u32 s3, $0x1;
	s1 =	sadd.s32 s16, s15  }
0x99: {  	s18 =	simm.s32 $0x0;
	s2 =	sshll.u32 s2, $0x1;
	s3 =	sadd.s32 s17, s1  }
0x9a: {  	[timem:s18], [sflag:s4] =	dma.local [hbm:s3], s2  }
0x9b: {  	_ =	swait.ge [sflag:s4], s2  }
0x9c: {  	s2 =	ssub.s32 $0x0, s2;
	[sflag:s4] =	ssyncset.done $0x0  }
0x9d: {  	[sflag:s4] =	ssyncadd.s32 s2;
	_ =	sdelay $0x1  }
0x9e: {  	s19 =	simm.s32 $0x1B8B  }
0x9f: {  	_ =	swait.ge [sflag:s19], $0x1  }
0xa0: {  	[sflag:s19] =	ssyncset.done $0x0  }
0xa1: {  	s21 =	simm.s32 $0x1B8E;
	s20 =	sld [smem:$0x3FFE];
	[sflag:s19] =	ssyncadd.s32 $0xFFFFFFFF  }
0xa2: {  	s22 =	simm.s32 $execute0_lowered;
	[smem:$0x3FD2] =	sst s21  }
0xa3: {  	s3 =	sshll.u32 s22, $0x1;
	_ =	strace $0x8000005E;
	[dreg:$0x1] =	wrdreg $0xFFFFFFFF  }
0xa4: {  	s23 =	simm.s32 $_size_execute0_lowered;
	s3 =	sadd.s32 s1, s3;
	[dreg:$0x0] =	wrdreg $0x0  }
0xa5: {  	s4 =	sshll.u32 s23, $0x1;
	[dreg:$0x2] =	wrdreg s3  }
0xa6: {  	[dreg:$0x3] =	wrdreg s4  }
0xa7: {  	[dreg:$0x4] =	wrdreg $0xC0  }
0xa8: {  	s24 =	simm.s32 $execute1_lowered;
	_ =	task [dreg:s18], $0x5FFFF  }
0xa9: {  	s3 =	sshll.u32 s24, $0x1;
	[dreg:$0x1] =	wrdreg $0xFFFFFFFF  }
0xaa: {  	s1 =	sadd.s32 s1, s3;
	[dreg:$0x0] =	wrdreg $0x60  }
0xab: {  	[dreg:$0x2] =	wrdreg s1  }
0xac: {  	[dreg:$0x3] =	wrdreg s20  }
0xad: {  	[dreg:$0x4] =	wrdreg $0xB  }
0xae: {  	_ =	task.clear_ibuf [dreg:s18], $0x5FFFF;
	_ =	strace $0x9000005E  }
0xaf: {  	s25 =	simm.s32 $0xB;
	_ =	strace $0x80000060  }
0xb0: {  	_ =	swait.ge [sflag:s25], $0x1  }
0xb1: {  	[sflag:s25] =	ssyncadd.s32 $0xFFFFFFFF  }
0xb2: {  	_ =	strace $0x90000060  }
0xb3: {  	_ =	strace $0x80000061;
	[dreg:$0x1] =	wrdreg $0xFFFFFFFF  }
0xb4: {  	[dreg:$0x0] =	wrdreg $0x2030  }
0xb5: {  	[dreg:$0x2] =	wrdreg s20  }
0xb6: {  	[dreg:$0x3] =	wrdreg $0xC  }
0xb7: {  	_ =	task.clear_ibuf [dreg:s18], $0x4FFFF;
	_ =	strace $0x90000061  }
0xb8: {  	s26 =	simm.s32 $0xC;
	_ =	strace $0x80000063  }
0xb9: {  	_ =	swait.ge [sflag:s26], $0x1  }
0xba: {  	[sflag:s26] =	ssyncadd.s32 $0xFFFFFFFF  }
0xbb: {  	_ =	strace $0x90000063  }
0xbc: {  	_ =	sfence  }
0xbd: {  	s28 =	sld [smem:$0x0];
	_ =	sdelay $0x1  }
0xbe: {  	s29 =	srdreg.scid  }
0xbf: {  	s30 =	sshll.u32 s29, $0xD;
	s31 =	sshrl.u32 s29, $0x2  }
0xc0: {  	s2 =	sand.u32 $0x1, s29;
	s3 =	sand.u32 $0x4000, s30;
	s1 =	sadd.s32 s31, s28  }
0xc1: {  	s2 =	sor.u32 s3, s2;
	s1 =	sshll.u32 s1, $0x11  }
0xc2: {  	s1 =	sor.u32 s1, s2  }
0xc3: {  	s1 =	sadd.s32 $0x8F2B, s1  }
0xc4: {  	[sflag:s1] =	ssyncadd.remote.s32 $0x1  }
0xc5: {  	_ =	sfence.sel $0xFFFF  }
0xc6: {  	[dreg:$0x0] =	wrdreg $0xFFFFFFFF;
	(pc) =	sbr.abs _section_cstart, $3  }
0xc7: {  	[dreg:$0x1] =	wrdreg $0xFFFFFFFF  }
0xc8: {  	_ =	task.clear_ibuf [dreg:s18], $0x2FFFF;
	_ =	strace $0x9FFFFFFF  }
0xc9: {  	(tm) =	ssettm $0x7FFFFFFF  }
tec
execute0_lowered:
.L_overlay_start_1:
0x0: {  	(tag) =	ssettag $0x1  }
0x1: {  	s2 =	rddreg [dreg:$0x0]  }
0x2: {  	s4 =	rddreg [dreg:$0x1]  }
0x3: {  	s0 =	rddreg [dreg:$0x2];
	s3 =	stileid.u32  }
0x4: {  	[bflag:$0x3] =	sbarrier.arrive $0xFFFF;
	s1 =	simm.s32 $_size_execute1_lowered;
	p0 =	sne.s32 s3, $0x0  }
0x5: {  	s1 =	sshll.u32 s1, $0x1;
	s5 =	simm.s32 @!p0 $0x1C3F;
	s6 =	simm.s32 @!p0 $0x4060  }
0x6: {  	[timem:s6], [sflag:s5] =	dma.local @!p0 [hbm:s2], s1  }
0x7: {  	s2 =	smul.u32 $0x300, s3  }
.Ltmp0:
0x8: {  	s31 =	simm.s32 $0x2;
	s7 =	simm.s32 $0x300;
	(pc) =	sbr.rel .LBB2_1-.Ltmp0, $4  }
0x9: {  	s8 =	simm.s32 $0x900;
	s10 =	simm.s32 $0x0;
	s9 =	simm.s32 $0x0  }
0xa: {  	s3 =	simm.s32 $0x1;
	_ =	strace $0x8000005F;
	s30 =	sshrl.u32 s2, $0x3  }
0xb: {  	s6 =	simm.s32 $0x0;
	[sflag:s3] =	ssyncpa.u1 $0x0;
	s5 =	sadd.s32 s30, s4  }
0xc: {  	s4 =	sadd.s32 $0x1D800, s4;
	[sflag:s31] =	ssyncpa.u1 $0x0;
	s5 =	sadd.s32 $0x1D200, s5  }
.LBB2_7:
0xd: {  	p1 =	seq.s32 s9, $0x2  }
.Ltmp1:
0xe: {  	_ = 	snop;
	(pc) =	sbr.rel @p1 .LBB2_9-.Ltmp1, $1  }
0xf: {  	_ =	sdelay $0x3  }
.LBB2_8:
0x10: {  	s9 =	sadd.s32 $0x1, s9;
	s10 =	smov.u32 s2  }
.LBB2_1:
0x11: {  	p1 =	sne.s32 s9, $0x0  }
.Ltmp2:
0x12: {  	_ = 	snop;
	(pc) =	sbr.rel @!p1 .LBB2_2-.Ltmp2, $1  }
0x13: {  	_ =	sdelay $0x3  }
0x14: {  	s11 =	sand.u32 $0x1, s9  }
0x15: {  	p1 =	seq.s32 s11, $0x0  }
.Ltmp3:
0x16: {  	_ = 	snop;
	(pc) =	sbr.rel @p1 .LBB2_7-.Ltmp3, $1  }
0x17: {  	_ =	sdelay $0x3  }
0x18: {  	_ =	swait.ge [sflag:s3], $0x300  }
0x19: {  	[sflag:s3] =	ssyncset.done $0x0  }
0x1a: {  	s13 =	simm.s32 $0x3F0;
	[sflag:s3] =	ssyncadd.s32 $0xFFFFFD00  }
0x1b: {  	v0 =	vld [tilespmem:s13+$0x0]  }
0x1c: {  	v1 =	vld [tilespmem:s13+$0xFFFFFF20]  }
0x1d: {  	v2 =	vld [tilespmem:s13+$0xFFFFFF30]  }
0x1e: {  	v3 =	vld [tilespmem:s13+$0xFFFFFF40]  }
0x1f: {  	s11 =	simm.s32 $0x9F0;
	v4 =	vld [tilespmem:s13+$0xFFFFFF50]  }
0x20: {  	v5 =	vld [tilespmem:s13+$0xFFFFFF60];
	[tilespmem:s11+$0x0] =	vst v0  }
0x21: {  	[tilespmem:s11+$0xFFFFFF20] =	vst v1;
	v0 =	vld [tilespmem:s13+$0xFFFFFF70]  }
0x22: {  	[tilespmem:s11+$0xFFFFFF30] =	vst v2;
	v1 =	vld [tilespmem:s13+$0xFFFFFF80]  }
0x23: {  	[tilespmem:s11+$0xFFFFFF40] =	vst v3;
	v2 =	vld [tilespmem:s13+$0xFFFFFF90]  }
0x24: {  	[tilespmem:s11+$0xFFFFFF50] =	vst v4;
	v3 =	vld [tilespmem:s13+$0xFFFFFFA0]  }
0x25: {  	[tilespmem:s11+$0xFFFFFF60] =	vst v5;
	v5 =	vld [tilespmem:s13+$0xFFFFFFB0]  }
0x26: {  	[tilespmem:s11+$0xFFFFFF70] =	vst v0;
	v0 =	vld [tilespmem:s13+$0xFFFFFFC0]  }
0x27: {  	[tilespmem:s11+$0xFFFFFF80] =	vst v1;
	v1 =	vld [tilespmem:s13+$0xFFFFFFD0]  }
0x28: {  	[tilespmem:s11+$0xFFFFFF90] =	vst v2;
	v2 =	vld [tilespmem:s13+$0xFFFFFFE0]  }
0x29: {  	v4 =	vld [tilespmem:s13+$0xFFFFFFF0];
	[tilespmem:s11+$0xFFFFFFA0] =	vst v3  }
0x2a: {  	s12 =	simm.s32 $0x0;
	v3 =	vld [tilespmem:s13+$0xFFFFFF10];
	[tilespmem:s11+$0xFFFFFFB0] =	vst v5;
	s13 =	simm.s32 $0x4F0  }
.LBB2_5:
0x2b: {  	v5 =	vld [tilespmem:s13+$0x0];
	s12 =	sadd.s32 $0x100, s12;
	[tilespmem:s11+$0xFFFFFFC0] =	vst v0  }
0x2c: {  	v0 =	vld [tilespmem:s13+$0xFFFFFF20];
	p1 =	slt.u32 s12, $0x200;
	[tilespmem:s11+$0xFFFFFFD0] =	vst v1  }
0x2d: {  	v1 =	vld [tilespmem:s13+$0xFFFFFF30];
	[tilespmem:s11+$0xFFFFFFE0] =	vst v2  }
0x2e: {  	v2 =	vld [tilespmem:s13+$0xFFFFFF40];
	[tilespmem:s11+$0xFFFFFFF0] =	vst v4  }
0x2f: {  	v4 =	vld [tilespmem:s13+$0xFFFFFF50];
	[tilespmem:s11+$0xFFFFFF10] =	vst v3;
	s11 =	sadd.s32 $0x100, s11  }
0x30: {  	v3 =	vld [tilespmem:s13+$0xFFFFFF60];
	[tilespmem:s11+$0x0] =	vst v5  }
0x31: {  	[tilespmem:s11+$0xFFFFFF20] =	vst v0;
	v0 =	vld [tilespmem:s13+$0xFFFFFF70]  }
0x32: {  	[tilespmem:s11+$0xFFFFFF30] =	vst v1;
	v1 =	vld [tilespmem:s13+$0xFFFFFF80]  }
0x33: {  	[tilespmem:s11+$0xFFFFFF40] =	vst v2;
	v2 =	vld [tilespmem:s13+$0xFFFFFF90]  }
0x34: {  	[tilespmem:s11+$0xFFFFFF50] =	vst v4;
	v4 =	vld [tilespmem:s13+$0xFFFFFFA0]  }
0x35: {  	[tilespmem:s11+$0xFFFFFF60] =	vst v3;
	v5 =	vld [tilespmem:s13+$0xFFFFFFB0]  }
.Ltmp4:
0x36: {  	[tilespmem:s11+$0xFFFFFF70] =	vst v0;
	v0 =	vld [tilespmem:s13+$0xFFFFFFC0];
	(pc) =	sbr.rel @p1 .LBB2_5-.Ltmp4, $4  }
0x37: {  	[tilespmem:s11+$0xFFFFFF80] =	vst v1;
	v1 =	vld [tilespmem:s13+$0xFFFFFFD0]  }
0x38: {  	[tilespmem:s11+$0xFFFFFF90] =	vst v2;
	v2 =	vld [tilespmem:s13+$0xFFFFFFE0]  }
0x39: {  	[tilespmem:s11+$0xFFFFFFA0] =	vst v4;
	v4 =	vld [tilespmem:s13+$0xFFFFFFF0]  }
0x3a: {  	v3 =	vld [tilespmem:s13+$0xFFFFFF10];
	[tilespmem:s11+$0xFFFFFFB0] =	vst v5;
	s13 =	sadd.s32 $0x100, s13  }
0x3b: {  	[tilespmem:s11+$0xFFFFFFC0] =	vst v0  }
.Ltmp5:
0x3c: {  	[tilespmem:s11+$0xFFFFFFD0] =	vst v1;
	(pc) =	sbr.rel .LBB2_7-.Ltmp5, $4  }
0x3d: {  	[tilespmem:s11+$0xFFFFFFE0] =	vst v2  }
0x3e: {  	s10 =	sshrl.u32 s10, $0x3;
	[tilespmem:s11+$0xFFFFFFF0] =	vst v4  }
0x3f: {  	s10 =	sadd.s32 s4, s10;
	[tilespmem:s11+$0xFFFFFF10] =	vst v3  }
0x40: {  	[hbm4b:s10+s6] =	stream.linear.scatter [tilespmem:s8], [sflag:$0x2], $0x300, $0x38;
	[tilespmem:$0xC00] =	vst v63  }
.LBB2_2:
.Ltmp6:
0x41: {  	(pc) =	sbr.rel .LBB2_8-.Ltmp6, $2  }
0x42: {  	_ =	sdelay $0x2  }
0x43: {  	[tilespmem:s7], [sflag:$0x1] =	stream.linear.gather [hbm4b:s5+s6], $0x300, $0x38;
	[tilespmem:$0xC00] =	vst v63  }
.LBB2_9:
0x44: {  	s2 =	simm.s32 $0x2  }
0x45: {  	_ =	swait.ge [sflag:s2], $0x300  }
0x46: {  	[sflag:s2] =	ssyncset.done $0x0  }
0x47: {  	[sflag:s2] =	ssyncadd.s32 $0xFFFFFD00  }
0x48: {  	_ =	sfence.sel $0x180000  }
0x49: {  	s3 =	simm.s32 $0x1;
	[bflag:$0x0] =	sbarrier.arrive $0xFFFF  }
0x4a: {  	[sflag:s3] =	ssyncpa.u1 $0x1  }
0x4b: {  	[sflag:s2] =	ssyncpa.u1 $0x1  }
0x4c: {  	_ =	strace $0x9000005F  }
0x4d: {  	s0 =	sadd.s32 @!p0 $0x100000, s0;
	[bflag:$0x2] =	sbarrier.arrive $0xFFFF  }
0x4e: {  	[sflag:s0] =	ssyncadd.tile.s32 @!p0 $0x1;
	s0 =	simm.s32 @!p0 $0x3F  }
0x4f: {  	_ =	swait.ge @!p0 [sflag:s0], s1  }
0x50: {  	s1 =	ssub.s32 @!p0 $0x0, s1;
	[sflag:s0] =	ssyncset.done @!p0 $0x0  }
0x51: {  	[sflag:s0] =	ssyncadd.s32 @!p0 s1  }
0x52: {  	[bflag:$0x3] =	sbarrier.arrive $0xFFFF  }
0x53: {  	_ =	shalt  }
.Lfunc_end2:
execute1_lowered:
.L_overlay_start_2:
0x54: {  	(tag) =	ssettag $0x2  }
0x55: {  	s7 =	rddreg [dreg:$0x0]  }
0x56: {  	s0 =	rddreg [dreg:$0x1]  }
0x57: {  	_ =	strace $0x80000062;
	s3 =	stileid.u32;
	s4 =	simm.s32 $0x3E  }
0x58: {  	s1 =	sadd.s32 $0x1D800, s7;
	p0 =	sne.s32 s3, $0x0;
	[sflag:s4] =	ssyncpa.u1 $0x0  }
0x59: {  	s30 =	smin.u32 s3, $0x9;
	s2 =	simm.s32 @!p0 $0x1C3E;
	s5 =	simm.s32 @!p0 $0x0  }
0x5a: {  	[spmem:s5], [sflag:s2] =	dma.local @!p0 [hbm:s1], $0x600  }
0x5b: {  	s2 =	sadd.s32 s3, s30  }
0x5c: {  	p1 =	slt.u32 s3, $0x9;
	s3 =	simm.s32 $0x1F40;
	s2 =	smul.u32 $0xFA0, s2  }
0x5d: {  	s3 =	simm.s32 @!p1 $0xFA0  }
0x5e: {  	s3 =	sadd.s32 s3, s2  }
0x5f: {  	s3 =	smin.u32 s3, $0x186A0  }
0x60: {  	s8 =	ssub.s32 s3, s2  }
0x61: {  	p1 =	sgt.s32 s8, $0x0  }
0x62: {  	s8 =	simm.s32 @!p1 $0x0  }
0x63: {  	s5 =	simm.s32 @!p0 $0x3E;
	s31 =	smulhi.u32 $0x10624DD3, s8  }
0x64: {  	_ =	swait.ge @!p0 [sflag:s5], $0x600  }
0x65: {  	s6 =	simm.s32 $0x2;
	[sflag:s5] =	ssyncset.done @!p0 $0x0;
	s9 =	sshrl.u32 s31, $0x8  }
0x66: {  	s11 =	simm.s32 $0x0;
	[sflag:s5] =	ssyncadd.s32 @!p0 $0xFFFFFA00;
	s10 =	smul.u32 $0xFA0, s9  }
.Ltmp7:
0x67: {  	s5 =	sadd.s32 $0x3600, s7;
	[bflag:$0x0] =	sbarrier.arrive $0xFFFF;
	(pc) =	sbr.rel .LBB3_1-.Ltmp7, $4  }
0x68: {  	s7 =	sadd.s32 $0x348E00, s7;
	[sflag:s4] =	ssyncpa.u1 $0x1;
	s4 =	simm.s32 $0x1  }
0x69: {  	[sflag:s4] =	ssyncpa.u1 $0x0;
	p1 =	sne.s32 s8, s10;
	s8 =	simm.s32 $0x1  }
0x6a: {  	(ifvalue) =	ssetifvalue $0x3000;
	[sflag:s6] =	ssyncpa.u1 $0x0;
	s8 =	simm.s32 @!p1 $0x0  }
0x6b: {  	vm0 =	vmmov $0xffff;
	s10 =	smov.u32 s2;
	s8 =	sadd.s32 s8, s9;
	s9 =	simm.s32 $0x0  }
.LBB3_5:
0x6c: {  	p2 =	sne.s32 s11, s8  }
.Ltmp8:
0x6d: {  	_ = 	snop;
	(pc) =	sbr.rel @!p2 .LBB3_6-.Ltmp8, $4  }
0x6e: {  	_ = 	snop  }
0x6f: {  	s12 =	sadd.s32 $0xFA0, s10  }
0x70: {  	s10 =	smov.u32 s2;
	s13 =	sadd.s32 $0x1, s11;
	p1 =	slt.s32 s12, s3  }
0x71: {  	s11 =	smov.u32 s13;
	s10 =	smov.u32 @p1 s12  }
.LBB3_1:
0x72: {  	p1 =	sge.u32 s11, s8  }
0x73: {  	s12 =	sxor.u32 @!p1 $0xFFFFFFFF, s11  }
0x74: {  	s12 =	sand.u32 @!p1 $0x1, s12  }
0x75: {  	s12 =	smul.u32 @!p1 $0xFA0, s12  }
0x76: {  	s13 =	sshrl.u32 @!p1 s10, $0x3  }
0x77: {  	s16 =	sand.u32 @!p1 $0x7, s10;
	s14 =	sadd.s32 @!p1 s5, s13;
	s15 =	sadd.s32 @!p1 $0x300, s12  }
0x78: {  	[tilespmem:s15], [sflag:$0x2] =	stream.linear.gather @!p1 [hbm4b:s14+s16], $0xFA0, $0x38;
	[tilespmem:$0x4180] =	vst v63  }
0x79: {  	s13 =	sadd.s32 @!p1 s7, s13;
	s12 =	sadd.s32 @!p1 $0x2240, s12  }
0x7a: {  	[tilespmem:s12], [sflag:$0x2] =	stream.linear.gather @!p1 [hbm4b:s13+s16], $0xFA0, $0x38;
	[tilespmem:$0x4180] =	vst v63  }
0x7b: {  	p1 =	seq.s32 s11, $0x0  }
.Ltmp9:
0x7c: {  	_ = 	snop;
	(pc) =	sbr.rel @p1 .LBB3_5-.Ltmp9, $1  }
0x7d: {  	_ =	sdelay $0x3  }
0x7e: {  	s12 =	sand.u32 $0x1, s11  }
0x7f: {  	_ =	swait.ge [sflag:s6], $0x1F40;
	p1 =	seq.s32 s12, $0x1;
	s12 =	simm.s32 $0xFA0  }
0x80: {  	[sflag:s6] =	ssyncset.done $0x0;
	s12 =	simm.s32 @!p1 $0x0  }
0x81: {  	[sflag:s6] =	ssyncadd.s32 $0xFFFFE0C0;
	s14 =	sadd.s32 $0x300, s12  }
0x82: {  	v0 =	vld.msk [tilespmem:s14+$0x0 ss:$0x1], $0xffff;
	_ =	sdelay $0x4  }
0x83: {  	v0 =	vmin.u32 v0, $0x3000;
	_ =	sdelay $0x3  }
0x84: {  	s13 =	simm.s32 $0x0;
	s12 =	sadd.s32 $0x2240, s12;
	s14 =	sadd.s32 $0x10, s14  }
0x85: {  	[spmem:s9] =	stream.indirect_vreg.scatter.add.s32 [tilespmem:s12], [sflag:$0x1], $0x1, v0, vm0, $0x4038;
	[tilespmem:$0x4180] =	vst v63  }
.LBB3_3:
0x86: {  	v0 =	vld.msk [tilespmem:s14+$0x0 ss:$0x1], $0xffff;
	s13 =	sadd.s32 $0x10, s13  }
0x87: {  	p1 =	slt.u32 s13, $0xF90;
	_ =	sdelay $0x4  }
0x88: {  	v0 =	vmin.u32 v0, $0x3000  }
.Ltmp10:
0x89: {  	(pc) =	sbr.rel @p1 .LBB3_3-.Ltmp10, $3  }
0x8a: {  	_ =	sdelay $0x1  }
0x8b: {  	s14 =	sadd.s32 $0x10, s14;
	s12 =	sadd.s32 $0x10, s12  }
0x8c: {  	[spmem:s9] =	stream.indirect_vreg.scatter.add.s32 [tilespmem:s12], [sflag:$0x1], $0x1, v0, vm0, $0x4038;
	[tilespmem:$0x4180] =	vst v63  }
.Ltmp11:
0x8d: {  	(pc) =	sbr.rel .LBB3_5-.Ltmp11, $4  }
0x8e: {  	_ = 	snop  }
0x8f: {  	_ =	swait.ge [sflag:s4], $0xFA0  }
0x90: {  	[sflag:s4] =	ssyncset.done $0x0  }
0x91: {  	[sflag:s4] =	ssyncadd.s32 $0xFFFFF060  }
.LBB3_6:
0x92: {  	_ =	sfence.sel $0x180000  }
0x93: {  	s2 =	simm.s32 $0x2;
	[bflag:$0x0] =	sbarrier.arrive $0xFFFF  }
0x94: {  	s30 =	simm.s32 $0x1;
	[sflag:s2] =	ssyncpa.u1 $0x1  }
0x95: {  	[sflag:s30] =	ssyncpa.u1 $0x1  }
0x96: {  	_ =	sfence.stream.spmem  }
0x97: {  	s31 =	simm.s32 $0x3D;
	[bflag:$0x0] =	sbarrier.arrive $0xFFFF  }
0x98: {  	s2 =	simm.s32 @p0 $0x3D;
	[sflag:s31] =	ssyncpa.u1 $0x0  }
0x99: {  	[sflag:s2] =	ssyncpa.u1 @p0 $0x1  }
0x9a: {  	[bflag:$0x0] =	sbarrier.arrive @p0 $0xFFFF  }
0x9b: {  	_ =	strace @p0 $0x90000062  }
0x9c: {  	s3 =	simm.s32 @!p0 $0x1C3D;
	s2 =	simm.s32 @!p0 $0x0;
	[bflag:$0x2] =	sbarrier.arrive @p0 $0xFFFF  }
0x9d: {  	[hbm:s1], [sflag:s3] =	dma.local @!p0 [spmem:s2], $0x600  }
0x9e: {  	s1 =	simm.s32 @!p0 $0x3D  }
0x9f: {  	_ =	swait.ge @!p0 [sflag:s1], $0x600  }
0xa0: {  	[sflag:s1] =	ssyncset.done @!p0 $0x0  }
0xa1: {  	[sflag:s1] =	ssyncadd.s32 @!p0 $0xFFFFFA00  }
0xa2: {  	[sflag:s1] =	ssyncpa.u1 @!p0 $0x1  }
0xa3: {  	[bflag:$0x0] =	sbarrier.arrive @!p0 $0xFFFF  }
0xa4: {  	_ =	strace @!p0 $0x90000062  }
0xa5: {  	s0 =	sadd.s32 @!p0 $0x100000, s0;
	[bflag:$0x2] =	sbarrier.arrive @!p0 $0xFFFF  }
0xa6: {  	[sflag:s0] =	ssyncadd.tile.s32 @!p0 $0x1;
	_ =	shalt  }
.Lfunc_end3:
_tile_overlayer_lowered:
.L_overlay_start_3:
0xa7: {  	(tag) =	ssettag $0x3  }
0xa8: {  	s0 =	rddreg [dreg:$0x0];
	s2 =	stileid.u32  }
0xa9: {  	s1 =	rddreg [dreg:$0x1];
	p0 =	sne.s32 s2, $0x0  }
0xaa: {  	s3 =	rddreg [dreg:$0x2];
	[bflag:$0x3] =	sbarrier.arrive $0xFFFF;
	s2 =	simm.s32 @!p0 $0x1C01  }
0xab: {  	[timem:s3], [sflag:s2] =	dma.local @!p0 [hbm:s0], s1  }
0xac: {  	s0 =	simm.s32 @!p0 $0x1  }
0xad: {  	_ =	swait.ge @!p0 [sflag:s0], s1  }
0xae: {  	s1 =	ssub.s32 @!p0 $0x0, s1;
	[sflag:s0] =	ssyncset.done @!p0 $0x0  }
0xaf: {  	[sflag:s0] =	ssyncadd.s32 @!p0 s1  }
0xb0: {  	[bflag:$0x3] =	sbarrier.arrive $0xFFFF  }
0xb1: {  	_ =	shalt  }

// kernel: scatter_offload_async_start.3
scs
__scs_entry_jumppad:
0x0: {  	(pc) =	sbr.rel $0x88, $3  }
0x1: {  	(tag) =	ssettag $0x0;
	lr =	simm.s32 $0x1  }
0x2: {  	[smem:$0x3FA0] =	sst lr;
	_ =	strace $0xD0000000  }
0x3: {  	_ = 	snop  }
0x4: {  	_ = 	snop  }
0x5: {  	_ = 	snop  }
0x6: {  	_ = 	snop  }
0x7: {  	_ = 	snop  }
__scs_overlays_trampoline_lowered:
0x8: {  	[smem:$0x3FAF] =	sst s0  }
0x9: {  	[smem:$0x3FB0] =	sst s1  }
0xa: {  	[smem:$0x3FB1] =	sst s2  }
0xb: {  	[smem:$0x3FB2] =	sst s3  }
0xc: {  	[smem:$0x3FB3] =	sst s4  }
0xd: {  	[smem:$0x3FB4] =	sst s5  }
0xe: {  	[smem:$0x3FB5] =	sst s6  }
0xf: {  	[smem:$0x3FB6] =	sst s7  }
0x10: {  	[smem:$0x3FB7] =	sst s8  }
0x11: {  	[smem:$0x3FB8] =	sst s9;
	s0 =	simm.s32 @!p0 $0x0  }
0x12: {  	s1 =	sld [smem:$0x3F9E];
	s0 =	simm.s32 @p0 $0x1  }
0x13: {  	[smem:$0x3FB9] =	sst s0;
	s0 =	simm.s32 @!p1 $0x0  }
0x14: {  	s2 =	sld [smem:$0x3F9D];
	s0 =	simm.s32 @p1 $0x1  }
0x15: {  	[smem:$0x3FBA] =	sst s0;
	s0 =	simm.s32 @!p2 $0x0  }
0x16: {  	s3 =	sld [smem:$0x3FDB];
	s0 =	simm.s32 @p2 $0x1  }
0x17: {  	s4 =	simm.s32 $0x1BF5;
	[smem:$0x3FBC] =	sst s0  }
0x18: {  	s0 =	sld [smem:$0x3F9F];
	_ =	swait.ge [sflag:s4], $0x0  }
0x19: {  	s7 =	sld [smem:$0x3FA0]  }
0x1a: {  	s8 =	sadd.s32 $0xFFFFE003, lr  }
0x1b: {  	s9 =	sadd.s32 $0xFFFFFEF7, lr;
	s5 =	simm.s32 $0xFFFFFFFF;
	p2 =	slt.u32 s8, $0xFFFFF086  }
0x1c: {  	p1 =	slt.u32 s9, $0xF7A;
	s5 =	simm.s32 @!p2 $0x0  }
0x1d: {  	s5 =	simm.s32 @p1 $0x1;
	p0 =	seq.s32 s7, s2  }
0x1e: {  	s7 =	smul.u32 @!p0 $0xF7A, s2;
	p2 =	seq.s32 @!p0 s5, $0x0  }
0x1f: {  	s9 =	smul.u32 $0xF7A, s1;
	s8 =	simm.s32 @!p0 $0x1BF5;
	p2 =	por !p2, p0  }
0x20: {  	[sflag:s8] =	ssyncset.s32 @!p0 $0xFFFFF086;
	s6 =	sadd.s32 @!p0 s3, s7;
	s7 =	simm.s32 @!p0 $0x108  }
0x21: {  	s3 =	sadd.s32 s3, s9;
	s6 =	sadd.s32 @!p0 $0x88, s6;
	s7 =	simm.s32 @p2 $0x1082  }
0x22: {  	[simem:s7], [sflag:s8] =	dma.local @!p0 [hbm:s6], $0xF7A  }
0x23: {  	s9 =	sor.u32 $0xD0000000, s2;
	s6 =	simm.s32 $0x108;
	_ =	swait.ge @!p0 [sflag:s8], $0x0  }
0x24: {  	s3 =	sadd.s32 $0x88, s3;
	s6 =	simm.s32 @!p1 $0x1082;
	[sflag:s4] =	ssyncset.s32 $0xFFFFF086  }
0x25: {  	[simem:s6], [sflag:s4] =	dma.local [hbm:s3], $0xF7A  }
0x26: {  	[smem:$0x3FA0] =	sst s1;
	(tag) =	ssettag s2;
	_ =	strace s9  }
0x27: {  	s1 =	sld [smem:$0x3FB0]  }
0x28: {  	s2 =	sld [smem:$0x3FB1]  }
0x29: {  	s4 =	sld [smem:$0x3FB3]  }
0x2a: {  	p0 =	seq.s32 s5, $0x0;
	s5 =	sld [smem:$0x3FB4]  }
0x2b: {  	s6 =	sld [smem:$0x3FB5]  }
0x2c: {  	s7 =	sld [smem:$0x3FB6]  }
0x2d: {  	s3 =	simm.s32 $0x108;
	s8 =	sld [smem:$0x3FB7]  }
0x2e: {  	s3 =	simm.s32 @!p0 $0x1082;
	s9 =	sld [smem:$0x3FB8]  }
0x2f: {  	lr =	sadd.s32 s0, s3;
	s0 =	sld [smem:$0x3FAF]  }
0x30: {  	s3 =	sld [smem:$0x3FB2]  }
0x31: {  	[smem:$0x3FBB] =	sst s10  }
0x32: {  	s10 =	sld [smem:$0x3FB9];
	_ =	sdelay $0x3  }
0x33: {  	p0 =	seq.s32 s10, $0x1;
	s10 =	sld [smem:$0x3FBB];
	_ =	sdelay $0x3  }
0x34: {  	[smem:$0x3FBB] =	sst s10  }
0x35: {  	s10 =	sld [smem:$0x3FBA];
	_ =	sdelay $0x3  }
0x36: {  	p1 =	seq.s32 s10, $0x1;
	s10 =	sld [smem:$0x3FBB];
	_ =	sdelay $0x3  }
0x37: {  	[smem:$0x3FBB] =	sst s10  }
0x38: {  	s10 =	sld [smem:$0x3FBC]  }
0x39: {  	_ = 	snop;
	(pc) =	sbr.ind lr, $3  }
0x3a: {  	_ = 	snop  }
0x3b: {  	_ = 	snop  }
0x3c: {  	p2 =	seq.s32 s10, $0x1;
	s10 =	sld [smem:$0x3FBB]  }
0x3d: {  	_ =	shalt  }
0x3e: {  	_ =	shalt  }
0x3f: {  	_ =	shalt  }
0x40: {  	_ =	shalt  }
0x41: {  	_ =	shalt  }
0x42: {  	_ =	shalt  }
0x43: {  	_ =	shalt  }
0x44: {  	_ =	shalt  }
0x45: {  	_ =	shalt  }
0x46: {  	_ =	shalt  }
0x47: {  	_ =	shalt  }
0x48: {  	_ =	shalt  }
0x49: {  	_ =	shalt  }
0x4a: {  	_ =	shalt  }
0x4b: {  	_ =	shalt  }
0x4c: {  	_ =	shalt  }
0x4d: {  	_ =	shalt  }
0x4e: {  	_ =	shalt  }
0x4f: {  	_ =	shalt  }
0x50: {  	_ =	shalt  }
0x51: {  	_ =	shalt  }
0x52: {  	_ =	shalt  }
0x53: {  	_ =	shalt  }
0x54: {  	_ =	shalt  }
0x55: {  	_ =	shalt  }
0x56: {  	_ =	shalt  }
0x57: {  	_ =	shalt  }
0x58: {  	_ =	shalt  }
0x59: {  	_ =	shalt  }
0x5a: {  	_ =	shalt  }
0x5b: {  	_ =	shalt  }
0x5c: {  	_ =	shalt  }
0x5d: {  	_ =	shalt  }
0x5e: {  	_ =	shalt  }
0x5f: {  	_ =	shalt  }
0x60: {  	_ =	shalt  }
0x61: {  	_ =	shalt  }
0x62: {  	_ =	shalt  }
0x63: {  	_ =	shalt  }
0x64: {  	_ =	shalt  }
0x65: {  	_ =	shalt  }
0x66: {  	_ =	shalt  }
0x67: {  	_ =	shalt  }
0x68: {  	_ =	shalt  }
0x69: {  	_ =	shalt  }
0x6a: {  	_ =	shalt  }
0x6b: {  	_ =	shalt  }
0x6c: {  	_ =	shalt  }
0x6d: {  	_ =	shalt  }
0x6e: {  	_ =	shalt  }
0x6f: {  	_ =	shalt  }
0x70: {  	_ =	shalt  }
0x71: {  	_ =	shalt  }
0x72: {  	_ =	shalt  }
0x73: {  	_ =	shalt  }
0x74: {  	_ =	shalt  }
0x75: {  	_ =	shalt  }
0x76: {  	_ =	shalt  }
0x77: {  	_ =	shalt  }
0x78: {  	_ =	shalt  }
0x79: {  	_ =	shalt  }
0x7a: {  	_ =	shalt  }
0x7b: {  	_ =	shalt  }
0x7c: {  	_ =	shalt  }
0x7d: {  	_ =	shalt  }
0x7e: {  	_ =	shalt  }
0x7f: {  	_ =	shalt  }
0x80: {  	_ =	shalt  }
0x81: {  	_ =	shalt  }
0x82: {  	_ =	shalt  }
0x83: {  	_ =	shalt  }
0x84: {  	_ =	shalt  }
0x85: {  	_ =	shalt  }
0x86: {  	_ =	shalt  }
0x87: {  	_ =	shalt  }
.Lfunc_end0:
.L_simem_size_0:
called_computation.3_lowered:
.L_overlay_start_0:
0x88: {  	s0 =	sld [smem:$0x3FD9]  }
0x89: {  	s1 =	sld [smem:$0x3FFE];
	_ =	sdelay $0x3  }
0x8a: {  	s0 =	sadd.s32 s1, s0  }
0x8b: {  	[smem:$0x3FC7] =	sst s0  }
0x8c: {  	_ = 	snop  }
0x8d: {  	(tm) =	ssettm $0x1  }
0x8e: {  	s14 =	sld [smem:$0x3FFB];
	_ =	sdelay $0x3  }
0x8f: {  	_ =	strace s14  }
0x90: {  	s0 =	sld [smem:$0x3FFC];
	_ =	sdelay $0x3  }
0x91: {  	_ =	strace s0  }
0x92: {  	s0 =	sld [smem:$0x3FFD];
	_ =	sdelay $0x3  }
0x93: {  	_ =	strace s0  }
0x94: {  	_ =	strace $0x8FFFFFFF  }
0x95: {  	s15 =	sld [smem:$0x3FDB];
	_ =	sdelay $0x1  }
0x96: {  	s16 =	simm.s32 $_scs_section_size  }
0x97: {  	s2 =	simm.s32 $_size__tile_overlayer_lowered;
	s3 =	simm.s32 $_tile_overlayer_lowered  }
0x98: {  	s4 =	simm.s32 $0x1BFF;
	s17 =	sshll.u32 s3, $0x1;
	s1 =	sadd.s32 s16, s15  }
0x99: {  	s18 =	simm.s32 $0x0;
	s2 =	sshll.u32 s2, $0x1;
	s3 =	sadd.s32 s17, s1  }
0x9a: {  	[timem:s18], [sflag:s4] =	dma.local [hbm:s3], s2  }
0x9b: {  	_ =	swait.ge [sflag:s4], s2  }
0x9c: {  	s2 =	ssub.s32 $0x0, s2;
	[sflag:s4] =	ssyncset.done $0x0  }
0x9d: {  	[sflag:s4] =	ssyncadd.s32 s2;
	_ =	sdelay $0x1  }
0x9e: {  	s19 =	simm.s32 $0x1B8B  }
0x9f: {  	_ =	swait.ge [sflag:s19], $0x1  }
0xa0: {  	[sflag:s19] =	ssyncset.done $0x0  }
0xa1: {  	s21 =	simm.s32 $0x1B8E;
	s20 =	sld [smem:$0x3FFE];
	[sflag:s19] =	ssyncadd.s32 $0xFFFFFFFF  }
0xa2: {  	s22 =	simm.s32 $execute0_lowered;
	[smem:$0x3FD2] =	sst s21  }
0xa3: {  	s3 =	sshll.u32 s22, $0x1;
	_ =	strace $0x80000052;
	[dreg:$0x1] =	wrdreg $0xFFFFFFFF  }
0xa4: {  	s23 =	simm.s32 $_size_execute0_lowered;
	s3 =	sadd.s32 s1, s3;
	[dreg:$0x0] =	wrdreg $0x0  }
0xa5: {  	s4 =	sshll.u32 s23, $0x1;
	[dreg:$0x2] =	wrdreg s3  }
0xa6: {  	[dreg:$0x3] =	wrdreg s4  }
0xa7: {  	[dreg:$0x4] =	wrdreg $0xC0  }
0xa8: {  	s24 =	simm.s32 $execute1_lowered;
	_ =	task [dreg:s18], $0x5FFFF  }
0xa9: {  	s3 =	sshll.u32 s24, $0x1;
	[dreg:$0x1] =	wrdreg $0xFFFFFFFF  }
0xaa: {  	s1 =	sadd.s32 s1, s3;
	[dreg:$0x0] =	wrdreg $0x60  }
0xab: {  	[dreg:$0x2] =	wrdreg s1  }
0xac: {  	[dreg:$0x3] =	wrdreg s20  }
0xad: {  	[dreg:$0x4] =	wrdreg $0x11  }
0xae: {  	_ =	task.clear_ibuf [dreg:s18], $0x5FFFF;
	_ =	strace $0x90000052  }
0xaf: {  	s25 =	simm.s32 $0x11;
	_ =	strace $0x80000054  }
0xb0: {  	_ =	swait.ge [sflag:s25], $0x1  }
0xb1: {  	[sflag:s25] =	ssyncadd.s32 $0xFFFFFFFF  }
0xb2: {  	_ =	strace $0x90000054  }
0xb3: {  	_ =	strace $0x80000055;
	[dreg:$0x1] =	wrdreg $0xFFFFFFFF  }
0xb4: {  	[dreg:$0x0] =	wrdreg $0x2030  }
0xb5: {  	[dreg:$0x2] =	wrdreg s20  }
0xb6: {  	[dreg:$0x3] =	wrdreg $0x12  }
0xb7: {  	_ =	task.clear_ibuf [dreg:s18], $0x4FFFF;
	_ =	strace $0x90000055  }
0xb8: {  	s26 =	simm.s32 $0x12;
	_ =	strace $0x80000057  }
0xb9: {  	_ =	swait.ge [sflag:s26], $0x1  }
0xba: {  	[sflag:s26] =	ssyncadd.s32 $0xFFFFFFFF  }
0xbb: {  	_ =	strace $0x90000057  }
0xbc: {  	_ =	sfence  }
0xbd: {  	s28 =	sld [smem:$0x0];
	_ =	sdelay $0x1  }
0xbe: {  	s29 =	srdreg.scid  }
0xbf: {  	s30 =	sshll.u32 s29, $0xD;
	s31 =	sshrl.u32 s29, $0x2  }
0xc0: {  	s2 =	sand.u32 $0x1, s29;
	s3 =	sand.u32 $0x4000, s30;
	s1 =	sadd.s32 s31, s28  }
0xc1: {  	s2 =	sor.u32 s3, s2;
	s1 =	sshll.u32 s1, $0x11  }
0xc2: {  	s1 =	sor.u32 s1, s2  }
0xc3: {  	s1 =	sadd.s32 $0x8F2B, s1  }
0xc4: {  	[sflag:s1] =	ssyncadd.remote.s32 $0x1  }
0xc5: {  	_ =	sfence.sel $0xFFFF  }
0xc6: {  	[dreg:$0x0] =	wrdreg $0xFFFFFFFF;
	(pc) =	sbr.abs _section_cstart, $3  }
0xc7: {  	[dreg:$0x1] =	wrdreg $0xFFFFFFFF  }
0xc8: {  	_ =	task.clear_ibuf [dreg:s18], $0x2FFFF;
	_ =	strace $0x9FFFFFFF  }
0xc9: {  	(tm) =	ssettm $0x7FFFFFFF  }
tec
execute0_lowered:
.L_overlay_start_1:
0x0: {  	(tag) =	ssettag $0x1  }
0x1: {  	s2 =	rddreg [dreg:$0x0]  }
0x2: {  	s4 =	rddreg [dreg:$0x1]  }
0x3: {  	s0 =	rddreg [dreg:$0x2];
	s3 =	stileid.u32  }
0x4: {  	[bflag:$0x3] =	sbarrier.arrive $0xFFFF;
	s1 =	simm.s32 $_size_execute1_lowered;
	p0 =	sne.s32 s3, $0x0  }
0x5: {  	s1 =	sshll.u32 s1, $0x1;
	s5 =	simm.s32 @!p0 $0x1C3F;
	s6 =	simm.s32 @!p0 $0x4060  }
0x6: {  	[timem:s6], [sflag:s5] =	dma.local @!p0 [hbm:s2], s1  }
0x7: {  	s2 =	smul.u32 $0x180, s3  }
.Ltmp0:
0x8: {  	s31 =	simm.s32 $0x2;
	s7 =	simm.s32 $0x180;
	(pc) =	sbr.rel .LBB2_1-.Ltmp0, $4  }
0x9: {  	s8 =	simm.s32 $0x480;
	s10 =	simm.s32 $0x0;
	s9 =	simm.s32 $0x0  }
0xa: {  	s3 =	simm.s32 $0x1;
	_ =	strace $0x80000053;
	s30 =	sshrl.u32 s2, $0x3  }
0xb: {  	s6 =	simm.s32 $0x0;
	[sflag:s3] =	ssyncpa.u1 $0x0;
	s5 =	sadd.s32 s30, s4  }
0xc: {  	s4 =	sadd.s32 $0x1CA00, s4;
	[sflag:s31] =	ssyncpa.u1 $0x0;
	s5 =	sadd.s32 $0x1C600, s5  }
.LBB2_7:
0xd: {  	p1 =	seq.s32 s9, $0x2  }
.Ltmp1:
0xe: {  	_ = 	snop;
	(pc) =	sbr.rel @p1 .LBB2_9-.Ltmp1, $1  }
0xf: {  	_ =	sdelay $0x3  }
.LBB2_8:
0x10: {  	s9 =	sadd.s32 $0x1, s9;
	s10 =	smov.u32 s2  }
.LBB2_1:
0x11: {  	p1 =	sne.s32 s9, $0x0  }
.Ltmp2:
0x12: {  	_ = 	snop;
	(pc) =	sbr.rel @!p1 .LBB2_2-.Ltmp2, $1  }
0x13: {  	_ =	sdelay $0x3  }
0x14: {  	s11 =	sand.u32 $0x1, s9  }
0x15: {  	p1 =	seq.s32 s11, $0x0  }
.Ltmp3:
0x16: {  	_ = 	snop;
	(pc) =	sbr.rel @p1 .LBB2_7-.Ltmp3, $1  }
0x17: {  	_ =	sdelay $0x3  }
0x18: {  	_ =	swait.ge [sflag:s3], $0x180  }
0x19: {  	[sflag:s3] =	ssyncset.done $0x0  }
0x1a: {  	[sflag:s3] =	ssyncadd.s32 $0xFFFFFE80  }
0x1b: {  	v0 =	vld [tilespmem:$0x180]  }
0x1c: {  	v1 =	vld [tilespmem:$0x190]  }
0x1d: {  	v2 =	vld [tilespmem:$0x1A0]  }
0x1e: {  	v3 =	vld [tilespmem:$0x1B0]  }
0x1f: {  	v4 =	vld [tilespmem:$0x1C0]  }
0x20: {  	v53 =	vld [tilespmem:$0x1D0];
	[tilespmem:$0x480] =	vst v0  }
0x21: {  	v54 =	vld [tilespmem:$0x1E0];
	[tilespmem:$0x490] =	vst v1  }
0x22: {  	v55 =	vld [tilespmem:$0x1F0];
	[tilespmem:$0x4A0] =	vst v2  }
0x23: {  	v56 =	vld [tilespmem:$0x200];
	[tilespmem:$0x4B0] =	vst v3  }
0x24: {  	v57 =	vld [tilespmem:$0x210];
	[tilespmem:$0x4C0] =	vst v4  }
0x25: {  	v58 =	vld [tilespmem:$0x220];
	[tilespmem:$0x4D0] =	vst v53  }
0x26: {  	v59 =	vld [tilespmem:$0x230];
	[tilespmem:$0x4E0] =	vst v54  }
0x27: {  	v60 =	vld [tilespmem:$0x240];
	[tilespmem:$0x4F0] =	vst v55  }
0x28: {  	v61 =	vld [tilespmem:$0x250];
	[tilespmem:$0x500] =	vst v56  }
0x29: {  	v62 =	vld [tilespmem:$0x260];
	[tilespmem:$0x510] =	vst v57  }
0x2a: {  	v63 =	vld [tilespmem:$0x270];
	[tilespmem:$0x520] =	vst v58  }
0x2b: {  	[tilespmem:$0x530] =	vst v59  }
0x2c: {  	[tilespmem:$0x540] =	vst v60  }
0x2d: {  	[tilespmem:$0x550] =	vst v61  }
0x2e: {  	[tilespmem:$0x560] =	vst v62  }
0x2f: {  	s11 =	simm.s32 $0xF0;
	s12 =	simm.s32 $0x580;
	s13 =	simm.s32 $0x280;
	[tilespmem:$0x570] =	vst v63  }
.LBB2_5:
0x30: {  	s11 =	sadd.s32 $0x10, s11  }
0x31: {  	v0 =	vld [tilespmem:s13+$0x0];
	p1 =	slt.u32 s11, $0x170  }
.Ltmp4:
0x32: {  	_ = 	snop;
	(pc) =	sbr.rel @p1 .LBB2_5-.Ltmp4, $2  }
0x33: {  	_ =	sdelay $0x2  }
0x34: {  	s13 =	sadd.s32 $0x10, s13;
	[tilespmem:s12+$0x0] =	vst v0;
	s12 =	sadd.s32 $0x10, s12  }
.Ltmp5:
0x35: {  	(pc) =	sbr.rel .LBB2_7-.Ltmp5, $4  }
0x36: {  	_ = 	snop  }
0x37: {  	s10 =	sshrl.u32 s10, $0x3  }
0x38: {  	s10 =	sadd.s32 s4, s10  }
0x39: {  	[hbm4b:s10+s6] =	stream.linear.scatter [tilespmem:s8], [sflag:$0x2], $0x180, $0x38;
	[tilespmem:$0x600] =	vst v63  }
.LBB2_2:
.Ltmp6:
0x3a: {  	(pc) =	sbr.rel .LBB2_8-.Ltmp6, $2  }
0x3b: {  	_ =	sdelay $0x2  }
0x3c: {  	[tilespmem:s7], [sflag:$0x1] =	stream.linear.gather [hbm4b:s5+s6], $0x180, $0x38;
	[tilespmem:$0x600] =	vst v63  }
.LBB2_9:
0x3d: {  	s2 =	simm.s32 $0x2  }
0x3e: {  	_ =	swait.ge [sflag:s2], $0x180  }
0x3f: {  	[sflag:s2] =	ssyncset.done $0x0  }
0x40: {  	[sflag:s2] =	ssyncadd.s32 $0xFFFFFE80  }
0x41: {  	_ =	sfence.sel $0x180000  }
0x42: {  	s3 =	simm.s32 $0x1;
	[bflag:$0x0] =	sbarrier.arrive $0xFFFF  }
0x43: {  	[sflag:s3] =	ssyncpa.u1 $0x1  }
0x44: {  	[sflag:s2] =	ssyncpa.u1 $0x1  }
0x45: {  	_ =	strace $0x90000053  }
0x46: {  	s0 =	sadd.s32 @!p0 $0x100000, s0;
	[bflag:$0x2] =	sbarrier.arrive $0xFFFF  }
0x47: {  	[sflag:s0] =	ssyncadd.tile.s32 @!p0 $0x1;
	s0 =	simm.s32 @!p0 $0x3F  }
0x48: {  	_ =	swait.ge @!p0 [sflag:s0], s1  }
0x49: {  	s1 =	ssub.s32 @!p0 $0x0, s1;
	[sflag:s0] =	ssyncset.done @!p0 $0x0  }
0x4a: {  	[sflag:s0] =	ssyncadd.s32 @!p0 s1  }
0x4b: {  	[bflag:$0x3] =	sbarrier.arrive $0xFFFF  }
0x4c: {  	_ =	shalt  }
.Lfunc_end2:
execute1_lowered:
.L_overlay_start_2:
0x4d: {  	(tag) =	ssettag $0x2  }
0x4e: {  	s7 =	rddreg [dreg:$0x0]  }
0x4f: {  	s0 =	rddreg [dreg:$0x1]  }
0x50: {  	_ =	strace $0x80000056;
	s3 =	stileid.u32;
	s4 =	simm.s32 $0x3E  }
0x51: {  	s1 =	sadd.s32 $0x1CA00, s7;
	p0 =	sne.s32 s3, $0x0;
	[sflag:s4] =	ssyncpa.u1 $0x0  }
0x52: {  	s30 =	smin.u32 s3, $0x9;
	s2 =	simm.s32 @!p0 $0x1C3E;
	s5 =	simm.s32 @!p0 $0x0  }
0x53: {  	[spmem:s5], [sflag:s2] =	dma.local @!p0 [hbm:s1], $0x300  }
0x54: {  	s2 =	sadd.s32 s3, s30  }
0x55: {  	p1 =	slt.u32 s3, $0x9;
	s3 =	simm.s32 $0x1F40;
	s2 =	smul.u32 $0xFA0, s2  }
0x56: {  	s3 =	simm.s32 @!p1 $0xFA0  }
0x57: {  	s3 =	sadd.s32 s3, s2  }
0x58: {  	s3 =	smin.u32 s3, $0x186A0  }
0x59: {  	s8 =	ssub.s32 s3, s2  }
0x5a: {  	p1 =	sgt.s32 s8, $0x0  }
0x5b: {  	s8 =	simm.s32 @!p1 $0x0  }
0x5c: {  	s5 =	simm.s32 @!p0 $0x3E;
	s31 =	smulhi.u32 $0x10624DD3, s8  }
0x5d: {  	_ =	swait.ge @!p0 [sflag:s5], $0x300  }
0x5e: {  	s6 =	simm.s32 $0x2;
	[sflag:s5] =	ssyncset.done @!p0 $0x0;
	s9 =	sshrl.u32 s31, $0x8  }
0x5f: {  	s11 =	simm.s32 $0x0;
	[sflag:s5] =	ssyncadd.s32 @!p0 $0xFFFFFD00;
	s10 =	smul.u32 $0xFA0, s9  }
.Ltmp7:
0x60: {  	s5 =	sadd.s32 $0x400, s7;
	[bflag:$0x0] =	sbarrier.arrive $0xFFFF;
	(pc) =	sbr.rel .LBB3_1-.Ltmp7, $4  }
0x61: {  	s7 =	sadd.s32 $0x348E00, s7;
	[sflag:s4] =	ssyncpa.u1 $0x1;
	s4 =	simm.s32 $0x1  }
0x62: {  	[sflag:s4] =	ssyncpa.u1 $0x0;
	p1 =	sne.s32 s8, s10;
	s8 =	simm.s32 $0x1  }
0x63: {  	(ifvalue) =	ssetifvalue $0x1800;
	[sflag:s6] =	ssyncpa.u1 $0x0;
	s8 =	simm.s32 @!p1 $0x0  }
0x64: {  	vm0 =	vmmov $0xffff;
	s10 =	smov.u32 s2;
	s8 =	sadd.s32 s8, s9;
	s9 =	simm.s32 $0x0  }
.LBB3_5:
0x65: {  	p2 =	sne.s32 s11, s8  }
.Ltmp8:
0x66: {  	_ = 	snop;
	(pc) =	sbr.rel @!p2 .LBB3_6-.Ltmp8, $4  }
0x67: {  	_ = 	snop  }
0x68: {  	s12 =	sadd.s32 $0xFA0, s10  }
0x69: {  	s10 =	smov.u32 s2;
	s13 =	sadd.s32 $0x1, s11;
	p1 =	slt.s32 s12, s3  }
0x6a: {  	s11 =	smov.u32 s13;
	s10 =	smov.u32 @p1 s12  }
.LBB3_1:
0x6b: {  	p1 =	sge.u32 s11, s8  }
0x6c: {  	s12 =	sxor.u32 @!p1 $0xFFFFFFFF, s11  }
0x6d: {  	s12 =	sand.u32 @!p1 $0x1, s12  }
0x6e: {  	s12 =	smul.u32 @!p1 $0xFA0, s12  }
0x6f: {  	s13 =	sshrl.u32 @!p1 s10, $0x3  }
0x70: {  	s16 =	sand.u32 @!p1 $0x7, s10;
	s14 =	sadd.s32 @!p1 s5, s13;
	s15 =	sadd.s32 @!p1 $0x180, s12  }
0x71: {  	[tilespmem:s15], [sflag:$0x2] =	stream.linear.gather @!p1 [hbm4b:s14+s16], $0xFA0, $0x38;
	[tilespmem:$0x4000] =	vst v63  }
0x72: {  	s13 =	sadd.s32 @!p1 s7, s13;
	s12 =	sadd.s32 @!p1 $0x20C0, s12  }
0x73: {  	[tilespmem:s12], [sflag:$0x2] =	stream.linear.gather @!p1 [hbm4b:s13+s16], $0xFA0, $0x38;
	[tilespmem:$0x4000] =	vst v63  }
0x74: {  	p1 =	seq.s32 s11, $0x0  }
.Ltmp9:
0x75: {  	_ = 	snop;
	(pc) =	sbr.rel @p1 .LBB3_5-.Ltmp9, $1  }
0x76: {  	_ =	sdelay $0x3  }
0x77: {  	s12 =	sand.u32 $0x1, s11  }
0x78: {  	_ =	swait.ge [sflag:s6], $0x1F40;
	p1 =	seq.s32 s12, $0x1;
	s12 =	simm.s32 $0xFA0  }
0x79: {  	[sflag:s6] =	ssyncset.done $0x0;
	s12 =	simm.s32 @!p1 $0x0  }
0x7a: {  	[sflag:s6] =	ssyncadd.s32 $0xFFFFE0C0;
	s14 =	sadd.s32 $0x180, s12  }
0x7b: {  	v0 =	vld.msk [tilespmem:s14+$0x0 ss:$0x1], $0xffff;
	_ =	sdelay $0x4  }
0x7c: {  	v0 =	vmin.u32 v0, $0x1800;
	_ =	sdelay $0x3  }
0x7d: {  	s13 =	simm.s32 $0x0;
	s12 =	sadd.s32 $0x20C0, s12;
	s14 =	sadd.s32 $0x10, s14  }
0x7e: {  	[spmem:s9] =	stream.indirect_vreg.scatter.add.s32 [tilespmem:s12], [sflag:$0x1], $0x1, v0, vm0, $0x4038;
	[tilespmem:$0x4000] =	vst v63  }
.LBB3_3:
0x7f: {  	v0 =	vld.msk [tilespmem:s14+$0x0 ss:$0x1], $0xffff;
	s13 =	sadd.s32 $0x10, s13  }
0x80: {  	p1 =	slt.u32 s13, $0xF90;
	_ =	sdelay $0x4  }
0x81: {  	v0 =	vmin.u32 v0, $0x1800  }
.Ltmp10:
0x82: {  	(pc) =	sbr.rel @p1 .LBB3_3-.Ltmp10, $3  }
0x83: {  	_ =	sdelay $0x1  }
0x84: {  	s14 =	sadd.s32 $0x10, s14;
	s12 =	sadd.s32 $0x10, s12  }
0x85: {  	[spmem:s9] =	stream.indirect_vreg.scatter.add.s32 [tilespmem:s12], [sflag:$0x1], $0x1, v0, vm0, $0x4038;
	[tilespmem:$0x4000] =	vst v63  }
.Ltmp11:
0x86: {  	(pc) =	sbr.rel .LBB3_5-.Ltmp11, $4  }
0x87: {  	_ = 	snop  }
0x88: {  	_ =	swait.ge [sflag:s4], $0xFA0  }
0x89: {  	[sflag:s4] =	ssyncset.done $0x0  }
0x8a: {  	[sflag:s4] =	ssyncadd.s32 $0xFFFFF060  }
.LBB3_6:
0x8b: {  	_ =	sfence.sel $0x180000  }
0x8c: {  	s2 =	simm.s32 $0x2;
	[bflag:$0x0] =	sbarrier.arrive $0xFFFF  }
0x8d: {  	s30 =	simm.s32 $0x1;
	[sflag:s2] =	ssyncpa.u1 $0x1  }
0x8e: {  	[sflag:s30] =	ssyncpa.u1 $0x1  }
0x8f: {  	_ =	sfence.stream.spmem  }
0x90: {  	s31 =	simm.s32 $0x3D;
	[bflag:$0x0] =	sbarrier.arrive $0xFFFF  }
0x91: {  	s2 =	simm.s32 @p0 $0x3D;
	[sflag:s31] =	ssyncpa.u1 $0x0  }
0x92: {  	[sflag:s2] =	ssyncpa.u1 @p0 $0x1  }
0x93: {  	[bflag:$0x0] =	sbarrier.arrive @p0 $0xFFFF  }
0x94: {  	_ =	strace @p0 $0x90000056  }
0x95: {  	s3 =	simm.s32 @!p0 $0x1C3D;
	s2 =	simm.s32 @!p0 $0x0;
	[bflag:$0x2] =	sbarrier.arrive @p0 $0xFFFF  }
0x96: {  	[hbm:s1], [sflag:s3] =	dma.local @!p0 [spmem:s2], $0x300  }
0x97: {  	s1 =	simm.s32 @!p0 $0x3D  }
0x98: {  	_ =	swait.ge @!p0 [sflag:s1], $0x300  }
0x99: {  	[sflag:s1] =	ssyncset.done @!p0 $0x0  }
0x9a: {  	[sflag:s1] =	ssyncadd.s32 @!p0 $0xFFFFFD00  }
0x9b: {  	[sflag:s1] =	ssyncpa.u1 @!p0 $0x1  }
0x9c: {  	[bflag:$0x0] =	sbarrier.arrive @!p0 $0xFFFF  }
0x9d: {  	_ =	strace @!p0 $0x90000056  }
0x9e: {  	s0 =	sadd.s32 @!p0 $0x100000, s0;
	[bflag:$0x2] =	sbarrier.arrive @!p0 $0xFFFF  }
0x9f: {  	[sflag:s0] =	ssyncadd.tile.s32 @!p0 $0x1;
	_ =	shalt  }
.Lfunc_end3:
_tile_overlayer_lowered:
.L_overlay_start_3:
0xa0: {  	(tag) =	ssettag $0x3  }
0xa1: {  	s0 =	rddreg [dreg:$0x0];
	s2 =	stileid.u32  }
0xa2: {  	s1 =	rddreg [dreg:$0x1];
	p0 =	sne.s32 s2, $0x0  }
0xa3: {  	s3 =	rddreg [dreg:$0x2];
	[bflag:$0x3] =	sbarrier.arrive $0xFFFF;
	s2 =	simm.s32 @!p0 $0x1C01  }
0xa4: {  	[timem:s3], [sflag:s2] =	dma.local @!p0 [hbm:s0], s1  }
0xa5: {  	s0 =	simm.s32 @!p0 $0x1  }
0xa6: {  	_ =	swait.ge @!p0 [sflag:s0], s1  }
0xa7: {  	s1 =	ssub.s32 @!p0 $0x0, s1;
	[sflag:s0] =	ssyncset.done @!p0 $0x0  }
0xa8: {  	[sflag:s0] =	ssyncadd.s32 @!p0 s1  }
0xa9: {  	[bflag:$0x3] =	sbarrier.arrive $0xFFFF  }
0xaa: {  	_ =	shalt  }

// kernel: scatter_offload_async_start
scs
__scs_entry_jumppad:
0x0: {  	(pc) =	sbr.rel $0x88, $3  }
0x1: {  	(tag) =	ssettag $0x0;
	lr =	simm.s32 $0x1  }
0x2: {  	[smem:$0x3FA0] =	sst lr;
	_ =	strace $0xD0000000  }
0x3: {  	_ = 	snop  }
0x4: {  	_ = 	snop  }
0x5: {  	_ = 	snop  }
0x6: {  	_ = 	snop  }
0x7: {  	_ = 	snop  }
__scs_overlays_trampoline_lowered:
0x8: {  	[smem:$0x3FAF] =	sst s0  }
0x9: {  	[smem:$0x3FB0] =	sst s1  }
0xa: {  	[smem:$0x3FB1] =	sst s2  }
0xb: {  	[smem:$0x3FB2] =	sst s3  }
0xc: {  	[smem:$0x3FB3] =	sst s4  }
0xd: {  	[smem:$0x3FB4] =	sst s5  }
0xe: {  	[smem:$0x3FB5] =	sst s6  }
0xf: {  	[smem:$0x3FB6] =	sst s7  }
0x10: {  	[smem:$0x3FB7] =	sst s8  }
0x11: {  	[smem:$0x3FB8] =	sst s9;
	s0 =	simm.s32 @!p0 $0x0  }
0x12: {  	s1 =	sld [smem:$0x3F9E];
	s0 =	simm.s32 @p0 $0x1  }
0x13: {  	[smem:$0x3FB9] =	sst s0;
	s0 =	simm.s32 @!p1 $0x0  }
0x14: {  	s2 =	sld [smem:$0x3F9D];
	s0 =	simm.s32 @p1 $0x1  }
0x15: {  	[smem:$0x3FBA] =	sst s0;
	s0 =	simm.s32 @!p2 $0x0  }
0x16: {  	s3 =	sld [smem:$0x3FDB];
	s0 =	simm.s32 @p2 $0x1  }
0x17: {  	s4 =	simm.s32 $0x1BF5;
	[smem:$0x3FBC] =	sst s0  }
0x18: {  	s0 =	sld [smem:$0x3F9F];
	_ =	swait.ge [sflag:s4], $0x0  }
0x19: {  	s7 =	sld [smem:$0x3FA0]  }
0x1a: {  	s8 =	sadd.s32 $0xFFFFE003, lr  }
0x1b: {  	s9 =	sadd.s32 $0xFFFFFEF7, lr;
	s5 =	simm.s32 $0xFFFFFFFF;
	p2 =	slt.u32 s8, $0xFFFFF086  }
0x1c: {  	p1 =	slt.u32 s9, $0xF7A;
	s5 =	simm.s32 @!p2 $0x0  }
0x1d: {  	s5 =	simm.s32 @p1 $0x1;
	p0 =	seq.s32 s7, s2  }
0x1e: {  	s7 =	smul.u32 @!p0 $0xF7A, s2;
	p2 =	seq.s32 @!p0 s5, $0x0  }
0x1f: {  	s9 =	smul.u32 $0xF7A, s1;
	s8 =	simm.s32 @!p0 $0x1BF5;
	p2 =	por !p2, p0  }
0x20: {  	[sflag:s8] =	ssyncset.s32 @!p0 $0xFFFFF086;
	s6 =	sadd.s32 @!p0 s3, s7;
	s7 =	simm.s32 @!p0 $0x108  }
0x21: {  	s3 =	sadd.s32 s3, s9;
	s6 =	sadd.s32 @!p0 $0x88, s6;
	s7 =	simm.s32 @p2 $0x1082  }
0x22: {  	[simem:s7], [sflag:s8] =	dma.local @!p0 [hbm:s6], $0xF7A  }
0x23: {  	s9 =	sor.u32 $0xD0000000, s2;
	s6 =	simm.s32 $0x108;
	_ =	swait.ge @!p0 [sflag:s8], $0x0  }
0x24: {  	s3 =	sadd.s32 $0x88, s3;
	s6 =	simm.s32 @!p1 $0x1082;
	[sflag:s4] =	ssyncset.s32 $0xFFFFF086  }
0x25: {  	[simem:s6], [sflag:s4] =	dma.local [hbm:s3], $0xF7A  }
0x26: {  	[smem:$0x3FA0] =	sst s1;
	(tag) =	ssettag s2;
	_ =	strace s9  }
0x27: {  	s1 =	sld [smem:$0x3FB0]  }
0x28: {  	s2 =	sld [smem:$0x3FB1]  }
0x29: {  	s4 =	sld [smem:$0x3FB3]  }
0x2a: {  	p0 =	seq.s32 s5, $0x0;
	s5 =	sld [smem:$0x3FB4]  }
0x2b: {  	s6 =	sld [smem:$0x3FB5]  }
0x2c: {  	s7 =	sld [smem:$0x3FB6]  }
0x2d: {  	s3 =	simm.s32 $0x108;
	s8 =	sld [smem:$0x3FB7]  }
0x2e: {  	s3 =	simm.s32 @!p0 $0x1082;
	s9 =	sld [smem:$0x3FB8]  }
0x2f: {  	lr =	sadd.s32 s0, s3;
	s0 =	sld [smem:$0x3FAF]  }
0x30: {  	s3 =	sld [smem:$0x3FB2]  }
0x31: {  	[smem:$0x3FBB] =	sst s10  }
0x32: {  	s10 =	sld [smem:$0x3FB9];
	_ =	sdelay $0x3  }
0x33: {  	p0 =	seq.s32 s10, $0x1;
	s10 =	sld [smem:$0x3FBB];
	_ =	sdelay $0x3  }
0x34: {  	[smem:$0x3FBB] =	sst s10  }
0x35: {  	s10 =	sld [smem:$0x3FBA];
	_ =	sdelay $0x3  }
0x36: {  	p1 =	seq.s32 s10, $0x1;
	s10 =	sld [smem:$0x3FBB];
	_ =	sdelay $0x3  }
0x37: {  	[smem:$0x3FBB] =	sst s10  }
0x38: {  	s10 =	sld [smem:$0x3FBC]  }
0x39: {  	_ = 	snop;
	(pc) =	sbr.ind lr, $3  }
0x3a: {  	_ = 	snop  }
0x3b: {  	_ = 	snop  }
0x3c: {  	p2 =	seq.s32 s10, $0x1;
	s10 =	sld [smem:$0x3FBB]  }
0x3d: {  	_ =	shalt  }
0x3e: {  	_ =	shalt  }
0x3f: {  	_ =	shalt  }
0x40: {  	_ =	shalt  }
0x41: {  	_ =	shalt  }
0x42: {  	_ =	shalt  }
0x43: {  	_ =	shalt  }
0x44: {  	_ =	shalt  }
0x45: {  	_ =	shalt  }
0x46: {  	_ =	shalt  }
0x47: {  	_ =	shalt  }
0x48: {  	_ =	shalt  }
0x49: {  	_ =	shalt  }
0x4a: {  	_ =	shalt  }
0x4b: {  	_ =	shalt  }
0x4c: {  	_ =	shalt  }
0x4d: {  	_ =	shalt  }
0x4e: {  	_ =	shalt  }
0x4f: {  	_ =	shalt  }
0x50: {  	_ =	shalt  }
0x51: {  	_ =	shalt  }
0x52: {  	_ =	shalt  }
0x53: {  	_ =	shalt  }
0x54: {  	_ =	shalt  }
0x55: {  	_ =	shalt  }
0x56: {  	_ =	shalt  }
0x57: {  	_ =	shalt  }
0x58: {  	_ =	shalt  }
0x59: {  	_ =	shalt  }
0x5a: {  	_ =	shalt  }
0x5b: {  	_ =	shalt  }
0x5c: {  	_ =	shalt  }
0x5d: {  	_ =	shalt  }
0x5e: {  	_ =	shalt  }
0x5f: {  	_ =	shalt  }
0x60: {  	_ =	shalt  }
0x61: {  	_ =	shalt  }
0x62: {  	_ =	shalt  }
0x63: {  	_ =	shalt  }
0x64: {  	_ =	shalt  }
0x65: {  	_ =	shalt  }
0x66: {  	_ =	shalt  }
0x67: {  	_ =	shalt  }
0x68: {  	_ =	shalt  }
0x69: {  	_ =	shalt  }
0x6a: {  	_ =	shalt  }
0x6b: {  	_ =	shalt  }
0x6c: {  	_ =	shalt  }
0x6d: {  	_ =	shalt  }
0x6e: {  	_ =	shalt  }
0x6f: {  	_ =	shalt  }
0x70: {  	_ =	shalt  }
0x71: {  	_ =	shalt  }
0x72: {  	_ =	shalt  }
0x73: {  	_ =	shalt  }
0x74: {  	_ =	shalt  }
0x75: {  	_ =	shalt  }
0x76: {  	_ =	shalt  }
0x77: {  	_ =	shalt  }
0x78: {  	_ =	shalt  }
0x79: {  	_ =	shalt  }
0x7a: {  	_ =	shalt  }
0x7b: {  	_ =	shalt  }
0x7c: {  	_ =	shalt  }
0x7d: {  	_ =	shalt  }
0x7e: {  	_ =	shalt  }
0x7f: {  	_ =	shalt  }
0x80: {  	_ =	shalt  }
0x81: {  	_ =	shalt  }
0x82: {  	_ =	shalt  }
0x83: {  	_ =	shalt  }
0x84: {  	_ =	shalt  }
0x85: {  	_ =	shalt  }
0x86: {  	_ =	shalt  }
0x87: {  	_ =	shalt  }
.Lfunc_end0:
.L_simem_size_0:
called_computation_lowered:
.L_overlay_start_0:
0x88: {  	s0 =	sld [smem:$0x3FD9]  }
0x89: {  	s1 =	sld [smem:$0x3FFE];
	_ =	sdelay $0x3  }
0x8a: {  	s0 =	sadd.s32 s1, s0  }
0x8b: {  	[smem:$0x3FC7] =	sst s0  }
0x8c: {  	_ = 	snop  }
0x8d: {  	s0 =	sld [smem:$0x3FD0];
	_ =	sdelay $0x2  }
0x8e: {  	s13 =	simm.s32 $0x13;
	s2 =	simm.s32 $0x10  }
0x8f: {  	[smem:s2], [sflag:s13] =	dma.local [hbm:s0], $0x1  }
0x90: {  	_ =	swait.eq [sflag:s13], $0x1  }
0x91: {  	[sflag:s13] =	ssyncset.done $0x0  }
0x92: {  	[sflag:s13] =	ssyncadd.s32 $0xFFFFFFFF  }
0x93: {  	s1 =	sld [smem:$0x10];
	(tm) =	ssettm $0x1  }
0x94: {  	s14 =	sld [smem:$0x3FFB];
	_ =	sdelay $0x3  }
0x95: {  	_ =	strace s14  }
0x96: {  	s0 =	sld [smem:$0x3FFC];
	_ =	sdelay $0x3  }
0x97: {  	_ =	strace s0  }
0x98: {  	s0 =	sld [smem:$0x3FFD];
	_ =	sdelay $0x3  }
0x99: {  	_ =	strace s0  }
0x9a: {  	_ =	strace $0x8FFFFFFF  }
0x9b: {  	s15 =	sld [smem:$0x3FDB];
	_ =	sdelay $0x1  }
0x9c: {  	s16 =	simm.s32 $_scs_section_size  }
0x9d: {  	s3 =	simm.s32 $_size__tile_overlayer_lowered;
	s4 =	simm.s32 $_tile_overlayer_lowered  }
0x9e: {  	s5 =	simm.s32 $0x1BFF;
	s17 =	sshll.u32 s4, $0x1;
	s2 =	sadd.s32 s16, s15  }
0x9f: {  	s18 =	simm.s32 $0x0;
	s3 =	sshll.u32 s3, $0x1;
	s4 =	sadd.s32 s17, s2  }
0xa0: {  	[timem:s18], [sflag:s5] =	dma.local [hbm:s4], s3  }
0xa1: {  	_ =	swait.ge [sflag:s5], s3  }
0xa2: {  	s3 =	ssub.s32 $0x0, s3;
	[sflag:s5] =	ssyncset.done $0x0  }
0xa3: {  	[sflag:s5] =	ssyncadd.s32 s3;
	_ =	sdelay $0x1  }
0xa4: {  	s19 =	simm.s32 $0x1B8B  }
0xa5: {  	_ =	swait.ge [sflag:s19], $0x1  }
0xa6: {  	[sflag:s19] =	ssyncset.done $0x0  }
0xa7: {  	s21 =	simm.s32 $0x1B8E;
	s20 =	sld [smem:$0x3FFE];
	[sflag:s19] =	ssyncadd.s32 $0xFFFFFFFF  }
0xa8: {  	s22 =	simm.s32 $execute0_lowered;
	[smem:$0x3FD2] =	sst s21  }
0xa9: {  	s4 =	sshll.u32 s22, $0x1;
	_ =	strace $0x80000064;
	[dreg:$0x1] =	wrdreg $0xFFFFFFFF  }
0xaa: {  	s23 =	simm.s32 $_size_execute0_lowered;
	s4 =	sadd.s32 s2, s4;
	[dreg:$0x0] =	wrdreg $0x0  }
0xab: {  	s5 =	sshll.u32 s23, $0x1;
	[dreg:$0x2] =	wrdreg s4  }
0xac: {  	[dreg:$0x3] =	wrdreg s5  }
0xad: {  	[dreg:$0x4] =	wrdreg $0xC0  }
0xae: {  	s24 =	simm.s32 $execute1_lowered;
	_ =	task [dreg:s18], $0x5FFFF  }
0xaf: {  	s4 =	sshll.u32 s24, $0x1;
	[dreg:$0x1] =	wrdreg $0xFFFFFFFF  }
0xb0: {  	s2 =	sadd.s32 s2, s4;
	[dreg:$0x0] =	wrdreg $0x60  }
0xb1: {  	[dreg:$0x2] =	wrdreg s2  }
0xb2: {  	[dreg:$0x3] =	wrdreg s20  }
0xb3: {  	[dreg:$0x4] =	wrdreg s1  }
0xb4: {  	[dreg:$0x5] =	wrdreg $0x9  }
0xb5: {  	_ =	task.clear_ibuf [dreg:s18], $0x6FFFF;
	_ =	strace $0x90000064  }
0xb6: {  	s25 =	simm.s32 $0x9;
	_ =	strace $0x80000066  }
0xb7: {  	_ =	swait.ge [sflag:s25], $0x1  }
0xb8: {  	[sflag:s25] =	ssyncadd.s32 $0xFFFFFFFF  }
0xb9: {  	_ =	strace $0x90000066  }
0xba: {  	_ =	strace $0x80000067;
	[dreg:$0x1] =	wrdreg $0xFFFFFFFF  }
0xbb: {  	[dreg:$0x0] =	wrdreg $0x2030  }
0xbc: {  	[dreg:$0x2] =	wrdreg s1  }
0xbd: {  	[dreg:$0x3] =	wrdreg s20  }
0xbe: {  	[dreg:$0x4] =	wrdreg $0xA  }
0xbf: {  	_ =	task.clear_ibuf [dreg:s18], $0x5FFFF;
	_ =	strace $0x90000067  }
0xc0: {  	s26 =	simm.s32 $0xA;
	_ =	strace $0x80000069  }
0xc1: {  	_ =	swait.ge [sflag:s26], $0x1  }
0xc2: {  	[sflag:s26] =	ssyncadd.s32 $0xFFFFFFFF  }
0xc3: {  	_ =	strace $0x90000069  }
0xc4: {  	_ =	sfence  }
0xc5: {  	s28 =	sld [smem:$0x0];
	_ =	sdelay $0x1  }
0xc6: {  	s29 =	srdreg.scid  }
0xc7: {  	s30 =	sshll.u32 s29, $0xD;
	s31 =	sshrl.u32 s29, $0x2  }
0xc8: {  	s3 =	sand.u32 $0x4000, s30;
	s2 =	sand.u32 $0x1, s29;
	s1 =	sadd.s32 s31, s28  }
0xc9: {  	s2 =	sor.u32 s3, s2;
	s1 =	sshll.u32 s1, $0x11  }
0xca: {  	s1 =	sor.u32 s1, s2  }
0xcb: {  	s1 =	sadd.s32 $0x8F2B, s1  }
0xcc: {  	[sflag:s1] =	ssyncadd.remote.s32 $0x1  }
0xcd: {  	_ =	sfence.sel $0xFFFF  }
0xce: {  	[dreg:$0x0] =	wrdreg $0xFFFFFFFF;
	(pc) =	sbr.abs _section_cstart, $3  }
0xcf: {  	[dreg:$0x1] =	wrdreg $0xFFFFFFFF  }
0xd0: {  	_ =	task.clear_ibuf [dreg:s18], $0x2FFFF;
	_ =	strace $0x9FFFFFFF  }
0xd1: {  	(tm) =	ssettm $0x7FFFFFFF  }
tec
execute0_lowered:
.L_overlay_start_1:
0x0: {  	(tag) =	ssettag $0x1  }
0x1: {  	s3 =	rddreg [dreg:$0x0]  }
0x2: {  	s5 =	rddreg [dreg:$0x1]  }
0x3: {  	s2 =	rddreg [dreg:$0x2]  }
0x4: {  	s0 =	rddreg [dreg:$0x3];
	s4 =	stileid.u32  }
0x5: {  	[bflag:$0x3] =	sbarrier.arrive $0xFFFF;
	s1 =	simm.s32 $_size_execute1_lowered;
	p0 =	sne.s32 s4, $0x0  }
0x6: {  	s1 =	sshll.u32 s1, $0x1;
	s6 =	simm.s32 @!p0 $0x1C3F;
	s7 =	simm.s32 @!p0 $0x4060  }
0x7: {  	[timem:s7], [sflag:s6] =	dma.local @!p0 [hbm:s3], s1  }
0x8: {  	s3 =	smul.u32 $0x300, s4  }
.Ltmp0:
0x9: {  	s31 =	simm.s32 $0x2;
	(pc) =	sbr.rel .LBB2_1-.Ltmp0, $4  }
0xa: {  	s8 =	simm.s32 $0x900;
	s10 =	simm.s32 $0x0;
	s9 =	simm.s32 $0x0  }
0xb: {  	s4 =	simm.s32 $0x1;
	_ =	strace $0x80000065;
	s30 =	sshrl.u32 s3, $0x3  }
0xc: {  	s6 =	simm.s32 $0x0;
	[sflag:s4] =	ssyncpa.u1 $0x0;
	s5 =	sadd.s32 s30, s5  }
0xd: {  	s7 =	simm.s32 $0x300;
	[sflag:s31] =	ssyncpa.u1 $0x0;
	s5 =	sadd.s32 $0x1D200, s5  }
.LBB2_7:
0xe: {  	p1 =	seq.s32 s9, $0x2  }
.Ltmp1:
0xf: {  	_ = 	snop;
	(pc) =	sbr.rel @p1 .LBB2_9-.Ltmp1, $1  }
0x10: {  	_ =	sdelay $0x3  }
.LBB2_8:
0x11: {  	s9 =	sadd.s32 $0x1, s9;
	s10 =	smov.u32 s3  }
.LBB2_1:
0x12: {  	p1 =	sne.s32 s9, $0x0  }
.Ltmp2:
0x13: {  	_ = 	snop;
	(pc) =	sbr.rel @!p1 .LBB2_2-.Ltmp2, $1  }
0x14: {  	_ =	sdelay $0x3  }
0x15: {  	s11 =	sand.u32 $0x1, s9  }
0x16: {  	p1 =	seq.s32 s11, $0x0  }
.Ltmp3:
0x17: {  	_ = 	snop;
	(pc) =	sbr.rel @p1 .LBB2_7-.Ltmp3, $1  }
0x18: {  	_ =	sdelay $0x3  }
0x19: {  	_ =	swait.ge [sflag:s4], $0x300  }
0x1a: {  	[sflag:s4] =	ssyncset.done $0x0  }
0x1b: {  	s13 =	simm.s32 $0x3F0;
	[sflag:s4] =	ssyncadd.s32 $0xFFFFFD00  }
0x1c: {  	v0 =	vld [tilespmem:s13+$0x0]  }
0x1d: {  	v1 =	vld [tilespmem:s13+$0xFFFFFF20]  }
0x1e: {  	v2 =	vld [tilespmem:s13+$0xFFFFFF30]  }
0x1f: {  	v3 =	vld [tilespmem:s13+$0xFFFFFF40]  }
0x20: {  	s11 =	simm.s32 $0x9F0;
	v4 =	vld [tilespmem:s13+$0xFFFFFF50]  }
0x21: {  	v5 =	vld [tilespmem:s13+$0xFFFFFF60];
	[tilespmem:s11+$0x0] =	vst v0  }
0x22: {  	[tilespmem:s11+$0xFFFFFF20] =	vst v1;
	v0 =	vld [tilespmem:s13+$0xFFFFFF70]  }
0x23: {  	[tilespmem:s11+$0xFFFFFF30] =	vst v2;
	v1 =	vld [tilespmem:s13+$0xFFFFFF80]  }
0x24: {  	[tilespmem:s11+$0xFFFFFF40] =	vst v3;
	v2 =	vld [tilespmem:s13+$0xFFFFFF90]  }
0x25: {  	[tilespmem:s11+$0xFFFFFF50] =	vst v4;
	v3 =	vld [tilespmem:s13+$0xFFFFFFA0]  }
0x26: {  	[tilespmem:s11+$0xFFFFFF60] =	vst v5;
	v5 =	vld [tilespmem:s13+$0xFFFFFFB0]  }
0x27: {  	[tilespmem:s11+$0xFFFFFF70] =	vst v0;
	v0 =	vld [tilespmem:s13+$0xFFFFFFC0]  }
0x28: {  	[tilespmem:s11+$0xFFFFFF80] =	vst v1;
	v1 =	vld [tilespmem:s13+$0xFFFFFFD0]  }
0x29: {  	[tilespmem:s11+$0xFFFFFF90] =	vst v2;
	v2 =	vld [tilespmem:s13+$0xFFFFFFE0]  }
0x2a: {  	v4 =	vld [tilespmem:s13+$0xFFFFFFF0];
	[tilespmem:s11+$0xFFFFFFA0] =	vst v3  }
0x2b: {  	s12 =	simm.s32 $0x0;
	v3 =	vld [tilespmem:s13+$0xFFFFFF10];
	[tilespmem:s11+$0xFFFFFFB0] =	vst v5;
	s13 =	simm.s32 $0x4F0  }
.LBB2_5:
0x2c: {  	v5 =	vld [tilespmem:s13+$0x0];
	s12 =	sadd.s32 $0x100, s12;
	[tilespmem:s11+$0xFFFFFFC0] =	vst v0  }
0x2d: {  	v0 =	vld [tilespmem:s13+$0xFFFFFF20];
	p1 =	slt.u32 s12, $0x200;
	[tilespmem:s11+$0xFFFFFFD0] =	vst v1  }
0x2e: {  	v1 =	vld [tilespmem:s13+$0xFFFFFF30];
	[tilespmem:s11+$0xFFFFFFE0] =	vst v2  }
0x2f: {  	v2 =	vld [tilespmem:s13+$0xFFFFFF40];
	[tilespmem:s11+$0xFFFFFFF0] =	vst v4  }
0x30: {  	v4 =	vld [tilespmem:s13+$0xFFFFFF50];
	[tilespmem:s11+$0xFFFFFF10] =	vst v3;
	s11 =	sadd.s32 $0x100, s11  }
0x31: {  	v3 =	vld [tilespmem:s13+$0xFFFFFF60];
	[tilespmem:s11+$0x0] =	vst v5  }
0x32: {  	[tilespmem:s11+$0xFFFFFF20] =	vst v0;
	v0 =	vld [tilespmem:s13+$0xFFFFFF70]  }
0x33: {  	[tilespmem:s11+$0xFFFFFF30] =	vst v1;
	v1 =	vld [tilespmem:s13+$0xFFFFFF80]  }
0x34: {  	[tilespmem:s11+$0xFFFFFF40] =	vst v2;
	v2 =	vld [tilespmem:s13+$0xFFFFFF90]  }
0x35: {  	[tilespmem:s11+$0xFFFFFF50] =	vst v4;
	v4 =	vld [tilespmem:s13+$0xFFFFFFA0]  }
0x36: {  	[tilespmem:s11+$0xFFFFFF60] =	vst v3;
	v5 =	vld [tilespmem:s13+$0xFFFFFFB0]  }
.Ltmp4:
0x37: {  	[tilespmem:s11+$0xFFFFFF70] =	vst v0;
	v0 =	vld [tilespmem:s13+$0xFFFFFFC0];
	(pc) =	sbr.rel @p1 .LBB2_5-.Ltmp4, $4  }
0x38: {  	[tilespmem:s11+$0xFFFFFF80] =	vst v1;
	v1 =	vld [tilespmem:s13+$0xFFFFFFD0]  }
0x39: {  	[tilespmem:s11+$0xFFFFFF90] =	vst v2;
	v2 =	vld [tilespmem:s13+$0xFFFFFFE0]  }
0x3a: {  	[tilespmem:s11+$0xFFFFFFA0] =	vst v4;
	v4 =	vld [tilespmem:s13+$0xFFFFFFF0]  }
0x3b: {  	v3 =	vld [tilespmem:s13+$0xFFFFFF10];
	[tilespmem:s11+$0xFFFFFFB0] =	vst v5;
	s13 =	sadd.s32 $0x100, s13  }
0x3c: {  	[tilespmem:s11+$0xFFFFFFC0] =	vst v0  }
.Ltmp5:
0x3d: {  	[tilespmem:s11+$0xFFFFFFD0] =	vst v1;
	(pc) =	sbr.rel .LBB2_7-.Ltmp5, $4  }
0x3e: {  	[tilespmem:s11+$0xFFFFFFE0] =	vst v2  }
0x3f: {  	s10 =	sshrl.u32 s10, $0x3;
	[tilespmem:s11+$0xFFFFFFF0] =	vst v4  }
0x40: {  	s10 =	sadd.s32 s2, s10;
	[tilespmem:s11+$0xFFFFFF10] =	vst v3  }
0x41: {  	[hbm4b:s10+s6] =	stream.linear.scatter [tilespmem:s8], [sflag:$0x2], $0x300, $0x38;
	[tilespmem:$0xC00] =	vst v63  }
.LBB2_2:
.Ltmp6:
0x42: {  	(pc) =	sbr.rel .LBB2_8-.Ltmp6, $2  }
0x43: {  	_ =	sdelay $0x2  }
0x44: {  	[tilespmem:s7], [sflag:$0x1] =	stream.linear.gather [hbm4b:s5+s6], $0x300, $0x38;
	[tilespmem:$0xC00] =	vst v63  }
.LBB2_9:
0x45: {  	s2 =	simm.s32 $0x2  }
0x46: {  	_ =	swait.ge [sflag:s2], $0x300  }
0x47: {  	[sflag:s2] =	ssyncset.done $0x0  }
0x48: {  	[sflag:s2] =	ssyncadd.s32 $0xFFFFFD00  }
0x49: {  	_ =	sfence.sel $0x180000  }
0x4a: {  	s3 =	simm.s32 $0x1;
	[bflag:$0x0] =	sbarrier.arrive $0xFFFF  }
0x4b: {  	[sflag:s3] =	ssyncpa.u1 $0x1  }
0x4c: {  	[sflag:s2] =	ssyncpa.u1 $0x1  }
0x4d: {  	_ =	strace $0x90000065  }
0x4e: {  	s0 =	sadd.s32 @!p0 $0x100000, s0;
	[bflag:$0x2] =	sbarrier.arrive $0xFFFF  }
0x4f: {  	[sflag:s0] =	ssyncadd.tile.s32 @!p0 $0x1;
	s0 =	simm.s32 @!p0 $0x3F  }
0x50: {  	_ =	swait.ge @!p0 [sflag:s0], s1  }
0x51: {  	s1 =	ssub.s32 @!p0 $0x0, s1;
	[sflag:s0] =	ssyncset.done @!p0 $0x0  }
0x52: {  	[sflag:s0] =	ssyncadd.s32 @!p0 s1  }
0x53: {  	[bflag:$0x3] =	sbarrier.arrive $0xFFFF  }
0x54: {  	_ =	shalt  }
.Lfunc_end2:
execute1_lowered:
.L_overlay_start_2:
0x55: {  	(tag) =	ssettag $0x2  }
0x56: {  	s1 =	rddreg [dreg:$0x0]  }
0x57: {  	s7 =	rddreg [dreg:$0x1]  }
0x58: {  	s0 =	rddreg [dreg:$0x2]  }
0x59: {  	s3 =	stileid.u32;
	_ =	strace $0x80000068;
	s4 =	simm.s32 $0x3E  }
0x5a: {  	p0 =	sne.s32 s3, $0x0;
	[sflag:s4] =	ssyncpa.u1 $0x0  }
0x5b: {  	s30 =	smin.u32 s3, $0x9;
	s2 =	simm.s32 @!p0 $0x1C3E;
	s5 =	simm.s32 @!p0 $0x0  }
0x5c: {  	[spmem:s5], [sflag:s2] =	dma.local @!p0 [hbm:s1], $0x600  }
0x5d: {  	s2 =	sadd.s32 s3, s30  }
0x5e: {  	p1 =	slt.u32 s3, $0x9;
	s3 =	simm.s32 $0x1F40;
	s2 =	smul.u32 $0xFA0, s2  }
0x5f: {  	s3 =	simm.s32 @!p1 $0xFA0  }
0x60: {  	s3 =	sadd.s32 s3, s2  }
0x61: {  	s3 =	smin.u32 s3, $0x186A0  }
0x62: {  	s8 =	ssub.s32 s3, s2  }
0x63: {  	p1 =	sgt.s32 s8, $0x0  }
0x64: {  	s8 =	simm.s32 @!p1 $0x0  }
0x65: {  	s5 =	simm.s32 @!p0 $0x3E;
	s31 =	smulhi.u32 $0x10624DD3, s8  }
0x66: {  	_ =	swait.ge @!p0 [sflag:s5], $0x600  }
0x67: {  	s6 =	simm.s32 $0x2;
	[sflag:s5] =	ssyncset.done @!p0 $0x0;
	s9 =	sshrl.u32 s31, $0x8  }
0x68: {  	s11 =	simm.s32 $0x0;
	[sflag:s5] =	ssyncadd.s32 @!p0 $0xFFFFFA00;
	s10 =	smul.u32 $0xFA0, s9  }
.Ltmp7:
0x69: {  	s5 =	sadd.s32 $0x9A00, s7;
	[bflag:$0x0] =	sbarrier.arrive $0xFFFF;
	(pc) =	sbr.rel .LBB3_1-.Ltmp7, $4  }
0x6a: {  	s7 =	sadd.s32 $0x348E00, s7;
	[sflag:s4] =	ssyncpa.u1 $0x1;
	s4 =	simm.s32 $0x1  }
0x6b: {  	[sflag:s4] =	ssyncpa.u1 $0x0;
	p1 =	sne.s32 s8, s10;
	s8 =	simm.s32 $0x1  }
0x6c: {  	(ifvalue) =	ssetifvalue $0x3000;
	[sflag:s6] =	ssyncpa.u1 $0x0;
	s8 =	simm.s32 @!p1 $0x0  }
0x6d: {  	vm0 =	vmmov $0xffff;
	s10 =	smov.u32 s2;
	s8 =	sadd.s32 s8, s9;
	s9 =	simm.s32 $0x0  }
.LBB3_5:
0x6e: {  	p2 =	sne.s32 s11, s8  }
.Ltmp8:
0x6f: {  	_ = 	snop;
	(pc) =	sbr.rel @!p2 .LBB3_6-.Ltmp8, $4  }
0x70: {  	_ = 	snop  }
0x71: {  	s12 =	sadd.s32 $0xFA0, s10  }
0x72: {  	s10 =	smov.u32 s2;
	s13 =	sadd.s32 $0x1, s11;
	p1 =	slt.s32 s12, s3  }
0x73: {  	s11 =	smov.u32 s13;
	s10 =	smov.u32 @p1 s12  }
.LBB3_1:
0x74: {  	p1 =	sge.u32 s11, s8  }
0x75: {  	s12 =	sxor.u32 @!p1 $0xFFFFFFFF, s11  }
0x76: {  	s12 =	sand.u32 @!p1 $0x1, s12  }
0x77: {  	s12 =	smul.u32 @!p1 $0xFA0, s12  }
0x78: {  	s13 =	sshrl.u32 @!p1 s10, $0x3  }
0x79: {  	s16 =	sand.u32 @!p1 $0x7, s10;
	s14 =	sadd.s32 @!p1 s5, s13;
	s15 =	sadd.s32 @!p1 $0x300, s12  }
0x7a: {  	[tilespmem:s15], [sflag:$0x2] =	stream.linear.gather @!p1 [hbm4b:s14+s16], $0xFA0, $0x38;
	[tilespmem:$0x4180] =	vst v63  }
0x7b: {  	s13 =	sadd.s32 @!p1 s7, s13;
	s12 =	sadd.s32 @!p1 $0x2240, s12  }
0x7c: {  	[tilespmem:s12], [sflag:$0x2] =	stream.linear.gather @!p1 [hbm4b:s13+s16], $0xFA0, $0x38;
	[tilespmem:$0x4180] =	vst v63  }
0x7d: {  	p1 =	seq.s32 s11, $0x0  }
.Ltmp9:
0x7e: {  	_ = 	snop;
	(pc) =	sbr.rel @p1 .LBB3_5-.Ltmp9, $1  }
0x7f: {  	_ =	sdelay $0x3  }
0x80: {  	s12 =	sand.u32 $0x1, s11  }
0x81: {  	_ =	swait.ge [sflag:s6], $0x1F40;
	p1 =	seq.s32 s12, $0x1;
	s12 =	simm.s32 $0xFA0  }
0x82: {  	[sflag:s6] =	ssyncset.done $0x0;
	s12 =	simm.s32 @!p1 $0x0  }
0x83: {  	[sflag:s6] =	ssyncadd.s32 $0xFFFFE0C0;
	s14 =	sadd.s32 $0x300, s12  }
0x84: {  	v0 =	vld.msk [tilespmem:s14+$0x0 ss:$0x1], $0xffff;
	_ =	sdelay $0x4  }
0x85: {  	v0 =	vmin.u32 v0, $0x3000;
	_ =	sdelay $0x3  }
0x86: {  	s13 =	simm.s32 $0x0;
	s12 =	sadd.s32 $0x2240, s12;
	s14 =	sadd.s32 $0x10, s14  }
0x87: {  	[spmem:s9] =	stream.indirect_vreg.scatter.add.s32 [tilespmem:s12], [sflag:$0x1], $0x1, v0, vm0, $0x4038;
	[tilespmem:$0x4180] =	vst v63  }
.LBB3_3:
0x88: {  	v0 =	vld.msk [tilespmem:s14+$0x0 ss:$0x1], $0xffff;
	s13 =	sadd.s32 $0x10, s13  }
0x89: {  	p1 =	slt.u32 s13, $0xF90;
	_ =	sdelay $0x4  }
0x8a: {  	v0 =	vmin.u32 v0, $0x3000  }
.Ltmp10:
0x8b: {  	(pc) =	sbr.rel @p1 .LBB3_3-.Ltmp10, $3  }
0x8c: {  	_ =	sdelay $0x1  }
0x8d: {  	s14 =	sadd.s32 $0x10, s14;
	s12 =	sadd.s32 $0x10, s12  }
0x8e: {  	[spmem:s9] =	stream.indirect_vreg.scatter.add.s32 [tilespmem:s12], [sflag:$0x1], $0x1, v0, vm0, $0x4038;
	[tilespmem:$0x4180] =	vst v63  }
.Ltmp11:
0x8f: {  	(pc) =	sbr.rel .LBB3_5-.Ltmp11, $4  }
0x90: {  	_ = 	snop  }
0x91: {  	_ =	swait.ge [sflag:s4], $0xFA0  }
0x92: {  	[sflag:s4] =	ssyncset.done $0x0  }
0x93: {  	[sflag:s4] =	ssyncadd.s32 $0xFFFFF060  }
.LBB3_6:
0x94: {  	_ =	sfence.sel $0x180000  }
0x95: {  	s2 =	simm.s32 $0x2;
	[bflag:$0x0] =	sbarrier.arrive $0xFFFF  }
0x96: {  	s30 =	simm.s32 $0x1;
	[sflag:s2] =	ssyncpa.u1 $0x1  }
0x97: {  	[sflag:s30] =	ssyncpa.u1 $0x1  }
0x98: {  	_ =	sfence.stream.spmem  }
0x99: {  	s31 =	simm.s32 $0x3D;
	[bflag:$0x0] =	sbarrier.arrive $0xFFFF  }
0x9a: {  	s2 =	simm.s32 @p0 $0x3D;
	[sflag:s31] =	ssyncpa.u1 $0x0  }
0x9b: {  	[sflag:s2] =	ssyncpa.u1 @p0 $0x1  }
0x9c: {  	[bflag:$0x0] =	sbarrier.arrive @p0 $0xFFFF  }
0x9d: {  	_ =	strace @p0 $0x90000068  }
0x9e: {  	s3 =	simm.s32 @!p0 $0x1C3D;
	s2 =	simm.s32 @!p0 $0x0;
	[bflag:$0x2] =	sbarrier.arrive @p0 $0xFFFF  }
0x9f: {  	[hbm:s1], [sflag:s3] =	dma.local @!p0 [spmem:s2], $0x600  }
0xa0: {  	s1 =	simm.s32 @!p0 $0x3D  }
0xa1: {  	_ =	swait.ge @!p0 [sflag:s1], $0x600  }
0xa2: {  	[sflag:s1] =	ssyncset.done @!p0 $0x0  }
0xa3: {  	[sflag:s1] =	ssyncadd.s32 @!p0 $0xFFFFFA00  }
0xa4: {  	[sflag:s1] =	ssyncpa.u1 @!p0 $0x1  }
0xa5: {  	[bflag:$0x0] =	sbarrier.arrive @!p0 $0xFFFF  }
0xa6: {  	_ =	strace @!p0 $0x90000068  }
0xa7: {  	s0 =	sadd.s32 @!p0 $0x100000, s0;
	[bflag:$0x2] =	sbarrier.arrive @!p0 $0xFFFF  }
0xa8: {  	[sflag:s0] =	ssyncadd.tile.s32 @!p0 $0x1;
	_ =	shalt  }
.Lfunc_end3:
_tile_overlayer_lowered:
.L_overlay_start_3:
0xa9: {  	(tag) =	ssettag $0x3  }
0xaa: {  	s0 =	rddreg [dreg:$0x0];
	s2 =	stileid.u32  }
0xab: {  	s1 =	rddreg [dreg:$0x1];
	p0 =	sne.s32 s2, $0x0  }
0xac: {  	s3 =	rddreg [dreg:$0x2];
	[bflag:$0x3] =	sbarrier.arrive $0xFFFF;
	s2 =	simm.s32 @!p0 $0x1C01  }
0xad: {  	[timem:s3], [sflag:s2] =	dma.local @!p0 [hbm:s0], s1  }
0xae: {  	s0 =	simm.s32 @!p0 $0x1  }
0xaf: {  	_ =	swait.ge @!p0 [sflag:s0], s1  }
0xb0: {  	s1 =	ssub.s32 @!p0 $0x0, s1;
	[sflag:s0] =	ssyncset.done @!p0 $0x0  }
0xb1: {  	[sflag:s0] =	ssyncadd.s32 @!p0 s1  }
0xb2: {  	[bflag:$0x3] =	sbarrier.arrive $0xFFFF  }
0xb3: {  	_ =	shalt  }

</sc_bundles>
